<compile_context>
chip_gen: v7x
topology: tpu7x:2x2x1
jax: 0.10.2.dev20260603
libtpu: 0.0.44.dev20260713+nightly
codegen_flags: <defaults>
</compile_context>

<pallas_src>
import functools

import jax
import jax.numpy as jnp
from jax import lax
from jax.experimental import pallas as pl
from jax.experimental.pallas import tpu as pltpu
from jax.experimental.pallas import tpu_sc as plsc

DIM = 64
SCALE = 8.0
NC, NS, LANES = 2, 16, 16
NW = NC * NS
NBUF = 4
XBUF = 2
VB = 128
CHB = 1

_params = pltpu.CompilerParams(
    use_tc_tiling_on_sc=True, needs_layout_passes=False
)


def _mesh():
    return plsc.VectorSubcoreMesh(core_axis_name="c", subcore_axis_name="s")


def _transpose_table(table):
    V = table.shape[0]
    nfull = V // VB
    vtail = nfull * VB
    ntail = V - vtail
    tabT = jnp.transpose(table)
    tail = table[vtail:]

    @functools.partial(
        pl.kernel,
        mesh=_mesh(),
        compiler_params=_params,
        out_type=jax.ShapeDtypeStruct((V, 2 * DIM), jnp.float32),
        scratch_types=[
            pltpu.VMEM((2, DIM, CHB * VB), jnp.float32),
            pltpu.VMEM((2, CHB * VB, 2 * DIM), jnp.float32),
            pltpu.VMEM((ntail, DIM), jnp.float32),
        ]
        + [pltpu.SemaphoreType.DMA] * 4,
    )
    def transpose_kernel(tabT_hbm, tail_hbm, out_hbm, vin, vout, vt, *sems):
        isem = sems[:2]
        osem = sems[2:]
        wid = lax.axis_index("s") * NC + lax.axis_index("c")
        b_lo = nfull * wid // NW
        nblk = nfull * (wid + 1) // NW - b_lo
        nch = 244 // CHB
        lane_iota = lax.iota(jnp.int32, LANES)

        def in_copy(ch, b):
            return pltpu.make_async_copy(
                tabT_hbm.at[:, pl.ds((b_lo + CHB * ch) * VB, CHB * VB)],
                vin.at[b],
                isem[b],
            )

        def out_copy(ch, b):
            return pltpu.make_async_copy(
                vout.at[b],
                out_hbm.at[pl.ds((b_lo + CHB * ch) * VB, CHB * VB)],
                osem[b],
            )

        def transpose(b, nv):
            @plsc.parallel_loop(0, LANES * (DIM // 16) * (nv // 16), 1,
                                unroll=8)
            def _(q):
                s = q & 15
                r = q >> 4
                c0 = (r & 3) * LANES
                v0 = (r >> 2) * LANES
                rot = (lane_iota + s) & 15
                v = plsc.load_gather(
                    vin.at[b], [rot + c0, lane_iota + v0]
                )
                plsc.store_scatter(
                    vout.at[b], [lane_iota + v0, rot + c0], v * SCALE
                )

        in_copy(0, 0).start()
        in_copy(1, 1).start()

        @pl.loop(0, nch // 2)
        def outer(t):
            for b in range(2):
                ch = 2 * t + b
                in_copy(ch, b).wait()

                @pl.when(t > 0)
                def _():
                    out_copy(ch - 2, b).wait()

                transpose(b, CHB * VB)
                out_copy(ch, b).start()

                @pl.when(t < nch // 2 - 1)
                def _():
                    in_copy(ch + 2, b).start()

        out_copy(nch - 2, 0).wait()
        out_copy(nch - 1, 1).wait()

        @pl.when(nblk > nch * CHB)
        def _extra():
            vb = b_lo + nch * CHB
            pltpu.make_async_copy(
                tabT_hbm.at[:, pl.ds(vb * VB, VB)],
                vin.at[0].at[:, pl.ds(0, VB)],
                isem[0],
            ).start()
            pltpu.make_async_copy(
                tabT_hbm.at[:, pl.ds(vb * VB, VB)],
                vin.at[0].at[:, pl.ds(0, VB)],
                isem[0],
            ).wait()
            transpose(0, VB)
            pltpu.make_async_copy(
                vout.at[0].at[pl.ds(0, VB)],
                out_hbm.at[pl.ds(vb * VB, VB)],
                osem[0],
            ).start()
            pltpu.make_async_copy(
                vout.at[0].at[pl.ds(0, VB)],
                out_hbm.at[pl.ds(vb * VB, VB)],
                osem[0],
            ).wait()

        @pl.when(wid == NW - 1)
        def _tail():
            pltpu.make_async_copy(tail_hbm, vt, isem[0]).start()
            pltpu.make_async_copy(tail_hbm, vt, isem[0]).wait()

            @plsc.parallel_loop(0, ntail, 1, unroll=4)
            def _(r):
                for h in range(DIM // LANES):
                    sl = pl.ds(LANES * h, LANES)
                    vout[0, r, sl] = vt[r, sl] * SCALE

            pltpu.make_async_copy(
                vout.at[0].at[pl.ds(0, ntail)],
                out_hbm.at[pl.ds(vtail, ntail)],
                osem[0],
            ).start()
            pltpu.make_async_copy(
                vout.at[0].at[pl.ds(0, ntail)],
                out_hbm.at[pl.ds(vtail, ntail)],
                osem[0],
            ).wait()

    return transpose_kernel(tabT, tail)


def kernel(tokens, table):
    B, L = tokens.shape
    BW = B // NW
    CT = DIM // 8
    nt = L // NBUF

    padded = _transpose_table(table)

    idx3 = jnp.transpose(
        tokens.astype(jnp.int32).reshape(NW, BW, L), (0, 2, 1)
    )

    @functools.partial(
        pl.kernel,
        mesh=_mesh(),
        compiler_params=_params,
        out_type=jax.ShapeDtypeStruct((L, CT, NW, 8, LANES * 8), jnp.float32),
        scratch_types=[
            pltpu.VMEM((L, BW), jnp.int32),
            pltpu.VMEM((NBUF, BW, 2 * DIM), jnp.float32),
            pltpu.VMEM((XBUF, DIM, BW), jnp.float32),
        ]
        + [pltpu.SemaphoreType.DMA] * (NBUF + XBUF),
    )
    def emb_kernel(idx_hbm, tab_hbm, out_hbm, tok_v, raw_v, xout_v, *sems):
        gsem = sems[:NBUF]
        osem = sems[NBUF:]
        wid = lax.axis_index("s") * NC + lax.axis_index("c")
        pltpu.sync_copy(idx_hbm.at[wid], tok_v)
        lane_iota = lax.iota(jnp.int32, LANES)

        def gather(c, b):
            return pltpu.make_async_copy(
                tab_hbm.at[tok_v.at[c]], raw_v.at[b], gsem[b]
            )

        def slab_stores(c, xb):
            return [
                pltpu.make_async_copy(
                    xout_v.at[xb].at[pl.ds(ct * 8, 8)],
                    out_hbm.at[c, ct, wid],
                    osem[xb],
                )
                for ct in range(CT)
            ]

        gather(0, 0).start()
        gather(1, 1).start()

        @pl.loop(0, nt)
        def outer(t):
            for b in range(NBUF):
                c = t * NBUF + b
                xb = b % XBUF
                if b < 2:
                    gather(c + 2, (b + 2) % NBUF).start()
                else:
                    @pl.when(t < nt - 1)
                    def _():
                        gather(c + 2, (b + 2) % NBUF).start()

                gather(c, b).wait()

                if b < 2:
                    @pl.when(t > 0)
                    def _():
                        for cp in slab_stores(c - 2, xb):
                            cp.wait()
                else:
                    for cp in slab_stores(c - 2, xb):
                        cp.wait()

                @plsc.parallel_loop(0, LANES * 32, 1, unroll=8)
                def transpose(q):
                    s = q & 15
                    blk = q >> 4
                    c0 = (blk >> 3) * LANES
                    r0 = (blk & 7) * LANES
                    rot = (lane_iota + s) & 15
                    rows = lane_iota + r0
                    cols = rot + c0
                    v = plsc.load_gather(raw_v.at[b], [rows, cols])
                    plsc.store_scatter(xout_v.at[xb], [cols, rows], v)

                for cp in slab_stores(c, xb):
                    cp.start()

        for cc, xb in ((L - 2, 0), (L - 1, 1)):
            for cp in slab_stores(cc, xb):
                cp.wait()

    out5 = emb_kernel(idx3, padded)
    return jnp.transpose(out5, (2, 4, 0, 1, 3)).reshape(B, L, DIM)

# --- scband reference (transcript-rebuilt; emitter-appended) ---
"""Pipeline reference for scband-embeddings-74972949119334 (READ-ONLY COPY).

The authoritative reference and input builder live on the scoring server;
editing this copy changes nothing except your own understanding.
"""

import jax, jax.numpy as jnp
import numpy as np
import math

VOCAB = 1000000
DIM = 64
B = 4096
L = 200
PAD_IDX = 3


def setup_inputs(seed: int = 0) -> dict:
    key = jax.random.key(seed)
    k1, k2 = jax.random.split(key)
    tokens = jax.random.randint(k1, (B, L), 0, VOCAB, dtype=jnp.int64)
    table = jax.random.normal(k2, (VOCAB, DIM), dtype=jnp.float32)
    # nn.Embedding with padding_idx=3 zero-initializes the padding row
    table = table.at[PAD_IDX].set(0.0)
    return {"tokens": tokens, "table": table}


def reference(tokens, table):
    # embeddings = self.embed(tokens)
    embeddings = jnp.take(table, tokens, axis=0)
    # scale by sqrt(model_dimension)
    scaling_factor = math.sqrt(DIM)
    embeddings = embeddings * scaling_factor
    return embeddings

if __name__ == "__main__":
    import jax
    _d = setup_inputs()
    print(jax.jit(kernel)(*tuple(_d.values())))

</pallas_src>

<mosaic_0001>
#map = affine_map<(d0, d1) -> (0, 0)>
module attributes {stable_mosaic.version = 14 : i64} {
  func.func @transpose_kernel(%arg0: i32, %arg1: i32, %arg2: memref<64x1000000xf32, #tpu.memory_space<hbm>>, %arg3: memref<64x64xf32, #tpu.memory_space<hbm>>, %arg4: memref<1000000x128xf32, #tpu.memory_space<hbm>>, %arg5: memref<2x64x128xf32, #tpu.memory_space<vmem>>, %arg6: memref<2x128x128xf32, #tpu.memory_space<vmem>>, %arg7: memref<64x64xf32, #tpu.memory_space<vmem>>, %arg8: memref<!tpu.dma_semaphore, #tpu.memory_space<semaphore_mem>>, %arg9: memref<!tpu.dma_semaphore, #tpu.memory_space<semaphore_mem>>, %arg10: memref<!tpu.dma_semaphore, #tpu.memory_space<semaphore_mem>>, %arg11: memref<!tpu.dma_semaphore, #tpu.memory_space<semaphore_mem>>) attributes {dimension_semantics = [#tpu.dimension_semantics<core_parallel>, #tpu.dimension_semantics<subcore_parallel>], iteration_bounds = array<i64: 2, 16>, scalar_prefetch = 0 : i64, scratch_operands = 7 : i64, tpu.core_type = #tpu.core_type<sc_vector_subcore>, window_params = [{transform_indices = #map}, {transform_indices = #map}, {transform_indices = #map}]} {
    %mul3A = arith.constant 2 : i32
    %mul3A_0 = arith.muli %arg1, %mul3A : i32
    %add3A = arith.addi %mul3A_0, %arg0 : i32
    %mul3A_1 = arith.constant 7812 : i32
    %mul3A_2 = arith.muli %mul3A_1, %add3A : i32
    %jit3A = arith.constant 32 : i32
    %div3A = arith.divsi %mul3A_2, %jit3A : i32
    %sign3A = arith.constant 0 : i32
    %sign3A_3 = arith.cmpi sgt, %mul3A_2, %sign3A : i32
    %sign3A_4 = arith.extui %sign3A_3 : i1 to i32
    %sign3A_5 = arith.constant 0 : i32
    %sign3A_6 = arith.cmpi slt, %mul3A_2, %sign3A_5 : i32
    %sign3A_7 = arith.extui %sign3A_6 : i1 to i32
    %sign3A_8 = arith.subi %sign3A_4, %sign3A_7 : i32
    %sign3A_9 = arith.constant 0 : i32
    %sign3A_10 = arith.cmpi sgt, %jit3A, %sign3A_9 : i32
    %sign3A_11 = arith.extui %sign3A_10 : i1 to i32
    %sign3A_12 = arith.constant 0 : i32
    %sign3A_13 = arith.cmpi slt, %jit3A, %sign3A_12 : i32
    %sign3A_14 = arith.extui %sign3A_13 : i1 to i32
    %sign3A_15 = arith.subi %sign3A_11, %sign3A_14 : i32
    %ne3A = arith.cmpi ne, %sign3A_8, %sign3A_15 : i32
    %rem3A = arith.remsi %mul3A_2, %jit3A : i32
    %ne3A_16 = arith.constant 0 : i32
    %ne3A_17 = arith.cmpi ne, %rem3A, %ne3A_16 : i32
    %and3A = arith.andi %ne3A, %ne3A_17 : i1
    %sub3A = arith.constant 1 : i32
    %sub3A_18 = arith.subi %div3A, %sub3A : i32
    %select_n3A = arith.select %and3A, %sub3A_18, %div3A : i32
    %add3A_19 = arith.constant 1 : i32
    %add3A_20 = arith.addi %add3A, %add3A_19 : i32
    %mul3A_21 = arith.constant 7812 : i32
    %mul3A_22 = arith.muli %mul3A_21, %add3A_20 : i32
    %jit3A_23 = arith.constant 32 : i32
    %div3A_24 = arith.divsi %mul3A_22, %jit3A_23 : i32
    %sign3A_25 = arith.constant 0 : i32
    %sign3A_26 = arith.cmpi sgt, %mul3A_22, %sign3A_25 : i32
    %sign3A_27 = arith.extui %sign3A_26 : i1 to i32
    %sign3A_28 = arith.constant 0 : i32
    %sign3A_29 = arith.cmpi slt, %mul3A_22, %sign3A_28 : i32
    %sign3A_30 = arith.extui %sign3A_29 : i1 to i32
    %sign3A_31 = arith.subi %sign3A_27, %sign3A_30 : i32
    %sign3A_32 = arith.constant 0 : i32
    %sign3A_33 = arith.cmpi sgt, %jit3A_23, %sign3A_32 : i32
    %sign3A_34 = arith.extui %sign3A_33 : i1 to i32
    %sign3A_35 = arith.constant 0 : i32
    %sign3A_36 = arith.cmpi slt, %jit3A_23, %sign3A_35 : i32
    %sign3A_37 = arith.extui %sign3A_36 : i1 to i32
    %sign3A_38 = arith.subi %sign3A_34, %sign3A_37 : i32
    %ne3A_39 = arith.cmpi ne, %sign3A_31, %sign3A_38 : i32
    %rem3A_40 = arith.remsi %mul3A_22, %jit3A_23 : i32
    %ne3A_41 = arith.constant 0 : i32
    %ne3A_42 = arith.cmpi ne, %rem3A_40, %ne3A_41 : i32
    %and3A_43 = arith.andi %ne3A_39, %ne3A_42 : i1
    %sub3A_44 = arith.constant 1 : i32
    %sub3A_45 = arith.subi %div3A_24, %sub3A_44 : i32
    %select_n3A_46 = arith.select %and3A_43, %sub3A_45, %div3A_24 : i32
    %sub3A_47 = arith.subi %select_n3A_46, %select_n3A : i32
    %iota3A = tpu.iota {dimensions = array<i32: 0>} : vector<16xi32>
    %add3A_48 = arith.constant 0 : i32
    %add3A_49 = arith.addi %select_n3A, %add3A_48 : i32
    %mul3A_50 = arith.constant 128 : i32
    %mul3A_51 = arith.muli %add3A_49, %mul3A_50 : i32
    %dma_start3A = arith.constant 0 : i32
    %dma_start3A_52 = arith.constant 0 : i32
    %dma_start3A_53 = arith.constant 0 : i32
    %dma_start3A_54 = tpu.memref_slice %arg5[%dma_start3A, %dma_start3A_52, %dma_start3A_53] : memref<2x64x128xf32, #tpu.memory_space<vmem>> -> memref<1x64x128xf32, #tpu.memory_space<vmem>>
    %dma_start3A_55 = tpu.memref_squeeze %dma_start3A_54 : memref<1x64x128xf32, #tpu.memory_space<vmem>> -> memref<64x128xf32, #tpu.memory_space<vmem>>
    %dma_start3A_56 = arith.constant 0 : i32
    %dma_start3A_57 = tpu.memref_slice %arg2[%dma_start3A_56, %mul3A_51] : memref<64x1000000xf32, #tpu.memory_space<hbm>> -> memref<64x128xf32, #tpu.memory_space<hbm>>
    %dma_start3A_58 = arith.constant 0 : i32
    %dma_start3A_59 = arith.constant 0 : i32
    %dma_start3A_60 = tpu.memref_slice %arg5[%dma_start3A, %dma_start3A_58, %dma_start3A_59] : memref<2x64x128xf32, #tpu.memory_space<vmem>> -> memref<1x64x128xf32, #tpu.memory_space<vmem>>
    %dma_start3A_61 = tpu.memref_squeeze %dma_start3A_60 : memref<1x64x128xf32, #tpu.memory_space<vmem>> -> memref<64x128xf32, #tpu.memory_space<vmem>>
    %dma_start3A_62 = arith.constant 0 : i32
    %dma_start3A_63 = tpu.memref_slice %arg2[%dma_start3A_62, %mul3A_51] : memref<64x1000000xf32, #tpu.memory_space<hbm>> -> memref<64x128xf32, #tpu.memory_space<hbm>>
    tpu.enqueue_dma source(%dma_start3A_63 : memref<64x128xf32, #tpu.memory_space<hbm>>) target(%dma_start3A_61 : memref<64x128xf32, #tpu.memory_space<vmem>>) target_semaphore(%arg8 : memref<!tpu.dma_semaphore, #tpu.memory_space<semaphore_mem>>)
    %add3A_64 = arith.constant 1 : i32
    %add3A_65 = arith.addi %select_n3A, %add3A_64 : i32
    %mul3A_66 = arith.constant 128 : i32
    %mul3A_67 = arith.muli %add3A_65, %mul3A_66 : i32
    %dma_start3A_68 = arith.constant 1 : i32
    %dma_start3A_69 = arith.constant 0 : i32
    %dma_start3A_70 = arith.constant 0 : i32
    %dma_start3A_71 = tpu.memref_slice %arg5[%dma_start3A_68, %dma_start3A_69, %dma_start3A_70] : memref<2x64x128xf32, #tpu.memory_space<vmem>> -> memref<1x64x128xf32, #tpu.memory_space<vmem>>
    %dma_start3A_72 = tpu.memref_squeeze %dma_start3A_71 : memref<1x64x128xf32, #tpu.memory_space<vmem>> -> memref<64x128xf32, #tpu.memory_space<vmem>>
    %dma_start3A_73 = arith.constant 0 : i32
    %dma_start3A_74 = tpu.memref_slice %arg2[%dma_start3A_73, %mul3A_67] : memref<64x1000000xf32, #tpu.memory_space<hbm>> -> memref<64x128xf32, #tpu.memory_space<hbm>>
    %dma_start3A_75 = arith.constant 0 : i32
    %dma_start3A_76 = arith.constant 0 : i32
    %dma_start3A_77 = tpu.memref_slice %arg5[%dma_start3A_68, %dma_start3A_75, %dma_start3A_76] : memref<2x64x128xf32, #tpu.memory_space<vmem>> -> memref<1x64x128xf32, #tpu.memory_space<vmem>>
    %dma_start3A_78 = tpu.memref_squeeze %dma_start3A_77 : memref<1x64x128xf32, #tpu.memory_space<vmem>> -> memref<64x128xf32, #tpu.memory_space<vmem>>
    %dma_start3A_79 = arith.constant 0 : i32
    %dma_start3A_80 = tpu.memref_slice %arg2[%dma_start3A_79, %mul3A_67] : memref<64x1000000xf32, #tpu.memory_space<hbm>> -> memref<64x128xf32, #tpu.memory_space<hbm>>
    tpu.enqueue_dma source(%dma_start3A_80 : memref<64x128xf32, #tpu.memory_space<hbm>>) target(%dma_start3A_78 : memref<64x128xf32, #tpu.memory_space<vmem>>) target_semaphore(%arg9 : memref<!tpu.dma_semaphore, #tpu.memory_space<semaphore_mem>>)
    %scan3A = arith.constant 0 : i32
    %scan3A_81 = arith.constant 122 : i32
    %scan3A_82 = arith.addi %scan3A, %scan3A_81 : i32
    %scan3A_83 = arith.constant 1 : i32
    scf.for %scan3A_124 = %scan3A to %scan3A_82 step %scan3A_83  : i32 {
      %mul3A_125 = arith.constant 1 : i32
      %mul3A_126 = arith.muli %scan3A_124, %mul3A_125 : i32
      %add3A_127 = arith.constant 0 : i32
      %add3A_128 = arith.addi %add3A_127, %mul3A_126 : i32
      %mul3A_129 = arith.constant 2 : i32
      %mul3A_130 = arith.muli %mul3A_129, %add3A_128 : i32
      %add3A_131 = arith.constant 0 : i32
      %add3A_132 = arith.addi %mul3A_130, %add3A_131 : i32
      %mul3A_133 = arith.constant 1 : i32
      %mul3A_134 = arith.muli %mul3A_133, %add3A_132 : i32
      %add3A_135 = arith.addi %select_n3A, %mul3A_134 : i32
      %mul3A_136 = arith.constant 128 : i32
      %mul3A_137 = arith.muli %add3A_135, %mul3A_136 : i32
      %dma_wait3A_138 = arith.constant 0 : i32
      %dma_wait3A_139 = arith.constant 0 : i32
      %dma_wait3A_140 = arith.constant 0 : i32
      %dma_wait3A_141 = tpu.memref_slice %arg5[%dma_wait3A_138, %dma_wait3A_139, %dma_wait3A_140] : memref<2x64x128xf32, #tpu.memory_space<vmem>> -> memref<1x64x128xf32, #tpu.memory_space<vmem>>
      %dma_wait3A_142 = tpu.memref_squeeze %dma_wait3A_141 : memref<1x64x128xf32, #tpu.memory_space<vmem>> -> memref<64x128xf32, #tpu.memory_space<vmem>>
      %dma_wait3A_143 = arith.constant 0 : i32
      %dma_wait3A_144 = tpu.memref_slice %arg2[%dma_wait3A_143, %mul3A_137] : memref<64x1000000xf32, #tpu.memory_space<hbm>> -> memref<64x128xf32, #tpu.memory_space<hbm>>
      %dma_wait3A_145 = arith.constant 0 : i32
      %dma_wait3A_146 = arith.constant 0 : i32
      %dma_wait3A_147 = tpu.memref_slice %arg5[%dma_wait3A_138, %dma_wait3A_145, %dma_wait3A_146] : memref<2x64x128xf32, #tpu.memory_space<vmem>> -> memref<1x64x128xf32, #tpu.memory_space<vmem>>
      %dma_wait3A_148 = tpu.memref_squeeze %dma_wait3A_147 : memref<1x64x128xf32, #tpu.memory_space<vmem>> -> memref<64x128xf32, #tpu.memory_space<vmem>>
      %dma_wait3A_149 = arith.constant 0 : i32
      %dma_wait3A_150 = tpu.memref_slice %arg2[%dma_wait3A_149, %mul3A_137] : memref<64x1000000xf32, #tpu.memory_space<hbm>> -> memref<64x128xf32, #tpu.memory_space<hbm>>
      tpu.wait_dma2 semaphore(%arg8 : memref<!tpu.dma_semaphore, #tpu.memory_space<semaphore_mem>>) src(%dma_wait3A_150 : memref<64x128xf32, #tpu.memory_space<hbm>>) dst(%dma_wait3A_148 : memref<64x128xf32, #tpu.memory_space<vmem>>)
      %gt3A_151 = arith.constant 0 : i32
      %gt3A_152 = arith.cmpi sgt, %add3A_128, %gt3A_151 : i32
      %convert_element_type3A_153 = arith.extui %gt3A_152 : i1 to i32
      %cond3A_154 = arith.constant 0 : i32
      %cond3A_155 = arith.cmpi ne, %convert_element_type3A_153, %cond3A_154 : i32
      scf.if %cond3A_155 {
        %sub3A_233 = arith.constant 2 : i32
        %sub3A_234 = arith.subi %add3A_132, %sub3A_233 : i32
        %mul3A_235 = arith.constant 1 : i32
        %mul3A_236 = arith.muli %mul3A_235, %sub3A_234 : i32
        %add3A_237 = arith.addi %select_n3A, %mul3A_236 : i32
        %mul3A_238 = arith.constant 128 : i32
        %mul3A_239 = arith.muli %add3A_237, %mul3A_238 : i32
        %dma_wait3A_240 = arith.constant 0 : i32
        %dma_wait3A_241 = arith.constant 0 : i32
        %dma_wait3A_242 = arith.constant 0 : i32
        %dma_wait3A_243 = tpu.memref_slice %arg6[%dma_wait3A_240, %dma_wait3A_241, %dma_wait3A_242] : memref<2x128x128xf32, #tpu.memory_space<vmem>> -> memref<1x128x128xf32, #tpu.memory_space<vmem>>
        %dma_wait3A_244 = tpu.memref_squeeze %dma_wait3A_243 : memref<1x128x128xf32, #tpu.memory_space<vmem>> -> memref<128x128xf32, #tpu.memory_space<vmem>>
        %dma_wait3A_245 = arith.constant 0 : i32
        %dma_wait3A_246 = tpu.memref_slice %arg4[%mul3A_239, %dma_wait3A_245] : memref<1000000x128xf32, #tpu.memory_space<hbm>> -> memref<128x128xf32, #tpu.memory_space<hbm>>
        %dma_wait3A_247 = arith.constant 0 : i32
        %dma_wait3A_248 = tpu.memref_slice %arg4[%mul3A_239, %dma_wait3A_247] : memref<1000000x128xf32, #tpu.memory_space<hbm>> -> memref<128x128xf32, #tpu.memory_space<hbm>>
        %dma_wait3A_249 = arith.constant 0 : i32
        %dma_wait3A_250 = arith.constant 0 : i32
        %dma_wait3A_251 = tpu.memref_slice %arg6[%dma_wait3A_240, %dma_wait3A_249, %dma_wait3A_250] : memref<2x128x128xf32, #tpu.memory_space<vmem>> -> memref<1x128x128xf32, #tpu.memory_space<vmem>>
        %dma_wait3A_252 = tpu.memref_squeeze %dma_wait3A_251 : memref<1x128x128xf32, #tpu.memory_space<vmem>> -> memref<128x128xf32, #tpu.memory_space<vmem>>
        tpu.wait_dma2 semaphore(%arg10 : memref<!tpu.dma_semaphore, #tpu.memory_space<semaphore_mem>>) src(%dma_wait3A_252 : memref<128x128xf32, #tpu.memory_space<vmem>>) dst(%dma_wait3A_248 : memref<128x128xf32, #tpu.memory_space<hbm>>)
      } else {
      }
      %parallel_loop3A = arith.constant 0 : i32
      %parallel_loop3A_156 = arith.constant 512 : i32
      %parallel_loop3A_157 = arith.constant 1 : i32
      scf.for %parallel_loop3A_233 = %parallel_loop3A to %parallel_loop3A_156 step %parallel_loop3A_157  : i32 {
        %parallel_loop3A_234 = arith.constant 15 : i32
        %parallel_loop3A_235 = arith.andi %parallel_loop3A_233, %parallel_loop3A_234 : i32
        %parallel_loop3A_236 = arith.constant 4 : i32
        %parallel_loop3A_237 = arith.shrsi %parallel_loop3A_233, %parallel_loop3A_236 : i32
        %parallel_loop3A_238 = arith.constant 3 : i32
        %parallel_loop3A_239 = arith.andi %parallel_loop3A_237, %parallel_loop3A_238 : i32
        %parallel_loop3A_240 = arith.constant 16 : i32
        %parallel_loop3A_241 = arith.muli %parallel_loop3A_239, %parallel_loop3A_240 : i32
        %parallel_loop3A_242 = arith.constant 2 : i32
        %parallel_loop3A_243 = arith.shrsi %parallel_loop3A_237, %parallel_loop3A_242 : i32
        %parallel_loop3A_244 = arith.constant 16 : i32
        %parallel_loop3A_245 = arith.muli %parallel_loop3A_243, %parallel_loop3A_244 : i32
        %parallel_loop3A_246 = vector.broadcast %parallel_loop3A_235 : i32 to vector<16xi32>
        %parallel_loop3A_247 = arith.addi %iota3A, %parallel_loop3A_246 : vector<16xi32>
        %parallel_loop3A_248 = arith.constant 15 : i32
        %parallel_loop3A_249 = vector.broadcast %parallel_loop3A_248 : i32 to vector<16xi32>
        %parallel_loop3A_250 = arith.andi %parallel_loop3A_247, %parallel_loop3A_249 : vector<16xi32>
        %parallel_loop3A_251 = vector.broadcast %parallel_loop3A_241 : i32 to vector<16xi32>
        %parallel_loop3A_252 = arith.addi %parallel_loop3A_250, %parallel_loop3A_251 : vector<16xi32>
        %parallel_loop3A_253 = vector.broadcast %parallel_loop3A_245 : i32 to vector<16xi32>
        %parallel_loop3A_254 = arith.addi %iota3A, %parallel_loop3A_253 : vector<16xi32>
        %parallel_loop3A_255 = arith.constant 0 : i32
        %parallel_loop3A_256 = arith.constant 0 : i32
        %parallel_loop3A_257 = arith.constant 0 : i32
        %parallel_loop3A_258 = tpu.memref_slice %arg5[%parallel_loop3A_255, %parallel_loop3A_256, %parallel_loop3A_257] : memref<2x64x128xf32, #tpu.memory_space<vmem>> -> memref<1x64x128xf32, #tpu.memory_space<vmem>>
        %parallel_loop3A_259 = tpu.memref_squeeze %parallel_loop3A_258 : memref<1x64x128xf32, #tpu.memory_space<vmem>> -> memref<64x128xf32, #tpu.memory_space<vmem>>
        %parallel_loop3A_260 = tpu.vector_load_idx %parallel_loop3A_259[%parallel_loop3A_252, %parallel_loop3A_254] : memref<64x128xf32, #tpu.memory_space<vmem>>[vector<16xi32>, vector<16xi32>], vector<16xf32>,
        %parallel_loop3A_261 = vector.broadcast %parallel_loop3A_245 : i32 to vector<16xi32>
        %parallel_loop3A_262 = arith.addi %iota3A, %parallel_loop3A_261 : vector<16xi32>
        %parallel_loop3A_263 = vector.broadcast %parallel_loop3A_241 : i32 to vector<16xi32>
        %parallel_loop3A_264 = arith.addi %parallel_loop3A_250, %parallel_loop3A_263 : vector<16xi32>
        %parallel_loop3A_265 = arith.constant 8.000000e+00 : f32
        %parallel_loop3A_266 = vector.broadcast %parallel_loop3A_265 : f32 to vector<16xf32>
        %parallel_loop3A_267 = arith.mulf %parallel_loop3A_260, %parallel_loop3A_266 : vector<16xf32>
        %parallel_loop3A_268 = arith.constant 0 : i32
        %parallel_loop3A_269 = arith.constant 0 : i32
        %parallel_loop3A_270 = arith.constant 0 : i32
        %parallel_loop3A_271 = tpu.memref_slice %arg6[%parallel_loop3A_268, %parallel_loop3A_269, %parallel_loop3A_270] : memref<2x128x128xf32, #tpu.memory_space<vmem>> -> memref<1x128x128xf32, #tpu.memory_space<vmem>>
        %parallel_loop3A_272 = tpu.memref_squeeze %parallel_loop3A_271 : memref<1x128x128xf32, #tpu.memory_space<vmem>> -> memref<128x128xf32, #tpu.memory_space<vmem>>
        tpu.vector_store_idx %parallel_loop3A_272[%parallel_loop3A_262, %parallel_loop3A_264], %parallel_loop3A_267 : memref<128x128xf32, #tpu.memory_space<vmem>>[vector<16xi32>, vector<16xi32>], vector<16xf32>,
      } {sc.loop_unroll_factor = 8 : i64, sc.parallel_access}
      %mul3A_158 = arith.constant 1 : i32
      %mul3A_159 = arith.muli %mul3A_158, %add3A_132 : i32
      %add3A_160 = arith.addi %select_n3A, %mul3A_159 : i32
      %mul3A_161 = arith.constant 128 : i32
      %mul3A_162 = arith.muli %add3A_160, %mul3A_161 : i32
      %dma_start3A_163 = arith.constant 0 : i32
      %dma_start3A_164 = arith.constant 0 : i32
      %dma_start3A_165 = arith.constant 0 : i32
      %dma_start3A_166 = tpu.memref_slice %arg6[%dma_start3A_163, %dma_start3A_164, %dma_start3A_165] : memref<2x128x128xf32, #tpu.memory_space<vmem>> -> memref<1x128x128xf32, #tpu.memory_space<vmem>>
      %dma_start3A_167 = tpu.memref_squeeze %dma_start3A_166 : memref<1x128x128xf32, #tpu.memory_space<vmem>> -> memref<128x128xf32, #tpu.memory_space<vmem>>
      %dma_start3A_168 = arith.constant 0 : i32
      %dma_start3A_169 = tpu.memref_slice %arg4[%mul3A_162, %dma_start3A_168] : memref<1000000x128xf32, #tpu.memory_space<hbm>> -> memref<128x128xf32, #tpu.memory_space<hbm>>
      %dma_start3A_170 = arith.constant 0 : i32
      %dma_start3A_171 = tpu.memref_slice %arg4[%mul3A_162, %dma_start3A_170] : memref<1000000x128xf32, #tpu.memory_space<hbm>> -> memref<128x128xf32, #tpu.memory_space<hbm>>
      %dma_start3A_172 = arith.constant 0 : i32
      %dma_start3A_173 = arith.constant 0 : i32
      %dma_start3A_174 = tpu.memref_slice %arg6[%dma_start3A_163, %dma_start3A_172, %dma_start3A_173] : memref<2x128x128xf32, #tpu.memory_space<vmem>> -> memref<1x128x128xf32, #tpu.memory_space<vmem>>
      %dma_start3A_175 = tpu.memref_squeeze %dma_start3A_174 : memref<1x128x128xf32, #tpu.memory_space<vmem>> -> memref<128x128xf32, #tpu.memory_space<vmem>>
      tpu.enqueue_dma source(%dma_start3A_175 : memref<128x128xf32, #tpu.memory_space<vmem>>) target(%dma_start3A_171 : memref<128x128xf32, #tpu.memory_space<hbm>>) target_semaphore(%arg10 : memref<!tpu.dma_semaphore, #tpu.memory_space<semaphore_mem>>)
      %lt3A = arith.constant 121 : i32
      %lt3A_176 = arith.cmpi slt, %add3A_128, %lt3A : i32
      %convert_element_type3A_177 = arith.extui %lt3A_176 : i1 to i32
      %cond3A_178 = arith.constant 0 : i32
      %cond3A_179 = arith.cmpi ne, %convert_element_type3A_177, %cond3A_178 : i32
      scf.if %cond3A_179 {
        %add3A_233 = arith.constant 2 : i32
        %add3A_234 = arith.addi %add3A_132, %add3A_233 : i32
        %mul3A_235 = arith.constant 1 : i32
        %mul3A_236 = arith.muli %mul3A_235, %add3A_234 : i32
        %add3A_237 = arith.addi %select_n3A, %mul3A_236 : i32
        %mul3A_238 = arith.constant 128 : i32
        %mul3A_239 = arith.muli %add3A_237, %mul3A_238 : i32
        %dma_start3A_240 = arith.constant 0 : i32
        %dma_start3A_241 = arith.constant 0 : i32
        %dma_start3A_242 = arith.constant 0 : i32
        %dma_start3A_243 = tpu.memref_slice %arg5[%dma_start3A_240, %dma_start3A_241, %dma_start3A_242] : memref<2x64x128xf32, #tpu.memory_space<vmem>> -> memref<1x64x128xf32, #tpu.memory_space<vmem>>
        %dma_start3A_244 = tpu.memref_squeeze %dma_start3A_243 : memref<1x64x128xf32, #tpu.memory_space<vmem>> -> memref<64x128xf32, #tpu.memory_space<vmem>>
        %dma_start3A_245 = arith.constant 0 : i32
        %dma_start3A_246 = tpu.memref_slice %arg2[%dma_start3A_245, %mul3A_239] : memref<64x1000000xf32, #tpu.memory_space<hbm>> -> memref<64x128xf32, #tpu.memory_space<hbm>>
        %dma_start3A_247 = arith.constant 0 : i32
        %dma_start3A_248 = arith.constant 0 : i32
        %dma_start3A_249 = tpu.memref_slice %arg5[%dma_start3A_240, %dma_start3A_247, %dma_start3A_248] : memref<2x64x128xf32, #tpu.memory_space<vmem>> -> memref<1x64x128xf32, #tpu.memory_space<vmem>>
        %dma_start3A_250 = tpu.memref_squeeze %dma_start3A_249 : memref<1x64x128xf32, #tpu.memory_space<vmem>> -> memref<64x128xf32, #tpu.memory_space<vmem>>
        %dma_start3A_251 = arith.constant 0 : i32
        %dma_start3A_252 = tpu.memref_slice %arg2[%dma_start3A_251, %mul3A_239] : memref<64x1000000xf32, #tpu.memory_space<hbm>> -> memref<64x128xf32, #tpu.memory_space<hbm>>
        tpu.enqueue_dma source(%dma_start3A_252 : memref<64x128xf32, #tpu.memory_space<hbm>>) target(%dma_start3A_250 : memref<64x128xf32, #tpu.memory_space<vmem>>) target_semaphore(%arg8 : memref<!tpu.dma_semaphore, #tpu.memory_space<semaphore_mem>>)
      } else {
      }
      %mul3A_180 = arith.constant 2 : i32
      %mul3A_181 = arith.muli %mul3A_180, %add3A_128 : i32
      %add3A_182 = arith.constant 1 : i32
      %add3A_183 = arith.addi %mul3A_181, %add3A_182 : i32
      %mul3A_184 = arith.constant 1 : i32
      %mul3A_185 = arith.muli %mul3A_184, %add3A_183 : i32
      %add3A_186 = arith.addi %select_n3A, %mul3A_185 : i32
      %mul3A_187 = arith.constant 128 : i32
      %mul3A_188 = arith.muli %add3A_186, %mul3A_187 : i32
      %dma_wait3A_189 = arith.constant 1 : i32
      %dma_wait3A_190 = arith.constant 0 : i32
      %dma_wait3A_191 = arith.constant 0 : i32
      %dma_wait3A_192 = tpu.memref_slice %arg5[%dma_wait3A_189, %dma_wait3A_190, %dma_wait3A_191] : memref<2x64x128xf32, #tpu.memory_space<vmem>> -> memref<1x64x128xf32, #tpu.memory_space<vmem>>
      %dma_wait3A_193 = tpu.memref_squeeze %dma_wait3A_192 : memref<1x64x128xf32, #tpu.memory_space<vmem>> -> memref<64x128xf32, #tpu.memory_space<vmem>>
      %dma_wait3A_194 = arith.constant 0 : i32
      %dma_wait3A_195 = tpu.memref_slice %arg2[%dma_wait3A_194, %mul3A_188] : memref<64x1000000xf32, #tpu.memory_space<hbm>> -> memref<64x128xf32, #tpu.memory_space<hbm>>
      %dma_wait3A_196 = arith.constant 0 : i32
      %dma_wait3A_197 = arith.constant 0 : i32
      %dma_wait3A_198 = tpu.memref_slice %arg5[%dma_wait3A_189, %dma_wait3A_196, %dma_wait3A_197] : memref<2x64x128xf32, #tpu.memory_space<vmem>> -> memref<1x64x128xf32, #tpu.memory_space<vmem>>
      %dma_wait3A_199 = tpu.memref_squeeze %dma_wait3A_198 : memref<1x64x128xf32, #tpu.memory_space<vmem>> -> memref<64x128xf32, #tpu.memory_space<vmem>>
      %dma_wait3A_200 = arith.constant 0 : i32
      %dma_wait3A_201 = tpu.memref_slice %arg2[%dma_wait3A_200, %mul3A_188] : memref<64x1000000xf32, #tpu.memory_space<hbm>> -> memref<64x128xf32, #tpu.memory_space<hbm>>
      tpu.wait_dma2 semaphore(%arg9 : memref<!tpu.dma_semaphore, #tpu.memory_space<semaphore_mem>>) src(%dma_wait3A_201 : memref<64x128xf32, #tpu.memory_space<hbm>>) dst(%dma_wait3A_199 : memref<64x128xf32, #tpu.memory_space<vmem>>)
      %gt3A_202 = arith.constant 0 : i32
      %gt3A_203 = arith.cmpi sgt, %add3A_128, %gt3A_202 : i32
      %convert_element_type3A_204 = arith.extui %gt3A_203 : i1 to i32
      %cond3A_205 = arith.constant 0 : i32
      %cond3A_206 = arith.cmpi ne, %convert_element_type3A_204, %cond3A_205 : i32
      scf.if %cond3A_206 {
        %sub3A_233 = arith.constant 2 : i32
        %sub3A_234 = arith.subi %add3A_183, %sub3A_233 : i32
        %mul3A_235 = arith.constant 1 : i32
        %mul3A_236 = arith.muli %mul3A_235, %sub3A_234 : i32
        %add3A_237 = arith.addi %select_n3A, %mul3A_236 : i32
        %mul3A_238 = arith.constant 128 : i32
        %mul3A_239 = arith.muli %add3A_237, %mul3A_238 : i32
        %dma_wait3A_240 = arith.constant 1 : i32
        %dma_wait3A_241 = arith.constant 0 : i32
        %dma_wait3A_242 = arith.constant 0 : i32
        %dma_wait3A_243 = tpu.memref_slice %arg6[%dma_wait3A_240, %dma_wait3A_241, %dma_wait3A_242] : memref<2x128x128xf32, #tpu.memory_space<vmem>> -> memref<1x128x128xf32, #tpu.memory_space<vmem>>
        %dma_wait3A_244 = tpu.memref_squeeze %dma_wait3A_243 : memref<1x128x128xf32, #tpu.memory_space<vmem>> -> memref<128x128xf32, #tpu.memory_space<vmem>>
        %dma_wait3A_245 = arith.constant 0 : i32
        %dma_wait3A_246 = tpu.memref_slice %arg4[%mul3A_239, %dma_wait3A_245] : memref<1000000x128xf32, #tpu.memory_space<hbm>> -> memref<128x128xf32, #tpu.memory_space<hbm>>
        %dma_wait3A_247 = arith.constant 0 : i32
        %dma_wait3A_248 = tpu.memref_slice %arg4[%mul3A_239, %dma_wait3A_247] : memref<1000000x128xf32, #tpu.memory_space<hbm>> -> memref<128x128xf32, #tpu.memory_space<hbm>>
        %dma_wait3A_249 = arith.constant 0 : i32
        %dma_wait3A_250 = arith.constant 0 : i32
        %dma_wait3A_251 = tpu.memref_slice %arg6[%dma_wait3A_240, %dma_wait3A_249, %dma_wait3A_250] : memref<2x128x128xf32, #tpu.memory_space<vmem>> -> memref<1x128x128xf32, #tpu.memory_space<vmem>>
        %dma_wait3A_252 = tpu.memref_squeeze %dma_wait3A_251 : memref<1x128x128xf32, #tpu.memory_space<vmem>> -> memref<128x128xf32, #tpu.memory_space<vmem>>
        tpu.wait_dma2 semaphore(%arg11 : memref<!tpu.dma_semaphore, #tpu.memory_space<semaphore_mem>>) src(%dma_wait3A_252 : memref<128x128xf32, #tpu.memory_space<vmem>>) dst(%dma_wait3A_248 : memref<128x128xf32, #tpu.memory_space<hbm>>)
      } else {
      }
      %parallel_loop3A_207 = arith.constant 0 : i32
      %parallel_loop3A_208 = arith.constant 512 : i32
      %parallel_loop3A_209 = arith.constant 1 : i32
      scf.for %parallel_loop3A_233 = %parallel_loop3A_207 to %parallel_loop3A_208 step %parallel_loop3A_209  : i32 {
        %parallel_loop3A_234 = arith.constant 15 : i32
        %parallel_loop3A_235 = arith.andi %parallel_loop3A_233, %parallel_loop3A_234 : i32
        %parallel_loop3A_236 = arith.constant 4 : i32
        %parallel_loop3A_237 = arith.shrsi %parallel_loop3A_233, %parallel_loop3A_236 : i32
        %parallel_loop3A_238 = arith.constant 3 : i32
        %parallel_loop3A_239 = arith.andi %parallel_loop3A_237, %parallel_loop3A_238 : i32
        %parallel_loop3A_240 = arith.constant 16 : i32
        %parallel_loop3A_241 = arith.muli %parallel_loop3A_239, %parallel_loop3A_240 : i32
        %parallel_loop3A_242 = arith.constant 2 : i32
        %parallel_loop3A_243 = arith.shrsi %parallel_loop3A_237, %parallel_loop3A_242 : i32
        %parallel_loop3A_244 = arith.constant 16 : i32
        %parallel_loop3A_245 = arith.muli %parallel_loop3A_243, %parallel_loop3A_244 : i32
        %parallel_loop3A_246 = vector.broadcast %parallel_loop3A_235 : i32 to vector<16xi32>
        %parallel_loop3A_247 = arith.addi %iota3A, %parallel_loop3A_246 : vector<16xi32>
        %parallel_loop3A_248 = arith.constant 15 : i32
        %parallel_loop3A_249 = vector.broadcast %parallel_loop3A_248 : i32 to vector<16xi32>
        %parallel_loop3A_250 = arith.andi %parallel_loop3A_247, %parallel_loop3A_249 : vector<16xi32>
        %parallel_loop3A_251 = vector.broadcast %parallel_loop3A_241 : i32 to vector<16xi32>
        %parallel_loop3A_252 = arith.addi %parallel_loop3A_250, %parallel_loop3A_251 : vector<16xi32>
        %parallel_loop3A_253 = vector.broadcast %parallel_loop3A_245 : i32 to vector<16xi32>
        %parallel_loop3A_254 = arith.addi %iota3A, %parallel_loop3A_253 : vector<16xi32>
        %parallel_loop3A_255 = arith.constant 1 : i32
        %parallel_loop3A_256 = arith.constant 0 : i32
        %parallel_loop3A_257 = arith.constant 0 : i32
        %parallel_loop3A_258 = tpu.memref_slice %arg5[%parallel_loop3A_255, %parallel_loop3A_256, %parallel_loop3A_257] : memref<2x64x128xf32, #tpu.memory_space<vmem>> -> memref<1x64x128xf32, #tpu.memory_space<vmem>>
        %parallel_loop3A_259 = tpu.memref_squeeze %parallel_loop3A_258 : memref<1x64x128xf32, #tpu.memory_space<vmem>> -> memref<64x128xf32, #tpu.memory_space<vmem>>
        %parallel_loop3A_260 = tpu.vector_load_idx %parallel_loop3A_259[%parallel_loop3A_252, %parallel_loop3A_254] : memref<64x128xf32, #tpu.memory_space<vmem>>[vector<16xi32>, vector<16xi32>], vector<16xf32>,
        %parallel_loop3A_261 = vector.broadcast %parallel_loop3A_245 : i32 to vector<16xi32>
        %parallel_loop3A_262 = arith.addi %iota3A, %parallel_loop3A_261 : vector<16xi32>
        %parallel_loop3A_263 = vector.broadcast %parallel_loop3A_241 : i32 to vector<16xi32>
        %parallel_loop3A_264 = arith.addi %parallel_loop3A_250, %parallel_loop3A_263 : vector<16xi32>
        %parallel_loop3A_265 = arith.constant 8.000000e+00 : f32
        %parallel_loop3A_266 = vector.broadcast %parallel_loop3A_265 : f32 to vector<16xf32>
        %parallel_loop3A_267 = arith.mulf %parallel_loop3A_260, %parallel_loop3A_266 : vector<16xf32>
        %parallel_loop3A_268 = arith.constant 1 : i32
        %parallel_loop3A_269 = arith.constant 0 : i32
        %parallel_loop3A_270 = arith.constant 0 : i32
        %parallel_loop3A_271 = tpu.memref_slice %arg6[%parallel_loop3A_268, %parallel_loop3A_269, %parallel_loop3A_270] : memref<2x128x128xf32, #tpu.memory_space<vmem>> -> memref<1x128x128xf32, #tpu.memory_space<vmem>>
        %parallel_loop3A_272 = tpu.memref_squeeze %parallel_loop3A_271 : memref<1x128x128xf32, #tpu.memory_space<vmem>> -> memref<128x128xf32, #tpu.memory_space<vmem>>
        tpu.vector_store_idx %parallel_loop3A_272[%parallel_loop3A_262, %parallel_loop3A_264], %parallel_loop3A_267 : memref<128x128xf32, #tpu.memory_space<vmem>>[vector<16xi32>, vector<16xi32>], vector<16xf32>,
      } {sc.loop_unroll_factor = 8 : i64, sc.parallel_access}
      %mul3A_210 = arith.constant 1 : i32
      %mul3A_211 = arith.muli %mul3A_210, %add3A_183 : i32
      %add3A_212 = arith.addi %select_n3A, %mul3A_211 : i32
      %mul3A_213 = arith.constant 128 : i32
      %mul3A_214 = arith.muli %add3A_212, %mul3A_213 : i32
      %dma_start3A_215 = arith.constant 1 : i32
      %dma_start3A_216 = arith.constant 0 : i32
      %dma_start3A_217 = arith.constant 0 : i32
      %dma_start3A_218 = tpu.memref_slice %arg6[%dma_start3A_215, %dma_start3A_216, %dma_start3A_217] : memref<2x128x128xf32, #tpu.memory_space<vmem>> -> memref<1x128x128xf32, #tpu.memory_space<vmem>>
      %dma_start3A_219 = tpu.memref_squeeze %dma_start3A_218 : memref<1x128x128xf32, #tpu.memory_space<vmem>> -> memref<128x128xf32, #tpu.memory_space<vmem>>
      %dma_start3A_220 = arith.constant 0 : i32
      %dma_start3A_221 = tpu.memref_slice %arg4[%mul3A_214, %dma_start3A_220] : memref<1000000x128xf32, #tpu.memory_space<hbm>> -> memref<128x128xf32, #tpu.memory_space<hbm>>
      %dma_start3A_222 = arith.constant 0 : i32
      %dma_start3A_223 = tpu.memref_slice %arg4[%mul3A_214, %dma_start3A_222] : memref<1000000x128xf32, #tpu.memory_space<hbm>> -> memref<128x128xf32, #tpu.memory_space<hbm>>
      %dma_start3A_224 = arith.constant 0 : i32
      %dma_start3A_225 = arith.constant 0 : i32
      %dma_start3A_226 = tpu.memref_slice %arg6[%dma_start3A_215, %dma_start3A_224, %dma_start3A_225] : memref<2x128x128xf32, #tpu.memory_space<vmem>> -> memref<1x128x128xf32, #tpu.memory_space<vmem>>
      %dma_start3A_227 = tpu.memref_squeeze %dma_start3A_226 : memref<1x128x128xf32, #tpu.memory_space<vmem>> -> memref<128x128xf32, #tpu.memory_space<vmem>>
      tpu.enqueue_dma source(%dma_start3A_227 : memref<128x128xf32, #tpu.memory_space<vmem>>) target(%dma_start3A_223 : memref<128x128xf32, #tpu.memory_space<hbm>>) target_semaphore(%arg11 : memref<!tpu.dma_semaphore, #tpu.memory_space<semaphore_mem>>)
      %lt3A_228 = arith.constant 121 : i32
      %lt3A_229 = arith.cmpi slt, %add3A_128, %lt3A_228 : i32
      %convert_element_type3A_230 = arith.extui %lt3A_229 : i1 to i32
      %cond3A_231 = arith.constant 0 : i32
      %cond3A_232 = arith.cmpi ne, %convert_element_type3A_230, %cond3A_231 : i32
      scf.if %cond3A_232 {
        %add3A_233 = arith.constant 2 : i32
        %add3A_234 = arith.addi %add3A_183, %add3A_233 : i32
        %mul3A_235 = arith.constant 1 : i32
        %mul3A_236 = arith.muli %mul3A_235, %add3A_234 : i32
        %add3A_237 = arith.addi %select_n3A, %mul3A_236 : i32
        %mul3A_238 = arith.constant 128 : i32
        %mul3A_239 = arith.muli %add3A_237, %mul3A_238 : i32
        %dma_start3A_240 = arith.constant 1 : i32
        %dma_start3A_241 = arith.constant 0 : i32
        %dma_start3A_242 = arith.constant 0 : i32
        %dma_start3A_243 = tpu.memref_slice %arg5[%dma_start3A_240, %dma_start3A_241, %dma_start3A_242] : memref<2x64x128xf32, #tpu.memory_space<vmem>> -> memref<1x64x128xf32, #tpu.memory_space<vmem>>
        %dma_start3A_244 = tpu.memref_squeeze %dma_start3A_243 : memref<1x64x128xf32, #tpu.memory_space<vmem>> -> memref<64x128xf32, #tpu.memory_space<vmem>>
        %dma_start3A_245 = arith.constant 0 : i32
        %dma_start3A_246 = tpu.memref_slice %arg2[%dma_start3A_245, %mul3A_239] : memref<64x1000000xf32, #tpu.memory_space<hbm>> -> memref<64x128xf32, #tpu.memory_space<hbm>>
        %dma_start3A_247 = arith.constant 0 : i32
        %dma_start3A_248 = arith.constant 0 : i32
        %dma_start3A_249 = tpu.memref_slice %arg5[%dma_start3A_240, %dma_start3A_247, %dma_start3A_248] : memref<2x64x128xf32, #tpu.memory_space<vmem>> -> memref<1x64x128xf32, #tpu.memory_space<vmem>>
        %dma_start3A_250 = tpu.memref_squeeze %dma_start3A_249 : memref<1x64x128xf32, #tpu.memory_space<vmem>> -> memref<64x128xf32, #tpu.memory_space<vmem>>
        %dma_start3A_251 = arith.constant 0 : i32
        %dma_start3A_252 = tpu.memref_slice %arg2[%dma_start3A_251, %mul3A_239] : memref<64x1000000xf32, #tpu.memory_space<hbm>> -> memref<64x128xf32, #tpu.memory_space<hbm>>
        tpu.enqueue_dma source(%dma_start3A_252 : memref<64x128xf32, #tpu.memory_space<hbm>>) target(%dma_start3A_250 : memref<64x128xf32, #tpu.memory_space<vmem>>) target_semaphore(%arg9 : memref<!tpu.dma_semaphore, #tpu.memory_space<semaphore_mem>>)
      } else {
      }
    }
    %scan3A_84 = arith.constant 122 : i32
    %add3A_85 = arith.constant 242 : i32
    %add3A_86 = arith.addi %select_n3A, %add3A_85 : i32
    %mul3A_87 = arith.constant 128 : i32
    %mul3A_88 = arith.muli %add3A_86, %mul3A_87 : i32
    %dma_wait3A = arith.constant 0 : i32
    %dma_wait3A_89 = arith.constant 0 : i32
    %dma_wait3A_90 = arith.constant 0 : i32
    %dma_wait3A_91 = tpu.memref_slice %arg6[%dma_wait3A, %dma_wait3A_89, %dma_wait3A_90] : memref<2x128x128xf32, #tpu.memory_space<vmem>> -> memref<1x128x128xf32, #tpu.memory_space<vmem>>
    %dma_wait3A_92 = tpu.memref_squeeze %dma_wait3A_91 : memref<1x128x128xf32, #tpu.memory_space<vmem>> -> memref<128x128xf32, #tpu.memory_space<vmem>>
    %dma_wait3A_93 = arith.constant 0 : i32
    %dma_wait3A_94 = tpu.memref_slice %arg4[%mul3A_88, %dma_wait3A_93] : memref<1000000x128xf32, #tpu.memory_space<hbm>> -> memref<128x128xf32, #tpu.memory_space<hbm>>
    %dma_wait3A_95 = arith.constant 0 : i32
    %dma_wait3A_96 = tpu.memref_slice %arg4[%mul3A_88, %dma_wait3A_95] : memref<1000000x128xf32, #tpu.memory_space<hbm>> -> memref<128x128xf32, #tpu.memory_space<hbm>>
    %dma_wait3A_97 = arith.constant 0 : i32
    %dma_wait3A_98 = arith.constant 0 : i32
    %dma_wait3A_99 = tpu.memref_slice %arg6[%dma_wait3A, %dma_wait3A_97, %dma_wait3A_98] : memref<2x128x128xf32, #tpu.memory_space<vmem>> -> memref<1x128x128xf32, #tpu.memory_space<vmem>>
    %dma_wait3A_100 = tpu.memref_squeeze %dma_wait3A_99 : memref<1x128x128xf32, #tpu.memory_space<vmem>> -> memref<128x128xf32, #tpu.memory_space<vmem>>
    tpu.wait_dma2 semaphore(%arg10 : memref<!tpu.dma_semaphore, #tpu.memory_space<semaphore_mem>>) src(%dma_wait3A_100 : memref<128x128xf32, #tpu.memory_space<vmem>>) dst(%dma_wait3A_96 : memref<128x128xf32, #tpu.memory_space<hbm>>)
    %add3A_101 = arith.constant 243 : i32
    %add3A_102 = arith.addi %select_n3A, %add3A_101 : i32
    %mul3A_103 = arith.constant 128 : i32
    %mul3A_104 = arith.muli %add3A_102, %mul3A_103 : i32
    %dma_wait3A_105 = arith.constant 1 : i32
    %dma_wait3A_106 = arith.constant 0 : i32
    %dma_wait3A_107 = arith.constant 0 : i32
    %dma_wait3A_108 = tpu.memref_slice %arg6[%dma_wait3A_105, %dma_wait3A_106, %dma_wait3A_107] : memref<2x128x128xf32, #tpu.memory_space<vmem>> -> memref<1x128x128xf32, #tpu.memory_space<vmem>>
    %dma_wait3A_109 = tpu.memref_squeeze %dma_wait3A_108 : memref<1x128x128xf32, #tpu.memory_space<vmem>> -> memref<128x128xf32, #tpu.memory_space<vmem>>
    %dma_wait3A_110 = arith.constant 0 : i32
    %dma_wait3A_111 = tpu.memref_slice %arg4[%mul3A_104, %dma_wait3A_110] : memref<1000000x128xf32, #tpu.memory_space<hbm>> -> memref<128x128xf32, #tpu.memory_space<hbm>>
    %dma_wait3A_112 = arith.constant 0 : i32
    %dma_wait3A_113 = tpu.memref_slice %arg4[%mul3A_104, %dma_wait3A_112] : memref<1000000x128xf32, #tpu.memory_space<hbm>> -> memref<128x128xf32, #tpu.memory_space<hbm>>
    %dma_wait3A_114 = arith.constant 0 : i32
    %dma_wait3A_115 = arith.constant 0 : i32
    %dma_wait3A_116 = tpu.memref_slice %arg6[%dma_wait3A_105, %dma_wait3A_114, %dma_wait3A_115] : memref<2x128x128xf32, #tpu.memory_space<vmem>> -> memref<1x128x128xf32, #tpu.memory_space<vmem>>
    %dma_wait3A_117 = tpu.memref_squeeze %dma_wait3A_116 : memref<1x128x128xf32, #tpu.memory_space<vmem>> -> memref<128x128xf32, #tpu.memory_space<vmem>>
    tpu.wait_dma2 semaphore(%arg11 : memref<!tpu.dma_semaphore, #tpu.memory_space<semaphore_mem>>) src(%dma_wait3A_117 : memref<128x128xf32, #tpu.memory_space<vmem>>) dst(%dma_wait3A_113 : memref<128x128xf32, #tpu.memory_space<hbm>>)
    %gt3A = arith.constant 244 : i32
    %gt3A_118 = arith.cmpi sgt, %sub3A_47, %gt3A : i32
    %convert_element_type3A = arith.extui %gt3A_118 : i1 to i32
    %cond3A = arith.constant 0 : i32
    %cond3A_119 = arith.cmpi ne, %convert_element_type3A, %cond3A : i32
    scf.if %cond3A_119 {
      %add3A_124 = arith.constant 244 : i32
      %add3A_125 = arith.addi %select_n3A, %add3A_124 : i32
      %mul3A_126 = arith.constant 128 : i32
      %mul3A_127 = arith.muli %add3A_125, %mul3A_126 : i32
      %dma_start3A_128 = arith.constant 0 : i32
      %dma_start3A_129 = arith.constant 0 : i32
      %dma_start3A_130 = arith.constant 0 : i32
      %dma_start3A_131 = tpu.memref_slice %arg5[%dma_start3A_128, %dma_start3A_129, %dma_start3A_130] : memref<2x64x128xf32, #tpu.memory_space<vmem>> -> memref<1x64x128xf32, #tpu.memory_space<vmem>>
      %dma_start3A_132 = tpu.memref_squeeze %dma_start3A_131 : memref<1x64x128xf32, #tpu.memory_space<vmem>> -> memref<64x128xf32, #tpu.memory_space<vmem>>
      %dma_start3A_133 = arith.constant 0 : i32
      %dma_start3A_134 = arith.constant 0 : i32
      %dma_start3A_135 = tpu.memref_slice %dma_start3A_132[%dma_start3A_133, %dma_start3A_134] : memref<64x128xf32, #tpu.memory_space<vmem>> -> memref<64x128xf32, #tpu.memory_space<vmem>>
      %dma_start3A_136 = arith.constant 0 : i32
      %dma_start3A_137 = tpu.memref_slice %arg2[%dma_start3A_136, %mul3A_127] : memref<64x1000000xf32, #tpu.memory_space<hbm>> -> memref<64x128xf32, #tpu.memory_space<hbm>>
      %dma_start3A_138 = arith.constant 0 : i32
      %dma_start3A_139 = arith.constant 0 : i32
      %dma_start3A_140 = tpu.memref_slice %arg5[%dma_start3A_128, %dma_start3A_138, %dma_start3A_139] : memref<2x64x128xf32, #tpu.memory_space<vmem>> -> memref<1x64x128xf32, #tpu.memory_space<vmem>>
      %dma_start3A_141 = tpu.memref_squeeze %dma_start3A_140 : memref<1x64x128xf32, #tpu.memory_space<vmem>> -> memref<64x128xf32, #tpu.memory_space<vmem>>
      %dma_start3A_142 = arith.constant 0 : i32
      %dma_start3A_143 = arith.constant 0 : i32
      %dma_start3A_144 = tpu.memref_slice %dma_start3A_141[%dma_start3A_142, %dma_start3A_143] : memref<64x128xf32, #tpu.memory_space<vmem>> -> memref<64x128xf32, #tpu.memory_space<vmem>>
      %dma_start3A_145 = arith.constant 0 : i32
      %dma_start3A_146 = tpu.memref_slice %arg2[%dma_start3A_145, %mul3A_127] : memref<64x1000000xf32, #tpu.memory_space<hbm>> -> memref<64x128xf32, #tpu.memory_space<hbm>>
      tpu.enqueue_dma source(%dma_start3A_146 : memref<64x128xf32, #tpu.memory_space<hbm>>) target(%dma_start3A_144 : memref<64x128xf32, #tpu.memory_space<vmem>>) target_semaphore(%arg8 : memref<!tpu.dma_semaphore, #tpu.memory_space<semaphore_mem>>)
      %mul3A_147 = arith.constant 128 : i32
      %mul3A_148 = arith.muli %add3A_125, %mul3A_147 : i32
      %dma_wait3A_149 = arith.constant 0 : i32
      %dma_wait3A_150 = arith.constant 0 : i32
      %dma_wait3A_151 = arith.constant 0 : i32
      %dma_wait3A_152 = tpu.memref_slice %arg5[%dma_wait3A_149, %dma_wait3A_150, %dma_wait3A_151] : memref<2x64x128xf32, #tpu.memory_space<vmem>> -> memref<1x64x128xf32, #tpu.memory_space<vmem>>
      %dma_wait3A_153 = tpu.memref_squeeze %dma_wait3A_152 : memref<1x64x128xf32, #tpu.memory_space<vmem>> -> memref<64x128xf32, #tpu.memory_space<vmem>>
      %dma_wait3A_154 = arith.constant 0 : i32
      %dma_wait3A_155 = arith.constant 0 : i32
      %dma_wait3A_156 = tpu.memref_slice %dma_wait3A_153[%dma_wait3A_154, %dma_wait3A_155] : memref<64x128xf32, #tpu.memory_space<vmem>> -> memref<64x128xf32, #tpu.memory_space<vmem>>
      %dma_wait3A_157 = arith.constant 0 : i32
      %dma_wait3A_158 = tpu.memref_slice %arg2[%dma_wait3A_157, %mul3A_148] : memref<64x1000000xf32, #tpu.memory_space<hbm>> -> memref<64x128xf32, #tpu.memory_space<hbm>>
      %dma_wait3A_159 = arith.constant 0 : i32
      %dma_wait3A_160 = arith.constant 0 : i32
      %dma_wait3A_161 = tpu.memref_slice %arg5[%dma_wait3A_149, %dma_wait3A_159, %dma_wait3A_160] : memref<2x64x128xf32, #tpu.memory_space<vmem>> -> memref<1x64x128xf32, #tpu.memory_space<vmem>>
      %dma_wait3A_162 = tpu.memref_squeeze %dma_wait3A_161 : memref<1x64x128xf32, #tpu.memory_space<vmem>> -> memref<64x128xf32, #tpu.memory_space<vmem>>
      %dma_wait3A_163 = arith.constant 0 : i32
      %dma_wait3A_164 = arith.constant 0 : i32
      %dma_wait3A_165 = tpu.memref_slice %dma_wait3A_162[%dma_wait3A_163, %dma_wait3A_164] : memref<64x128xf32, #tpu.memory_space<vmem>> -> memref<64x128xf32, #tpu.memory_space<vmem>>
      %dma_wait3A_166 = arith.constant 0 : i32
      %dma_wait3A_167 = tpu.memref_slice %arg2[%dma_wait3A_166, %mul3A_148] : memref<64x1000000xf32, #tpu.memory_space<hbm>> -> memref<64x128xf32, #tpu.memory_space<hbm>>
      tpu.wait_dma2 semaphore(%arg8 : memref<!tpu.dma_semaphore, #tpu.memory_space<semaphore_mem>>) src(%dma_wait3A_167 : memref<64x128xf32, #tpu.memory_space<hbm>>) dst(%dma_wait3A_165 : memref<64x128xf32, #tpu.memory_space<vmem>>)
      %parallel_loop3A = arith.constant 0 : i32
      %parallel_loop3A_168 = arith.constant 512 : i32
      %parallel_loop3A_169 = arith.constant 1 : i32
      scf.for %parallel_loop3A_212 = %parallel_loop3A to %parallel_loop3A_168 step %parallel_loop3A_169  : i32 {
        %parallel_loop3A_213 = arith.constant 15 : i32
        %parallel_loop3A_214 = arith.andi %parallel_loop3A_212, %parallel_loop3A_213 : i32
        %parallel_loop3A_215 = arith.constant 4 : i32
        %parallel_loop3A_216 = arith.shrsi %parallel_loop3A_212, %parallel_loop3A_215 : i32
        %parallel_loop3A_217 = arith.constant 3 : i32
        %parallel_loop3A_218 = arith.andi %parallel_loop3A_216, %parallel_loop3A_217 : i32
        %parallel_loop3A_219 = arith.constant 16 : i32
        %parallel_loop3A_220 = arith.muli %parallel_loop3A_218, %parallel_loop3A_219 : i32
        %parallel_loop3A_221 = arith.constant 2 : i32
        %parallel_loop3A_222 = arith.shrsi %parallel_loop3A_216, %parallel_loop3A_221 : i32
        %parallel_loop3A_223 = arith.constant 16 : i32
        %parallel_loop3A_224 = arith.muli %parallel_loop3A_222, %parallel_loop3A_223 : i32
        %parallel_loop3A_225 = vector.broadcast %parallel_loop3A_214 : i32 to vector<16xi32>
        %parallel_loop3A_226 = arith.addi %iota3A, %parallel_loop3A_225 : vector<16xi32>
        %parallel_loop3A_227 = arith.constant 15 : i32
        %parallel_loop3A_228 = vector.broadcast %parallel_loop3A_227 : i32 to vector<16xi32>
        %parallel_loop3A_229 = arith.andi %parallel_loop3A_226, %parallel_loop3A_228 : vector<16xi32>
        %parallel_loop3A_230 = vector.broadcast %parallel_loop3A_220 : i32 to vector<16xi32>
        %parallel_loop3A_231 = arith.addi %parallel_loop3A_229, %parallel_loop3A_230 : vector<16xi32>
        %parallel_loop3A_232 = vector.broadcast %parallel_loop3A_224 : i32 to vector<16xi32>
        %parallel_loop3A_233 = arith.addi %iota3A, %parallel_loop3A_232 : vector<16xi32>
        %parallel_loop3A_234 = arith.constant 0 : i32
        %parallel_loop3A_235 = arith.constant 0 : i32
        %parallel_loop3A_236 = arith.constant 0 : i32
        %parallel_loop3A_237 = tpu.memref_slice %arg5[%parallel_loop3A_234, %parallel_loop3A_235, %parallel_loop3A_236] : memref<2x64x128xf32, #tpu.memory_space<vmem>> -> memref<1x64x128xf32, #tpu.memory_space<vmem>>
        %parallel_loop3A_238 = tpu.memref_squeeze %parallel_loop3A_237 : memref<1x64x128xf32, #tpu.memory_space<vmem>> -> memref<64x128xf32, #tpu.memory_space<vmem>>
        %parallel_loop3A_239 = tpu.vector_load_idx %parallel_loop3A_238[%parallel_loop3A_231, %parallel_loop3A_233] : memref<64x128xf32, #tpu.memory_space<vmem>>[vector<16xi32>, vector<16xi32>], vector<16xf32>,
        %parallel_loop3A_240 = vector.broadcast %parallel_loop3A_224 : i32 to vector<16xi32>
        %parallel_loop3A_241 = arith.addi %iota3A, %parallel_loop3A_240 : vector<16xi32>
        %parallel_loop3A_242 = vector.broadcast %parallel_loop3A_220 : i32 to vector<16xi32>
        %parallel_loop3A_243 = arith.addi %parallel_loop3A_229, %parallel_loop3A_242 : vector<16xi32>
        %parallel_loop3A_244 = arith.constant 8.000000e+00 : f32
        %parallel_loop3A_245 = vector.broadcast %parallel_loop3A_244 : f32 to vector<16xf32>
        %parallel_loop3A_246 = arith.mulf %parallel_loop3A_239, %parallel_loop3A_245 : vector<16xf32>
        %parallel_loop3A_247 = arith.constant 0 : i32
        %parallel_loop3A_248 = arith.constant 0 : i32
        %parallel_loop3A_249 = arith.constant 0 : i32
        %parallel_loop3A_250 = tpu.memref_slice %arg6[%parallel_loop3A_247, %parallel_loop3A_248, %parallel_loop3A_249] : memref<2x128x128xf32, #tpu.memory_space<vmem>> -> memref<1x128x128xf32, #tpu.memory_space<vmem>>
        %parallel_loop3A_251 = tpu.memref_squeeze %parallel_loop3A_250 : memref<1x128x128xf32, #tpu.memory_space<vmem>> -> memref<128x128xf32, #tpu.memory_space<vmem>>
        tpu.vector_store_idx %parallel_loop3A_251[%parallel_loop3A_241, %parallel_loop3A_243], %parallel_loop3A_246 : memref<128x128xf32, #tpu.memory_space<vmem>>[vector<16xi32>, vector<16xi32>], vector<16xf32>,
      } {sc.loop_unroll_factor = 8 : i64, sc.parallel_access}
      %mul3A_170 = arith.constant 128 : i32
      %mul3A_171 = arith.muli %add3A_125, %mul3A_170 : i32
      %dma_start3A_172 = arith.constant 0 : i32
      %dma_start3A_173 = arith.constant 0 : i32
      %dma_start3A_174 = arith.constant 0 : i32
      %dma_start3A_175 = tpu.memref_slice %arg6[%dma_start3A_172, %dma_start3A_173, %dma_start3A_174] : memref<2x128x128xf32, #tpu.memory_space<vmem>> -> memref<1x128x128xf32, #tpu.memory_space<vmem>>
      %dma_start3A_176 = tpu.memref_squeeze %dma_start3A_175 : memref<1x128x128xf32, #tpu.memory_space<vmem>> -> memref<128x128xf32, #tpu.memory_space<vmem>>
      %dma_start3A_177 = arith.constant 0 : i32
      %dma_start3A_178 = arith.constant 0 : i32
      %dma_start3A_179 = tpu.memref_slice %dma_start3A_176[%dma_start3A_177, %dma_start3A_178] : memref<128x128xf32, #tpu.memory_space<vmem>> -> memref<128x128xf32, #tpu.memory_space<vmem>>
      %dma_start3A_180 = arith.constant 0 : i32
      %dma_start3A_181 = tpu.memref_slice %arg4[%mul3A_171, %dma_start3A_180] : memref<1000000x128xf32, #tpu.memory_space<hbm>> -> memref<128x128xf32, #tpu.memory_space<hbm>>
      %dma_start3A_182 = arith.constant 0 : i32
      %dma_start3A_183 = tpu.memref_slice %arg4[%mul3A_171, %dma_start3A_182] : memref<1000000x128xf32, #tpu.memory_space<hbm>> -> memref<128x128xf32, #tpu.memory_space<hbm>>
      %dma_start3A_184 = arith.constant 0 : i32
      %dma_start3A_185 = arith.constant 0 : i32
      %dma_start3A_186 = tpu.memref_slice %arg6[%dma_start3A_172, %dma_start3A_184, %dma_start3A_185] : memref<2x128x128xf32, #tpu.memory_space<vmem>> -> memref<1x128x128xf32, #tpu.memory_space<vmem>>
      %dma_start3A_187 = tpu.memref_squeeze %dma_start3A_186 : memref<1x128x128xf32, #tpu.memory_space<vmem>> -> memref<128x128xf32, #tpu.memory_space<vmem>>
      %dma_start3A_188 = arith.constant 0 : i32
      %dma_start3A_189 = arith.constant 0 : i32
      %dma_start3A_190 = tpu.memref_slice %dma_start3A_187[%dma_start3A_188, %dma_start3A_189] : memref<128x128xf32, #tpu.memory_space<vmem>> -> memref<128x128xf32, #tpu.memory_space<vmem>>
      tpu.enqueue_dma source(%dma_start3A_190 : memref<128x128xf32, #tpu.memory_space<vmem>>) target(%dma_start3A_183 : memref<128x128xf32, #tpu.memory_space<hbm>>) target_semaphore(%arg10 : memref<!tpu.dma_semaphore, #tpu.memory_space<semaphore_mem>>)
      %mul3A_191 = arith.constant 128 : i32
      %mul3A_192 = arith.muli %add3A_125, %mul3A_191 : i32
      %dma_wait3A_193 = arith.constant 0 : i32
      %dma_wait3A_194 = arith.constant 0 : i32
      %dma_wait3A_195 = arith.constant 0 : i32
      %dma_wait3A_196 = tpu.memref_slice %arg6[%dma_wait3A_193, %dma_wait3A_194, %dma_wait3A_195] : memref<2x128x128xf32, #tpu.memory_space<vmem>> -> memref<1x128x128xf32, #tpu.memory_space<vmem>>
      %dma_wait3A_197 = tpu.memref_squeeze %dma_wait3A_196 : memref<1x128x128xf32, #tpu.memory_space<vmem>> -> memref<128x128xf32, #tpu.memory_space<vmem>>
      %dma_wait3A_198 = arith.constant 0 : i32
      %dma_wait3A_199 = arith.constant 0 : i32
      %dma_wait3A_200 = tpu.memref_slice %dma_wait3A_197[%dma_wait3A_198, %dma_wait3A_199] : memref<128x128xf32, #tpu.memory_space<vmem>> -> memref<128x128xf32, #tpu.memory_space<vmem>>
      %dma_wait3A_201 = arith.constant 0 : i32
      %dma_wait3A_202 = tpu.memref_slice %arg4[%mul3A_192, %dma_wait3A_201] : memref<1000000x128xf32, #tpu.memory_space<hbm>> -> memref<128x128xf32, #tpu.memory_space<hbm>>
      %dma_wait3A_203 = arith.constant 0 : i32
      %dma_wait3A_204 = tpu.memref_slice %arg4[%mul3A_192, %dma_wait3A_203] : memref<1000000x128xf32, #tpu.memory_space<hbm>> -> memref<128x128xf32, #tpu.memory_space<hbm>>
      %dma_wait3A_205 = arith.constant 0 : i32
      %dma_wait3A_206 = arith.constant 0 : i32
      %dma_wait3A_207 = tpu.memref_slice %arg6[%dma_wait3A_193, %dma_wait3A_205, %dma_wait3A_206] : memref<2x128x128xf32, #tpu.memory_space<vmem>> -> memref<1x128x128xf32, #tpu.memory_space<vmem>>
      %dma_wait3A_208 = tpu.memref_squeeze %dma_wait3A_207 : memref<1x128x128xf32, #tpu.memory_space<vmem>> -> memref<128x128xf32, #tpu.memory_space<vmem>>
      %dma_wait3A_209 = arith.constant 0 : i32
      %dma_wait3A_210 = arith.constant 0 : i32
      %dma_wait3A_211 = tpu.memref_slice %dma_wait3A_208[%dma_wait3A_209, %dma_wait3A_210] : memref<128x128xf32, #tpu.memory_space<vmem>> -> memref<128x128xf32, #tpu.memory_space<vmem>>
      tpu.wait_dma2 semaphore(%arg10 : memref<!tpu.dma_semaphore, #tpu.memory_space<semaphore_mem>>) src(%dma_wait3A_211 : memref<128x128xf32, #tpu.memory_space<vmem>>) dst(%dma_wait3A_204 : memref<128x128xf32, #tpu.memory_space<hbm>>)
    } else {
    }
    %eq3A = arith.constant 31 : i32
    %eq3A_120 = arith.cmpi eq, %add3A, %eq3A : i32
    %convert_element_type3A_121 = arith.extui %eq3A_120 : i1 to i32
    %cond3A_122 = arith.constant 0 : i32
    %cond3A_123 = arith.cmpi ne, %convert_element_type3A_121, %cond3A_122 : i32
    scf.if %cond3A_123 {
      tpu.enqueue_dma source(%arg3 : memref<64x64xf32, #tpu.memory_space<hbm>>) target(%arg7 : memref<64x64xf32, #tpu.memory_space<vmem>>) target_semaphore(%arg8 : memref<!tpu.dma_semaphore, #tpu.memory_space<semaphore_mem>>)
      tpu.wait_dma2 semaphore(%arg8 : memref<!tpu.dma_semaphore, #tpu.memory_space<semaphore_mem>>) src(%arg3 : memref<64x64xf32, #tpu.memory_space<hbm>>) dst(%arg7 : memref<64x64xf32, #tpu.memory_space<vmem>>)
      %parallel_loop3A = arith.constant 0 : i32
      %parallel_loop3A_124 = arith.constant 64 : i32
      %parallel_loop3A_125 = arith.constant 1 : i32
      scf.for %parallel_loop3A_168 = %parallel_loop3A to %parallel_loop3A_124 step %parallel_loop3A_125  : i32 {
        %parallel_loop3A_169 = arith.index_cast %parallel_loop3A_168 : i32 to index
        %parallel_loop3A_170 = arith.constant 0 : index
        %parallel_loop3A_171 = tpu.vector_load %arg7[%parallel_loop3A_169, %parallel_loop3A_170] {strides = array<i32>} : memref<64x64xf32, #tpu.memory_space<vmem>>, vector<16xf32>,
        %parallel_loop3A_172 = arith.constant 8.000000e+00 : f32
        %parallel_loop3A_173 = vector.broadcast %parallel_loop3A_172 : f32 to vector<16xf32>
        %parallel_loop3A_174 = arith.mulf %parallel_loop3A_171, %parallel_loop3A_173 : vector<16xf32>
        %parallel_loop3A_175 = arith.constant 0 : i32
        %parallel_loop3A_176 = arith.index_cast %parallel_loop3A_175 : i32 to index
        %parallel_loop3A_177 = arith.index_cast %parallel_loop3A_168 : i32 to index
        %parallel_loop3A_178 = arith.constant 0 : index
        %parallel_loop3A_179 = tpu.vector_load %arg6[%parallel_loop3A_176, %parallel_loop3A_177, %parallel_loop3A_178] {strides = array<i32>} : memref<2x128x128xf32, #tpu.memory_space<vmem>>, vector<16xf32>,
        tpu.vector_store %arg6[%parallel_loop3A_176, %parallel_loop3A_177, %parallel_loop3A_178], %parallel_loop3A_174 {strides = array<i32>} : memref<2x128x128xf32, #tpu.memory_space<vmem>>, vector<16xf32>,
        %parallel_loop3A_180 = arith.index_cast %parallel_loop3A_168 : i32 to index
        %parallel_loop3A_181 = arith.constant 16 : index
        %parallel_loop3A_182 = tpu.vector_load %arg7[%parallel_loop3A_180, %parallel_loop3A_181] {strides = array<i32>} : memref<64x64xf32, #tpu.memory_space<vmem>>, vector<16xf32>,
        %parallel_loop3A_183 = arith.constant 8.000000e+00 : f32
        %parallel_loop3A_184 = vector.broadcast %parallel_loop3A_183 : f32 to vector<16xf32>
        %parallel_loop3A_185 = arith.mulf %parallel_loop3A_182, %parallel_loop3A_184 : vector<16xf32>
        %parallel_loop3A_186 = arith.constant 0 : i32
        %parallel_loop3A_187 = arith.index_cast %parallel_loop3A_186 : i32 to index
        %parallel_loop3A_188 = arith.index_cast %parallel_loop3A_168 : i32 to index
        %parallel_loop3A_189 = arith.constant 16 : index
        %parallel_loop3A_190 = tpu.vector_load %arg6[%parallel_loop3A_187, %parallel_loop3A_188, %parallel_loop3A_189] {strides = array<i32>} : memref<2x128x128xf32, #tpu.memory_space<vmem>>, vector<16xf32>,
        tpu.vector_store %arg6[%parallel_loop3A_187, %parallel_loop3A_188, %parallel_loop3A_189], %parallel_loop3A_185 {strides = array<i32>} : memref<2x128x128xf32, #tpu.memory_space<vmem>>, vector<16xf32>,
        %parallel_loop3A_191 = arith.index_cast %parallel_loop3A_168 : i32 to index
        %parallel_loop3A_192 = arith.constant 32 : index
        %parallel_loop3A_193 = tpu.vector_load %arg7[%parallel_loop3A_191, %parallel_loop3A_192] {strides = array<i32>} : memref<64x64xf32, #tpu.memory_space<vmem>>, vector<16xf32>,
        %parallel_loop3A_194 = arith.constant 8.000000e+00 : f32
        %parallel_loop3A_195 = vector.broadcast %parallel_loop3A_194 : f32 to vector<16xf32>
        %parallel_loop3A_196 = arith.mulf %parallel_loop3A_193, %parallel_loop3A_195 : vector<16xf32>
        %parallel_loop3A_197 = arith.constant 0 : i32
        %parallel_loop3A_198 = arith.index_cast %parallel_loop3A_197 : i32 to index
        %parallel_loop3A_199 = arith.index_cast %parallel_loop3A_168 : i32 to index
        %parallel_loop3A_200 = arith.constant 32 : index
        %parallel_loop3A_201 = tpu.vector_load %arg6[%parallel_loop3A_198, %parallel_loop3A_199, %parallel_loop3A_200] {strides = array<i32>} : memref<2x128x128xf32, #tpu.memory_space<vmem>>, vector<16xf32>,
        tpu.vector_store %arg6[%parallel_loop3A_198, %parallel_loop3A_199, %parallel_loop3A_200], %parallel_loop3A_196 {strides = array<i32>} : memref<2x128x128xf32, #tpu.memory_space<vmem>>, vector<16xf32>,
        %parallel_loop3A_202 = arith.index_cast %parallel_loop3A_168 : i32 to index
        %parallel_loop3A_203 = arith.constant 48 : index
        %parallel_loop3A_204 = tpu.vector_load %arg7[%parallel_loop3A_202, %parallel_loop3A_203] {strides = array<i32>} : memref<64x64xf32, #tpu.memory_space<vmem>>, vector<16xf32>,
        %parallel_loop3A_205 = arith.constant 8.000000e+00 : f32
        %parallel_loop3A_206 = vector.broadcast %parallel_loop3A_205 : f32 to vector<16xf32>
        %parallel_loop3A_207 = arith.mulf %parallel_loop3A_204, %parallel_loop3A_206 : vector<16xf32>
        %parallel_loop3A_208 = arith.constant 0 : i32
        %parallel_loop3A_209 = arith.index_cast %parallel_loop3A_208 : i32 to index
        %parallel_loop3A_210 = arith.index_cast %parallel_loop3A_168 : i32 to index
        %parallel_loop3A_211 = arith.constant 48 : index
        %parallel_loop3A_212 = tpu.vector_load %arg6[%parallel_loop3A_209, %parallel_loop3A_210, %parallel_loop3A_211] {strides = array<i32>} : memref<2x128x128xf32, #tpu.memory_space<vmem>>, vector<16xf32>,
        tpu.vector_store %arg6[%parallel_loop3A_209, %parallel_loop3A_210, %parallel_loop3A_211], %parallel_loop3A_207 {strides = array<i32>} : memref<2x128x128xf32, #tpu.memory_space<vmem>>, vector<16xf32>,
      } {sc.loop_unroll_factor = 4 : i64, sc.parallel_access}
      %dma_start3A_126 = arith.constant 0 : i32
      %dma_start3A_127 = arith.constant 0 : i32
      %dma_start3A_128 = arith.constant 0 : i32
      %dma_start3A_129 = tpu.memref_slice %arg6[%dma_start3A_126, %dma_start3A_127, %dma_start3A_128] : memref<2x128x128xf32, #tpu.memory_space<vmem>> -> memref<1x128x128xf32, #tpu.memory_space<vmem>>
      %dma_start3A_130 = tpu.memref_squeeze %dma_start3A_129 : memref<1x128x128xf32, #tpu.memory_space<vmem>> -> memref<128x128xf32, #tpu.memory_space<vmem>>
      %dma_start3A_131 = arith.constant 0 : i32
      %dma_start3A_132 = arith.constant 0 : i32
      %dma_start3A_133 = tpu.memref_slice %dma_start3A_130[%dma_start3A_131, %dma_start3A_132] : memref<128x128xf32, #tpu.memory_space<vmem>> -> memref<64x128xf32, #tpu.memory_space<vmem>>
      %dma_start3A_134 = arith.constant 999936 : i32
      %dma_start3A_135 = arith.constant 0 : i32
      %dma_start3A_136 = tpu.memref_slice %arg4[%dma_start3A_134, %dma_start3A_135] : memref<1000000x128xf32, #tpu.memory_space<hbm>> -> memref<64x128xf32, #tpu.memory_space<hbm>>
      %dma_start3A_137 = arith.constant 999936 : i32
      %dma_start3A_138 = arith.constant 0 : i32
      %dma_start3A_139 = tpu.memref_slice %arg4[%dma_start3A_137, %dma_start3A_138] : memref<1000000x128xf32, #tpu.memory_space<hbm>> -> memref<64x128xf32, #tpu.memory_space<hbm>>
      %dma_start3A_140 = arith.constant 0 : i32
      %dma_start3A_141 = arith.constant 0 : i32
      %dma_start3A_142 = tpu.memref_slice %arg6[%dma_start3A_126, %dma_start3A_140, %dma_start3A_141] : memref<2x128x128xf32, #tpu.memory_space<vmem>> -> memref<1x128x128xf32, #tpu.memory_space<vmem>>
      %dma_start3A_143 = tpu.memref_squeeze %dma_start3A_142 : memref<1x128x128xf32, #tpu.memory_space<vmem>> -> memref<128x128xf32, #tpu.memory_space<vmem>>
      %dma_start3A_144 = arith.constant 0 : i32
      %dma_start3A_145 = arith.constant 0 : i32
      %dma_start3A_146 = tpu.memref_slice %dma_start3A_143[%dma_start3A_144, %dma_start3A_145] : memref<128x128xf32, #tpu.memory_space<vmem>> -> memref<64x128xf32, #tpu.memory_space<vmem>>
      tpu.enqueue_dma source(%dma_start3A_146 : memref<64x128xf32, #tpu.memory_space<vmem>>) target(%dma_start3A_139 : memref<64x128xf32, #tpu.memory_space<hbm>>) target_semaphore(%arg10 : memref<!tpu.dma_semaphore, #tpu.memory_space<semaphore_mem>>)
      %dma_wait3A_147 = arith.constant 0 : i32
      %dma_wait3A_148 = arith.constant 0 : i32
      %dma_wait3A_149 = arith.constant 0 : i32
      %dma_wait3A_150 = tpu.memref_slice %arg6[%dma_wait3A_147, %dma_wait3A_148, %dma_wait3A_149] : memref<2x128x128xf32, #tpu.memory_space<vmem>> -> memref<1x128x128xf32, #tpu.memory_space<vmem>>
      %dma_wait3A_151 = tpu.memref_squeeze %dma_wait3A_150 : memref<1x128x128xf32, #tpu.memory_space<vmem>> -> memref<128x128xf32, #tpu.memory_space<vmem>>
      %dma_wait3A_152 = arith.constant 0 : i32
      %dma_wait3A_153 = arith.constant 0 : i32
      %dma_wait3A_154 = tpu.memref_slice %dma_wait3A_151[%dma_wait3A_152, %dma_wait3A_153] : memref<128x128xf32, #tpu.memory_space<vmem>> -> memref<64x128xf32, #tpu.memory_space<vmem>>
      %dma_wait3A_155 = arith.constant 999936 : i32
      %dma_wait3A_156 = arith.constant 0 : i32
      %dma_wait3A_157 = tpu.memref_slice %arg4[%dma_wait3A_155, %dma_wait3A_156] : memref<1000000x128xf32, #tpu.memory_space<hbm>> -> memref<64x128xf32, #tpu.memory_space<hbm>>
      %dma_wait3A_158 = arith.constant 999936 : i32
      %dma_wait3A_159 = arith.constant 0 : i32
      %dma_wait3A_160 = tpu.memref_slice %arg4[%dma_wait3A_158, %dma_wait3A_159] : memref<1000000x128xf32, #tpu.memory_space<hbm>> -> memref<64x128xf32, #tpu.memory_space<hbm>>
      %dma_wait3A_161 = arith.constant 0 : i32
      %dma_wait3A_162 = arith.constant 0 : i32
      %dma_wait3A_163 = tpu.memref_slice %arg6[%dma_wait3A_147, %dma_wait3A_161, %dma_wait3A_162] : memref<2x128x128xf32, #tpu.memory_space<vmem>> -> memref<1x128x128xf32, #tpu.memory_space<vmem>>
      %dma_wait3A_164 = tpu.memref_squeeze %dma_wait3A_163 : memref<1x128x128xf32, #tpu.memory_space<vmem>> -> memref<128x128xf32, #tpu.memory_space<vmem>>
      %dma_wait3A_165 = arith.constant 0 : i32
      %dma_wait3A_166 = arith.constant 0 : i32
      %dma_wait3A_167 = tpu.memref_slice %dma_wait3A_164[%dma_wait3A_165, %dma_wait3A_166] : memref<128x128xf32, #tpu.memory_space<vmem>> -> memref<64x128xf32, #tpu.memory_space<vmem>>
      tpu.wait_dma2 semaphore(%arg10 : memref<!tpu.dma_semaphore, #tpu.memory_space<semaphore_mem>>) src(%dma_wait3A_167 : memref<64x128xf32, #tpu.memory_space<vmem>>) dst(%dma_wait3A_160 : memref<64x128xf32, #tpu.memory_space<hbm>>)
    } else {
    }
    return
  }
}

#map = affine_map<(d0, d1) -> (0, 0, 0)>
#map1 = affine_map<(d0, d1) -> (0, 0)>
#map2 = affine_map<(d0, d1) -> (0, 0, 0, 0, 0)>
module attributes {stable_mosaic.version = 14 : i64} {
  func.func @emb_kernel(%arg0: i32, %arg1: i32, %arg2: memref<32x200x128xi32, #tpu.memory_space<hbm>>, %arg3: memref<1000000x128xf32, #tpu.memory_space<hbm>>, %arg4: memref<200x8x32x8x128xf32, #tpu.memory_space<hbm>>, %arg5: memref<200x128xi32, #tpu.memory_space<vmem>>, %arg6: memref<4x128x128xf32, #tpu.memory_space<vmem>>, %arg7: memref<2x64x128xf32, #tpu.memory_space<vmem>>, %arg8: memref<!tpu.dma_semaphore, #tpu.memory_space<semaphore_mem>>, %arg9: memref<!tpu.dma_semaphore, #tpu.memory_space<semaphore_mem>>, %arg10: memref<!tpu.dma_semaphore, #tpu.memory_space<semaphore_mem>>, %arg11: memref<!tpu.dma_semaphore, #tpu.memory_space<semaphore_mem>>, %arg12: memref<!tpu.dma_semaphore, #tpu.memory_space<semaphore_mem>>, %arg13: memref<!tpu.dma_semaphore, #tpu.memory_space<semaphore_mem>>) attributes {dimension_semantics = [#tpu.dimension_semantics<core_parallel>, #tpu.dimension_semantics<subcore_parallel>], iteration_bounds = array<i64: 2, 16>, scalar_prefetch = 0 : i64, scratch_operands = 9 : i64, tpu.core_type = #tpu.core_type<sc_vector_subcore>, window_params = [{transform_indices = #map}, {transform_indices = #map1}, {transform_indices = #map2}]} {
    %mul3A = arith.constant 2 : i32
    %mul3A_0 = arith.muli %arg1, %mul3A : i32
    %add3A = arith.addi %mul3A_0, %arg0 : i32
    "tpu.region"() ({
      %run_scoped3A = tpu.sem_alloc : memref<!tpu.dma_semaphore, #tpu.memory_space<semaphore_mem>>
      %dma_start3A_427 = arith.constant 0 : i32
      %dma_start3A_428 = arith.constant 0 : i32
      %dma_start3A_429 = tpu.memref_slice %arg2[%add3A, %dma_start3A_427, %dma_start3A_428] : memref<32x200x128xi32, #tpu.memory_space<hbm>> -> memref<1x200x128xi32, #tpu.memory_space<hbm>>
      %dma_start3A_430 = tpu.memref_squeeze %dma_start3A_429 : memref<1x200x128xi32, #tpu.memory_space<hbm>> -> memref<200x128xi32, #tpu.memory_space<hbm>>
      %dma_start3A_431 = arith.constant 0 : i32
      %dma_start3A_432 = arith.constant 0 : i32
      %dma_start3A_433 = tpu.memref_slice %arg2[%add3A, %dma_start3A_431, %dma_start3A_432] : memref<32x200x128xi32, #tpu.memory_space<hbm>> -> memref<1x200x128xi32, #tpu.memory_space<hbm>>
      %dma_start3A_434 = tpu.memref_squeeze %dma_start3A_433 : memref<1x200x128xi32, #tpu.memory_space<hbm>> -> memref<200x128xi32, #tpu.memory_space<hbm>>
      tpu.enqueue_dma source(%dma_start3A_434 : memref<200x128xi32, #tpu.memory_space<hbm>>) target(%arg5 : memref<200x128xi32, #tpu.memory_space<vmem>>) target_semaphore(%run_scoped3A : memref<!tpu.dma_semaphore, #tpu.memory_space<semaphore_mem>>)
      %dma_wait3A_435 = arith.constant 0 : i32
      %dma_wait3A_436 = arith.constant 0 : i32
      %dma_wait3A_437 = tpu.memref_slice %arg2[%add3A, %dma_wait3A_435, %dma_wait3A_436] : memref<32x200x128xi32, #tpu.memory_space<hbm>> -> memref<1x200x128xi32, #tpu.memory_space<hbm>>
      %dma_wait3A_438 = tpu.memref_squeeze %dma_wait3A_437 : memref<1x200x128xi32, #tpu.memory_space<hbm>> -> memref<200x128xi32, #tpu.memory_space<hbm>>
      %dma_wait3A_439 = arith.constant 0 : i32
      %dma_wait3A_440 = arith.constant 0 : i32
      %dma_wait3A_441 = tpu.memref_slice %arg2[%add3A, %dma_wait3A_439, %dma_wait3A_440] : memref<32x200x128xi32, #tpu.memory_space<hbm>> -> memref<1x200x128xi32, #tpu.memory_space<hbm>>
      %dma_wait3A_442 = tpu.memref_squeeze %dma_wait3A_441 : memref<1x200x128xi32, #tpu.memory_space<hbm>> -> memref<200x128xi32, #tpu.memory_space<hbm>>
      tpu.wait_dma2 semaphore(%run_scoped3A : memref<!tpu.dma_semaphore, #tpu.memory_space<semaphore_mem>>) src(%dma_wait3A_442 : memref<200x128xi32, #tpu.memory_space<hbm>>) dst(%arg5 : memref<200x128xi32, #tpu.memory_space<vmem>>)
      tpu.yield
    }) : () -> ()
    %iota3A = tpu.iota {dimensions = array<i32: 0>} : vector<16xi32>
    %dma_start3A = arith.constant 0 : i32
    %dma_start3A_1 = arith.constant 0 : i32
    %dma_start3A_2 = arith.constant 0 : i32
    %dma_start3A_3 = arith.constant 0 : i32
    %dma_start3A_4 = tpu.memref_slice %arg6[%dma_start3A_1, %dma_start3A_2, %dma_start3A_3] : memref<4x128x128xf32, #tpu.memory_space<vmem>> -> memref<1x128x128xf32, #tpu.memory_space<vmem>>
    %dma_start3A_5 = tpu.memref_squeeze %dma_start3A_4 : memref<1x128x128xf32, #tpu.memory_space<vmem>> -> memref<128x128xf32, #tpu.memory_space<vmem>>
    %dma_start3A_6 = arith.constant 0 : i32
    %dma_start3A_7 = tpu.memref_slice %arg5[%dma_start3A, %dma_start3A_6] : memref<200x128xi32, #tpu.memory_space<vmem>> -> memref<1x128xi32, #tpu.memory_space<vmem>>
    %dma_start3A_8 = tpu.memref_squeeze %dma_start3A_7 : memref<1x128xi32, #tpu.memory_space<vmem>> -> memref<128xi32, #tpu.memory_space<vmem>>
    %dma_start3A_9 = arith.constant 0 : i32
    %dma_start3A_10 = arith.constant 0 : i32
    %dma_start3A_11 = tpu.memref_slice %arg3[%dma_start3A_9, %dma_start3A_10] : memref<1000000x128xf32, #tpu.memory_space<hbm>> -> memref<1000000x128xf32, #tpu.memory_space<hbm>>
    tpu.enqueue_indirect_dma source(%dma_start3A_11 : memref<1000000x128xf32, #tpu.memory_space<hbm>>) target(%dma_start3A_5 : memref<128x128xf32, #tpu.memory_space<vmem>>) offsets(%dma_start3A_8 : memref<128xi32, #tpu.memory_space<vmem>>) semaphore(%arg8 : memref<!tpu.dma_semaphore, #tpu.memory_space<semaphore_mem>>)
    %dma_start3A_12 = arith.constant 1 : i32
    %dma_start3A_13 = arith.constant 1 : i32
    %dma_start3A_14 = arith.constant 0 : i32
    %dma_start3A_15 = arith.constant 0 : i32
    %dma_start3A_16 = tpu.memref_slice %arg6[%dma_start3A_13, %dma_start3A_14, %dma_start3A_15] : memref<4x128x128xf32, #tpu.memory_space<vmem>> -> memref<1x128x128xf32, #tpu.memory_space<vmem>>
    %dma_start3A_17 = tpu.memref_squeeze %dma_start3A_16 : memref<1x128x128xf32, #tpu.memory_space<vmem>> -> memref<128x128xf32, #tpu.memory_space<vmem>>
    %dma_start3A_18 = arith.constant 0 : i32
    %dma_start3A_19 = tpu.memref_slice %arg5[%dma_start3A_12, %dma_start3A_18] : memref<200x128xi32, #tpu.memory_space<vmem>> -> memref<1x128xi32, #tpu.memory_space<vmem>>
    %dma_start3A_20 = tpu.memref_squeeze %dma_start3A_19 : memref<1x128xi32, #tpu.memory_space<vmem>> -> memref<128xi32, #tpu.memory_space<vmem>>
    %dma_start3A_21 = arith.constant 0 : i32
    %dma_start3A_22 = arith.constant 0 : i32
    %dma_start3A_23 = tpu.memref_slice %arg3[%dma_start3A_21, %dma_start3A_22] : memref<1000000x128xf32, #tpu.memory_space<hbm>> -> memref<1000000x128xf32, #tpu.memory_space<hbm>>
    tpu.enqueue_indirect_dma source(%dma_start3A_23 : memref<1000000x128xf32, #tpu.memory_space<hbm>>) target(%dma_start3A_17 : memref<128x128xf32, #tpu.memory_space<vmem>>) offsets(%dma_start3A_20 : memref<128xi32, #tpu.memory_space<vmem>>) semaphore(%arg9 : memref<!tpu.dma_semaphore, #tpu.memory_space<semaphore_mem>>)
    %scan3A = arith.constant 0 : i32
    %scan3A_24 = arith.constant 50 : i32
    %scan3A_25 = arith.addi %scan3A, %scan3A_24 : i32
    %scan3A_26 = arith.constant 1 : i32
    scf.for %scan3A_427 = %scan3A to %scan3A_25 step %scan3A_26  : i32 {
      %mul3A_428 = arith.constant 1 : i32
      %mul3A_429 = arith.muli %scan3A_427, %mul3A_428 : i32
      %add3A_430 = arith.constant 0 : i32
      %add3A_431 = arith.addi %add3A_430, %mul3A_429 : i32
      %mul3A_432 = arith.constant 4 : i32
      %mul3A_433 = arith.muli %add3A_431, %mul3A_432 : i32
      %add3A_434 = arith.constant 0 : i32
      %add3A_435 = arith.addi %mul3A_433, %add3A_434 : i32
      %add3A_436 = arith.constant 2 : i32
      %add3A_437 = arith.addi %add3A_435, %add3A_436 : i32
      %dma_start3A_438 = arith.constant 2 : i32
      %dma_start3A_439 = arith.constant 0 : i32
      %dma_start3A_440 = arith.constant 0 : i32
      %dma_start3A_441 = tpu.memref_slice %arg6[%dma_start3A_438, %dma_start3A_439, %dma_start3A_440] : memref<4x128x128xf32, #tpu.memory_space<vmem>> -> memref<1x128x128xf32, #tpu.memory_space<vmem>>
      %dma_start3A_442 = tpu.memref_squeeze %dma_start3A_441 : memref<1x128x128xf32, #tpu.memory_space<vmem>> -> memref<128x128xf32, #tpu.memory_space<vmem>>
      %dma_start3A_443 = arith.constant 0 : i32
      %dma_start3A_444 = tpu.memref_slice %arg5[%add3A_437, %dma_start3A_443] : memref<200x128xi32, #tpu.memory_space<vmem>> -> memref<1x128xi32, #tpu.memory_space<vmem>>
      %dma_start3A_445 = tpu.memref_squeeze %dma_start3A_444 : memref<1x128xi32, #tpu.memory_space<vmem>> -> memref<128xi32, #tpu.memory_space<vmem>>
      %dma_start3A_446 = arith.constant 0 : i32
      %dma_start3A_447 = arith.constant 0 : i32
      %dma_start3A_448 = tpu.memref_slice %arg3[%dma_start3A_446, %dma_start3A_447] : memref<1000000x128xf32, #tpu.memory_space<hbm>> -> memref<1000000x128xf32, #tpu.memory_space<hbm>>
      tpu.enqueue_indirect_dma source(%dma_start3A_448 : memref<1000000x128xf32, #tpu.memory_space<hbm>>) target(%dma_start3A_442 : memref<128x128xf32, #tpu.memory_space<vmem>>) offsets(%dma_start3A_445 : memref<128xi32, #tpu.memory_space<vmem>>) semaphore(%arg10 : memref<!tpu.dma_semaphore, #tpu.memory_space<semaphore_mem>>)
      %dma_wait3A_449 = arith.constant 0 : i32
      %dma_wait3A_450 = arith.constant 0 : i32
      %dma_wait3A_451 = arith.constant 0 : i32
      %dma_wait3A_452 = tpu.memref_slice %arg6[%dma_wait3A_449, %dma_wait3A_450, %dma_wait3A_451] : memref<4x128x128xf32, #tpu.memory_space<vmem>> -> memref<1x128x128xf32, #tpu.memory_space<vmem>>
      %dma_wait3A_453 = tpu.memref_squeeze %dma_wait3A_452 : memref<1x128x128xf32, #tpu.memory_space<vmem>> -> memref<128x128xf32, #tpu.memory_space<vmem>>
      %dma_wait3A_454 = arith.constant 0 : i32
      %dma_wait3A_455 = tpu.memref_slice %arg5[%add3A_435, %dma_wait3A_454] : memref<200x128xi32, #tpu.memory_space<vmem>> -> memref<1x128xi32, #tpu.memory_space<vmem>>
      %dma_wait3A_456 = tpu.memref_squeeze %dma_wait3A_455 : memref<1x128xi32, #tpu.memory_space<vmem>> -> memref<128xi32, #tpu.memory_space<vmem>>
      %dma_wait3A_457 = arith.constant 0 : i32
      %dma_wait3A_458 = arith.constant 0 : i32
      %dma_wait3A_459 = tpu.memref_slice %arg3[%dma_wait3A_457, %dma_wait3A_458] : memref<1000000x128xf32, #tpu.memory_space<hbm>> -> memref<1000000x128xf32, #tpu.memory_space<hbm>>
      tpu.wait_indirect_dma semaphore(%arg8 : memref<!tpu.dma_semaphore, #tpu.memory_space<semaphore_mem>>) src(%dma_wait3A_459 : memref<1000000x128xf32, #tpu.memory_space<hbm>>) dst(%dma_wait3A_453 : memref<128x128xf32, #tpu.memory_space<vmem>>)
      %gt3A = arith.constant 0 : i32
      %gt3A_460 = arith.cmpi sgt, %add3A_431, %gt3A : i32
      %convert_element_type3A = arith.extui %gt3A_460 : i1 to i32
      %cond3A = arith.constant 0 : i32
      %cond3A_461 = arith.cmpi ne, %convert_element_type3A, %cond3A : i32
      scf.if %cond3A_461 {
        %sub3A_1700 = arith.constant 2 : i32
        %sub3A_1701 = arith.subi %add3A_435, %sub3A_1700 : i32
        %dma_wait3A_1702 = arith.constant 0 : i32
        %dma_wait3A_1703 = arith.constant 0 : i32
        %dma_wait3A_1704 = arith.constant 0 : i32
        %dma_wait3A_1705 = arith.constant 0 : i32
        %dma_wait3A_1706 = tpu.memref_slice %arg7[%dma_wait3A_1702, %dma_wait3A_1704, %dma_wait3A_1705] : memref<2x64x128xf32, #tpu.memory_space<vmem>> -> memref<1x64x128xf32, #tpu.memory_space<vmem>>
        %dma_wait3A_1707 = tpu.memref_squeeze %dma_wait3A_1706 : memref<1x64x128xf32, #tpu.memory_space<vmem>> -> memref<64x128xf32, #tpu.memory_space<vmem>>
        %dma_wait3A_1708 = arith.constant 0 : i32
        %dma_wait3A_1709 = arith.constant 0 : i32
        %dma_wait3A_1710 = tpu.memref_slice %dma_wait3A_1707[%dma_wait3A_1708, %dma_wait3A_1709] : memref<64x128xf32, #tpu.memory_space<vmem>> -> memref<8x128xf32, #tpu.memory_space<vmem>>
        %dma_wait3A_1711 = arith.constant 0 : i32
        %dma_wait3A_1712 = arith.constant 0 : i32
        %dma_wait3A_1713 = tpu.memref_slice %arg4[%sub3A_1701, %dma_wait3A_1703, %add3A, %dma_wait3A_1711, %dma_wait3A_1712] : memref<200x8x32x8x128xf32, #tpu.memory_space<hbm>> -> memref<1x1x1x8x128xf32, #tpu.memory_space<hbm>>
        %dma_wait3A_1714 = tpu.memref_squeeze %dma_wait3A_1713 : memref<1x1x1x8x128xf32, #tpu.memory_space<hbm>> -> memref<8x128xf32, #tpu.memory_space<hbm>>
        %dma_wait3A_1715 = arith.constant 0 : i32
        %dma_wait3A_1716 = arith.constant 0 : i32
        %dma_wait3A_1717 = tpu.memref_slice %arg4[%sub3A_1701, %dma_wait3A_1703, %add3A, %dma_wait3A_1715, %dma_wait3A_1716] : memref<200x8x32x8x128xf32, #tpu.memory_space<hbm>> -> memref<1x1x1x8x128xf32, #tpu.memory_space<hbm>>
        %dma_wait3A_1718 = tpu.memref_squeeze %dma_wait3A_1717 : memref<1x1x1x8x128xf32, #tpu.memory_space<hbm>> -> memref<8x128xf32, #tpu.memory_space<hbm>>
        %dma_wait3A_1719 = arith.constant 0 : i32
        %dma_wait3A_1720 = arith.constant 0 : i32
        %dma_wait3A_1721 = tpu.memref_slice %arg7[%dma_wait3A_1702, %dma_wait3A_1719, %dma_wait3A_1720] : memref<2x64x128xf32, #tpu.memory_space<vmem>> -> memref<1x64x128xf32, #tpu.memory_space<vmem>>
        %dma_wait3A_1722 = tpu.memref_squeeze %dma_wait3A_1721 : memref<1x64x128xf32, #tpu.memory_space<vmem>> -> memref<64x128xf32, #tpu.memory_space<vmem>>
        %dma_wait3A_1723 = arith.constant 0 : i32
        %dma_wait3A_1724 = arith.constant 0 : i32
        %dma_wait3A_1725 = tpu.memref_slice %dma_wait3A_1722[%dma_wait3A_1723, %dma_wait3A_1724] : memref<64x128xf32, #tpu.memory_space<vmem>> -> memref<8x128xf32, #tpu.memory_space<vmem>>
        tpu.wait_dma2 semaphore(%arg12 : memref<!tpu.dma_semaphore, #tpu.memory_space<semaphore_mem>>) src(%dma_wait3A_1725 : memref<8x128xf32, #tpu.memory_space<vmem>>) dst(%dma_wait3A_1718 : memref<8x128xf32, #tpu.memory_space<hbm>>)
        %dma_wait3A_1726 = arith.constant 0 : i32
        %dma_wait3A_1727 = arith.constant 1 : i32
        %dma_wait3A_1728 = arith.constant 0 : i32
        %dma_wait3A_1729 = arith.constant 0 : i32
        %dma_wait3A_1730 = tpu.memref_slice %arg7[%dma_wait3A_1726, %dma_wait3A_1728, %dma_wait3A_1729] : memref<2x64x128xf32, #tpu.memory_space<vmem>> -> memref<1x64x128xf32, #tpu.memory_space<vmem>>
        %dma_wait3A_1731 = tpu.memref_squeeze %dma_wait3A_1730 : memref<1x64x128xf32, #tpu.memory_space<vmem>> -> memref<64x128xf32, #tpu.memory_space<vmem>>
        %dma_wait3A_1732 = arith.constant 8 : i32
        %dma_wait3A_1733 = arith.constant 0 : i32
        %dma_wait3A_1734 = tpu.memref_slice %dma_wait3A_1731[%dma_wait3A_1732, %dma_wait3A_1733] : memref<64x128xf32, #tpu.memory_space<vmem>> -> memref<8x128xf32, #tpu.memory_space<vmem>>
        %dma_wait3A_1735 = arith.constant 0 : i32
        %dma_wait3A_1736 = arith.constant 0 : i32
        %dma_wait3A_1737 = tpu.memref_slice %arg4[%sub3A_1701, %dma_wait3A_1727, %add3A, %dma_wait3A_1735, %dma_wait3A_1736] : memref<200x8x32x8x128xf32, #tpu.memory_space<hbm>> -> memref<1x1x1x8x128xf32, #tpu.memory_space<hbm>>
        %dma_wait3A_1738 = tpu.memref_squeeze %dma_wait3A_1737 : memref<1x1x1x8x128xf32, #tpu.memory_space<hbm>> -> memref<8x128xf32, #tpu.memory_space<hbm>>
        %dma_wait3A_1739 = arith.constant 0 : i32
        %dma_wait3A_1740 = arith.constant 0 : i32
        %dma_wait3A_1741 = tpu.memref_slice %arg4[%sub3A_1701, %dma_wait3A_1727, %add3A, %dma_wait3A_1739, %dma_wait3A_1740] : memref<200x8x32x8x128xf32, #tpu.memory_space<hbm>> -> memref<1x1x1x8x128xf32, #tpu.memory_space<hbm>>
        %dma_wait3A_1742 = tpu.memref_squeeze %dma_wait3A_1741 : memref<1x1x1x8x128xf32, #tpu.memory_space<hbm>> -> memref<8x128xf32, #tpu.memory_space<hbm>>
        %dma_wait3A_1743 = arith.constant 0 : i32
        %dma_wait3A_1744 = arith.constant 0 : i32
        %dma_wait3A_1745 = tpu.memref_slice %arg7[%dma_wait3A_1726, %dma_wait3A_1743, %dma_wait3A_1744] : memref<2x64x128xf32, #tpu.memory_space<vmem>> -> memref<1x64x128xf32, #tpu.memory_space<vmem>>
        %dma_wait3A_1746 = tpu.memref_squeeze %dma_wait3A_1745 : memref<1x64x128xf32, #tpu.memory_space<vmem>> -> memref<64x128xf32, #tpu.memory_space<vmem>>
        %dma_wait3A_1747 = arith.constant 8 : i32
        %dma_wait3A_1748 = arith.constant 0 : i32
        %dma_wait3A_1749 = tpu.memref_slice %dma_wait3A_1746[%dma_wait3A_1747, %dma_wait3A_1748] : memref<64x128xf32, #tpu.memory_space<vmem>> -> memref<8x128xf32, #tpu.memory_space<vmem>>
        tpu.wait_dma2 semaphore(%arg12 : memref<!tpu.dma_semaphore, #tpu.memory_space<semaphore_mem>>) src(%dma_wait3A_1749 : memref<8x128xf32, #tpu.memory_space<vmem>>) dst(%dma_wait3A_1742 : memref<8x128xf32, #tpu.memory_space<hbm>>)
        %dma_wait3A_1750 = arith.constant 0 : i32
        %dma_wait3A_1751 = arith.constant 2 : i32
        %dma_wait3A_1752 = arith.constant 0 : i32
        %dma_wait3A_1753 = arith.constant 0 : i32
        %dma_wait3A_1754 = tpu.memref_slice %arg7[%dma_wait3A_1750, %dma_wait3A_1752, %dma_wait3A_1753] : memref<2x64x128xf32, #tpu.memory_space<vmem>> -> memref<1x64x128xf32, #tpu.memory_space<vmem>>
        %dma_wait3A_1755 = tpu.memref_squeeze %dma_wait3A_1754 : memref<1x64x128xf32, #tpu.memory_space<vmem>> -> memref<64x128xf32, #tpu.memory_space<vmem>>
        %dma_wait3A_1756 = arith.constant 16 : i32
        %dma_wait3A_1757 = arith.constant 0 : i32
        %dma_wait3A_1758 = tpu.memref_slice %dma_wait3A_1755[%dma_wait3A_1756, %dma_wait3A_1757] : memref<64x128xf32, #tpu.memory_space<vmem>> -> memref<8x128xf32, #tpu.memory_space<vmem>>
        %dma_wait3A_1759 = arith.constant 0 : i32
        %dma_wait3A_1760 = arith.constant 0 : i32
        %dma_wait3A_1761 = tpu.memref_slice %arg4[%sub3A_1701, %dma_wait3A_1751, %add3A, %dma_wait3A_1759, %dma_wait3A_1760] : memref<200x8x32x8x128xf32, #tpu.memory_space<hbm>> -> memref<1x1x1x8x128xf32, #tpu.memory_space<hbm>>
        %dma_wait3A_1762 = tpu.memref_squeeze %dma_wait3A_1761 : memref<1x1x1x8x128xf32, #tpu.memory_space<hbm>> -> memref<8x128xf32, #tpu.memory_space<hbm>>
        %dma_wait3A_1763 = arith.constant 0 : i32
        %dma_wait3A_1764 = arith.constant 0 : i32
        %dma_wait3A_1765 = tpu.memref_slice %arg4[%sub3A_1701, %dma_wait3A_1751, %add3A, %dma_wait3A_1763, %dma_wait3A_1764] : memref<200x8x32x8x128xf32, #tpu.memory_space<hbm>> -> memref<1x1x1x8x128xf32, #tpu.memory_space<hbm>>
        %dma_wait3A_1766 = tpu.memref_squeeze %dma_wait3A_1765 : memref<1x1x1x8x128xf32, #tpu.memory_space<hbm>> -> memref<8x128xf32, #tpu.memory_space<hbm>>
        %dma_wait3A_1767 = arith.constant 0 : i32
        %dma_wait3A_1768 = arith.constant 0 : i32
        %dma_wait3A_1769 = tpu.memref_slice %arg7[%dma_wait3A_1750, %dma_wait3A_1767, %dma_wait3A_1768] : memref<2x64x128xf32, #tpu.memory_space<vmem>> -> memref<1x64x128xf32, #tpu.memory_space<vmem>>
        %dma_wait3A_1770 = tpu.memref_squeeze %dma_wait3A_1769 : memref<1x64x128xf32, #tpu.memory_space<vmem>> -> memref<64x128xf32, #tpu.memory_space<vmem>>
        %dma_wait3A_1771 = arith.constant 16 : i32
        %dma_wait3A_1772 = arith.constant 0 : i32
        %dma_wait3A_1773 = tpu.memref_slice %dma_wait3A_1770[%dma_wait3A_1771, %dma_wait3A_1772] : memref<64x128xf32, #tpu.memory_space<vmem>> -> memref<8x128xf32, #tpu.memory_space<vmem>>
        tpu.wait_dma2 semaphore(%arg12 : memref<!tpu.dma_semaphore, #tpu.memory_space<semaphore_mem>>) src(%dma_wait3A_1773 : memref<8x128xf32, #tpu.memory_space<vmem>>) dst(%dma_wait3A_1766 : memref<8x128xf32, #tpu.memory_space<hbm>>)
        %dma_wait3A_1774 = arith.constant 0 : i32
        %dma_wait3A_1775 = arith.constant 3 : i32
        %dma_wait3A_1776 = arith.constant 0 : i32
        %dma_wait3A_1777 = arith.constant 0 : i32
        %dma_wait3A_1778 = tpu.memref_slice %arg7[%dma_wait3A_1774, %dma_wait3A_1776, %dma_wait3A_1777] : memref<2x64x128xf32, #tpu.memory_space<vmem>> -> memref<1x64x128xf32, #tpu.memory_space<vmem>>
        %dma_wait3A_1779 = tpu.memref_squeeze %dma_wait3A_1778 : memref<1x64x128xf32, #tpu.memory_space<vmem>> -> memref<64x128xf32, #tpu.memory_space<vmem>>
        %dma_wait3A_1780 = arith.constant 24 : i32
        %dma_wait3A_1781 = arith.constant 0 : i32
        %dma_wait3A_1782 = tpu.memref_slice %dma_wait3A_1779[%dma_wait3A_1780, %dma_wait3A_1781] : memref<64x128xf32, #tpu.memory_space<vmem>> -> memref<8x128xf32, #tpu.memory_space<vmem>>
        %dma_wait3A_1783 = arith.constant 0 : i32
        %dma_wait3A_1784 = arith.constant 0 : i32
        %dma_wait3A_1785 = tpu.memref_slice %arg4[%sub3A_1701, %dma_wait3A_1775, %add3A, %dma_wait3A_1783, %dma_wait3A_1784] : memref<200x8x32x8x128xf32, #tpu.memory_space<hbm>> -> memref<1x1x1x8x128xf32, #tpu.memory_space<hbm>>
        %dma_wait3A_1786 = tpu.memref_squeeze %dma_wait3A_1785 : memref<1x1x1x8x128xf32, #tpu.memory_space<hbm>> -> memref<8x128xf32, #tpu.memory_space<hbm>>
        %dma_wait3A_1787 = arith.constant 0 : i32
        %dma_wait3A_1788 = arith.constant 0 : i32
        %dma_wait3A_1789 = tpu.memref_slice %arg4[%sub3A_1701, %dma_wait3A_1775, %add3A, %dma_wait3A_1787, %dma_wait3A_1788] : memref<200x8x32x8x128xf32, #tpu.memory_space<hbm>> -> memref<1x1x1x8x128xf32, #tpu.memory_space<hbm>>
        %dma_wait3A_1790 = tpu.memref_squeeze %dma_wait3A_1789 : memref<1x1x1x8x128xf32, #tpu.memory_space<hbm>> -> memref<8x128xf32, #tpu.memory_space<hbm>>
        %dma_wait3A_1791 = arith.constant 0 : i32
        %dma_wait3A_1792 = arith.constant 0 : i32
        %dma_wait3A_1793 = tpu.memref_slice %arg7[%dma_wait3A_1774, %dma_wait3A_1791, %dma_wait3A_1792] : memref<2x64x128xf32, #tpu.memory_space<vmem>> -> memref<1x64x128xf32, #tpu.memory_space<vmem>>
        %dma_wait3A_1794 = tpu.memref_squeeze %dma_wait3A_1793 : memref<1x64x128xf32, #tpu.memory_space<vmem>> -> memref<64x128xf32, #tpu.memory_space<vmem>>
        %dma_wait3A_1795 = arith.constant 24 : i32
        %dma_wait3A_1796 = arith.constant 0 : i32
        %dma_wait3A_1797 = tpu.memref_slice %dma_wait3A_1794[%dma_wait3A_1795, %dma_wait3A_1796] : memref<64x128xf32, #tpu.memory_space<vmem>> -> memref<8x128xf32, #tpu.memory_space<vmem>>
        tpu.wait_dma2 semaphore(%arg12 : memref<!tpu.dma_semaphore, #tpu.memory_space<semaphore_mem>>) src(%dma_wait3A_1797 : memref<8x128xf32, #tpu.memory_space<vmem>>) dst(%dma_wait3A_1790 : memref<8x128xf32, #tpu.memory_space<hbm>>)
        %dma_wait3A_1798 = arith.constant 0 : i32
        %dma_wait3A_1799 = arith.constant 4 : i32
        %dma_wait3A_1800 = arith.constant 0 : i32
        %dma_wait3A_1801 = arith.constant 0 : i32
        %dma_wait3A_1802 = tpu.memref_slice %arg7[%dma_wait3A_1798, %dma_wait3A_1800, %dma_wait3A_1801] : memref<2x64x128xf32, #tpu.memory_space<vmem>> -> memref<1x64x128xf32, #tpu.memory_space<vmem>>
        %dma_wait3A_1803 = tpu.memref_squeeze %dma_wait3A_1802 : memref<1x64x128xf32, #tpu.memory_space<vmem>> -> memref<64x128xf32, #tpu.memory_space<vmem>>
        %dma_wait3A_1804 = arith.constant 32 : i32
        %dma_wait3A_1805 = arith.constant 0 : i32
        %dma_wait3A_1806 = tpu.memref_slice %dma_wait3A_1803[%dma_wait3A_1804, %dma_wait3A_1805] : memref<64x128xf32, #tpu.memory_space<vmem>> -> memref<8x128xf32, #tpu.memory_space<vmem>>
        %dma_wait3A_1807 = arith.constant 0 : i32
        %dma_wait3A_1808 = arith.constant 0 : i32
        %dma_wait3A_1809 = tpu.memref_slice %arg4[%sub3A_1701, %dma_wait3A_1799, %add3A, %dma_wait3A_1807, %dma_wait3A_1808] : memref<200x8x32x8x128xf32, #tpu.memory_space<hbm>> -> memref<1x1x1x8x128xf32, #tpu.memory_space<hbm>>
        %dma_wait3A_1810 = tpu.memref_squeeze %dma_wait3A_1809 : memref<1x1x1x8x128xf32, #tpu.memory_space<hbm>> -> memref<8x128xf32, #tpu.memory_space<hbm>>
        %dma_wait3A_1811 = arith.constant 0 : i32
        %dma_wait3A_1812 = arith.constant 0 : i32
        %dma_wait3A_1813 = tpu.memref_slice %arg4[%sub3A_1701, %dma_wait3A_1799, %add3A, %dma_wait3A_1811, %dma_wait3A_1812] : memref<200x8x32x8x128xf32, #tpu.memory_space<hbm>> -> memref<1x1x1x8x128xf32, #tpu.memory_space<hbm>>
        %dma_wait3A_1814 = tpu.memref_squeeze %dma_wait3A_1813 : memref<1x1x1x8x128xf32, #tpu.memory_space<hbm>> -> memref<8x128xf32, #tpu.memory_space<hbm>>
        %dma_wait3A_1815 = arith.constant 0 : i32
        %dma_wait3A_1816 = arith.constant 0 : i32
        %dma_wait3A_1817 = tpu.memref_slice %arg7[%dma_wait3A_1798, %dma_wait3A_1815, %dma_wait3A_1816] : memref<2x64x128xf32, #tpu.memory_space<vmem>> -> memref<1x64x128xf32, #tpu.memory_space<vmem>>
        %dma_wait3A_1818 = tpu.memref_squeeze %dma_wait3A_1817 : memref<1x64x128xf32, #tpu.memory_space<vmem>> -> memref<64x128xf32, #tpu.memory_space<vmem>>
        %dma_wait3A_1819 = arith.constant 32 : i32
        %dma_wait3A_1820 = arith.constant 0 : i32
        %dma_wait3A_1821 = tpu.memref_slice %dma_wait3A_1818[%dma_wait3A_1819, %dma_wait3A_1820] : memref<64x128xf32, #tpu.memory_space<vmem>> -> memref<8x128xf32, #tpu.memory_space<vmem>>
        tpu.wait_dma2 semaphore(%arg12 : memref<!tpu.dma_semaphore, #tpu.memory_space<semaphore_mem>>) src(%dma_wait3A_1821 : memref<8x128xf32, #tpu.memory_space<vmem>>) dst(%dma_wait3A_1814 : memref<8x128xf32, #tpu.memory_space<hbm>>)
        %dma_wait3A_1822 = arith.constant 0 : i32
        %dma_wait3A_1823 = arith.constant 5 : i32
        %dma_wait3A_1824 = arith.constant 0 : i32
        %dma_wait3A_1825 = arith.constant 0 : i32
        %dma_wait3A_1826 = tpu.memref_slice %arg7[%dma_wait3A_1822, %dma_wait3A_1824, %dma_wait3A_1825] : memref<2x64x128xf32, #tpu.memory_space<vmem>> -> memref<1x64x128xf32, #tpu.memory_space<vmem>>
        %dma_wait3A_1827 = tpu.memref_squeeze %dma_wait3A_1826 : memref<1x64x128xf32, #tpu.memory_space<vmem>> -> memref<64x128xf32, #tpu.memory_space<vmem>>
        %dma_wait3A_1828 = arith.constant 40 : i32
        %dma_wait3A_1829 = arith.constant 0 : i32
        %dma_wait3A_1830 = tpu.memref_slice %dma_wait3A_1827[%dma_wait3A_1828, %dma_wait3A_1829] : memref<64x128xf32, #tpu.memory_space<vmem>> -> memref<8x128xf32, #tpu.memory_space<vmem>>
        %dma_wait3A_1831 = arith.constant 0 : i32
        %dma_wait3A_1832 = arith.constant 0 : i32
        %dma_wait3A_1833 = tpu.memref_slice %arg4[%sub3A_1701, %dma_wait3A_1823, %add3A, %dma_wait3A_1831, %dma_wait3A_1832] : memref<200x8x32x8x128xf32, #tpu.memory_space<hbm>> -> memref<1x1x1x8x128xf32, #tpu.memory_space<hbm>>
        %dma_wait3A_1834 = tpu.memref_squeeze %dma_wait3A_1833 : memref<1x1x1x8x128xf32, #tpu.memory_space<hbm>> -> memref<8x128xf32, #tpu.memory_space<hbm>>
        %dma_wait3A_1835 = arith.constant 0 : i32
        %dma_wait3A_1836 = arith.constant 0 : i32
        %dma_wait3A_1837 = tpu.memref_slice %arg4[%sub3A_1701, %dma_wait3A_1823, %add3A, %dma_wait3A_1835, %dma_wait3A_1836] : memref<200x8x32x8x128xf32, #tpu.memory_space<hbm>> -> memref<1x1x1x8x128xf32, #tpu.memory_space<hbm>>
        %dma_wait3A_1838 = tpu.memref_squeeze %dma_wait3A_1837 : memref<1x1x1x8x128xf32, #tpu.memory_space<hbm>> -> memref<8x128xf32, #tpu.memory_space<hbm>>
        %dma_wait3A_1839 = arith.constant 0 : i32
        %dma_wait3A_1840 = arith.constant 0 : i32
        %dma_wait3A_1841 = tpu.memref_slice %arg7[%dma_wait3A_1822, %dma_wait3A_1839, %dma_wait3A_1840] : memref<2x64x128xf32, #tpu.memory_space<vmem>> -> memref<1x64x128xf32, #tpu.memory_space<vmem>>
        %dma_wait3A_1842 = tpu.memref_squeeze %dma_wait3A_1841 : memref<1x64x128xf32, #tpu.memory_space<vmem>> -> memref<64x128xf32, #tpu.memory_space<vmem>>
        %dma_wait3A_1843 = arith.constant 40 : i32
        %dma_wait3A_1844 = arith.constant 0 : i32
        %dma_wait3A_1845 = tpu.memref_slice %dma_wait3A_1842[%dma_wait3A_1843, %dma_wait3A_1844] : memref<64x128xf32, #tpu.memory_space<vmem>> -> memref<8x128xf32, #tpu.memory_space<vmem>>
        tpu.wait_dma2 semaphore(%arg12 : memref<!tpu.dma_semaphore, #tpu.memory_space<semaphore_mem>>) src(%dma_wait3A_1845 : memref<8x128xf32, #tpu.memory_space<vmem>>) dst(%dma_wait3A_1838 : memref<8x128xf32, #tpu.memory_space<hbm>>)
        %dma_wait3A_1846 = arith.constant 0 : i32
        %dma_wait3A_1847 = arith.constant 6 : i32
        %dma_wait3A_1848 = arith.constant 0 : i32
        %dma_wait3A_1849 = arith.constant 0 : i32
        %dma_wait3A_1850 = tpu.memref_slice %arg7[%dma_wait3A_1846, %dma_wait3A_1848, %dma_wait3A_1849] : memref<2x64x128xf32, #tpu.memory_space<vmem>> -> memref<1x64x128xf32, #tpu.memory_space<vmem>>
        %dma_wait3A_1851 = tpu.memref_squeeze %dma_wait3A_1850 : memref<1x64x128xf32, #tpu.memory_space<vmem>> -> memref<64x128xf32, #tpu.memory_space<vmem>>
        %dma_wait3A_1852 = arith.constant 48 : i32
        %dma_wait3A_1853 = arith.constant 0 : i32
        %dma_wait3A_1854 = tpu.memref_slice %dma_wait3A_1851[%dma_wait3A_1852, %dma_wait3A_1853] : memref<64x128xf32, #tpu.memory_space<vmem>> -> memref<8x128xf32, #tpu.memory_space<vmem>>
        %dma_wait3A_1855 = arith.constant 0 : i32
        %dma_wait3A_1856 = arith.constant 0 : i32
        %dma_wait3A_1857 = tpu.memref_slice %arg4[%sub3A_1701, %dma_wait3A_1847, %add3A, %dma_wait3A_1855, %dma_wait3A_1856] : memref<200x8x32x8x128xf32, #tpu.memory_space<hbm>> -> memref<1x1x1x8x128xf32, #tpu.memory_space<hbm>>
        %dma_wait3A_1858 = tpu.memref_squeeze %dma_wait3A_1857 : memref<1x1x1x8x128xf32, #tpu.memory_space<hbm>> -> memref<8x128xf32, #tpu.memory_space<hbm>>
        %dma_wait3A_1859 = arith.constant 0 : i32
        %dma_wait3A_1860 = arith.constant 0 : i32
        %dma_wait3A_1861 = tpu.memref_slice %arg4[%sub3A_1701, %dma_wait3A_1847, %add3A, %dma_wait3A_1859, %dma_wait3A_1860] : memref<200x8x32x8x128xf32, #tpu.memory_space<hbm>> -> memref<1x1x1x8x128xf32, #tpu.memory_space<hbm>>
        %dma_wait3A_1862 = tpu.memref_squeeze %dma_wait3A_1861 : memref<1x1x1x8x128xf32, #tpu.memory_space<hbm>> -> memref<8x128xf32, #tpu.memory_space<hbm>>
        %dma_wait3A_1863 = arith.constant 0 : i32
        %dma_wait3A_1864 = arith.constant 0 : i32
        %dma_wait3A_1865 = tpu.memref_slice %arg7[%dma_wait3A_1846, %dma_wait3A_1863, %dma_wait3A_1864] : memref<2x64x128xf32, #tpu.memory_space<vmem>> -> memref<1x64x128xf32, #tpu.memory_space<vmem>>
        %dma_wait3A_1866 = tpu.memref_squeeze %dma_wait3A_1865 : memref<1x64x128xf32, #tpu.memory_space<vmem>> -> memref<64x128xf32, #tpu.memory_space<vmem>>
        %dma_wait3A_1867 = arith.constant 48 : i32
        %dma_wait3A_1868 = arith.constant 0 : i32
        %dma_wait3A_1869 = tpu.memref_slice %dma_wait3A_1866[%dma_wait3A_1867, %dma_wait3A_1868] : memref<64x128xf32, #tpu.memory_space<vmem>> -> memref<8x128xf32, #tpu.memory_space<vmem>>
        tpu.wait_dma2 semaphore(%arg12 : memref<!tpu.dma_semaphore, #tpu.memory_space<semaphore_mem>>) src(%dma_wait3A_1869 : memref<8x128xf32, #tpu.memory_space<vmem>>) dst(%dma_wait3A_1862 : memref<8x128xf32, #tpu.memory_space<hbm>>)
        %dma_wait3A_1870 = arith.constant 0 : i32
        %dma_wait3A_1871 = arith.constant 7 : i32
        %dma_wait3A_1872 = arith.constant 0 : i32
        %dma_wait3A_1873 = arith.constant 0 : i32
        %dma_wait3A_1874 = tpu.memref_slice %arg7[%dma_wait3A_1870, %dma_wait3A_1872, %dma_wait3A_1873] : memref<2x64x128xf32, #tpu.memory_space<vmem>> -> memref<1x64x128xf32, #tpu.memory_space<vmem>>
        %dma_wait3A_1875 = tpu.memref_squeeze %dma_wait3A_1874 : memref<1x64x128xf32, #tpu.memory_space<vmem>> -> memref<64x128xf32, #tpu.memory_space<vmem>>
        %dma_wait3A_1876 = arith.constant 56 : i32
        %dma_wait3A_1877 = arith.constant 0 : i32
        %dma_wait3A_1878 = tpu.memref_slice %dma_wait3A_1875[%dma_wait3A_1876, %dma_wait3A_1877] : memref<64x128xf32, #tpu.memory_space<vmem>> -> memref<8x128xf32, #tpu.memory_space<vmem>>
        %dma_wait3A_1879 = arith.constant 0 : i32
        %dma_wait3A_1880 = arith.constant 0 : i32
        %dma_wait3A_1881 = tpu.memref_slice %arg4[%sub3A_1701, %dma_wait3A_1871, %add3A, %dma_wait3A_1879, %dma_wait3A_1880] : memref<200x8x32x8x128xf32, #tpu.memory_space<hbm>> -> memref<1x1x1x8x128xf32, #tpu.memory_space<hbm>>
        %dma_wait3A_1882 = tpu.memref_squeeze %dma_wait3A_1881 : memref<1x1x1x8x128xf32, #tpu.memory_space<hbm>> -> memref<8x128xf32, #tpu.memory_space<hbm>>
        %dma_wait3A_1883 = arith.constant 0 : i32
        %dma_wait3A_1884 = arith.constant 0 : i32
        %dma_wait3A_1885 = tpu.memref_slice %arg4[%sub3A_1701, %dma_wait3A_1871, %add3A, %dma_wait3A_1883, %dma_wait3A_1884] : memref<200x8x32x8x128xf32, #tpu.memory_space<hbm>> -> memref<1x1x1x8x128xf32, #tpu.memory_space<hbm>>
        %dma_wait3A_1886 = tpu.memref_squeeze %dma_wait3A_1885 : memref<1x1x1x8x128xf32, #tpu.memory_space<hbm>> -> memref<8x128xf32, #tpu.memory_space<hbm>>
        %dma_wait3A_1887 = arith.constant 0 : i32
        %dma_wait3A_1888 = arith.constant 0 : i32
        %dma_wait3A_1889 = tpu.memref_slice %arg7[%dma_wait3A_1870, %dma_wait3A_1887, %dma_wait3A_1888] : memref<2x64x128xf32, #tpu.memory_space<vmem>> -> memref<1x64x128xf32, #tpu.memory_space<vmem>>
        %dma_wait3A_1890 = tpu.memref_squeeze %dma_wait3A_1889 : memref<1x64x128xf32, #tpu.memory_space<vmem>> -> memref<64x128xf32, #tpu.memory_space<vmem>>
        %dma_wait3A_1891 = arith.constant 56 : i32
        %dma_wait3A_1892 = arith.constant 0 : i32
        %dma_wait3A_1893 = tpu.memref_slice %dma_wait3A_1890[%dma_wait3A_1891, %dma_wait3A_1892] : memref<64x128xf32, #tpu.memory_space<vmem>> -> memref<8x128xf32, #tpu.memory_space<vmem>>
        tpu.wait_dma2 semaphore(%arg12 : memref<!tpu.dma_semaphore, #tpu.memory_space<semaphore_mem>>) src(%dma_wait3A_1893 : memref<8x128xf32, #tpu.memory_space<vmem>>) dst(%dma_wait3A_1886 : memref<8x128xf32, #tpu.memory_space<hbm>>)
      } else {
      }
      %parallel_loop3A = arith.constant 0 : i32
      %parallel_loop3A_462 = arith.constant 512 : i32
      %parallel_loop3A_463 = arith.constant 1 : i32
      scf.for %parallel_loop3A_1700 = %parallel_loop3A to %parallel_loop3A_462 step %parallel_loop3A_463  : i32 {
        %parallel_loop3A_1701 = arith.constant 15 : i32
        %parallel_loop3A_1702 = arith.andi %parallel_loop3A_1700, %parallel_loop3A_1701 : i32
        %parallel_loop3A_1703 = arith.constant 4 : i32
        %parallel_loop3A_1704 = arith.shrsi %parallel_loop3A_1700, %parallel_loop3A_1703 : i32
        %parallel_loop3A_1705 = arith.constant 3 : i32
        %parallel_loop3A_1706 = arith.shrsi %parallel_loop3A_1704, %parallel_loop3A_1705 : i32
        %parallel_loop3A_1707 = arith.constant 16 : i32
        %parallel_loop3A_1708 = arith.muli %parallel_loop3A_1706, %parallel_loop3A_1707 : i32
        %parallel_loop3A_1709 = arith.constant 7 : i32
        %parallel_loop3A_1710 = arith.andi %parallel_loop3A_1704, %parallel_loop3A_1709 : i32
        %parallel_loop3A_1711 = arith.constant 16 : i32
        %parallel_loop3A_1712 = arith.muli %parallel_loop3A_1710, %parallel_loop3A_1711 : i32
        %parallel_loop3A_1713 = vector.broadcast %parallel_loop3A_1702 : i32 to vector<16xi32>
        %parallel_loop3A_1714 = arith.addi %iota3A, %parallel_loop3A_1713 : vector<16xi32>
        %parallel_loop3A_1715 = arith.constant 15 : i32
        %parallel_loop3A_1716 = vector.broadcast %parallel_loop3A_1715 : i32 to vector<16xi32>
        %parallel_loop3A_1717 = arith.andi %parallel_loop3A_1714, %parallel_loop3A_1716 : vector<16xi32>
        %parallel_loop3A_1718 = vector.broadcast %parallel_loop3A_1712 : i32 to vector<16xi32>
        %parallel_loop3A_1719 = arith.addi %iota3A, %parallel_loop3A_1718 : vector<16xi32>
        %parallel_loop3A_1720 = vector.broadcast %parallel_loop3A_1708 : i32 to vector<16xi32>
        %parallel_loop3A_1721 = arith.addi %parallel_loop3A_1717, %parallel_loop3A_1720 : vector<16xi32>
        %parallel_loop3A_1722 = arith.constant 0 : i32
        %parallel_loop3A_1723 = arith.constant 0 : i32
        %parallel_loop3A_1724 = arith.constant 0 : i32
        %parallel_loop3A_1725 = tpu.memref_slice %arg6[%parallel_loop3A_1722, %parallel_loop3A_1723, %parallel_loop3A_1724] : memref<4x128x128xf32, #tpu.memory_space<vmem>> -> memref<1x128x128xf32, #tpu.memory_space<vmem>>
        %parallel_loop3A_1726 = tpu.memref_squeeze %parallel_loop3A_1725 : memref<1x128x128xf32, #tpu.memory_space<vmem>> -> memref<128x128xf32, #tpu.memory_space<vmem>>
        %parallel_loop3A_1727 = tpu.vector_load_idx %parallel_loop3A_1726[%parallel_loop3A_1719, %parallel_loop3A_1721] : memref<128x128xf32, #tpu.memory_space<vmem>>[vector<16xi32>, vector<16xi32>], vector<16xf32>,
        %parallel_loop3A_1728 = arith.constant 0 : i32
        %parallel_loop3A_1729 = arith.constant 0 : i32
        %parallel_loop3A_1730 = arith.constant 0 : i32
        %parallel_loop3A_1731 = tpu.memref_slice %arg7[%parallel_loop3A_1728, %parallel_loop3A_1729, %parallel_loop3A_1730] : memref<2x64x128xf32, #tpu.memory_space<vmem>> -> memref<1x64x128xf32, #tpu.memory_space<vmem>>
        %parallel_loop3A_1732 = tpu.memref_squeeze %parallel_loop3A_1731 : memref<1x64x128xf32, #tpu.memory_space<vmem>> -> memref<64x128xf32, #tpu.memory_space<vmem>>
        tpu.vector_store_idx %parallel_loop3A_1732[%parallel_loop3A_1721, %parallel_loop3A_1719], %parallel_loop3A_1727 : memref<64x128xf32, #tpu.memory_space<vmem>>[vector<16xi32>, vector<16xi32>], vector<16xf32>,
      } {sc.loop_unroll_factor = 8 : i64, sc.parallel_access}
      %dma_start3A_464 = arith.constant 0 : i32
      %dma_start3A_465 = arith.constant 0 : i32
      %dma_start3A_466 = arith.constant 0 : i32
      %dma_start3A_467 = arith.constant 0 : i32
      %dma_start3A_468 = tpu.memref_slice %arg7[%dma_start3A_464, %dma_start3A_466, %dma_start3A_467] : memref<2x64x128xf32, #tpu.memory_space<vmem>> -> memref<1x64x128xf32, #tpu.memory_space<vmem>>
      %dma_start3A_469 = tpu.memref_squeeze %dma_start3A_468 : memref<1x64x128xf32, #tpu.memory_space<vmem>> -> memref<64x128xf32, #tpu.memory_space<vmem>>
      %dma_start3A_470 = arith.constant 0 : i32
      %dma_start3A_471 = arith.constant 0 : i32
      %dma_start3A_472 = tpu.memref_slice %dma_start3A_469[%dma_start3A_470, %dma_start3A_471] : memref<64x128xf32, #tpu.memory_space<vmem>> -> memref<8x128xf32, #tpu.memory_space<vmem>>
      %dma_start3A_473 = arith.constant 0 : i32
      %dma_start3A_474 = arith.constant 0 : i32
      %dma_start3A_475 = tpu.memref_slice %arg4[%add3A_435, %dma_start3A_465, %add3A, %dma_start3A_473, %dma_start3A_474] : memref<200x8x32x8x128xf32, #tpu.memory_space<hbm>> -> memref<1x1x1x8x128xf32, #tpu.memory_space<hbm>>
      %dma_start3A_476 = tpu.memref_squeeze %dma_start3A_475 : memref<1x1x1x8x128xf32, #tpu.memory_space<hbm>> -> memref<8x128xf32, #tpu.memory_space<hbm>>
      %dma_start3A_477 = arith.constant 0 : i32
      %dma_start3A_478 = arith.constant 0 : i32
      %dma_start3A_479 = tpu.memref_slice %arg4[%add3A_435, %dma_start3A_465, %add3A, %dma_start3A_477, %dma_start3A_478] : memref<200x8x32x8x128xf32, #tpu.memory_space<hbm>> -> memref<1x1x1x8x128xf32, #tpu.memory_space<hbm>>
      %dma_start3A_480 = tpu.memref_squeeze %dma_start3A_479 : memref<1x1x1x8x128xf32, #tpu.memory_space<hbm>> -> memref<8x128xf32, #tpu.memory_space<hbm>>
      %dma_start3A_481 = arith.constant 0 : i32
      %dma_start3A_482 = arith.constant 0 : i32
      %dma_start3A_483 = tpu.memref_slice %arg7[%dma_start3A_464, %dma_start3A_481, %dma_start3A_482] : memref<2x64x128xf32, #tpu.memory_space<vmem>> -> memref<1x64x128xf32, #tpu.memory_space<vmem>>
      %dma_start3A_484 = tpu.memref_squeeze %dma_start3A_483 : memref<1x64x128xf32, #tpu.memory_space<vmem>> -> memref<64x128xf32, #tpu.memory_space<vmem>>
      %dma_start3A_485 = arith.constant 0 : i32
      %dma_start3A_486 = arith.constant 0 : i32
      %dma_start3A_487 = tpu.memref_slice %dma_start3A_484[%dma_start3A_485, %dma_start3A_486] : memref<64x128xf32, #tpu.memory_space<vmem>> -> memref<8x128xf32, #tpu.memory_space<vmem>>
      tpu.enqueue_dma source(%dma_start3A_487 : memref<8x128xf32, #tpu.memory_space<vmem>>) target(%dma_start3A_480 : memref<8x128xf32, #tpu.memory_space<hbm>>) target_semaphore(%arg12 : memref<!tpu.dma_semaphore, #tpu.memory_space<semaphore_mem>>)
      %dma_start3A_488 = arith.constant 0 : i32
      %dma_start3A_489 = arith.constant 1 : i32
      %dma_start3A_490 = arith.constant 0 : i32
      %dma_start3A_491 = arith.constant 0 : i32
      %dma_start3A_492 = tpu.memref_slice %arg7[%dma_start3A_488, %dma_start3A_490, %dma_start3A_491] : memref<2x64x128xf32, #tpu.memory_space<vmem>> -> memref<1x64x128xf32, #tpu.memory_space<vmem>>
      %dma_start3A_493 = tpu.memref_squeeze %dma_start3A_492 : memref<1x64x128xf32, #tpu.memory_space<vmem>> -> memref<64x128xf32, #tpu.memory_space<vmem>>
      %dma_start3A_494 = arith.constant 8 : i32
      %dma_start3A_495 = arith.constant 0 : i32
      %dma_start3A_496 = tpu.memref_slice %dma_start3A_493[%dma_start3A_494, %dma_start3A_495] : memref<64x128xf32, #tpu.memory_space<vmem>> -> memref<8x128xf32, #tpu.memory_space<vmem>>
      %dma_start3A_497 = arith.constant 0 : i32
      %dma_start3A_498 = arith.constant 0 : i32
      %dma_start3A_499 = tpu.memref_slice %arg4[%add3A_435, %dma_start3A_489, %add3A, %dma_start3A_497, %dma_start3A_498] : memref<200x8x32x8x128xf32, #tpu.memory_space<hbm>> -> memref<1x1x1x8x128xf32, #tpu.memory_space<hbm>>
      %dma_start3A_500 = tpu.memref_squeeze %dma_start3A_499 : memref<1x1x1x8x128xf32, #tpu.memory_space<hbm>> -> memref<8x128xf32, #tpu.memory_space<hbm>>
      %dma_start3A_501 = arith.constant 0 : i32
      %dma_start3A_502 = arith.constant 0 : i32
      %dma_start3A_503 = tpu.memref_slice %arg4[%add3A_435, %dma_start3A_489, %add3A, %dma_start3A_501, %dma_start3A_502] : memref<200x8x32x8x128xf32, #tpu.memory_space<hbm>> -> memref<1x1x1x8x128xf32, #tpu.memory_space<hbm>>
      %dma_start3A_504 = tpu.memref_squeeze %dma_start3A_503 : memref<1x1x1x8x128xf32, #tpu.memory_space<hbm>> -> memref<8x128xf32, #tpu.memory_space<hbm>>
      %dma_start3A_505 = arith.constant 0 : i32
      %dma_start3A_506 = arith.constant 0 : i32
      %dma_start3A_507 = tpu.memref_slice %arg7[%dma_start3A_488, %dma_start3A_505, %dma_start3A_506] : memref<2x64x128xf32, #tpu.memory_space<vmem>> -> memref<1x64x128xf32, #tpu.memory_space<vmem>>
      %dma_start3A_508 = tpu.memref_squeeze %dma_start3A_507 : memref<1x64x128xf32, #tpu.memory_space<vmem>> -> memref<64x128xf32, #tpu.memory_space<vmem>>
      %dma_start3A_509 = arith.constant 8 : i32
      %dma_start3A_510 = arith.constant 0 : i32
      %dma_start3A_511 = tpu.memref_slice %dma_start3A_508[%dma_start3A_509, %dma_start3A_510] : memref<64x128xf32, #tpu.memory_space<vmem>> -> memref<8x128xf32, #tpu.memory_space<vmem>>
      tpu.enqueue_dma source(%dma_start3A_511 : memref<8x128xf32, #tpu.memory_space<vmem>>) target(%dma_start3A_504 : memref<8x128xf32, #tpu.memory_space<hbm>>) target_semaphore(%arg12 : memref<!tpu.dma_semaphore, #tpu.memory_space<semaphore_mem>>)
      %dma_start3A_512 = arith.constant 0 : i32
      %dma_start3A_513 = arith.constant 2 : i32
      %dma_start3A_514 = arith.constant 0 : i32
      %dma_start3A_515 = arith.constant 0 : i32
      %dma_start3A_516 = tpu.memref_slice %arg7[%dma_start3A_512, %dma_start3A_514, %dma_start3A_515] : memref<2x64x128xf32, #tpu.memory_space<vmem>> -> memref<1x64x128xf32, #tpu.memory_space<vmem>>
      %dma_start3A_517 = tpu.memref_squeeze %dma_start3A_516 : memref<1x64x128xf32, #tpu.memory_space<vmem>> -> memref<64x128xf32, #tpu.memory_space<vmem>>
      %dma_start3A_518 = arith.constant 16 : i32
      %dma_start3A_519 = arith.constant 0 : i32
      %dma_start3A_520 = tpu.memref_slice %dma_start3A_517[%dma_start3A_518, %dma_start3A_519] : memref<64x128xf32, #tpu.memory_space<vmem>> -> memref<8x128xf32, #tpu.memory_space<vmem>>
      %dma_start3A_521 = arith.constant 0 : i32
      %dma_start3A_522 = arith.constant 0 : i32
      %dma_start3A_523 = tpu.memref_slice %arg4[%add3A_435, %dma_start3A_513, %add3A, %dma_start3A_521, %dma_start3A_522] : memref<200x8x32x8x128xf32, #tpu.memory_space<hbm>> -> memref<1x1x1x8x128xf32, #tpu.memory_space<hbm>>
      %dma_start3A_524 = tpu.memref_squeeze %dma_start3A_523 : memref<1x1x1x8x128xf32, #tpu.memory_space<hbm>> -> memref<8x128xf32, #tpu.memory_space<hbm>>
      %dma_start3A_525 = arith.constant 0 : i32
      %dma_start3A_526 = arith.constant 0 : i32
      %dma_start3A_527 = tpu.memref_slice %arg4[%add3A_435, %dma_start3A_513, %add3A, %dma_start3A_525, %dma_start3A_526] : memref<200x8x32x8x128xf32, #tpu.memory_space<hbm>> -> memref<1x1x1x8x128xf32, #tpu.memory_space<hbm>>
      %dma_start3A_528 = tpu.memref_squeeze %dma_start3A_527 : memref<1x1x1x8x128xf32, #tpu.memory_space<hbm>> -> memref<8x128xf32, #tpu.memory_space<hbm>>
      %dma_start3A_529 = arith.constant 0 : i32
      %dma_start3A_530 = arith.constant 0 : i32
      %dma_start3A_531 = tpu.memref_slice %arg7[%dma_start3A_512, %dma_start3A_529, %dma_start3A_530] : memref<2x64x128xf32, #tpu.memory_space<vmem>> -> memref<1x64x128xf32, #tpu.memory_space<vmem>>
      %dma_start3A_532 = tpu.memref_squeeze %dma_start3A_531 : memref<1x64x128xf32, #tpu.memory_space<vmem>> -> memref<64x128xf32, #tpu.memory_space<vmem>>
      %dma_start3A_533 = arith.constant 16 : i32
      %dma_start3A_534 = arith.constant 0 : i32
      %dma_start3A_535 = tpu.memref_slice %dma_start3A_532[%dma_start3A_533, %dma_start3A_534] : memref<64x128xf32, #tpu.memory_space<vmem>> -> memref<8x128xf32, #tpu.memory_space<vmem>>
      tpu.enqueue_dma source(%dma_start3A_535 : memref<8x128xf32, #tpu.memory_space<vmem>>) target(%dma_start3A_528 : memref<8x128xf32, #tpu.memory_space<hbm>>) target_semaphore(%arg12 : memref<!tpu.dma_semaphore, #tpu.memory_space<semaphore_mem>>)
      %dma_start3A_536 = arith.constant 0 : i32
      %dma_start3A_537 = arith.constant 3 : i32
      %dma_start3A_538 = arith.constant 0 : i32
      %dma_start3A_539 = arith.constant 0 : i32
      %dma_start3A_540 = tpu.memref_slice %arg7[%dma_start3A_536, %dma_start3A_538, %dma_start3A_539] : memref<2x64x128xf32, #tpu.memory_space<vmem>> -> memref<1x64x128xf32, #tpu.memory_space<vmem>>
      %dma_start3A_541 = tpu.memref_squeeze %dma_start3A_540 : memref<1x64x128xf32, #tpu.memory_space<vmem>> -> memref<64x128xf32, #tpu.memory_space<vmem>>
      %dma_start3A_542 = arith.constant 24 : i32
      %dma_start3A_543 = arith.constant 0 : i32
      %dma_start3A_544 = tpu.memref_slice %dma_start3A_541[%dma_start3A_542, %dma_start3A_543] : memref<64x128xf32, #tpu.memory_space<vmem>> -> memref<8x128xf32, #tpu.memory_space<vmem>>
      %dma_start3A_545 = arith.constant 0 : i32
      %dma_start3A_546 = arith.constant 0 : i32
      %dma_start3A_547 = tpu.memref_slice %arg4[%add3A_435, %dma_start3A_537, %add3A, %dma_start3A_545, %dma_start3A_546] : memref<200x8x32x8x128xf32, #tpu.memory_space<hbm>> -> memref<1x1x1x8x128xf32, #tpu.memory_space<hbm>>
      %dma_start3A_548 = tpu.memref_squeeze %dma_start3A_547 : memref<1x1x1x8x128xf32, #tpu.memory_space<hbm>> -> memref<8x128xf32, #tpu.memory_space<hbm>>
      %dma_start3A_549 = arith.constant 0 : i32
      %dma_start3A_550 = arith.constant 0 : i32
      %dma_start3A_551 = tpu.memref_slice %arg4[%add3A_435, %dma_start3A_537, %add3A, %dma_start3A_549, %dma_start3A_550] : memref<200x8x32x8x128xf32, #tpu.memory_space<hbm>> -> memref<1x1x1x8x128xf32, #tpu.memory_space<hbm>>
      %dma_start3A_552 = tpu.memref_squeeze %dma_start3A_551 : memref<1x1x1x8x128xf32, #tpu.memory_space<hbm>> -> memref<8x128xf32, #tpu.memory_space<hbm>>
      %dma_start3A_553 = arith.constant 0 : i32
      %dma_start3A_554 = arith.constant 0 : i32
      %dma_start3A_555 = tpu.memref_slice %arg7[%dma_start3A_536, %dma_start3A_553, %dma_start3A_554] : memref<2x64x128xf32, #tpu.memory_space<vmem>> -> memref<1x64x128xf32, #tpu.memory_space<vmem>>
      %dma_start3A_556 = tpu.memref_squeeze %dma_start3A_555 : memref<1x64x128xf32, #tpu.memory_space<vmem>> -> memref<64x128xf32, #tpu.memory_space<vmem>>
      %dma_start3A_557 = arith.constant 24 : i32
      %dma_start3A_558 = arith.constant 0 : i32
      %dma_start3A_559 = tpu.memref_slice %dma_start3A_556[%dma_start3A_557, %dma_start3A_558] : memref<64x128xf32, #tpu.memory_space<vmem>> -> memref<8x128xf32, #tpu.memory_space<vmem>>
      tpu.enqueue_dma source(%dma_start3A_559 : memref<8x128xf32, #tpu.memory_space<vmem>>) target(%dma_start3A_552 : memref<8x128xf32, #tpu.memory_space<hbm>>) target_semaphore(%arg12 : memref<!tpu.dma_semaphore, #tpu.memory_space<semaphore_mem>>)
      %dma_start3A_560 = arith.constant 0 : i32
      %dma_start3A_561 = arith.constant 4 : i32
      %dma_start3A_562 = arith.constant 0 : i32
      %dma_start3A_563 = arith.constant 0 : i32
      %dma_start3A_564 = tpu.memref_slice %arg7[%dma_start3A_560, %dma_start3A_562, %dma_start3A_563] : memref<2x64x128xf32, #tpu.memory_space<vmem>> -> memref<1x64x128xf32, #tpu.memory_space<vmem>>
      %dma_start3A_565 = tpu.memref_squeeze %dma_start3A_564 : memref<1x64x128xf32, #tpu.memory_space<vmem>> -> memref<64x128xf32, #tpu.memory_space<vmem>>
      %dma_start3A_566 = arith.constant 32 : i32
      %dma_start3A_567 = arith.constant 0 : i32
      %dma_start3A_568 = tpu.memref_slice %dma_start3A_565[%dma_start3A_566, %dma_start3A_567] : memref<64x128xf32, #tpu.memory_space<vmem>> -> memref<8x128xf32, #tpu.memory_space<vmem>>
      %dma_start3A_569 = arith.constant 0 : i32
      %dma_start3A_570 = arith.constant 0 : i32
      %dma_start3A_571 = tpu.memref_slice %arg4[%add3A_435, %dma_start3A_561, %add3A, %dma_start3A_569, %dma_start3A_570] : memref<200x8x32x8x128xf32, #tpu.memory_space<hbm>> -> memref<1x1x1x8x128xf32, #tpu.memory_space<hbm>>
      %dma_start3A_572 = tpu.memref_squeeze %dma_start3A_571 : memref<1x1x1x8x128xf32, #tpu.memory_space<hbm>> -> memref<8x128xf32, #tpu.memory_space<hbm>>
      %dma_start3A_573 = arith.constant 0 : i32
      %dma_start3A_574 = arith.constant 0 : i32
      %dma_start3A_575 = tpu.memref_slice %arg4[%add3A_435, %dma_start3A_561, %add3A, %dma_start3A_573, %dma_start3A_574] : memref<200x8x32x8x128xf32, #tpu.memory_space<hbm>> -> memref<1x1x1x8x128xf32, #tpu.memory_space<hbm>>
      %dma_start3A_576 = tpu.memref_squeeze %dma_start3A_575 : memref<1x1x1x8x128xf32, #tpu.memory_space<hbm>> -> memref<8x128xf32, #tpu.memory_space<hbm>>
      %dma_start3A_577 = arith.constant 0 : i32
      %dma_start3A_578 = arith.constant 0 : i32
      %dma_start3A_579 = tpu.memref_slice %arg7[%dma_start3A_560, %dma_start3A_577, %dma_start3A_578] : memref<2x64x128xf32, #tpu.memory_space<vmem>> -> memref<1x64x128xf32, #tpu.memory_space<vmem>>
      %dma_start3A_580 = tpu.memref_squeeze %dma_start3A_579 : memref<1x64x128xf32, #tpu.memory_space<vmem>> -> memref<64x128xf32, #tpu.memory_space<vmem>>
      %dma_start3A_581 = arith.constant 32 : i32
      %dma_start3A_582 = arith.constant 0 : i32
      %dma_start3A_583 = tpu.memref_slice %dma_start3A_580[%dma_start3A_581, %dma_start3A_582] : memref<64x128xf32, #tpu.memory_space<vmem>> -> memref<8x128xf32, #tpu.memory_space<vmem>>
      tpu.enqueue_dma source(%dma_start3A_583 : memref<8x128xf32, #tpu.memory_space<vmem>>) target(%dma_start3A_576 : memref<8x128xf32, #tpu.memory_space<hbm>>) target_semaphore(%arg12 : memref<!tpu.dma_semaphore, #tpu.memory_space<semaphore_mem>>)
      %dma_start3A_584 = arith.constant 0 : i32
      %dma_start3A_585 = arith.constant 5 : i32
      %dma_start3A_586 = arith.constant 0 : i32
      %dma_start3A_587 = arith.constant 0 : i32
      %dma_start3A_588 = tpu.memref_slice %arg7[%dma_start3A_584, %dma_start3A_586, %dma_start3A_587] : memref<2x64x128xf32, #tpu.memory_space<vmem>> -> memref<1x64x128xf32, #tpu.memory_space<vmem>>
      %dma_start3A_589 = tpu.memref_squeeze %dma_start3A_588 : memref<1x64x128xf32, #tpu.memory_space<vmem>> -> memref<64x128xf32, #tpu.memory_space<vmem>>
      %dma_start3A_590 = arith.constant 40 : i32
      %dma_start3A_591 = arith.constant 0 : i32
      %dma_start3A_592 = tpu.memref_slice %dma_start3A_589[%dma_start3A_590, %dma_start3A_591] : memref<64x128xf32, #tpu.memory_space<vmem>> -> memref<8x128xf32, #tpu.memory_space<vmem>>
      %dma_start3A_593 = arith.constant 0 : i32
      %dma_start3A_594 = arith.constant 0 : i32
      %dma_start3A_595 = tpu.memref_slice %arg4[%add3A_435, %dma_start3A_585, %add3A, %dma_start3A_593, %dma_start3A_594] : memref<200x8x32x8x128xf32, #tpu.memory_space<hbm>> -> memref<1x1x1x8x128xf32, #tpu.memory_space<hbm>>
      %dma_start3A_596 = tpu.memref_squeeze %dma_start3A_595 : memref<1x1x1x8x128xf32, #tpu.memory_space<hbm>> -> memref<8x128xf32, #tpu.memory_space<hbm>>
      %dma_start3A_597 = arith.constant 0 : i32
      %dma_start3A_598 = arith.constant 0 : i32
      %dma_start3A_599 = tpu.memref_slice %arg4[%add3A_435, %dma_start3A_585, %add3A, %dma_start3A_597, %dma_start3A_598] : memref<200x8x32x8x128xf32, #tpu.memory_space<hbm>> -> memref<1x1x1x8x128xf32, #tpu.memory_space<hbm>>
      %dma_start3A_600 = tpu.memref_squeeze %dma_start3A_599 : memref<1x1x1x8x128xf32, #tpu.memory_space<hbm>> -> memref<8x128xf32, #tpu.memory_space<hbm>>
      %dma_start3A_601 = arith.constant 0 : i32
      %dma_start3A_602 = arith.constant 0 : i32
      %dma_start3A_603 = tpu.memref_slice %arg7[%dma_start3A_584, %dma_start3A_601, %dma_start3A_602] : memref<2x64x128xf32, #tpu.memory_space<vmem>> -> memref<1x64x128xf32, #tpu.memory_space<vmem>>
      %dma_start3A_604 = tpu.memref_squeeze %dma_start3A_603 : memref<1x64x128xf32, #tpu.memory_space<vmem>> -> memref<64x128xf32, #tpu.memory_space<vmem>>
      %dma_start3A_605 = arith.constant 40 : i32
      %dma_start3A_606 = arith.constant 0 : i32
      %dma_start3A_607 = tpu.memref_slice %dma_start3A_604[%dma_start3A_605, %dma_start3A_606] : memref<64x128xf32, #tpu.memory_space<vmem>> -> memref<8x128xf32, #tpu.memory_space<vmem>>
      tpu.enqueue_dma source(%dma_start3A_607 : memref<8x128xf32, #tpu.memory_space<vmem>>) target(%dma_start3A_600 : memref<8x128xf32, #tpu.memory_space<hbm>>) target_semaphore(%arg12 : memref<!tpu.dma_semaphore, #tpu.memory_space<semaphore_mem>>)
      %dma_start3A_608 = arith.constant 0 : i32
      %dma_start3A_609 = arith.constant 6 : i32
      %dma_start3A_610 = arith.constant 0 : i32
      %dma_start3A_611 = arith.constant 0 : i32
      %dma_start3A_612 = tpu.memref_slice %arg7[%dma_start3A_608, %dma_start3A_610, %dma_start3A_611] : memref<2x64x128xf32, #tpu.memory_space<vmem>> -> memref<1x64x128xf32, #tpu.memory_space<vmem>>
      %dma_start3A_613 = tpu.memref_squeeze %dma_start3A_612 : memref<1x64x128xf32, #tpu.memory_space<vmem>> -> memref<64x128xf32, #tpu.memory_space<vmem>>
      %dma_start3A_614 = arith.constant 48 : i32
      %dma_start3A_615 = arith.constant 0 : i32
      %dma_start3A_616 = tpu.memref_slice %dma_start3A_613[%dma_start3A_614, %dma_start3A_615] : memref<64x128xf32, #tpu.memory_space<vmem>> -> memref<8x128xf32, #tpu.memory_space<vmem>>
      %dma_start3A_617 = arith.constant 0 : i32
      %dma_start3A_618 = arith.constant 0 : i32
      %dma_start3A_619 = tpu.memref_slice %arg4[%add3A_435, %dma_start3A_609, %add3A, %dma_start3A_617, %dma_start3A_618] : memref<200x8x32x8x128xf32, #tpu.memory_space<hbm>> -> memref<1x1x1x8x128xf32, #tpu.memory_space<hbm>>
      %dma_start3A_620 = tpu.memref_squeeze %dma_start3A_619 : memref<1x1x1x8x128xf32, #tpu.memory_space<hbm>> -> memref<8x128xf32, #tpu.memory_space<hbm>>
      %dma_start3A_621 = arith.constant 0 : i32
      %dma_start3A_622 = arith.constant 0 : i32
      %dma_start3A_623 = tpu.memref_slice %arg4[%add3A_435, %dma_start3A_609, %add3A, %dma_start3A_621, %dma_start3A_622] : memref<200x8x32x8x128xf32, #tpu.memory_space<hbm>> -> memref<1x1x1x8x128xf32, #tpu.memory_space<hbm>>
      %dma_start3A_624 = tpu.memref_squeeze %dma_start3A_623 : memref<1x1x1x8x128xf32, #tpu.memory_space<hbm>> -> memref<8x128xf32, #tpu.memory_space<hbm>>
      %dma_start3A_625 = arith.constant 0 : i32
      %dma_start3A_626 = arith.constant 0 : i32
      %dma_start3A_627 = tpu.memref_slice %arg7[%dma_start3A_608, %dma_start3A_625, %dma_start3A_626] : memref<2x64x128xf32, #tpu.memory_space<vmem>> -> memref<1x64x128xf32, #tpu.memory_space<vmem>>
      %dma_start3A_628 = tpu.memref_squeeze %dma_start3A_627 : memref<1x64x128xf32, #tpu.memory_space<vmem>> -> memref<64x128xf32, #tpu.memory_space<vmem>>
      %dma_start3A_629 = arith.constant 48 : i32
      %dma_start3A_630 = arith.constant 0 : i32
      %dma_start3A_631 = tpu.memref_slice %dma_start3A_628[%dma_start3A_629, %dma_start3A_630] : memref<64x128xf32, #tpu.memory_space<vmem>> -> memref<8x128xf32, #tpu.memory_space<vmem>>
      tpu.enqueue_dma source(%dma_start3A_631 : memref<8x128xf32, #tpu.memory_space<vmem>>) target(%dma_start3A_624 : memref<8x128xf32, #tpu.memory_space<hbm>>) target_semaphore(%arg12 : memref<!tpu.dma_semaphore, #tpu.memory_space<semaphore_mem>>)
      %dma_start3A_632 = arith.constant 0 : i32
      %dma_start3A_633 = arith.constant 7 : i32
      %dma_start3A_634 = arith.constant 0 : i32
      %dma_start3A_635 = arith.constant 0 : i32
      %dma_start3A_636 = tpu.memref_slice %arg7[%dma_start3A_632, %dma_start3A_634, %dma_start3A_635] : memref<2x64x128xf32, #tpu.memory_space<vmem>> -> memref<1x64x128xf32, #tpu.memory_space<vmem>>
      %dma_start3A_637 = tpu.memref_squeeze %dma_start3A_636 : memref<1x64x128xf32, #tpu.memory_space<vmem>> -> memref<64x128xf32, #tpu.memory_space<vmem>>
      %dma_start3A_638 = arith.constant 56 : i32
      %dma_start3A_639 = arith.constant 0 : i32
      %dma_start3A_640 = tpu.memref_slice %dma_start3A_637[%dma_start3A_638, %dma_start3A_639] : memref<64x128xf32, #tpu.memory_space<vmem>> -> memref<8x128xf32, #tpu.memory_space<vmem>>
      %dma_start3A_641 = arith.constant 0 : i32
      %dma_start3A_642 = arith.constant 0 : i32
      %dma_start3A_643 = tpu.memref_slice %arg4[%add3A_435, %dma_start3A_633, %add3A, %dma_start3A_641, %dma_start3A_642] : memref<200x8x32x8x128xf32, #tpu.memory_space<hbm>> -> memref<1x1x1x8x128xf32, #tpu.memory_space<hbm>>
      %dma_start3A_644 = tpu.memref_squeeze %dma_start3A_643 : memref<1x1x1x8x128xf32, #tpu.memory_space<hbm>> -> memref<8x128xf32, #tpu.memory_space<hbm>>
      %dma_start3A_645 = arith.constant 0 : i32
      %dma_start3A_646 = arith.constant 0 : i32
      %dma_start3A_647 = tpu.memref_slice %arg4[%add3A_435, %dma_start3A_633, %add3A, %dma_start3A_645, %dma_start3A_646] : memref<200x8x32x8x128xf32, #tpu.memory_space<hbm>> -> memref<1x1x1x8x128xf32, #tpu.memory_space<hbm>>
      %dma_start3A_648 = tpu.memref_squeeze %dma_start3A_647 : memref<1x1x1x8x128xf32, #tpu.memory_space<hbm>> -> memref<8x128xf32, #tpu.memory_space<hbm>>
      %dma_start3A_649 = arith.constant 0 : i32
      %dma_start3A_650 = arith.constant 0 : i32
      %dma_start3A_651 = tpu.memref_slice %arg7[%dma_start3A_632, %dma_start3A_649, %dma_start3A_650] : memref<2x64x128xf32, #tpu.memory_space<vmem>> -> memref<1x64x128xf32, #tpu.memory_space<vmem>>
      %dma_start3A_652 = tpu.memref_squeeze %dma_start3A_651 : memref<1x64x128xf32, #tpu.memory_space<vmem>> -> memref<64x128xf32, #tpu.memory_space<vmem>>
      %dma_start3A_653 = arith.constant 56 : i32
      %dma_start3A_654 = arith.constant 0 : i32
      %dma_start3A_655 = tpu.memref_slice %dma_start3A_652[%dma_start3A_653, %dma_start3A_654] : memref<64x128xf32, #tpu.memory_space<vmem>> -> memref<8x128xf32, #tpu.memory_space<vmem>>
      tpu.enqueue_dma source(%dma_start3A_655 : memref<8x128xf32, #tpu.memory_space<vmem>>) target(%dma_start3A_648 : memref<8x128xf32, #tpu.memory_space<hbm>>) target_semaphore(%arg12 : memref<!tpu.dma_semaphore, #tpu.memory_space<semaphore_mem>>)
      %mul3A_656 = arith.constant 4 : i32
      %mul3A_657 = arith.muli %add3A_431, %mul3A_656 : i32
      %add3A_658 = arith.constant 1 : i32
      %add3A_659 = arith.addi %mul3A_657, %add3A_658 : i32
      %add3A_660 = arith.constant 2 : i32
      %add3A_661 = arith.addi %add3A_659, %add3A_660 : i32
      %dma_start3A_662 = arith.constant 3 : i32
      %dma_start3A_663 = arith.constant 0 : i32
      %dma_start3A_664 = arith.constant 0 : i32
      %dma_start3A_665 = tpu.memref_slice %arg6[%dma_start3A_662, %dma_start3A_663, %dma_start3A_664] : memref<4x128x128xf32, #tpu.memory_space<vmem>> -> memref<1x128x128xf32, #tpu.memory_space<vmem>>
      %dma_start3A_666 = tpu.memref_squeeze %dma_start3A_665 : memref<1x128x128xf32, #tpu.memory_space<vmem>> -> memref<128x128xf32, #tpu.memory_space<vmem>>
      %dma_start3A_667 = arith.constant 0 : i32
      %dma_start3A_668 = tpu.memref_slice %arg5[%add3A_661, %dma_start3A_667] : memref<200x128xi32, #tpu.memory_space<vmem>> -> memref<1x128xi32, #tpu.memory_space<vmem>>
      %dma_start3A_669 = tpu.memref_squeeze %dma_start3A_668 : memref<1x128xi32, #tpu.memory_space<vmem>> -> memref<128xi32, #tpu.memory_space<vmem>>
      %dma_start3A_670 = arith.constant 0 : i32
      %dma_start3A_671 = arith.constant 0 : i32
      %dma_start3A_672 = tpu.memref_slice %arg3[%dma_start3A_670, %dma_start3A_671] : memref<1000000x128xf32, #tpu.memory_space<hbm>> -> memref<1000000x128xf32, #tpu.memory_space<hbm>>
      tpu.enqueue_indirect_dma source(%dma_start3A_672 : memref<1000000x128xf32, #tpu.memory_space<hbm>>) target(%dma_start3A_666 : memref<128x128xf32, #tpu.memory_space<vmem>>) offsets(%dma_start3A_669 : memref<128xi32, #tpu.memory_space<vmem>>) semaphore(%arg11 : memref<!tpu.dma_semaphore, #tpu.memory_space<semaphore_mem>>)
      %dma_wait3A_673 = arith.constant 1 : i32
      %dma_wait3A_674 = arith.constant 0 : i32
      %dma_wait3A_675 = arith.constant 0 : i32
      %dma_wait3A_676 = tpu.memref_slice %arg6[%dma_wait3A_673, %dma_wait3A_674, %dma_wait3A_675] : memref<4x128x128xf32, #tpu.memory_space<vmem>> -> memref<1x128x128xf32, #tpu.memory_space<vmem>>
      %dma_wait3A_677 = tpu.memref_squeeze %dma_wait3A_676 : memref<1x128x128xf32, #tpu.memory_space<vmem>> -> memref<128x128xf32, #tpu.memory_space<vmem>>
      %dma_wait3A_678 = arith.constant 0 : i32
      %dma_wait3A_679 = tpu.memref_slice %arg5[%add3A_659, %dma_wait3A_678] : memref<200x128xi32, #tpu.memory_space<vmem>> -> memref<1x128xi32, #tpu.memory_space<vmem>>
      %dma_wait3A_680 = tpu.memref_squeeze %dma_wait3A_679 : memref<1x128xi32, #tpu.memory_space<vmem>> -> memref<128xi32, #tpu.memory_space<vmem>>
      %dma_wait3A_681 = arith.constant 0 : i32
      %dma_wait3A_682 = arith.constant 0 : i32
      %dma_wait3A_683 = tpu.memref_slice %arg3[%dma_wait3A_681, %dma_wait3A_682] : memref<1000000x128xf32, #tpu.memory_space<hbm>> -> memref<1000000x128xf32, #tpu.memory_space<hbm>>
      tpu.wait_indirect_dma semaphore(%arg9 : memref<!tpu.dma_semaphore, #tpu.memory_space<semaphore_mem>>) src(%dma_wait3A_683 : memref<1000000x128xf32, #tpu.memory_space<hbm>>) dst(%dma_wait3A_677 : memref<128x128xf32, #tpu.memory_space<vmem>>)
      %gt3A_684 = arith.constant 0 : i32
      %gt3A_685 = arith.cmpi sgt, %add3A_431, %gt3A_684 : i32
      %convert_element_type3A_686 = arith.extui %gt3A_685 : i1 to i32
      %cond3A_687 = arith.constant 0 : i32
      %cond3A_688 = arith.cmpi ne, %convert_element_type3A_686, %cond3A_687 : i32
      scf.if %cond3A_688 {
        %sub3A_1700 = arith.constant 2 : i32
        %sub3A_1701 = arith.subi %add3A_659, %sub3A_1700 : i32
        %dma_wait3A_1702 = arith.constant 1 : i32
        %dma_wait3A_1703 = arith.constant 0 : i32
        %dma_wait3A_1704 = arith.constant 0 : i32
        %dma_wait3A_1705 = arith.constant 0 : i32
        %dma_wait3A_1706 = tpu.memref_slice %arg7[%dma_wait3A_1702, %dma_wait3A_1704, %dma_wait3A_1705] : memref<2x64x128xf32, #tpu.memory_space<vmem>> -> memref<1x64x128xf32, #tpu.memory_space<vmem>>
        %dma_wait3A_1707 = tpu.memref_squeeze %dma_wait3A_1706 : memref<1x64x128xf32, #tpu.memory_space<vmem>> -> memref<64x128xf32, #tpu.memory_space<vmem>>
        %dma_wait3A_1708 = arith.constant 0 : i32
        %dma_wait3A_1709 = arith.constant 0 : i32
        %dma_wait3A_1710 = tpu.memref_slice %dma_wait3A_1707[%dma_wait3A_1708, %dma_wait3A_1709] : memref<64x128xf32, #tpu.memory_space<vmem>> -> memref<8x128xf32, #tpu.memory_space<vmem>>
        %dma_wait3A_1711 = arith.constant 0 : i32
        %dma_wait3A_1712 = arith.constant 0 : i32
        %dma_wait3A_1713 = tpu.memref_slice %arg4[%sub3A_1701, %dma_wait3A_1703, %add3A, %dma_wait3A_1711, %dma_wait3A_1712] : memref<200x8x32x8x128xf32, #tpu.memory_space<hbm>> -> memref<1x1x1x8x128xf32, #tpu.memory_space<hbm>>
        %dma_wait3A_1714 = tpu.memref_squeeze %dma_wait3A_1713 : memref<1x1x1x8x128xf32, #tpu.memory_space<hbm>> -> memref<8x128xf32, #tpu.memory_space<hbm>>
        %dma_wait3A_1715 = arith.constant 0 : i32
        %dma_wait3A_1716 = arith.constant 0 : i32
        %dma_wait3A_1717 = tpu.memref_slice %arg4[%sub3A_1701, %dma_wait3A_1703, %add3A, %dma_wait3A_1715, %dma_wait3A_1716] : memref<200x8x32x8x128xf32, #tpu.memory_space<hbm>> -> memref<1x1x1x8x128xf32, #tpu.memory_space<hbm>>
        %dma_wait3A_1718 = tpu.memref_squeeze %dma_wait3A_1717 : memref<1x1x1x8x128xf32, #tpu.memory_space<hbm>> -> memref<8x128xf32, #tpu.memory_space<hbm>>
        %dma_wait3A_1719 = arith.constant 0 : i32
        %dma_wait3A_1720 = arith.constant 0 : i32
        %dma_wait3A_1721 = tpu.memref_slice %arg7[%dma_wait3A_1702, %dma_wait3A_1719, %dma_wait3A_1720] : memref<2x64x128xf32, #tpu.memory_space<vmem>> -> memref<1x64x128xf32, #tpu.memory_space<vmem>>
        %dma_wait3A_1722 = tpu.memref_squeeze %dma_wait3A_1721 : memref<1x64x128xf32, #tpu.memory_space<vmem>> -> memref<64x128xf32, #tpu.memory_space<vmem>>
        %dma_wait3A_1723 = arith.constant 0 : i32
        %dma_wait3A_1724 = arith.constant 0 : i32
        %dma_wait3A_1725 = tpu.memref_slice %dma_wait3A_1722[%dma_wait3A_1723, %dma_wait3A_1724] : memref<64x128xf32, #tpu.memory_space<vmem>> -> memref<8x128xf32, #tpu.memory_space<vmem>>
        tpu.wait_dma2 semaphore(%arg13 : memref<!tpu.dma_semaphore, #tpu.memory_space<semaphore_mem>>) src(%dma_wait3A_1725 : memref<8x128xf32, #tpu.memory_space<vmem>>) dst(%dma_wait3A_1718 : memref<8x128xf32, #tpu.memory_space<hbm>>)
        %dma_wait3A_1726 = arith.constant 1 : i32
        %dma_wait3A_1727 = arith.constant 1 : i32
        %dma_wait3A_1728 = arith.constant 0 : i32
        %dma_wait3A_1729 = arith.constant 0 : i32
        %dma_wait3A_1730 = tpu.memref_slice %arg7[%dma_wait3A_1726, %dma_wait3A_1728, %dma_wait3A_1729] : memref<2x64x128xf32, #tpu.memory_space<vmem>> -> memref<1x64x128xf32, #tpu.memory_space<vmem>>
        %dma_wait3A_1731 = tpu.memref_squeeze %dma_wait3A_1730 : memref<1x64x128xf32, #tpu.memory_space<vmem>> -> memref<64x128xf32, #tpu.memory_space<vmem>>
        %dma_wait3A_1732 = arith.constant 8 : i32
        %dma_wait3A_1733 = arith.constant 0 : i32
        %dma_wait3A_1734 = tpu.memref_slice %dma_wait3A_1731[%dma_wait3A_1732, %dma_wait3A_1733] : memref<64x128xf32, #tpu.memory_space<vmem>> -> memref<8x128xf32, #tpu.memory_space<vmem>>
        %dma_wait3A_1735 = arith.constant 0 : i32
        %dma_wait3A_1736 = arith.constant 0 : i32
        %dma_wait3A_1737 = tpu.memref_slice %arg4[%sub3A_1701, %dma_wait3A_1727, %add3A, %dma_wait3A_1735, %dma_wait3A_1736] : memref<200x8x32x8x128xf32, #tpu.memory_space<hbm>> -> memref<1x1x1x8x128xf32, #tpu.memory_space<hbm>>
        %dma_wait3A_1738 = tpu.memref_squeeze %dma_wait3A_1737 : memref<1x1x1x8x128xf32, #tpu.memory_space<hbm>> -> memref<8x128xf32, #tpu.memory_space<hbm>>
        %dma_wait3A_1739 = arith.constant 0 : i32
        %dma_wait3A_1740 = arith.constant 0 : i32
        %dma_wait3A_1741 = tpu.memref_slice %arg4[%sub3A_1701, %dma_wait3A_1727, %add3A, %dma_wait3A_1739, %dma_wait3A_1740] : memref<200x8x32x8x128xf32, #tpu.memory_space<hbm>> -> memref<1x1x1x8x128xf32, #tpu.memory_space<hbm>>
        %dma_wait3A_1742 = tpu.memref_squeeze %dma_wait3A_1741 : memref<1x1x1x8x128xf32, #tpu.memory_space<hbm>> -> memref<8x128xf32, #tpu.memory_space<hbm>>
        %dma_wait3A_1743 = arith.constant 0 : i32
        %dma_wait3A_1744 = arith.constant 0 : i32
        %dma_wait3A_1745 = tpu.memref_slice %arg7[%dma_wait3A_1726, %dma_wait3A_1743, %dma_wait3A_1744] : memref<2x64x128xf32, #tpu.memory_space<vmem>> -> memref<1x64x128xf32, #tpu.memory_space<vmem>>
        %dma_wait3A_1746 = tpu.memref_squeeze %dma_wait3A_1745 : memref<1x64x128xf32, #tpu.memory_space<vmem>> -> memref<64x128xf32, #tpu.memory_space<vmem>>
        %dma_wait3A_1747 = arith.constant 8 : i32
        %dma_wait3A_1748 = arith.constant 0 : i32
        %dma_wait3A_1749 = tpu.memref_slice %dma_wait3A_1746[%dma_wait3A_1747, %dma_wait3A_1748] : memref<64x128xf32, #tpu.memory_space<vmem>> -> memref<8x128xf32, #tpu.memory_space<vmem>>
        tpu.wait_dma2 semaphore(%arg13 : memref<!tpu.dma_semaphore, #tpu.memory_space<semaphore_mem>>) src(%dma_wait3A_1749 : memref<8x128xf32, #tpu.memory_space<vmem>>) dst(%dma_wait3A_1742 : memref<8x128xf32, #tpu.memory_space<hbm>>)
        %dma_wait3A_1750 = arith.constant 1 : i32
        %dma_wait3A_1751 = arith.constant 2 : i32
        %dma_wait3A_1752 = arith.constant 0 : i32
        %dma_wait3A_1753 = arith.constant 0 : i32
        %dma_wait3A_1754 = tpu.memref_slice %arg7[%dma_wait3A_1750, %dma_wait3A_1752, %dma_wait3A_1753] : memref<2x64x128xf32, #tpu.memory_space<vmem>> -> memref<1x64x128xf32, #tpu.memory_space<vmem>>
        %dma_wait3A_1755 = tpu.memref_squeeze %dma_wait3A_1754 : memref<1x64x128xf32, #tpu.memory_space<vmem>> -> memref<64x128xf32, #tpu.memory_space<vmem>>
        %dma_wait3A_1756 = arith.constant 16 : i32
        %dma_wait3A_1757 = arith.constant 0 : i32
        %dma_wait3A_1758 = tpu.memref_slice %dma_wait3A_1755[%dma_wait3A_1756, %dma_wait3A_1757] : memref<64x128xf32, #tpu.memory_space<vmem>> -> memref<8x128xf32, #tpu.memory_space<vmem>>
        %dma_wait3A_1759 = arith.constant 0 : i32
        %dma_wait3A_1760 = arith.constant 0 : i32
        %dma_wait3A_1761 = tpu.memref_slice %arg4[%sub3A_1701, %dma_wait3A_1751, %add3A, %dma_wait3A_1759, %dma_wait3A_1760] : memref<200x8x32x8x128xf32, #tpu.memory_space<hbm>> -> memref<1x1x1x8x128xf32, #tpu.memory_space<hbm>>
        %dma_wait3A_1762 = tpu.memref_squeeze %dma_wait3A_1761 : memref<1x1x1x8x128xf32, #tpu.memory_space<hbm>> -> memref<8x128xf32, #tpu.memory_space<hbm>>
        %dma_wait3A_1763 = arith.constant 0 : i32
        %dma_wait3A_1764 = arith.constant 0 : i32
        %dma_wait3A_1765 = tpu.memref_slice %arg4[%sub3A_1701, %dma_wait3A_1751, %add3A, %dma_wait3A_1763, %dma_wait3A_1764] : memref<200x8x32x8x128xf32, #tpu.memory_space<hbm>> -> memref<1x1x1x8x128xf32, #tpu.memory_space<hbm>>
        %dma_wait3A_1766 = tpu.memref_squeeze %dma_wait3A_1765 : memref<1x1x1x8x128xf32, #tpu.memory_space<hbm>> -> memref<8x128xf32, #tpu.memory_space<hbm>>
        %dma_wait3A_1767 = arith.constant 0 : i32
        %dma_wait3A_1768 = arith.constant 0 : i32
        %dma_wait3A_1769 = tpu.memref_slice %arg7[%dma_wait3A_1750, %dma_wait3A_1767, %dma_wait3A_1768] : memref<2x64x128xf32, #tpu.memory_space<vmem>> -> memref<1x64x128xf32, #tpu.memory_space<vmem>>
        %dma_wait3A_1770 = tpu.memref_squeeze %dma_wait3A_1769 : memref<1x64x128xf32, #tpu.memory_space<vmem>> -> memref<64x128xf32, #tpu.memory_space<vmem>>
        %dma_wait3A_1771 = arith.constant 16 : i32
        %dma_wait3A_1772 = arith.constant 0 : i32
        %dma_wait3A_1773 = tpu.memref_slice %dma_wait3A_1770[%dma_wait3A_1771, %dma_wait3A_1772] : memref<64x128xf32, #tpu.memory_space<vmem>> -> memref<8x128xf32, #tpu.memory_space<vmem>>
        tpu.wait_dma2 semaphore(%arg13 : memref<!tpu.dma_semaphore, #tpu.memory_space<semaphore_mem>>) src(%dma_wait3A_1773 : memref<8x128xf32, #tpu.memory_space<vmem>>) dst(%dma_wait3A_1766 : memref<8x128xf32, #tpu.memory_space<hbm>>)
        %dma_wait3A_1774 = arith.constant 1 : i32
        %dma_wait3A_1775 = arith.constant 3 : i32
        %dma_wait3A_1776 = arith.constant 0 : i32
        %dma_wait3A_1777 = arith.constant 0 : i32
        %dma_wait3A_1778 = tpu.memref_slice %arg7[%dma_wait3A_1774, %dma_wait3A_1776, %dma_wait3A_1777] : memref<2x64x128xf32, #tpu.memory_space<vmem>> -> memref<1x64x128xf32, #tpu.memory_space<vmem>>
        %dma_wait3A_1779 = tpu.memref_squeeze %dma_wait3A_1778 : memref<1x64x128xf32, #tpu.memory_space<vmem>> -> memref<64x128xf32, #tpu.memory_space<vmem>>
        %dma_wait3A_1780 = arith.constant 24 : i32
        %dma_wait3A_1781 = arith.constant 0 : i32
        %dma_wait3A_1782 = tpu.memref_slice %dma_wait3A_1779[%dma_wait3A_1780, %dma_wait3A_1781] : memref<64x128xf32, #tpu.memory_space<vmem>> -> memref<8x128xf32, #tpu.memory_space<vmem>>
        %dma_wait3A_1783 = arith.constant 0 : i32
        %dma_wait3A_1784 = arith.constant 0 : i32
        %dma_wait3A_1785 = tpu.memref_slice %arg4[%sub3A_1701, %dma_wait3A_1775, %add3A, %dma_wait3A_1783, %dma_wait3A_1784] : memref<200x8x32x8x128xf32, #tpu.memory_space<hbm>> -> memref<1x1x1x8x128xf32, #tpu.memory_space<hbm>>
        %dma_wait3A_1786 = tpu.memref_squeeze %dma_wait3A_1785 : memref<1x1x1x8x128xf32, #tpu.memory_space<hbm>> -> memref<8x128xf32, #tpu.memory_space<hbm>>
        %dma_wait3A_1787 = arith.constant 0 : i32
        %dma_wait3A_1788 = arith.constant 0 : i32
        %dma_wait3A_1789 = tpu.memref_slice %arg4[%sub3A_1701, %dma_wait3A_1775, %add3A, %dma_wait3A_1787, %dma_wait3A_1788] : memref<200x8x32x8x128xf32, #tpu.memory_space<hbm>> -> memref<1x1x1x8x128xf32, #tpu.memory_space<hbm>>
        %dma_wait3A_1790 = tpu.memref_squeeze %dma_wait3A_1789 : memref<1x1x1x8x128xf32, #tpu.memory_space<hbm>> -> memref<8x128xf32, #tpu.memory_space<hbm>>
        %dma_wait3A_1791 = arith.constant 0 : i32
        %dma_wait3A_1792 = arith.constant 0 : i32
        %dma_wait3A_1793 = tpu.memref_slice %arg7[%dma_wait3A_1774, %dma_wait3A_1791, %dma_wait3A_1792] : memref<2x64x128xf32, #tpu.memory_space<vmem>> -> memref<1x64x128xf32, #tpu.memory_space<vmem>>
        %dma_wait3A_1794 = tpu.memref_squeeze %dma_wait3A_1793 : memref<1x64x128xf32, #tpu.memory_space<vmem>> -> memref<64x128xf32, #tpu.memory_space<vmem>>
        %dma_wait3A_1795 = arith.constant 24 : i32
        %dma_wait3A_1796 = arith.constant 0 : i32
        %dma_wait3A_1797 = tpu.memref_slice %dma_wait3A_1794[%dma_wait3A_1795, %dma_wait3A_1796] : memref<64x128xf32, #tpu.memory_space<vmem>> -> memref<8x128xf32, #tpu.memory_space<vmem>>
        tpu.wait_dma2 semaphore(%arg13 : memref<!tpu.dma_semaphore, #tpu.memory_space<semaphore_mem>>) src(%dma_wait3A_1797 : memref<8x128xf32, #tpu.memory_space<vmem>>) dst(%dma_wait3A_1790 : memref<8x128xf32, #tpu.memory_space<hbm>>)
        %dma_wait3A_1798 = arith.constant 1 : i32
        %dma_wait3A_1799 = arith.constant 4 : i32
        %dma_wait3A_1800 = arith.constant 0 : i32
        %dma_wait3A_1801 = arith.constant 0 : i32
        %dma_wait3A_1802 = tpu.memref_slice %arg7[%dma_wait3A_1798, %dma_wait3A_1800, %dma_wait3A_1801] : memref<2x64x128xf32, #tpu.memory_space<vmem>> -> memref<1x64x128xf32, #tpu.memory_space<vmem>>
        %dma_wait3A_1803 = tpu.memref_squeeze %dma_wait3A_1802 : memref<1x64x128xf32, #tpu.memory_space<vmem>> -> memref<64x128xf32, #tpu.memory_space<vmem>>
        %dma_wait3A_1804 = arith.constant 32 : i32
        %dma_wait3A_1805 = arith.constant 0 : i32
        %dma_wait3A_1806 = tpu.memref_slice %dma_wait3A_1803[%dma_wait3A_1804, %dma_wait3A_1805] : memref<64x128xf32, #tpu.memory_space<vmem>> -> memref<8x128xf32, #tpu.memory_space<vmem>>
        %dma_wait3A_1807 = arith.constant 0 : i32
        %dma_wait3A_1808 = arith.constant 0 : i32
        %dma_wait3A_1809 = tpu.memref_slice %arg4[%sub3A_1701, %dma_wait3A_1799, %add3A, %dma_wait3A_1807, %dma_wait3A_1808] : memref<200x8x32x8x128xf32, #tpu.memory_space<hbm>> -> memref<1x1x1x8x128xf32, #tpu.memory_space<hbm>>
        %dma_wait3A_1810 = tpu.memref_squeeze %dma_wait3A_1809 : memref<1x1x1x8x128xf32, #tpu.memory_space<hbm>> -> memref<8x128xf32, #tpu.memory_space<hbm>>
        %dma_wait3A_1811 = arith.constant 0 : i32
        %dma_wait3A_1812 = arith.constant 0 : i32
        %dma_wait3A_1813 = tpu.memref_slice %arg4[%sub3A_1701, %dma_wait3A_1799, %add3A, %dma_wait3A_1811, %dma_wait3A_1812] : memref<200x8x32x8x128xf32, #tpu.memory_space<hbm>> -> memref<1x1x1x8x128xf32, #tpu.memory_space<hbm>>
        %dma_wait3A_1814 = tpu.memref_squeeze %dma_wait3A_1813 : memref<1x1x1x8x128xf32, #tpu.memory_space<hbm>> -> memref<8x128xf32, #tpu.memory_space<hbm>>
        %dma_wait3A_1815 = arith.constant 0 : i32
        %dma_wait3A_1816 = arith.constant 0 : i32
        %dma_wait3A_1817 = tpu.memref_slice %arg7[%dma_wait3A_1798, %dma_wait3A_1815, %dma_wait3A_1816] : memref<2x64x128xf32, #tpu.memory_space<vmem>> -> memref<1x64x128xf32, #tpu.memory_space<vmem>>
        %dma_wait3A_1818 = tpu.memref_squeeze %dma_wait3A_1817 : memref<1x64x128xf32, #tpu.memory_space<vmem>> -> memref<64x128xf32, #tpu.memory_space<vmem>>
        %dma_wait3A_1819 = arith.constant 32 : i32
        %dma_wait3A_1820 = arith.constant 0 : i32
        %dma_wait3A_1821 = tpu.memref_slice %dma_wait3A_1818[%dma_wait3A_1819, %dma_wait3A_1820] : memref<64x128xf32, #tpu.memory_space<vmem>> -> memref<8x128xf32, #tpu.memory_space<vmem>>
        tpu.wait_dma2 semaphore(%arg13 : memref<!tpu.dma_semaphore, #tpu.memory_space<semaphore_mem>>) src(%dma_wait3A_1821 : memref<8x128xf32, #tpu.memory_space<vmem>>) dst(%dma_wait3A_1814 : memref<8x128xf32, #tpu.memory_space<hbm>>)
        %dma_wait3A_1822 = arith.constant 1 : i32
        %dma_wait3A_1823 = arith.constant 5 : i32
        %dma_wait3A_1824 = arith.constant 0 : i32
        %dma_wait3A_1825 = arith.constant 0 : i32
        %dma_wait3A_1826 = tpu.memref_slice %arg7[%dma_wait3A_1822, %dma_wait3A_1824, %dma_wait3A_1825] : memref<2x64x128xf32, #tpu.memory_space<vmem>> -> memref<1x64x128xf32, #tpu.memory_space<vmem>>
        %dma_wait3A_1827 = tpu.memref_squeeze %dma_wait3A_1826 : memref<1x64x128xf32, #tpu.memory_space<vmem>> -> memref<64x128xf32, #tpu.memory_space<vmem>>
        %dma_wait3A_1828 = arith.constant 40 : i32
        %dma_wait3A_1829 = arith.constant 0 : i32
        %dma_wait3A_1830 = tpu.memref_slice %dma_wait3A_1827[%dma_wait3A_1828, %dma_wait3A_1829] : memref<64x128xf32, #tpu.memory_space<vmem>> -> memref<8x128xf32, #tpu.memory_space<vmem>>
        %dma_wait3A_1831 = arith.constant 0 : i32
        %dma_wait3A_1832 = arith.constant 0 : i32
        %dma_wait3A_1833 = tpu.memref_slice %arg4[%sub3A_1701, %dma_wait3A_1823, %add3A, %dma_wait3A_1831, %dma_wait3A_1832] : memref<200x8x32x8x128xf32, #tpu.memory_space<hbm>> -> memref<1x1x1x8x128xf32, #tpu.memory_space<hbm>>
        %dma_wait3A_1834 = tpu.memref_squeeze %dma_wait3A_1833 : memref<1x1x1x8x128xf32, #tpu.memory_space<hbm>> -> memref<8x128xf32, #tpu.memory_space<hbm>>
        %dma_wait3A_1835 = arith.constant 0 : i32
        %dma_wait3A_1836 = arith.constant 0 : i32
        %dma_wait3A_1837 = tpu.memref_slice %arg4[%sub3A_1701, %dma_wait3A_1823, %add3A, %dma_wait3A_1835, %dma_wait3A_1836] : memref<200x8x32x8x128xf32, #tpu.memory_space<hbm>> -> memref<1x1x1x8x128xf32, #tpu.memory_space<hbm>>
        %dma_wait3A_1838 = tpu.memref_squeeze %dma_wait3A_1837 : memref<1x1x1x8x128xf32, #tpu.memory_space<hbm>> -> memref<8x128xf32, #tpu.memory_space<hbm>>
        %dma_wait3A_1839 = arith.constant 0 : i32
        %dma_wait3A_1840 = arith.constant 0 : i32
        %dma_wait3A_1841 = tpu.memref_slice %arg7[%dma_wait3A_1822, %dma_wait3A_1839, %dma_wait3A_1840] : memref<2x64x128xf32, #tpu.memory_space<vmem>> -> memref<1x64x128xf32, #tpu.memory_space<vmem>>
        %dma_wait3A_1842 = tpu.memref_squeeze %dma_wait3A_1841 : memref<1x64x128xf32, #tpu.memory_space<vmem>> -> memref<64x128xf32, #tpu.memory_space<vmem>>
        %dma_wait3A_1843 = arith.constant 40 : i32
        %dma_wait3A_1844 = arith.constant 0 : i32
        %dma_wait3A_1845 = tpu.memref_slice %dma_wait3A_1842[%dma_wait3A_1843, %dma_wait3A_1844] : memref<64x128xf32, #tpu.memory_space<vmem>> -> memref<8x128xf32, #tpu.memory_space<vmem>>
        tpu.wait_dma2 semaphore(%arg13 : memref<!tpu.dma_semaphore, #tpu.memory_space<semaphore_mem>>) src(%dma_wait3A_1845 : memref<8x128xf32, #tpu.memory_space<vmem>>) dst(%dma_wait3A_1838 : memref<8x128xf32, #tpu.memory_space<hbm>>)
        %dma_wait3A_1846 = arith.constant 1 : i32
        %dma_wait3A_1847 = arith.constant 6 : i32
        %dma_wait3A_1848 = arith.constant 0 : i32
        %dma_wait3A_1849 = arith.constant 0 : i32
        %dma_wait3A_1850 = tpu.memref_slice %arg7[%dma_wait3A_1846, %dma_wait3A_1848, %dma_wait3A_1849] : memref<2x64x128xf32, #tpu.memory_space<vmem>> -> memref<1x64x128xf32, #tpu.memory_space<vmem>>
        %dma_wait3A_1851 = tpu.memref_squeeze %dma_wait3A_1850 : memref<1x64x128xf32, #tpu.memory_space<vmem>> -> memref<64x128xf32, #tpu.memory_space<vmem>>
        %dma_wait3A_1852 = arith.constant 48 : i32
        %dma_wait3A_1853 = arith.constant 0 : i32
        %dma_wait3A_1854 = tpu.memref_slice %dma_wait3A_1851[%dma_wait3A_1852, %dma_wait3A_1853] : memref<64x128xf32, #tpu.memory_space<vmem>> -> memref<8x128xf32, #tpu.memory_space<vmem>>
        %dma_wait3A_1855 = arith.constant 0 : i32
        %dma_wait3A_1856 = arith.constant 0 : i32
        %dma_wait3A_1857 = tpu.memref_slice %arg4[%sub3A_1701, %dma_wait3A_1847, %add3A, %dma_wait3A_1855, %dma_wait3A_1856] : memref<200x8x32x8x128xf32, #tpu.memory_space<hbm>> -> memref<1x1x1x8x128xf32, #tpu.memory_space<hbm>>
        %dma_wait3A_1858 = tpu.memref_squeeze %dma_wait3A_1857 : memref<1x1x1x8x128xf32, #tpu.memory_space<hbm>> -> memref<8x128xf32, #tpu.memory_space<hbm>>
        %dma_wait3A_1859 = arith.constant 0 : i32
        %dma_wait3A_1860 = arith.constant 0 : i32
        %dma_wait3A_1861 = tpu.memref_slice %arg4[%sub3A_1701, %dma_wait3A_1847, %add3A, %dma_wait3A_1859, %dma_wait3A_1860] : memref<200x8x32x8x128xf32, #tpu.memory_space<hbm>> -> memref<1x1x1x8x128xf32, #tpu.memory_space<hbm>>
        %dma_wait3A_1862 = tpu.memref_squeeze %dma_wait3A_1861 : memref<1x1x1x8x128xf32, #tpu.memory_space<hbm>> -> memref<8x128xf32, #tpu.memory_space<hbm>>
        %dma_wait3A_1863 = arith.constant 0 : i32
        %dma_wait3A_1864 = arith.constant 0 : i32
        %dma_wait3A_1865 = tpu.memref_slice %arg7[%dma_wait3A_1846, %dma_wait3A_1863, %dma_wait3A_1864] : memref<2x64x128xf32, #tpu.memory_space<vmem>> -> memref<1x64x128xf32, #tpu.memory_space<vmem>>
        %dma_wait3A_1866 = tpu.memref_squeeze %dma_wait3A_1865 : memref<1x64x128xf32, #tpu.memory_space<vmem>> -> memref<64x128xf32, #tpu.memory_space<vmem>>
        %dma_wait3A_1867 = arith.constant 48 : i32
        %dma_wait3A_1868 = arith.constant 0 : i32
        %dma_wait3A_1869 = tpu.memref_slice %dma_wait3A_1866[%dma_wait3A_1867, %dma_wait3A_1868] : memref<64x128xf32, #tpu.memory_space<vmem>> -> memref<8x128xf32, #tpu.memory_space<vmem>>
        tpu.wait_dma2 semaphore(%arg13 : memref<!tpu.dma_semaphore, #tpu.memory_space<semaphore_mem>>) src(%dma_wait3A_1869 : memref<8x128xf32, #tpu.memory_space<vmem>>) dst(%dma_wait3A_1862 : memref<8x128xf32, #tpu.memory_space<hbm>>)
        %dma_wait3A_1870 = arith.constant 1 : i32
        %dma_wait3A_1871 = arith.constant 7 : i32
        %dma_wait3A_1872 = arith.constant 0 : i32
        %dma_wait3A_1873 = arith.constant 0 : i32
        %dma_wait3A_1874 = tpu.memref_slice %arg7[%dma_wait3A_1870, %dma_wait3A_1872, %dma_wait3A_1873] : memref<2x64x128xf32, #tpu.memory_space<vmem>> -> memref<1x64x128xf32, #tpu.memory_space<vmem>>
        %dma_wait3A_1875 = tpu.memref_squeeze %dma_wait3A_1874 : memref<1x64x128xf32, #tpu.memory_space<vmem>> -> memref<64x128xf32, #tpu.memory_space<vmem>>
        %dma_wait3A_1876 = arith.constant 56 : i32
        %dma_wait3A_1877 = arith.constant 0 : i32
        %dma_wait3A_1878 = tpu.memref_slice %dma_wait3A_1875[%dma_wait3A_1876, %dma_wait3A_1877] : memref<64x128xf32, #tpu.memory_space<vmem>> -> memref<8x128xf32, #tpu.memory_space<vmem>>
        %dma_wait3A_1879 = arith.constant 0 : i32
        %dma_wait3A_1880 = arith.constant 0 : i32
        %dma_wait3A_1881 = tpu.memref_slice %arg4[%sub3A_1701, %dma_wait3A_1871, %add3A, %dma_wait3A_1879, %dma_wait3A_1880] : memref<200x8x32x8x128xf32, #tpu.memory_space<hbm>> -> memref<1x1x1x8x128xf32, #tpu.memory_space<hbm>>
        %dma_wait3A_1882 = tpu.memref_squeeze %dma_wait3A_1881 : memref<1x1x1x8x128xf32, #tpu.memory_space<hbm>> -> memref<8x128xf32, #tpu.memory_space<hbm>>
        %dma_wait3A_1883 = arith.constant 0 : i32
        %dma_wait3A_1884 = arith.constant 0 : i32
        %dma_wait3A_1885 = tpu.memref_slice %arg4[%sub3A_1701, %dma_wait3A_1871, %add3A, %dma_wait3A_1883, %dma_wait3A_1884] : memref<200x8x32x8x128xf32, #tpu.memory_space<hbm>> -> memref<1x1x1x8x128xf32, #tpu.memory_space<hbm>>
        %dma_wait3A_1886 = tpu.memref_squeeze %dma_wait3A_1885 : memref<1x1x1x8x128xf32, #tpu.memory_space<hbm>> -> memref<8x128xf32, #tpu.memory_space<hbm>>
        %dma_wait3A_1887 = arith.constant 0 : i32
        %dma_wait3A_1888 = arith.constant 0 : i32
        %dma_wait3A_1889 = tpu.memref_slice %arg7[%dma_wait3A_1870, %dma_wait3A_1887, %dma_wait3A_1888] : memref<2x64x128xf32, #tpu.memory_space<vmem>> -> memref<1x64x128xf32, #tpu.memory_space<vmem>>
        %dma_wait3A_1890 = tpu.memref_squeeze %dma_wait3A_1889 : memref<1x64x128xf32, #tpu.memory_space<vmem>> -> memref<64x128xf32, #tpu.memory_space<vmem>>
        %dma_wait3A_1891 = arith.constant 56 : i32
        %dma_wait3A_1892 = arith.constant 0 : i32
        %dma_wait3A_1893 = tpu.memref_slice %dma_wait3A_1890[%dma_wait3A_1891, %dma_wait3A_1892] : memref<64x128xf32, #tpu.memory_space<vmem>> -> memref<8x128xf32, #tpu.memory_space<vmem>>
        tpu.wait_dma2 semaphore(%arg13 : memref<!tpu.dma_semaphore, #tpu.memory_space<semaphore_mem>>) src(%dma_wait3A_1893 : memref<8x128xf32, #tpu.memory_space<vmem>>) dst(%dma_wait3A_1886 : memref<8x128xf32, #tpu.memory_space<hbm>>)
      } else {
      }
      %parallel_loop3A_689 = arith.constant 0 : i32
      %parallel_loop3A_690 = arith.constant 512 : i32
      %parallel_loop3A_691 = arith.constant 1 : i32
      scf.for %parallel_loop3A_1700 = %parallel_loop3A_689 to %parallel_loop3A_690 step %parallel_loop3A_691  : i32 {
        %parallel_loop3A_1701 = arith.constant 15 : i32
        %parallel_loop3A_1702 = arith.andi %parallel_loop3A_1700, %parallel_loop3A_1701 : i32
        %parallel_loop3A_1703 = arith.constant 4 : i32
        %parallel_loop3A_1704 = arith.shrsi %parallel_loop3A_1700, %parallel_loop3A_1703 : i32
        %parallel_loop3A_1705 = arith.constant 3 : i32
        %parallel_loop3A_1706 = arith.shrsi %parallel_loop3A_1704, %parallel_loop3A_1705 : i32
        %parallel_loop3A_1707 = arith.constant 16 : i32
        %parallel_loop3A_1708 = arith.muli %parallel_loop3A_1706, %parallel_loop3A_1707 : i32
        %parallel_loop3A_1709 = arith.constant 7 : i32
        %parallel_loop3A_1710 = arith.andi %parallel_loop3A_1704, %parallel_loop3A_1709 : i32
        %parallel_loop3A_1711 = arith.constant 16 : i32
        %parallel_loop3A_1712 = arith.muli %parallel_loop3A_1710, %parallel_loop3A_1711 : i32
        %parallel_loop3A_1713 = vector.broadcast %parallel_loop3A_1702 : i32 to vector<16xi32>
        %parallel_loop3A_1714 = arith.addi %iota3A, %parallel_loop3A_1713 : vector<16xi32>
        %parallel_loop3A_1715 = arith.constant 15 : i32
        %parallel_loop3A_1716 = vector.broadcast %parallel_loop3A_1715 : i32 to vector<16xi32>
        %parallel_loop3A_1717 = arith.andi %parallel_loop3A_1714, %parallel_loop3A_1716 : vector<16xi32>
        %parallel_loop3A_1718 = vector.broadcast %parallel_loop3A_1712 : i32 to vector<16xi32>
        %parallel_loop3A_1719 = arith.addi %iota3A, %parallel_loop3A_1718 : vector<16xi32>
        %parallel_loop3A_1720 = vector.broadcast %parallel_loop3A_1708 : i32 to vector<16xi32>
        %parallel_loop3A_1721 = arith.addi %parallel_loop3A_1717, %parallel_loop3A_1720 : vector<16xi32>
        %parallel_loop3A_1722 = arith.constant 1 : i32
        %parallel_loop3A_1723 = arith.constant 0 : i32
        %parallel_loop3A_1724 = arith.constant 0 : i32
        %parallel_loop3A_1725 = tpu.memref_slice %arg6[%parallel_loop3A_1722, %parallel_loop3A_1723, %parallel_loop3A_1724] : memref<4x128x128xf32, #tpu.memory_space<vmem>> -> memref<1x128x128xf32, #tpu.memory_space<vmem>>
        %parallel_loop3A_1726 = tpu.memref_squeeze %parallel_loop3A_1725 : memref<1x128x128xf32, #tpu.memory_space<vmem>> -> memref<128x128xf32, #tpu.memory_space<vmem>>
        %parallel_loop3A_1727 = tpu.vector_load_idx %parallel_loop3A_1726[%parallel_loop3A_1719, %parallel_loop3A_1721] : memref<128x128xf32, #tpu.memory_space<vmem>>[vector<16xi32>, vector<16xi32>], vector<16xf32>,
        %parallel_loop3A_1728 = arith.constant 1 : i32
        %parallel_loop3A_1729 = arith.constant 0 : i32
        %parallel_loop3A_1730 = arith.constant 0 : i32
        %parallel_loop3A_1731 = tpu.memref_slice %arg7[%parallel_loop3A_1728, %parallel_loop3A_1729, %parallel_loop3A_1730] : memref<2x64x128xf32, #tpu.memory_space<vmem>> -> memref<1x64x128xf32, #tpu.memory_space<vmem>>
        %parallel_loop3A_1732 = tpu.memref_squeeze %parallel_loop3A_1731 : memref<1x64x128xf32, #tpu.memory_space<vmem>> -> memref<64x128xf32, #tpu.memory_space<vmem>>
        tpu.vector_store_idx %parallel_loop3A_1732[%parallel_loop3A_1721, %parallel_loop3A_1719], %parallel_loop3A_1727 : memref<64x128xf32, #tpu.memory_space<vmem>>[vector<16xi32>, vector<16xi32>], vector<16xf32>,
      } {sc.loop_unroll_factor = 8 : i64, sc.parallel_access}
      %dma_start3A_692 = arith.constant 1 : i32
      %dma_start3A_693 = arith.constant 0 : i32
      %dma_start3A_694 = arith.constant 0 : i32
      %dma_start3A_695 = arith.constant 0 : i32
      %dma_start3A_696 = tpu.memref_slice %arg7[%dma_start3A_692, %dma_start3A_694, %dma_start3A_695] : memref<2x64x128xf32, #tpu.memory_space<vmem>> -> memref<1x64x128xf32, #tpu.memory_space<vmem>>
      %dma_start3A_697 = tpu.memref_squeeze %dma_start3A_696 : memref<1x64x128xf32, #tpu.memory_space<vmem>> -> memref<64x128xf32, #tpu.memory_space<vmem>>
      %dma_start3A_698 = arith.constant 0 : i32
      %dma_start3A_699 = arith.constant 0 : i32
      %dma_start3A_700 = tpu.memref_slice %dma_start3A_697[%dma_start3A_698, %dma_start3A_699] : memref<64x128xf32, #tpu.memory_space<vmem>> -> memref<8x128xf32, #tpu.memory_space<vmem>>
      %dma_start3A_701 = arith.constant 0 : i32
      %dma_start3A_702 = arith.constant 0 : i32
      %dma_start3A_703 = tpu.memref_slice %arg4[%add3A_659, %dma_start3A_693, %add3A, %dma_start3A_701, %dma_start3A_702] : memref<200x8x32x8x128xf32, #tpu.memory_space<hbm>> -> memref<1x1x1x8x128xf32, #tpu.memory_space<hbm>>
      %dma_start3A_704 = tpu.memref_squeeze %dma_start3A_703 : memref<1x1x1x8x128xf32, #tpu.memory_space<hbm>> -> memref<8x128xf32, #tpu.memory_space<hbm>>
      %dma_start3A_705 = arith.constant 0 : i32
      %dma_start3A_706 = arith.constant 0 : i32
      %dma_start3A_707 = tpu.memref_slice %arg4[%add3A_659, %dma_start3A_693, %add3A, %dma_start3A_705, %dma_start3A_706] : memref<200x8x32x8x128xf32, #tpu.memory_space<hbm>> -> memref<1x1x1x8x128xf32, #tpu.memory_space<hbm>>
      %dma_start3A_708 = tpu.memref_squeeze %dma_start3A_707 : memref<1x1x1x8x128xf32, #tpu.memory_space<hbm>> -> memref<8x128xf32, #tpu.memory_space<hbm>>
      %dma_start3A_709 = arith.constant 0 : i32
      %dma_start3A_710 = arith.constant 0 : i32
      %dma_start3A_711 = tpu.memref_slice %arg7[%dma_start3A_692, %dma_start3A_709, %dma_start3A_710] : memref<2x64x128xf32, #tpu.memory_space<vmem>> -> memref<1x64x128xf32, #tpu.memory_space<vmem>>
      %dma_start3A_712 = tpu.memref_squeeze %dma_start3A_711 : memref<1x64x128xf32, #tpu.memory_space<vmem>> -> memref<64x128xf32, #tpu.memory_space<vmem>>
      %dma_start3A_713 = arith.constant 0 : i32
      %dma_start3A_714 = arith.constant 0 : i32
      %dma_start3A_715 = tpu.memref_slice %dma_start3A_712[%dma_start3A_713, %dma_start3A_714] : memref<64x128xf32, #tpu.memory_space<vmem>> -> memref<8x128xf32, #tpu.memory_space<vmem>>
      tpu.enqueue_dma source(%dma_start3A_715 : memref<8x128xf32, #tpu.memory_space<vmem>>) target(%dma_start3A_708 : memref<8x128xf32, #tpu.memory_space<hbm>>) target_semaphore(%arg13 : memref<!tpu.dma_semaphore, #tpu.memory_space<semaphore_mem>>)
      %dma_start3A_716 = arith.constant 1 : i32
      %dma_start3A_717 = arith.constant 1 : i32
      %dma_start3A_718 = arith.constant 0 : i32
      %dma_start3A_719 = arith.constant 0 : i32
      %dma_start3A_720 = tpu.memref_slice %arg7[%dma_start3A_716, %dma_start3A_718, %dma_start3A_719] : memref<2x64x128xf32, #tpu.memory_space<vmem>> -> memref<1x64x128xf32, #tpu.memory_space<vmem>>
      %dma_start3A_721 = tpu.memref_squeeze %dma_start3A_720 : memref<1x64x128xf32, #tpu.memory_space<vmem>> -> memref<64x128xf32, #tpu.memory_space<vmem>>
      %dma_start3A_722 = arith.constant 8 : i32
      %dma_start3A_723 = arith.constant 0 : i32
      %dma_start3A_724 = tpu.memref_slice %dma_start3A_721[%dma_start3A_722, %dma_start3A_723] : memref<64x128xf32, #tpu.memory_space<vmem>> -> memref<8x128xf32, #tpu.memory_space<vmem>>
      %dma_start3A_725 = arith.constant 0 : i32
      %dma_start3A_726 = arith.constant 0 : i32
      %dma_start3A_727 = tpu.memref_slice %arg4[%add3A_659, %dma_start3A_717, %add3A, %dma_start3A_725, %dma_start3A_726] : memref<200x8x32x8x128xf32, #tpu.memory_space<hbm>> -> memref<1x1x1x8x128xf32, #tpu.memory_space<hbm>>
      %dma_start3A_728 = tpu.memref_squeeze %dma_start3A_727 : memref<1x1x1x8x128xf32, #tpu.memory_space<hbm>> -> memref<8x128xf32, #tpu.memory_space<hbm>>
      %dma_start3A_729 = arith.constant 0 : i32
      %dma_start3A_730 = arith.constant 0 : i32
      %dma_start3A_731 = tpu.memref_slice %arg4[%add3A_659, %dma_start3A_717, %add3A, %dma_start3A_729, %dma_start3A_730] : memref<200x8x32x8x128xf32, #tpu.memory_space<hbm>> -> memref<1x1x1x8x128xf32, #tpu.memory_space<hbm>>
      %dma_start3A_732 = tpu.memref_squeeze %dma_start3A_731 : memref<1x1x1x8x128xf32, #tpu.memory_space<hbm>> -> memref<8x128xf32, #tpu.memory_space<hbm>>
      %dma_start3A_733 = arith.constant 0 : i32
      %dma_start3A_734 = arith.constant 0 : i32
      %dma_start3A_735 = tpu.memref_slice %arg7[%dma_start3A_716, %dma_start3A_733, %dma_start3A_734] : memref<2x64x128xf32, #tpu.memory_space<vmem>> -> memref<1x64x128xf32, #tpu.memory_space<vmem>>
      %dma_start3A_736 = tpu.memref_squeeze %dma_start3A_735 : memref<1x64x128xf32, #tpu.memory_space<vmem>> -> memref<64x128xf32, #tpu.memory_space<vmem>>
      %dma_start3A_737 = arith.constant 8 : i32
      %dma_start3A_738 = arith.constant 0 : i32
      %dma_start3A_739 = tpu.memref_slice %dma_start3A_736[%dma_start3A_737, %dma_start3A_738] : memref<64x128xf32, #tpu.memory_space<vmem>> -> memref<8x128xf32, #tpu.memory_space<vmem>>
      tpu.enqueue_dma source(%dma_start3A_739 : memref<8x128xf32, #tpu.memory_space<vmem>>) target(%dma_start3A_732 : memref<8x128xf32, #tpu.memory_space<hbm>>) target_semaphore(%arg13 : memref<!tpu.dma_semaphore, #tpu.memory_space<semaphore_mem>>)
      %dma_start3A_740 = arith.constant 1 : i32
      %dma_start3A_741 = arith.constant 2 : i32
      %dma_start3A_742 = arith.constant 0 : i32
      %dma_start3A_743 = arith.constant 0 : i32
      %dma_start3A_744 = tpu.memref_slice %arg7[%dma_start3A_740, %dma_start3A_742, %dma_start3A_743] : memref<2x64x128xf32, #tpu.memory_space<vmem>> -> memref<1x64x128xf32, #tpu.memory_space<vmem>>
      %dma_start3A_745 = tpu.memref_squeeze %dma_start3A_744 : memref<1x64x128xf32, #tpu.memory_space<vmem>> -> memref<64x128xf32, #tpu.memory_space<vmem>>
      %dma_start3A_746 = arith.constant 16 : i32
      %dma_start3A_747 = arith.constant 0 : i32
      %dma_start3A_748 = tpu.memref_slice %dma_start3A_745[%dma_start3A_746, %dma_start3A_747] : memref<64x128xf32, #tpu.memory_space<vmem>> -> memref<8x128xf32, #tpu.memory_space<vmem>>
      %dma_start3A_749 = arith.constant 0 : i32
      %dma_start3A_750 = arith.constant 0 : i32
      %dma_start3A_751 = tpu.memref_slice %arg4[%add3A_659, %dma_start3A_741, %add3A, %dma_start3A_749, %dma_start3A_750] : memref<200x8x32x8x128xf32, #tpu.memory_space<hbm>> -> memref<1x1x1x8x128xf32, #tpu.memory_space<hbm>>
      %dma_start3A_752 = tpu.memref_squeeze %dma_start3A_751 : memref<1x1x1x8x128xf32, #tpu.memory_space<hbm>> -> memref<8x128xf32, #tpu.memory_space<hbm>>
      %dma_start3A_753 = arith.constant 0 : i32
      %dma_start3A_754 = arith.constant 0 : i32
      %dma_start3A_755 = tpu.memref_slice %arg4[%add3A_659, %dma_start3A_741, %add3A, %dma_start3A_753, %dma_start3A_754] : memref<200x8x32x8x128xf32, #tpu.memory_space<hbm>> -> memref<1x1x1x8x128xf32, #tpu.memory_space<hbm>>
      %dma_start3A_756 = tpu.memref_squeeze %dma_start3A_755 : memref<1x1x1x8x128xf32, #tpu.memory_space<hbm>> -> memref<8x128xf32, #tpu.memory_space<hbm>>
      %dma_start3A_757 = arith.constant 0 : i32
      %dma_start3A_758 = arith.constant 0 : i32
      %dma_start3A_759 = tpu.memref_slice %arg7[%dma_start3A_740, %dma_start3A_757, %dma_start3A_758] : memref<2x64x128xf32, #tpu.memory_space<vmem>> -> memref<1x64x128xf32, #tpu.memory_space<vmem>>
      %dma_start3A_760 = tpu.memref_squeeze %dma_start3A_759 : memref<1x64x128xf32, #tpu.memory_space<vmem>> -> memref<64x128xf32, #tpu.memory_space<vmem>>
      %dma_start3A_761 = arith.constant 16 : i32
      %dma_start3A_762 = arith.constant 0 : i32
      %dma_start3A_763 = tpu.memref_slice %dma_start3A_760[%dma_start3A_761, %dma_start3A_762] : memref<64x128xf32, #tpu.memory_space<vmem>> -> memref<8x128xf32, #tpu.memory_space<vmem>>
      tpu.enqueue_dma source(%dma_start3A_763 : memref<8x128xf32, #tpu.memory_space<vmem>>) target(%dma_start3A_756 : memref<8x128xf32, #tpu.memory_space<hbm>>) target_semaphore(%arg13 : memref<!tpu.dma_semaphore, #tpu.memory_space<semaphore_mem>>)
      %dma_start3A_764 = arith.constant 1 : i32
      %dma_start3A_765 = arith.constant 3 : i32
      %dma_start3A_766 = arith.constant 0 : i32
      %dma_start3A_767 = arith.constant 0 : i32
      %dma_start3A_768 = tpu.memref_slice %arg7[%dma_start3A_764, %dma_start3A_766, %dma_start3A_767] : memref<2x64x128xf32, #tpu.memory_space<vmem>> -> memref<1x64x128xf32, #tpu.memory_space<vmem>>
      %dma_start3A_769 = tpu.memref_squeeze %dma_start3A_768 : memref<1x64x128xf32, #tpu.memory_space<vmem>> -> memref<64x128xf32, #tpu.memory_space<vmem>>
      %dma_start3A_770 = arith.constant 24 : i32
      %dma_start3A_771 = arith.constant 0 : i32
      %dma_start3A_772 = tpu.memref_slice %dma_start3A_769[%dma_start3A_770, %dma_start3A_771] : memref<64x128xf32, #tpu.memory_space<vmem>> -> memref<8x128xf32, #tpu.memory_space<vmem>>
      %dma_start3A_773 = arith.constant 0 : i32
      %dma_start3A_774 = arith.constant 0 : i32
      %dma_start3A_775 = tpu.memref_slice %arg4[%add3A_659, %dma_start3A_765, %add3A, %dma_start3A_773, %dma_start3A_774] : memref<200x8x32x8x128xf32, #tpu.memory_space<hbm>> -> memref<1x1x1x8x128xf32, #tpu.memory_space<hbm>>
      %dma_start3A_776 = tpu.memref_squeeze %dma_start3A_775 : memref<1x1x1x8x128xf32, #tpu.memory_space<hbm>> -> memref<8x128xf32, #tpu.memory_space<hbm>>
      %dma_start3A_777 = arith.constant 0 : i32
      %dma_start3A_778 = arith.constant 0 : i32
      %dma_start3A_779 = tpu.memref_slice %arg4[%add3A_659, %dma_start3A_765, %add3A, %dma_start3A_777, %dma_start3A_778] : memref<200x8x32x8x128xf32, #tpu.memory_space<hbm>> -> memref<1x1x1x8x128xf32, #tpu.memory_space<hbm>>
      %dma_start3A_780 = tpu.memref_squeeze %dma_start3A_779 : memref<1x1x1x8x128xf32, #tpu.memory_space<hbm>> -> memref<8x128xf32, #tpu.memory_space<hbm>>
      %dma_start3A_781 = arith.constant 0 : i32
      %dma_start3A_782 = arith.constant 0 : i32
      %dma_start3A_783 = tpu.memref_slice %arg7[%dma_start3A_764, %dma_start3A_781, %dma_start3A_782] : memref<2x64x128xf32, #tpu.memory_space<vmem>> -> memref<1x64x128xf32, #tpu.memory_space<vmem>>
      %dma_start3A_784 = tpu.memref_squeeze %dma_start3A_783 : memref<1x64x128xf32, #tpu.memory_space<vmem>> -> memref<64x128xf32, #tpu.memory_space<vmem>>
      %dma_start3A_785 = arith.constant 24 : i32
      %dma_start3A_786 = arith.constant 0 : i32
      %dma_start3A_787 = tpu.memref_slice %dma_start3A_784[%dma_start3A_785, %dma_start3A_786] : memref<64x128xf32, #tpu.memory_space<vmem>> -> memref<8x128xf32, #tpu.memory_space<vmem>>
      tpu.enqueue_dma source(%dma_start3A_787 : memref<8x128xf32, #tpu.memory_space<vmem>>) target(%dma_start3A_780 : memref<8x128xf32, #tpu.memory_space<hbm>>) target_semaphore(%arg13 : memref<!tpu.dma_semaphore, #tpu.memory_space<semaphore_mem>>)
      %dma_start3A_788 = arith.constant 1 : i32
      %dma_start3A_789 = arith.constant 4 : i32
      %dma_start3A_790 = arith.constant 0 : i32
      %dma_start3A_791 = arith.constant 0 : i32
      %dma_start3A_792 = tpu.memref_slice %arg7[%dma_start3A_788, %dma_start3A_790, %dma_start3A_791] : memref<2x64x128xf32, #tpu.memory_space<vmem>> -> memref<1x64x128xf32, #tpu.memory_space<vmem>>
      %dma_start3A_793 = tpu.memref_squeeze %dma_start3A_792 : memref<1x64x128xf32, #tpu.memory_space<vmem>> -> memref<64x128xf32, #tpu.memory_space<vmem>>
      %dma_start3A_794 = arith.constant 32 : i32
      %dma_start3A_795 = arith.constant 0 : i32
      %dma_start3A_796 = tpu.memref_slice %dma_start3A_793[%dma_start3A_794, %dma_start3A_795] : memref<64x128xf32, #tpu.memory_space<vmem>> -> memref<8x128xf32, #tpu.memory_space<vmem>>
      %dma_start3A_797 = arith.constant 0 : i32
      %dma_start3A_798 = arith.constant 0 : i32
      %dma_start3A_799 = tpu.memref_slice %arg4[%add3A_659, %dma_start3A_789, %add3A, %dma_start3A_797, %dma_start3A_798] : memref<200x8x32x8x128xf32, #tpu.memory_space<hbm>> -> memref<1x1x1x8x128xf32, #tpu.memory_space<hbm>>
      %dma_start3A_800 = tpu.memref_squeeze %dma_start3A_799 : memref<1x1x1x8x128xf32, #tpu.memory_space<hbm>> -> memref<8x128xf32, #tpu.memory_space<hbm>>
      %dma_start3A_801 = arith.constant 0 : i32
      %dma_start3A_802 = arith.constant 0 : i32
      %dma_start3A_803 = tpu.memref_slice %arg4[%add3A_659, %dma_start3A_789, %add3A, %dma_start3A_801, %dma_start3A_802] : memref<200x8x32x8x128xf32, #tpu.memory_space<hbm>> -> memref<1x1x1x8x128xf32, #tpu.memory_space<hbm>>
      %dma_start3A_804 = tpu.memref_squeeze %dma_start3A_803 : memref<1x1x1x8x128xf32, #tpu.memory_space<hbm>> -> memref<8x128xf32, #tpu.memory_space<hbm>>
      %dma_start3A_805 = arith.constant 0 : i32
      %dma_start3A_806 = arith.constant 0 : i32
      %dma_start3A_807 = tpu.memref_slice %arg7[%dma_start3A_788, %dma_start3A_805, %dma_start3A_806] : memref<2x64x128xf32, #tpu.memory_space<vmem>> -> memref<1x64x128xf32, #tpu.memory_space<vmem>>
      %dma_start3A_808 = tpu.memref_squeeze %dma_start3A_807 : memref<1x64x128xf32, #tpu.memory_space<vmem>> -> memref<64x128xf32, #tpu.memory_space<vmem>>
      %dma_start3A_809 = arith.constant 32 : i32
      %dma_start3A_810 = arith.constant 0 : i32
      %dma_start3A_811 = tpu.memref_slice %dma_start3A_808[%dma_start3A_809, %dma_start3A_810] : memref<64x128xf32, #tpu.memory_space<vmem>> -> memref<8x128xf32, #tpu.memory_space<vmem>>
      tpu.enqueue_dma source(%dma_start3A_811 : memref<8x128xf32, #tpu.memory_space<vmem>>) target(%dma_start3A_804 : memref<8x128xf32, #tpu.memory_space<hbm>>) target_semaphore(%arg13 : memref<!tpu.dma_semaphore, #tpu.memory_space<semaphore_mem>>)
      %dma_start3A_812 = arith.constant 1 : i32
      %dma_start3A_813 = arith.constant 5 : i32
      %dma_start3A_814 = arith.constant 0 : i32
      %dma_start3A_815 = arith.constant 0 : i32
      %dma_start3A_816 = tpu.memref_slice %arg7[%dma_start3A_812, %dma_start3A_814, %dma_start3A_815] : memref<2x64x128xf32, #tpu.memory_space<vmem>> -> memref<1x64x128xf32, #tpu.memory_space<vmem>>
      %dma_start3A_817 = tpu.memref_squeeze %dma_start3A_816 : memref<1x64x128xf32, #tpu.memory_space<vmem>> -> memref<64x128xf32, #tpu.memory_space<vmem>>
      %dma_start3A_818 = arith.constant 40 : i32
      %dma_start3A_819 = arith.constant 0 : i32
      %dma_start3A_820 = tpu.memref_slice %dma_start3A_817[%dma_start3A_818, %dma_start3A_819] : memref<64x128xf32, #tpu.memory_space<vmem>> -> memref<8x128xf32, #tpu.memory_space<vmem>>
      %dma_start3A_821 = arith.constant 0 : i32
      %dma_start3A_822 = arith.constant 0 : i32
      %dma_start3A_823 = tpu.memref_slice %arg4[%add3A_659, %dma_start3A_813, %add3A, %dma_start3A_821, %dma_start3A_822] : memref<200x8x32x8x128xf32, #tpu.memory_space<hbm>> -> memref<1x1x1x8x128xf32, #tpu.memory_space<hbm>>
      %dma_start3A_824 = tpu.memref_squeeze %dma_start3A_823 : memref<1x1x1x8x128xf32, #tpu.memory_space<hbm>> -> memref<8x128xf32, #tpu.memory_space<hbm>>
      %dma_start3A_825 = arith.constant 0 : i32
      %dma_start3A_826 = arith.constant 0 : i32
      %dma_start3A_827 = tpu.memref_slice %arg4[%add3A_659, %dma_start3A_813, %add3A, %dma_start3A_825, %dma_start3A_826] : memref<200x8x32x8x128xf32, #tpu.memory_space<hbm>> -> memref<1x1x1x8x128xf32, #tpu.memory_space<hbm>>
      %dma_start3A_828 = tpu.memref_squeeze %dma_start3A_827 : memref<1x1x1x8x128xf32, #tpu.memory_space<hbm>> -> memref<8x128xf32, #tpu.memory_space<hbm>>
      %dma_start3A_829 = arith.constant 0 : i32
      %dma_start3A_830 = arith.constant 0 : i32
      %dma_start3A_831 = tpu.memref_slice %arg7[%dma_start3A_812, %dma_start3A_829, %dma_start3A_830] : memref<2x64x128xf32, #tpu.memory_space<vmem>> -> memref<1x64x128xf32, #tpu.memory_space<vmem>>
      %dma_start3A_832 = tpu.memref_squeeze %dma_start3A_831 : memref<1x64x128xf32, #tpu.memory_space<vmem>> -> memref<64x128xf32, #tpu.memory_space<vmem>>
      %dma_start3A_833 = arith.constant 40 : i32
      %dma_start3A_834 = arith.constant 0 : i32
      %dma_start3A_835 = tpu.memref_slice %dma_start3A_832[%dma_start3A_833, %dma_start3A_834] : memref<64x128xf32, #tpu.memory_space<vmem>> -> memref<8x128xf32, #tpu.memory_space<vmem>>
      tpu.enqueue_dma source(%dma_start3A_835 : memref<8x128xf32, #tpu.memory_space<vmem>>) target(%dma_start3A_828 : memref<8x128xf32, #tpu.memory_space<hbm>>) target_semaphore(%arg13 : memref<!tpu.dma_semaphore, #tpu.memory_space<semaphore_mem>>)
      %dma_start3A_836 = arith.constant 1 : i32
      %dma_start3A_837 = arith.constant 6 : i32
      %dma_start3A_838 = arith.constant 0 : i32
      %dma_start3A_839 = arith.constant 0 : i32
      %dma_start3A_840 = tpu.memref_slice %arg7[%dma_start3A_836, %dma_start3A_838, %dma_start3A_839] : memref<2x64x128xf32, #tpu.memory_space<vmem>> -> memref<1x64x128xf32, #tpu.memory_space<vmem>>
      %dma_start3A_841 = tpu.memref_squeeze %dma_start3A_840 : memref<1x64x128xf32, #tpu.memory_space<vmem>> -> memref<64x128xf32, #tpu.memory_space<vmem>>
      %dma_start3A_842 = arith.constant 48 : i32
      %dma_start3A_843 = arith.constant 0 : i32
      %dma_start3A_844 = tpu.memref_slice %dma_start3A_841[%dma_start3A_842, %dma_start3A_843] : memref<64x128xf32, #tpu.memory_space<vmem>> -> memref<8x128xf32, #tpu.memory_space<vmem>>
      %dma_start3A_845 = arith.constant 0 : i32
      %dma_start3A_846 = arith.constant 0 : i32
      %dma_start3A_847 = tpu.memref_slice %arg4[%add3A_659, %dma_start3A_837, %add3A, %dma_start3A_845, %dma_start3A_846] : memref<200x8x32x8x128xf32, #tpu.memory_space<hbm>> -> memref<1x1x1x8x128xf32, #tpu.memory_space<hbm>>
      %dma_start3A_848 = tpu.memref_squeeze %dma_start3A_847 : memref<1x1x1x8x128xf32, #tpu.memory_space<hbm>> -> memref<8x128xf32, #tpu.memory_space<hbm>>
      %dma_start3A_849 = arith.constant 0 : i32
      %dma_start3A_850 = arith.constant 0 : i32
      %dma_start3A_851 = tpu.memref_slice %arg4[%add3A_659, %dma_start3A_837, %add3A, %dma_start3A_849, %dma_start3A_850] : memref<200x8x32x8x128xf32, #tpu.memory_space<hbm>> -> memref<1x1x1x8x128xf32, #tpu.memory_space<hbm>>
      %dma_start3A_852 = tpu.memref_squeeze %dma_start3A_851 : memref<1x1x1x8x128xf32, #tpu.memory_space<hbm>> -> memref<8x128xf32, #tpu.memory_space<hbm>>
      %dma_start3A_853 = arith.constant 0 : i32
      %dma_start3A_854 = arith.constant 0 : i32
      %dma_start3A_855 = tpu.memref_slice %arg7[%dma_start3A_836, %dma_start3A_853, %dma_start3A_854] : memref<2x64x128xf32, #tpu.memory_space<vmem>> -> memref<1x64x128xf32, #tpu.memory_space<vmem>>
      %dma_start3A_856 = tpu.memref_squeeze %dma_start3A_855 : memref<1x64x128xf32, #tpu.memory_space<vmem>> -> memref<64x128xf32, #tpu.memory_space<vmem>>
      %dma_start3A_857 = arith.constant 48 : i32
      %dma_start3A_858 = arith.constant 0 : i32
      %dma_start3A_859 = tpu.memref_slice %dma_start3A_856[%dma_start3A_857, %dma_start3A_858] : memref<64x128xf32, #tpu.memory_space<vmem>> -> memref<8x128xf32, #tpu.memory_space<vmem>>
      tpu.enqueue_dma source(%dma_start3A_859 : memref<8x128xf32, #tpu.memory_space<vmem>>) target(%dma_start3A_852 : memref<8x128xf32, #tpu.memory_space<hbm>>) target_semaphore(%arg13 : memref<!tpu.dma_semaphore, #tpu.memory_space<semaphore_mem>>)
      %dma_start3A_860 = arith.constant 1 : i32
      %dma_start3A_861 = arith.constant 7 : i32
      %dma_start3A_862 = arith.constant 0 : i32
      %dma_start3A_863 = arith.constant 0 : i32
      %dma_start3A_864 = tpu.memref_slice %arg7[%dma_start3A_860, %dma_start3A_862, %dma_start3A_863] : memref<2x64x128xf32, #tpu.memory_space<vmem>> -> memref<1x64x128xf32, #tpu.memory_space<vmem>>
      %dma_start3A_865 = tpu.memref_squeeze %dma_start3A_864 : memref<1x64x128xf32, #tpu.memory_space<vmem>> -> memref<64x128xf32, #tpu.memory_space<vmem>>
      %dma_start3A_866 = arith.constant 56 : i32
      %dma_start3A_867 = arith.constant 0 : i32
      %dma_start3A_868 = tpu.memref_slice %dma_start3A_865[%dma_start3A_866, %dma_start3A_867] : memref<64x128xf32, #tpu.memory_space<vmem>> -> memref<8x128xf32, #tpu.memory_space<vmem>>
      %dma_start3A_869 = arith.constant 0 : i32
      %dma_start3A_870 = arith.constant 0 : i32
      %dma_start3A_871 = tpu.memref_slice %arg4[%add3A_659, %dma_start3A_861, %add3A, %dma_start3A_869, %dma_start3A_870] : memref<200x8x32x8x128xf32, #tpu.memory_space<hbm>> -> memref<1x1x1x8x128xf32, #tpu.memory_space<hbm>>
      %dma_start3A_872 = tpu.memref_squeeze %dma_start3A_871 : memref<1x1x1x8x128xf32, #tpu.memory_space<hbm>> -> memref<8x128xf32, #tpu.memory_space<hbm>>
      %dma_start3A_873 = arith.constant 0 : i32
      %dma_start3A_874 = arith.constant 0 : i32
      %dma_start3A_875 = tpu.memref_slice %arg4[%add3A_659, %dma_start3A_861, %add3A, %dma_start3A_873, %dma_start3A_874] : memref<200x8x32x8x128xf32, #tpu.memory_space<hbm>> -> memref<1x1x1x8x128xf32, #tpu.memory_space<hbm>>
      %dma_start3A_876 = tpu.memref_squeeze %dma_start3A_875 : memref<1x1x1x8x128xf32, #tpu.memory_space<hbm>> -> memref<8x128xf32, #tpu.memory_space<hbm>>
      %dma_start3A_877 = arith.constant 0 : i32
      %dma_start3A_878 = arith.constant 0 : i32
      %dma_start3A_879 = tpu.memref_slice %arg7[%dma_start3A_860, %dma_start3A_877, %dma_start3A_878] : memref<2x64x128xf32, #tpu.memory_space<vmem>> -> memref<1x64x128xf32, #tpu.memory_space<vmem>>
      %dma_start3A_880 = tpu.memref_squeeze %dma_start3A_879 : memref<1x64x128xf32, #tpu.memory_space<vmem>> -> memref<64x128xf32, #tpu.memory_space<vmem>>
      %dma_start3A_881 = arith.constant 56 : i32
      %dma_start3A_882 = arith.constant 0 : i32
      %dma_start3A_883 = tpu.memref_slice %dma_start3A_880[%dma_start3A_881, %dma_start3A_882] : memref<64x128xf32, #tpu.memory_space<vmem>> -> memref<8x128xf32, #tpu.memory_space<vmem>>
      tpu.enqueue_dma source(%dma_start3A_883 : memref<8x128xf32, #tpu.memory_space<vmem>>) target(%dma_start3A_876 : memref<8x128xf32, #tpu.memory_space<hbm>>) target_semaphore(%arg13 : memref<!tpu.dma_semaphore, #tpu.memory_space<semaphore_mem>>)
      %mul3A_884 = arith.constant 4 : i32
      %mul3A_885 = arith.muli %add3A_431, %mul3A_884 : i32
      %add3A_886 = arith.constant 2 : i32
      %add3A_887 = arith.addi %mul3A_885, %add3A_886 : i32
      %lt3A = arith.constant 49 : i32
      %lt3A_888 = arith.cmpi slt, %add3A_431, %lt3A : i32
      %convert_element_type3A_889 = arith.extui %lt3A_888 : i1 to i32
      %cond3A_890 = arith.constant 0 : i32
      %cond3A_891 = arith.cmpi ne, %convert_element_type3A_889, %cond3A_890 : i32
      scf.if %cond3A_891 {
        %add3A_1700 = arith.constant 2 : i32
        %add3A_1701 = arith.addi %add3A_887, %add3A_1700 : i32
        %dma_start3A_1702 = arith.constant 0 : i32
        %dma_start3A_1703 = arith.constant 0 : i32
        %dma_start3A_1704 = arith.constant 0 : i32
        %dma_start3A_1705 = tpu.memref_slice %arg6[%dma_start3A_1702, %dma_start3A_1703, %dma_start3A_1704] : memref<4x128x128xf32, #tpu.memory_space<vmem>> -> memref<1x128x128xf32, #tpu.memory_space<vmem>>
        %dma_start3A_1706 = tpu.memref_squeeze %dma_start3A_1705 : memref<1x128x128xf32, #tpu.memory_space<vmem>> -> memref<128x128xf32, #tpu.memory_space<vmem>>
        %dma_start3A_1707 = arith.constant 0 : i32
        %dma_start3A_1708 = tpu.memref_slice %arg5[%add3A_1701, %dma_start3A_1707] : memref<200x128xi32, #tpu.memory_space<vmem>> -> memref<1x128xi32, #tpu.memory_space<vmem>>
        %dma_start3A_1709 = tpu.memref_squeeze %dma_start3A_1708 : memref<1x128xi32, #tpu.memory_space<vmem>> -> memref<128xi32, #tpu.memory_space<vmem>>
        %dma_start3A_1710 = arith.constant 0 : i32
        %dma_start3A_1711 = arith.constant 0 : i32
        %dma_start3A_1712 = tpu.memref_slice %arg3[%dma_start3A_1710, %dma_start3A_1711] : memref<1000000x128xf32, #tpu.memory_space<hbm>> -> memref<1000000x128xf32, #tpu.memory_space<hbm>>
        tpu.enqueue_indirect_dma source(%dma_start3A_1712 : memref<1000000x128xf32, #tpu.memory_space<hbm>>) target(%dma_start3A_1706 : memref<128x128xf32, #tpu.memory_space<vmem>>) offsets(%dma_start3A_1709 : memref<128xi32, #tpu.memory_space<vmem>>) semaphore(%arg8 : memref<!tpu.dma_semaphore, #tpu.memory_space<semaphore_mem>>)
      } else {
      }
      %dma_wait3A_892 = arith.constant 2 : i32
      %dma_wait3A_893 = arith.constant 0 : i32
      %dma_wait3A_894 = arith.constant 0 : i32
      %dma_wait3A_895 = tpu.memref_slice %arg6[%dma_wait3A_892, %dma_wait3A_893, %dma_wait3A_894] : memref<4x128x128xf32, #tpu.memory_space<vmem>> -> memref<1x128x128xf32, #tpu.memory_space<vmem>>
      %dma_wait3A_896 = tpu.memref_squeeze %dma_wait3A_895 : memref<1x128x128xf32, #tpu.memory_space<vmem>> -> memref<128x128xf32, #tpu.memory_space<vmem>>
      %dma_wait3A_897 = arith.constant 0 : i32
      %dma_wait3A_898 = tpu.memref_slice %arg5[%add3A_887, %dma_wait3A_897] : memref<200x128xi32, #tpu.memory_space<vmem>> -> memref<1x128xi32, #tpu.memory_space<vmem>>
      %dma_wait3A_899 = tpu.memref_squeeze %dma_wait3A_898 : memref<1x128xi32, #tpu.memory_space<vmem>> -> memref<128xi32, #tpu.memory_space<vmem>>
      %dma_wait3A_900 = arith.constant 0 : i32
      %dma_wait3A_901 = arith.constant 0 : i32
      %dma_wait3A_902 = tpu.memref_slice %arg3[%dma_wait3A_900, %dma_wait3A_901] : memref<1000000x128xf32, #tpu.memory_space<hbm>> -> memref<1000000x128xf32, #tpu.memory_space<hbm>>
      tpu.wait_indirect_dma semaphore(%arg10 : memref<!tpu.dma_semaphore, #tpu.memory_space<semaphore_mem>>) src(%dma_wait3A_902 : memref<1000000x128xf32, #tpu.memory_space<hbm>>) dst(%dma_wait3A_896 : memref<128x128xf32, #tpu.memory_space<vmem>>)
      %sub3A = arith.constant 2 : i32
      %sub3A_903 = arith.subi %add3A_887, %sub3A : i32
      %dma_wait3A_904 = arith.constant 0 : i32
      %dma_wait3A_905 = arith.constant 0 : i32
      %dma_wait3A_906 = arith.constant 0 : i32
      %dma_wait3A_907 = arith.constant 0 : i32
      %dma_wait3A_908 = tpu.memref_slice %arg7[%dma_wait3A_904, %dma_wait3A_906, %dma_wait3A_907] : memref<2x64x128xf32, #tpu.memory_space<vmem>> -> memref<1x64x128xf32, #tpu.memory_space<vmem>>
      %dma_wait3A_909 = tpu.memref_squeeze %dma_wait3A_908 : memref<1x64x128xf32, #tpu.memory_space<vmem>> -> memref<64x128xf32, #tpu.memory_space<vmem>>
      %dma_wait3A_910 = arith.constant 0 : i32
      %dma_wait3A_911 = arith.constant 0 : i32
      %dma_wait3A_912 = tpu.memref_slice %dma_wait3A_909[%dma_wait3A_910, %dma_wait3A_911] : memref<64x128xf32, #tpu.memory_space<vmem>> -> memref<8x128xf32, #tpu.memory_space<vmem>>
      %dma_wait3A_913 = arith.constant 0 : i32
      %dma_wait3A_914 = arith.constant 0 : i32
      %dma_wait3A_915 = tpu.memref_slice %arg4[%sub3A_903, %dma_wait3A_905, %add3A, %dma_wait3A_913, %dma_wait3A_914] : memref<200x8x32x8x128xf32, #tpu.memory_space<hbm>> -> memref<1x1x1x8x128xf32, #tpu.memory_space<hbm>>
      %dma_wait3A_916 = tpu.memref_squeeze %dma_wait3A_915 : memref<1x1x1x8x128xf32, #tpu.memory_space<hbm>> -> memref<8x128xf32, #tpu.memory_space<hbm>>
      %dma_wait3A_917 = arith.constant 0 : i32
      %dma_wait3A_918 = arith.constant 0 : i32
      %dma_wait3A_919 = tpu.memref_slice %arg4[%sub3A_903, %dma_wait3A_905, %add3A, %dma_wait3A_917, %dma_wait3A_918] : memref<200x8x32x8x128xf32, #tpu.memory_space<hbm>> -> memref<1x1x1x8x128xf32, #tpu.memory_space<hbm>>
      %dma_wait3A_920 = tpu.memref_squeeze %dma_wait3A_919 : memref<1x1x1x8x128xf32, #tpu.memory_space<hbm>> -> memref<8x128xf32, #tpu.memory_space<hbm>>
      %dma_wait3A_921 = arith.constant 0 : i32
      %dma_wait3A_922 = arith.constant 0 : i32
      %dma_wait3A_923 = tpu.memref_slice %arg7[%dma_wait3A_904, %dma_wait3A_921, %dma_wait3A_922] : memref<2x64x128xf32, #tpu.memory_space<vmem>> -> memref<1x64x128xf32, #tpu.memory_space<vmem>>
      %dma_wait3A_924 = tpu.memref_squeeze %dma_wait3A_923 : memref<1x64x128xf32, #tpu.memory_space<vmem>> -> memref<64x128xf32, #tpu.memory_space<vmem>>
      %dma_wait3A_925 = arith.constant 0 : i32
      %dma_wait3A_926 = arith.constant 0 : i32
      %dma_wait3A_927 = tpu.memref_slice %dma_wait3A_924[%dma_wait3A_925, %dma_wait3A_926] : memref<64x128xf32, #tpu.memory_space<vmem>> -> memref<8x128xf32, #tpu.memory_space<vmem>>
      tpu.wait_dma2 semaphore(%arg12 : memref<!tpu.dma_semaphore, #tpu.memory_space<semaphore_mem>>) src(%dma_wait3A_927 : memref<8x128xf32, #tpu.memory_space<vmem>>) dst(%dma_wait3A_920 : memref<8x128xf32, #tpu.memory_space<hbm>>)
      %dma_wait3A_928 = arith.constant 0 : i32
      %dma_wait3A_929 = arith.constant 1 : i32
      %dma_wait3A_930 = arith.constant 0 : i32
      %dma_wait3A_931 = arith.constant 0 : i32
      %dma_wait3A_932 = tpu.memref_slice %arg7[%dma_wait3A_928, %dma_wait3A_930, %dma_wait3A_931] : memref<2x64x128xf32, #tpu.memory_space<vmem>> -> memref<1x64x128xf32, #tpu.memory_space<vmem>>
      %dma_wait3A_933 = tpu.memref_squeeze %dma_wait3A_932 : memref<1x64x128xf32, #tpu.memory_space<vmem>> -> memref<64x128xf32, #tpu.memory_space<vmem>>
      %dma_wait3A_934 = arith.constant 8 : i32
      %dma_wait3A_935 = arith.constant 0 : i32
      %dma_wait3A_936 = tpu.memref_slice %dma_wait3A_933[%dma_wait3A_934, %dma_wait3A_935] : memref<64x128xf32, #tpu.memory_space<vmem>> -> memref<8x128xf32, #tpu.memory_space<vmem>>
      %dma_wait3A_937 = arith.constant 0 : i32
      %dma_wait3A_938 = arith.constant 0 : i32
      %dma_wait3A_939 = tpu.memref_slice %arg4[%sub3A_903, %dma_wait3A_929, %add3A, %dma_wait3A_937, %dma_wait3A_938] : memref<200x8x32x8x128xf32, #tpu.memory_space<hbm>> -> memref<1x1x1x8x128xf32, #tpu.memory_space<hbm>>
      %dma_wait3A_940 = tpu.memref_squeeze %dma_wait3A_939 : memref<1x1x1x8x128xf32, #tpu.memory_space<hbm>> -> memref<8x128xf32, #tpu.memory_space<hbm>>
      %dma_wait3A_941 = arith.constant 0 : i32
      %dma_wait3A_942 = arith.constant 0 : i32
      %dma_wait3A_943 = tpu.memref_slice %arg4[%sub3A_903, %dma_wait3A_929, %add3A, %dma_wait3A_941, %dma_wait3A_942] : memref<200x8x32x8x128xf32, #tpu.memory_space<hbm>> -> memref<1x1x1x8x128xf32, #tpu.memory_space<hbm>>
      %dma_wait3A_944 = tpu.memref_squeeze %dma_wait3A_943 : memref<1x1x1x8x128xf32, #tpu.memory_space<hbm>> -> memref<8x128xf32, #tpu.memory_space<hbm>>
      %dma_wait3A_945 = arith.constant 0 : i32
      %dma_wait3A_946 = arith.constant 0 : i32
      %dma_wait3A_947 = tpu.memref_slice %arg7[%dma_wait3A_928, %dma_wait3A_945, %dma_wait3A_946] : memref<2x64x128xf32, #tpu.memory_space<vmem>> -> memref<1x64x128xf32, #tpu.memory_space<vmem>>
      %dma_wait3A_948 = tpu.memref_squeeze %dma_wait3A_947 : memref<1x64x128xf32, #tpu.memory_space<vmem>> -> memref<64x128xf32, #tpu.memory_space<vmem>>
      %dma_wait3A_949 = arith.constant 8 : i32
      %dma_wait3A_950 = arith.constant 0 : i32
      %dma_wait3A_951 = tpu.memref_slice %dma_wait3A_948[%dma_wait3A_949, %dma_wait3A_950] : memref<64x128xf32, #tpu.memory_space<vmem>> -> memref<8x128xf32, #tpu.memory_space<vmem>>
      tpu.wait_dma2 semaphore(%arg12 : memref<!tpu.dma_semaphore, #tpu.memory_space<semaphore_mem>>) src(%dma_wait3A_951 : memref<8x128xf32, #tpu.memory_space<vmem>>) dst(%dma_wait3A_944 : memref<8x128xf32, #tpu.memory_space<hbm>>)
      %dma_wait3A_952 = arith.constant 0 : i32
      %dma_wait3A_953 = arith.constant 2 : i32
      %dma_wait3A_954 = arith.constant 0 : i32
      %dma_wait3A_955 = arith.constant 0 : i32
      %dma_wait3A_956 = tpu.memref_slice %arg7[%dma_wait3A_952, %dma_wait3A_954, %dma_wait3A_955] : memref<2x64x128xf32, #tpu.memory_space<vmem>> -> memref<1x64x128xf32, #tpu.memory_space<vmem>>
      %dma_wait3A_957 = tpu.memref_squeeze %dma_wait3A_956 : memref<1x64x128xf32, #tpu.memory_space<vmem>> -> memref<64x128xf32, #tpu.memory_space<vmem>>
      %dma_wait3A_958 = arith.constant 16 : i32
      %dma_wait3A_959 = arith.constant 0 : i32
      %dma_wait3A_960 = tpu.memref_slice %dma_wait3A_957[%dma_wait3A_958, %dma_wait3A_959] : memref<64x128xf32, #tpu.memory_space<vmem>> -> memref<8x128xf32, #tpu.memory_space<vmem>>
      %dma_wait3A_961 = arith.constant 0 : i32
      %dma_wait3A_962 = arith.constant 0 : i32
      %dma_wait3A_963 = tpu.memref_slice %arg4[%sub3A_903, %dma_wait3A_953, %add3A, %dma_wait3A_961, %dma_wait3A_962] : memref<200x8x32x8x128xf32, #tpu.memory_space<hbm>> -> memref<1x1x1x8x128xf32, #tpu.memory_space<hbm>>
      %dma_wait3A_964 = tpu.memref_squeeze %dma_wait3A_963 : memref<1x1x1x8x128xf32, #tpu.memory_space<hbm>> -> memref<8x128xf32, #tpu.memory_space<hbm>>
      %dma_wait3A_965 = arith.constant 0 : i32
      %dma_wait3A_966 = arith.constant 0 : i32
      %dma_wait3A_967 = tpu.memref_slice %arg4[%sub3A_903, %dma_wait3A_953, %add3A, %dma_wait3A_965, %dma_wait3A_966] : memref<200x8x32x8x128xf32, #tpu.memory_space<hbm>> -> memref<1x1x1x8x128xf32, #tpu.memory_space<hbm>>
      %dma_wait3A_968 = tpu.memref_squeeze %dma_wait3A_967 : memref<1x1x1x8x128xf32, #tpu.memory_space<hbm>> -> memref<8x128xf32, #tpu.memory_space<hbm>>
      %dma_wait3A_969 = arith.constant 0 : i32
      %dma_wait3A_970 = arith.constant 0 : i32
      %dma_wait3A_971 = tpu.memref_slice %arg7[%dma_wait3A_952, %dma_wait3A_969, %dma_wait3A_970] : memref<2x64x128xf32, #tpu.memory_space<vmem>> -> memref<1x64x128xf32, #tpu.memory_space<vmem>>
      %dma_wait3A_972 = tpu.memref_squeeze %dma_wait3A_971 : memref<1x64x128xf32, #tpu.memory_space<vmem>> -> memref<64x128xf32, #tpu.memory_space<vmem>>
      %dma_wait3A_973 = arith.constant 16 : i32
      %dma_wait3A_974 = arith.constant 0 : i32
      %dma_wait3A_975 = tpu.memref_slice %dma_wait3A_972[%dma_wait3A_973, %dma_wait3A_974] : memref<64x128xf32, #tpu.memory_space<vmem>> -> memref<8x128xf32, #tpu.memory_space<vmem>>
      tpu.wait_dma2 semaphore(%arg12 : memref<!tpu.dma_semaphore, #tpu.memory_space<semaphore_mem>>) src(%dma_wait3A_975 : memref<8x128xf32, #tpu.memory_space<vmem>>) dst(%dma_wait3A_968 : memref<8x128xf32, #tpu.memory_space<hbm>>)
      %dma_wait3A_976 = arith.constant 0 : i32
      %dma_wait3A_977 = arith.constant 3 : i32
      %dma_wait3A_978 = arith.constant 0 : i32
      %dma_wait3A_979 = arith.constant 0 : i32
      %dma_wait3A_980 = tpu.memref_slice %arg7[%dma_wait3A_976, %dma_wait3A_978, %dma_wait3A_979] : memref<2x64x128xf32, #tpu.memory_space<vmem>> -> memref<1x64x128xf32, #tpu.memory_space<vmem>>
      %dma_wait3A_981 = tpu.memref_squeeze %dma_wait3A_980 : memref<1x64x128xf32, #tpu.memory_space<vmem>> -> memref<64x128xf32, #tpu.memory_space<vmem>>
      %dma_wait3A_982 = arith.constant 24 : i32
      %dma_wait3A_983 = arith.constant 0 : i32
      %dma_wait3A_984 = tpu.memref_slice %dma_wait3A_981[%dma_wait3A_982, %dma_wait3A_983] : memref<64x128xf32, #tpu.memory_space<vmem>> -> memref<8x128xf32, #tpu.memory_space<vmem>>
      %dma_wait3A_985 = arith.constant 0 : i32
      %dma_wait3A_986 = arith.constant 0 : i32
      %dma_wait3A_987 = tpu.memref_slice %arg4[%sub3A_903, %dma_wait3A_977, %add3A, %dma_wait3A_985, %dma_wait3A_986] : memref<200x8x32x8x128xf32, #tpu.memory_space<hbm>> -> memref<1x1x1x8x128xf32, #tpu.memory_space<hbm>>
      %dma_wait3A_988 = tpu.memref_squeeze %dma_wait3A_987 : memref<1x1x1x8x128xf32, #tpu.memory_space<hbm>> -> memref<8x128xf32, #tpu.memory_space<hbm>>
      %dma_wait3A_989 = arith.constant 0 : i32
      %dma_wait3A_990 = arith.constant 0 : i32
      %dma_wait3A_991 = tpu.memref_slice %arg4[%sub3A_903, %dma_wait3A_977, %add3A, %dma_wait3A_989, %dma_wait3A_990] : memref<200x8x32x8x128xf32, #tpu.memory_space<hbm>> -> memref<1x1x1x8x128xf32, #tpu.memory_space<hbm>>
      %dma_wait3A_992 = tpu.memref_squeeze %dma_wait3A_991 : memref<1x1x1x8x128xf32, #tpu.memory_space<hbm>> -> memref<8x128xf32, #tpu.memory_space<hbm>>
      %dma_wait3A_993 = arith.constant 0 : i32
      %dma_wait3A_994 = arith.constant 0 : i32
      %dma_wait3A_995 = tpu.memref_slice %arg7[%dma_wait3A_976, %dma_wait3A_993, %dma_wait3A_994] : memref<2x64x128xf32, #tpu.memory_space<vmem>> -> memref<1x64x128xf32, #tpu.memory_space<vmem>>
      %dma_wait3A_996 = tpu.memref_squeeze %dma_wait3A_995 : memref<1x64x128xf32, #tpu.memory_space<vmem>> -> memref<64x128xf32, #tpu.memory_space<vmem>>
      %dma_wait3A_997 = arith.constant 24 : i32
      %dma_wait3A_998 = arith.constant 0 : i32
      %dma_wait3A_999 = tpu.memref_slice %dma_wait3A_996[%dma_wait3A_997, %dma_wait3A_998] : memref<64x128xf32, #tpu.memory_space<vmem>> -> memref<8x128xf32, #tpu.memory_space<vmem>>
      tpu.wait_dma2 semaphore(%arg12 : memref<!tpu.dma_semaphore, #tpu.memory_space<semaphore_mem>>) src(%dma_wait3A_999 : memref<8x128xf32, #tpu.memory_space<vmem>>) dst(%dma_wait3A_992 : memref<8x128xf32, #tpu.memory_space<hbm>>)
      %dma_wait3A_1000 = arith.constant 0 : i32
      %dma_wait3A_1001 = arith.constant 4 : i32
      %dma_wait3A_1002 = arith.constant 0 : i32
      %dma_wait3A_1003 = arith.constant 0 : i32
      %dma_wait3A_1004 = tpu.memref_slice %arg7[%dma_wait3A_1000, %dma_wait3A_1002, %dma_wait3A_1003] : memref<2x64x128xf32, #tpu.memory_space<vmem>> -> memref<1x64x128xf32, #tpu.memory_space<vmem>>
      %dma_wait3A_1005 = tpu.memref_squeeze %dma_wait3A_1004 : memref<1x64x128xf32, #tpu.memory_space<vmem>> -> memref<64x128xf32, #tpu.memory_space<vmem>>
      %dma_wait3A_1006 = arith.constant 32 : i32
      %dma_wait3A_1007 = arith.constant 0 : i32
      %dma_wait3A_1008 = tpu.memref_slice %dma_wait3A_1005[%dma_wait3A_1006, %dma_wait3A_1007] : memref<64x128xf32, #tpu.memory_space<vmem>> -> memref<8x128xf32, #tpu.memory_space<vmem>>
      %dma_wait3A_1009 = arith.constant 0 : i32
      %dma_wait3A_1010 = arith.constant 0 : i32
      %dma_wait3A_1011 = tpu.memref_slice %arg4[%sub3A_903, %dma_wait3A_1001, %add3A, %dma_wait3A_1009, %dma_wait3A_1010] : memref<200x8x32x8x128xf32, #tpu.memory_space<hbm>> -> memref<1x1x1x8x128xf32, #tpu.memory_space<hbm>>
      %dma_wait3A_1012 = tpu.memref_squeeze %dma_wait3A_1011 : memref<1x1x1x8x128xf32, #tpu.memory_space<hbm>> -> memref<8x128xf32, #tpu.memory_space<hbm>>
      %dma_wait3A_1013 = arith.constant 0 : i32
      %dma_wait3A_1014 = arith.constant 0 : i32
      %dma_wait3A_1015 = tpu.memref_slice %arg4[%sub3A_903, %dma_wait3A_1001, %add3A, %dma_wait3A_1013, %dma_wait3A_1014] : memref<200x8x32x8x128xf32, #tpu.memory_space<hbm>> -> memref<1x1x1x8x128xf32, #tpu.memory_space<hbm>>
      %dma_wait3A_1016 = tpu.memref_squeeze %dma_wait3A_1015 : memref<1x1x1x8x128xf32, #tpu.memory_space<hbm>> -> memref<8x128xf32, #tpu.memory_space<hbm>>
      %dma_wait3A_1017 = arith.constant 0 : i32
      %dma_wait3A_1018 = arith.constant 0 : i32
      %dma_wait3A_1019 = tpu.memref_slice %arg7[%dma_wait3A_1000, %dma_wait3A_1017, %dma_wait3A_1018] : memref<2x64x128xf32, #tpu.memory_space<vmem>> -> memref<1x64x128xf32, #tpu.memory_space<vmem>>
      %dma_wait3A_1020 = tpu.memref_squeeze %dma_wait3A_1019 : memref<1x64x128xf32, #tpu.memory_space<vmem>> -> memref<64x128xf32, #tpu.memory_space<vmem>>
      %dma_wait3A_1021 = arith.constant 32 : i32
      %dma_wait3A_1022 = arith.constant 0 : i32
      %dma_wait3A_1023 = tpu.memref_slice %dma_wait3A_1020[%dma_wait3A_1021, %dma_wait3A_1022] : memref<64x128xf32, #tpu.memory_space<vmem>> -> memref<8x128xf32, #tpu.memory_space<vmem>>
      tpu.wait_dma2 semaphore(%arg12 : memref<!tpu.dma_semaphore, #tpu.memory_space<semaphore_mem>>) src(%dma_wait3A_1023 : memref<8x128xf32, #tpu.memory_space<vmem>>) dst(%dma_wait3A_1016 : memref<8x128xf32, #tpu.memory_space<hbm>>)
      %dma_wait3A_1024 = arith.constant 0 : i32
      %dma_wait3A_1025 = arith.constant 5 : i32
      %dma_wait3A_1026 = arith.constant 0 : i32
      %dma_wait3A_1027 = arith.constant 0 : i32
      %dma_wait3A_1028 = tpu.memref_slice %arg7[%dma_wait3A_1024, %dma_wait3A_1026, %dma_wait3A_1027] : memref<2x64x128xf32, #tpu.memory_space<vmem>> -> memref<1x64x128xf32, #tpu.memory_space<vmem>>
      %dma_wait3A_1029 = tpu.memref_squeeze %dma_wait3A_1028 : memref<1x64x128xf32, #tpu.memory_space<vmem>> -> memref<64x128xf32, #tpu.memory_space<vmem>>
      %dma_wait3A_1030 = arith.constant 40 : i32
      %dma_wait3A_1031 = arith.constant 0 : i32
      %dma_wait3A_1032 = tpu.memref_slice %dma_wait3A_1029[%dma_wait3A_1030, %dma_wait3A_1031] : memref<64x128xf32, #tpu.memory_space<vmem>> -> memref<8x128xf32, #tpu.memory_space<vmem>>
      %dma_wait3A_1033 = arith.constant 0 : i32
      %dma_wait3A_1034 = arith.constant 0 : i32
      %dma_wait3A_1035 = tpu.memref_slice %arg4[%sub3A_903, %dma_wait3A_1025, %add3A, %dma_wait3A_1033, %dma_wait3A_1034] : memref<200x8x32x8x128xf32, #tpu.memory_space<hbm>> -> memref<1x1x1x8x128xf32, #tpu.memory_space<hbm>>
      %dma_wait3A_1036 = tpu.memref_squeeze %dma_wait3A_1035 : memref<1x1x1x8x128xf32, #tpu.memory_space<hbm>> -> memref<8x128xf32, #tpu.memory_space<hbm>>
      %dma_wait3A_1037 = arith.constant 0 : i32
      %dma_wait3A_1038 = arith.constant 0 : i32
      %dma_wait3A_1039 = tpu.memref_slice %arg4[%sub3A_903, %dma_wait3A_1025, %add3A, %dma_wait3A_1037, %dma_wait3A_1038] : memref<200x8x32x8x128xf32, #tpu.memory_space<hbm>> -> memref<1x1x1x8x128xf32, #tpu.memory_space<hbm>>
      %dma_wait3A_1040 = tpu.memref_squeeze %dma_wait3A_1039 : memref<1x1x1x8x128xf32, #tpu.memory_space<hbm>> -> memref<8x128xf32, #tpu.memory_space<hbm>>
      %dma_wait3A_1041 = arith.constant 0 : i32
      %dma_wait3A_1042 = arith.constant 0 : i32
      %dma_wait3A_1043 = tpu.memref_slice %arg7[%dma_wait3A_1024, %dma_wait3A_1041, %dma_wait3A_1042] : memref<2x64x128xf32, #tpu.memory_space<vmem>> -> memref<1x64x128xf32, #tpu.memory_space<vmem>>
      %dma_wait3A_1044 = tpu.memref_squeeze %dma_wait3A_1043 : memref<1x64x128xf32, #tpu.memory_space<vmem>> -> memref<64x128xf32, #tpu.memory_space<vmem>>
      %dma_wait3A_1045 = arith.constant 40 : i32
      %dma_wait3A_1046 = arith.constant 0 : i32
      %dma_wait3A_1047 = tpu.memref_slice %dma_wait3A_1044[%dma_wait3A_1045, %dma_wait3A_1046] : memref<64x128xf32, #tpu.memory_space<vmem>> -> memref<8x128xf32, #tpu.memory_space<vmem>>
      tpu.wait_dma2 semaphore(%arg12 : memref<!tpu.dma_semaphore, #tpu.memory_space<semaphore_mem>>) src(%dma_wait3A_1047 : memref<8x128xf32, #tpu.memory_space<vmem>>) dst(%dma_wait3A_1040 : memref<8x128xf32, #tpu.memory_space<hbm>>)
      %dma_wait3A_1048 = arith.constant 0 : i32
      %dma_wait3A_1049 = arith.constant 6 : i32
      %dma_wait3A_1050 = arith.constant 0 : i32
      %dma_wait3A_1051 = arith.constant 0 : i32
      %dma_wait3A_1052 = tpu.memref_slice %arg7[%dma_wait3A_1048, %dma_wait3A_1050, %dma_wait3A_1051] : memref<2x64x128xf32, #tpu.memory_space<vmem>> -> memref<1x64x128xf32, #tpu.memory_space<vmem>>
      %dma_wait3A_1053 = tpu.memref_squeeze %dma_wait3A_1052 : memref<1x64x128xf32, #tpu.memory_space<vmem>> -> memref<64x128xf32, #tpu.memory_space<vmem>>
      %dma_wait3A_1054 = arith.constant 48 : i32
      %dma_wait3A_1055 = arith.constant 0 : i32
      %dma_wait3A_1056 = tpu.memref_slice %dma_wait3A_1053[%dma_wait3A_1054, %dma_wait3A_1055] : memref<64x128xf32, #tpu.memory_space<vmem>> -> memref<8x128xf32, #tpu.memory_space<vmem>>
      %dma_wait3A_1057 = arith.constant 0 : i32
      %dma_wait3A_1058 = arith.constant 0 : i32
      %dma_wait3A_1059 = tpu.memref_slice %arg4[%sub3A_903, %dma_wait3A_1049, %add3A, %dma_wait3A_1057, %dma_wait3A_1058] : memref<200x8x32x8x128xf32, #tpu.memory_space<hbm>> -> memref<1x1x1x8x128xf32, #tpu.memory_space<hbm>>
      %dma_wait3A_1060 = tpu.memref_squeeze %dma_wait3A_1059 : memref<1x1x1x8x128xf32, #tpu.memory_space<hbm>> -> memref<8x128xf32, #tpu.memory_space<hbm>>
      %dma_wait3A_1061 = arith.constant 0 : i32
      %dma_wait3A_1062 = arith.constant 0 : i32
      %dma_wait3A_1063 = tpu.memref_slice %arg4[%sub3A_903, %dma_wait3A_1049, %add3A, %dma_wait3A_1061, %dma_wait3A_1062] : memref<200x8x32x8x128xf32, #tpu.memory_space<hbm>> -> memref<1x1x1x8x128xf32, #tpu.memory_space<hbm>>
      %dma_wait3A_1064 = tpu.memref_squeeze %dma_wait3A_1063 : memref<1x1x1x8x128xf32, #tpu.memory_space<hbm>> -> memref<8x128xf32, #tpu.memory_space<hbm>>
      %dma_wait3A_1065 = arith.constant 0 : i32
      %dma_wait3A_1066 = arith.constant 0 : i32
      %dma_wait3A_1067 = tpu.memref_slice %arg7[%dma_wait3A_1048, %dma_wait3A_1065, %dma_wait3A_1066] : memref<2x64x128xf32, #tpu.memory_space<vmem>> -> memref<1x64x128xf32, #tpu.memory_space<vmem>>
      %dma_wait3A_1068 = tpu.memref_squeeze %dma_wait3A_1067 : memref<1x64x128xf32, #tpu.memory_space<vmem>> -> memref<64x128xf32, #tpu.memory_space<vmem>>
      %dma_wait3A_1069 = arith.constant 48 : i32
      %dma_wait3A_1070 = arith.constant 0 : i32
      %dma_wait3A_1071 = tpu.memref_slice %dma_wait3A_1068[%dma_wait3A_1069, %dma_wait3A_1070] : memref<64x128xf32, #tpu.memory_space<vmem>> -> memref<8x128xf32, #tpu.memory_space<vmem>>
      tpu.wait_dma2 semaphore(%arg12 : memref<!tpu.dma_semaphore, #tpu.memory_space<semaphore_mem>>) src(%dma_wait3A_1071 : memref<8x128xf32, #tpu.memory_space<vmem>>) dst(%dma_wait3A_1064 : memref<8x128xf32, #tpu.memory_space<hbm>>)
      %dma_wait3A_1072 = arith.constant 0 : i32
      %dma_wait3A_1073 = arith.constant 7 : i32
      %dma_wait3A_1074 = arith.constant 0 : i32
      %dma_wait3A_1075 = arith.constant 0 : i32
      %dma_wait3A_1076 = tpu.memref_slice %arg7[%dma_wait3A_1072, %dma_wait3A_1074, %dma_wait3A_1075] : memref<2x64x128xf32, #tpu.memory_space<vmem>> -> memref<1x64x128xf32, #tpu.memory_space<vmem>>
      %dma_wait3A_1077 = tpu.memref_squeeze %dma_wait3A_1076 : memref<1x64x128xf32, #tpu.memory_space<vmem>> -> memref<64x128xf32, #tpu.memory_space<vmem>>
      %dma_wait3A_1078 = arith.constant 56 : i32
      %dma_wait3A_1079 = arith.constant 0 : i32
      %dma_wait3A_1080 = tpu.memref_slice %dma_wait3A_1077[%dma_wait3A_1078, %dma_wait3A_1079] : memref<64x128xf32, #tpu.memory_space<vmem>> -> memref<8x128xf32, #tpu.memory_space<vmem>>
      %dma_wait3A_1081 = arith.constant 0 : i32
      %dma_wait3A_1082 = arith.constant 0 : i32
      %dma_wait3A_1083 = tpu.memref_slice %arg4[%sub3A_903, %dma_wait3A_1073, %add3A, %dma_wait3A_1081, %dma_wait3A_1082] : memref<200x8x32x8x128xf32, #tpu.memory_space<hbm>> -> memref<1x1x1x8x128xf32, #tpu.memory_space<hbm>>
      %dma_wait3A_1084 = tpu.memref_squeeze %dma_wait3A_1083 : memref<1x1x1x8x128xf32, #tpu.memory_space<hbm>> -> memref<8x128xf32, #tpu.memory_space<hbm>>
      %dma_wait3A_1085 = arith.constant 0 : i32
      %dma_wait3A_1086 = arith.constant 0 : i32
      %dma_wait3A_1087 = tpu.memref_slice %arg4[%sub3A_903, %dma_wait3A_1073, %add3A, %dma_wait3A_1085, %dma_wait3A_1086] : memref<200x8x32x8x128xf32, #tpu.memory_space<hbm>> -> memref<1x1x1x8x128xf32, #tpu.memory_space<hbm>>
      %dma_wait3A_1088 = tpu.memref_squeeze %dma_wait3A_1087 : memref<1x1x1x8x128xf32, #tpu.memory_space<hbm>> -> memref<8x128xf32, #tpu.memory_space<hbm>>
      %dma_wait3A_1089 = arith.constant 0 : i32
      %dma_wait3A_1090 = arith.constant 0 : i32
      %dma_wait3A_1091 = tpu.memref_slice %arg7[%dma_wait3A_1072, %dma_wait3A_1089, %dma_wait3A_1090] : memref<2x64x128xf32, #tpu.memory_space<vmem>> -> memref<1x64x128xf32, #tpu.memory_space<vmem>>
      %dma_wait3A_1092 = tpu.memref_squeeze %dma_wait3A_1091 : memref<1x64x128xf32, #tpu.memory_space<vmem>> -> memref<64x128xf32, #tpu.memory_space<vmem>>
      %dma_wait3A_1093 = arith.constant 56 : i32
      %dma_wait3A_1094 = arith.constant 0 : i32
      %dma_wait3A_1095 = tpu.memref_slice %dma_wait3A_1092[%dma_wait3A_1093, %dma_wait3A_1094] : memref<64x128xf32, #tpu.memory_space<vmem>> -> memref<8x128xf32, #tpu.memory_space<vmem>>
      tpu.wait_dma2 semaphore(%arg12 : memref<!tpu.dma_semaphore, #tpu.memory_space<semaphore_mem>>) src(%dma_wait3A_1095 : memref<8x128xf32, #tpu.memory_space<vmem>>) dst(%dma_wait3A_1088 : memref<8x128xf32, #tpu.memory_space<hbm>>)
      %parallel_loop3A_1096 = arith.constant 0 : i32
      %parallel_loop3A_1097 = arith.constant 512 : i32
      %parallel_loop3A_1098 = arith.constant 1 : i32
      scf.for %parallel_loop3A_1700 = %parallel_loop3A_1096 to %parallel_loop3A_1097 step %parallel_loop3A_1098  : i32 {
        %parallel_loop3A_1701 = arith.constant 15 : i32
        %parallel_loop3A_1702 = arith.andi %parallel_loop3A_1700, %parallel_loop3A_1701 : i32
        %parallel_loop3A_1703 = arith.constant 4 : i32
        %parallel_loop3A_1704 = arith.shrsi %parallel_loop3A_1700, %parallel_loop3A_1703 : i32
        %parallel_loop3A_1705 = arith.constant 3 : i32
        %parallel_loop3A_1706 = arith.shrsi %parallel_loop3A_1704, %parallel_loop3A_1705 : i32
        %parallel_loop3A_1707 = arith.constant 16 : i32
        %parallel_loop3A_1708 = arith.muli %parallel_loop3A_1706, %parallel_loop3A_1707 : i32
        %parallel_loop3A_1709 = arith.constant 7 : i32
        %parallel_loop3A_1710 = arith.andi %parallel_loop3A_1704, %parallel_loop3A_1709 : i32
        %parallel_loop3A_1711 = arith.constant 16 : i32
        %parallel_loop3A_1712 = arith.muli %parallel_loop3A_1710, %parallel_loop3A_1711 : i32
        %parallel_loop3A_1713 = vector.broadcast %parallel_loop3A_1702 : i32 to vector<16xi32>
        %parallel_loop3A_1714 = arith.addi %iota3A, %parallel_loop3A_1713 : vector<16xi32>
        %parallel_loop3A_1715 = arith.constant 15 : i32
        %parallel_loop3A_1716 = vector.broadcast %parallel_loop3A_1715 : i32 to vector<16xi32>
        %parallel_loop3A_1717 = arith.andi %parallel_loop3A_1714, %parallel_loop3A_1716 : vector<16xi32>
        %parallel_loop3A_1718 = vector.broadcast %parallel_loop3A_1712 : i32 to vector<16xi32>
        %parallel_loop3A_1719 = arith.addi %iota3A, %parallel_loop3A_1718 : vector<16xi32>
        %parallel_loop3A_1720 = vector.broadcast %parallel_loop3A_1708 : i32 to vector<16xi32>
        %parallel_loop3A_1721 = arith.addi %parallel_loop3A_1717, %parallel_loop3A_1720 : vector<16xi32>
        %parallel_loop3A_1722 = arith.constant 2 : i32
        %parallel_loop3A_1723 = arith.constant 0 : i32
        %parallel_loop3A_1724 = arith.constant 0 : i32
        %parallel_loop3A_1725 = tpu.memref_slice %arg6[%parallel_loop3A_1722, %parallel_loop3A_1723, %parallel_loop3A_1724] : memref<4x128x128xf32, #tpu.memory_space<vmem>> -> memref<1x128x128xf32, #tpu.memory_space<vmem>>
        %parallel_loop3A_1726 = tpu.memref_squeeze %parallel_loop3A_1725 : memref<1x128x128xf32, #tpu.memory_space<vmem>> -> memref<128x128xf32, #tpu.memory_space<vmem>>
        %parallel_loop3A_1727 = tpu.vector_load_idx %parallel_loop3A_1726[%parallel_loop3A_1719, %parallel_loop3A_1721] : memref<128x128xf32, #tpu.memory_space<vmem>>[vector<16xi32>, vector<16xi32>], vector<16xf32>,
        %parallel_loop3A_1728 = arith.constant 0 : i32
        %parallel_loop3A_1729 = arith.constant 0 : i32
        %parallel_loop3A_1730 = arith.constant 0 : i32
        %parallel_loop3A_1731 = tpu.memref_slice %arg7[%parallel_loop3A_1728, %parallel_loop3A_1729, %parallel_loop3A_1730] : memref<2x64x128xf32, #tpu.memory_space<vmem>> -> memref<1x64x128xf32, #tpu.memory_space<vmem>>
        %parallel_loop3A_1732 = tpu.memref_squeeze %parallel_loop3A_1731 : memref<1x64x128xf32, #tpu.memory_space<vmem>> -> memref<64x128xf32, #tpu.memory_space<vmem>>
        tpu.vector_store_idx %parallel_loop3A_1732[%parallel_loop3A_1721, %parallel_loop3A_1719], %parallel_loop3A_1727 : memref<64x128xf32, #tpu.memory_space<vmem>>[vector<16xi32>, vector<16xi32>], vector<16xf32>,
      } {sc.loop_unroll_factor = 8 : i64, sc.parallel_access}
      %dma_start3A_1099 = arith.constant 0 : i32
      %dma_start3A_1100 = arith.constant 0 : i32
      %dma_start3A_1101 = arith.constant 0 : i32
      %dma_start3A_1102 = arith.constant 0 : i32
      %dma_start3A_1103 = tpu.memref_slice %arg7[%dma_start3A_1099, %dma_start3A_1101, %dma_start3A_1102] : memref<2x64x128xf32, #tpu.memory_space<vmem>> -> memref<1x64x128xf32, #tpu.memory_space<vmem>>
      %dma_start3A_1104 = tpu.memref_squeeze %dma_start3A_1103 : memref<1x64x128xf32, #tpu.memory_space<vmem>> -> memref<64x128xf32, #tpu.memory_space<vmem>>
      %dma_start3A_1105 = arith.constant 0 : i32
      %dma_start3A_1106 = arith.constant 0 : i32
      %dma_start3A_1107 = tpu.memref_slice %dma_start3A_1104[%dma_start3A_1105, %dma_start3A_1106] : memref<64x128xf32, #tpu.memory_space<vmem>> -> memref<8x128xf32, #tpu.memory_space<vmem>>
      %dma_start3A_1108 = arith.constant 0 : i32
      %dma_start3A_1109 = arith.constant 0 : i32
      %dma_start3A_1110 = tpu.memref_slice %arg4[%add3A_887, %dma_start3A_1100, %add3A, %dma_start3A_1108, %dma_start3A_1109] : memref<200x8x32x8x128xf32, #tpu.memory_space<hbm>> -> memref<1x1x1x8x128xf32, #tpu.memory_space<hbm>>
      %dma_start3A_1111 = tpu.memref_squeeze %dma_start3A_1110 : memref<1x1x1x8x128xf32, #tpu.memory_space<hbm>> -> memref<8x128xf32, #tpu.memory_space<hbm>>
      %dma_start3A_1112 = arith.constant 0 : i32
      %dma_start3A_1113 = arith.constant 0 : i32
      %dma_start3A_1114 = tpu.memref_slice %arg4[%add3A_887, %dma_start3A_1100, %add3A, %dma_start3A_1112, %dma_start3A_1113] : memref<200x8x32x8x128xf32, #tpu.memory_space<hbm>> -> memref<1x1x1x8x128xf32, #tpu.memory_space<hbm>>
      %dma_start3A_1115 = tpu.memref_squeeze %dma_start3A_1114 : memref<1x1x1x8x128xf32, #tpu.memory_space<hbm>> -> memref<8x128xf32, #tpu.memory_space<hbm>>
      %dma_start3A_1116 = arith.constant 0 : i32
      %dma_start3A_1117 = arith.constant 0 : i32
      %dma_start3A_1118 = tpu.memref_slice %arg7[%dma_start3A_1099, %dma_start3A_1116, %dma_start3A_1117] : memref<2x64x128xf32, #tpu.memory_space<vmem>> -> memref<1x64x128xf32, #tpu.memory_space<vmem>>
      %dma_start3A_1119 = tpu.memref_squeeze %dma_start3A_1118 : memref<1x64x128xf32, #tpu.memory_space<vmem>> -> memref<64x128xf32, #tpu.memory_space<vmem>>
      %dma_start3A_1120 = arith.constant 0 : i32
      %dma_start3A_1121 = arith.constant 0 : i32
      %dma_start3A_1122 = tpu.memref_slice %dma_start3A_1119[%dma_start3A_1120, %dma_start3A_1121] : memref<64x128xf32, #tpu.memory_space<vmem>> -> memref<8x128xf32, #tpu.memory_space<vmem>>
      tpu.enqueue_dma source(%dma_start3A_1122 : memref<8x128xf32, #tpu.memory_space<vmem>>) target(%dma_start3A_1115 : memref<8x128xf32, #tpu.memory_space<hbm>>) target_semaphore(%arg12 : memref<!tpu.dma_semaphore, #tpu.memory_space<semaphore_mem>>)
      %dma_start3A_1123 = arith.constant 0 : i32
      %dma_start3A_1124 = arith.constant 1 : i32
      %dma_start3A_1125 = arith.constant 0 : i32
      %dma_start3A_1126 = arith.constant 0 : i32
      %dma_start3A_1127 = tpu.memref_slice %arg7[%dma_start3A_1123, %dma_start3A_1125, %dma_start3A_1126] : memref<2x64x128xf32, #tpu.memory_space<vmem>> -> memref<1x64x128xf32, #tpu.memory_space<vmem>>
      %dma_start3A_1128 = tpu.memref_squeeze %dma_start3A_1127 : memref<1x64x128xf32, #tpu.memory_space<vmem>> -> memref<64x128xf32, #tpu.memory_space<vmem>>
      %dma_start3A_1129 = arith.constant 8 : i32
      %dma_start3A_1130 = arith.constant 0 : i32
      %dma_start3A_1131 = tpu.memref_slice %dma_start3A_1128[%dma_start3A_1129, %dma_start3A_1130] : memref<64x128xf32, #tpu.memory_space<vmem>> -> memref<8x128xf32, #tpu.memory_space<vmem>>
      %dma_start3A_1132 = arith.constant 0 : i32
      %dma_start3A_1133 = arith.constant 0 : i32
      %dma_start3A_1134 = tpu.memref_slice %arg4[%add3A_887, %dma_start3A_1124, %add3A, %dma_start3A_1132, %dma_start3A_1133] : memref<200x8x32x8x128xf32, #tpu.memory_space<hbm>> -> memref<1x1x1x8x128xf32, #tpu.memory_space<hbm>>
      %dma_start3A_1135 = tpu.memref_squeeze %dma_start3A_1134 : memref<1x1x1x8x128xf32, #tpu.memory_space<hbm>> -> memref<8x128xf32, #tpu.memory_space<hbm>>
      %dma_start3A_1136 = arith.constant 0 : i32
      %dma_start3A_1137 = arith.constant 0 : i32
      %dma_start3A_1138 = tpu.memref_slice %arg4[%add3A_887, %dma_start3A_1124, %add3A, %dma_start3A_1136, %dma_start3A_1137] : memref<200x8x32x8x128xf32, #tpu.memory_space<hbm>> -> memref<1x1x1x8x128xf32, #tpu.memory_space<hbm>>
      %dma_start3A_1139 = tpu.memref_squeeze %dma_start3A_1138 : memref<1x1x1x8x128xf32, #tpu.memory_space<hbm>> -> memref<8x128xf32, #tpu.memory_space<hbm>>
      %dma_start3A_1140 = arith.constant 0 : i32
      %dma_start3A_1141 = arith.constant 0 : i32
      %dma_start3A_1142 = tpu.memref_slice %arg7[%dma_start3A_1123, %dma_start3A_1140, %dma_start3A_1141] : memref<2x64x128xf32, #tpu.memory_space<vmem>> -> memref<1x64x128xf32, #tpu.memory_space<vmem>>
      %dma_start3A_1143 = tpu.memref_squeeze %dma_start3A_1142 : memref<1x64x128xf32, #tpu.memory_space<vmem>> -> memref<64x128xf32, #tpu.memory_space<vmem>>
      %dma_start3A_1144 = arith.constant 8 : i32
      %dma_start3A_1145 = arith.constant 0 : i32
      %dma_start3A_1146 = tpu.memref_slice %dma_start3A_1143[%dma_start3A_1144, %dma_start3A_1145] : memref<64x128xf32, #tpu.memory_space<vmem>> -> memref<8x128xf32, #tpu.memory_space<vmem>>
      tpu.enqueue_dma source(%dma_start3A_1146 : memref<8x128xf32, #tpu.memory_space<vmem>>) target(%dma_start3A_1139 : memref<8x128xf32, #tpu.memory_space<hbm>>) target_semaphore(%arg12 : memref<!tpu.dma_semaphore, #tpu.memory_space<semaphore_mem>>)
      %dma_start3A_1147 = arith.constant 0 : i32
      %dma_start3A_1148 = arith.constant 2 : i32
      %dma_start3A_1149 = arith.constant 0 : i32
      %dma_start3A_1150 = arith.constant 0 : i32
      %dma_start3A_1151 = tpu.memref_slice %arg7[%dma_start3A_1147, %dma_start3A_1149, %dma_start3A_1150] : memref<2x64x128xf32, #tpu.memory_space<vmem>> -> memref<1x64x128xf32, #tpu.memory_space<vmem>>
      %dma_start3A_1152 = tpu.memref_squeeze %dma_start3A_1151 : memref<1x64x128xf32, #tpu.memory_space<vmem>> -> memref<64x128xf32, #tpu.memory_space<vmem>>
      %dma_start3A_1153 = arith.constant 16 : i32
      %dma_start3A_1154 = arith.constant 0 : i32
      %dma_start3A_1155 = tpu.memref_slice %dma_start3A_1152[%dma_start3A_1153, %dma_start3A_1154] : memref<64x128xf32, #tpu.memory_space<vmem>> -> memref<8x128xf32, #tpu.memory_space<vmem>>
      %dma_start3A_1156 = arith.constant 0 : i32
      %dma_start3A_1157 = arith.constant 0 : i32
      %dma_start3A_1158 = tpu.memref_slice %arg4[%add3A_887, %dma_start3A_1148, %add3A, %dma_start3A_1156, %dma_start3A_1157] : memref<200x8x32x8x128xf32, #tpu.memory_space<hbm>> -> memref<1x1x1x8x128xf32, #tpu.memory_space<hbm>>
      %dma_start3A_1159 = tpu.memref_squeeze %dma_start3A_1158 : memref<1x1x1x8x128xf32, #tpu.memory_space<hbm>> -> memref<8x128xf32, #tpu.memory_space<hbm>>
      %dma_start3A_1160 = arith.constant 0 : i32
      %dma_start3A_1161 = arith.constant 0 : i32
      %dma_start3A_1162 = tpu.memref_slice %arg4[%add3A_887, %dma_start3A_1148, %add3A, %dma_start3A_1160, %dma_start3A_1161] : memref<200x8x32x8x128xf32, #tpu.memory_space<hbm>> -> memref<1x1x1x8x128xf32, #tpu.memory_space<hbm>>
      %dma_start3A_1163 = tpu.memref_squeeze %dma_start3A_1162 : memref<1x1x1x8x128xf32, #tpu.memory_space<hbm>> -> memref<8x128xf32, #tpu.memory_space<hbm>>
      %dma_start3A_1164 = arith.constant 0 : i32
      %dma_start3A_1165 = arith.constant 0 : i32
      %dma_start3A_1166 = tpu.memref_slice %arg7[%dma_start3A_1147, %dma_start3A_1164, %dma_start3A_1165] : memref<2x64x128xf32, #tpu.memory_space<vmem>> -> memref<1x64x128xf32, #tpu.memory_space<vmem>>
      %dma_start3A_1167 = tpu.memref_squeeze %dma_start3A_1166 : memref<1x64x128xf32, #tpu.memory_space<vmem>> -> memref<64x128xf32, #tpu.memory_space<vmem>>
      %dma_start3A_1168 = arith.constant 16 : i32
      %dma_start3A_1169 = arith.constant 0 : i32
      %dma_start3A_1170 = tpu.memref_slice %dma_start3A_1167[%dma_start3A_1168, %dma_start3A_1169] : memref<64x128xf32, #tpu.memory_space<vmem>> -> memref<8x128xf32, #tpu.memory_space<vmem>>
      tpu.enqueue_dma source(%dma_start3A_1170 : memref<8x128xf32, #tpu.memory_space<vmem>>) target(%dma_start3A_1163 : memref<8x128xf32, #tpu.memory_space<hbm>>) target_semaphore(%arg12 : memref<!tpu.dma_semaphore, #tpu.memory_space<semaphore_mem>>)
      %dma_start3A_1171 = arith.constant 0 : i32
      %dma_start3A_1172 = arith.constant 3 : i32
      %dma_start3A_1173 = arith.constant 0 : i32
      %dma_start3A_1174 = arith.constant 0 : i32
      %dma_start3A_1175 = tpu.memref_slice %arg7[%dma_start3A_1171, %dma_start3A_1173, %dma_start3A_1174] : memref<2x64x128xf32, #tpu.memory_space<vmem>> -> memref<1x64x128xf32, #tpu.memory_space<vmem>>
      %dma_start3A_1176 = tpu.memref_squeeze %dma_start3A_1175 : memref<1x64x128xf32, #tpu.memory_space<vmem>> -> memref<64x128xf32, #tpu.memory_space<vmem>>
      %dma_start3A_1177 = arith.constant 24 : i32
      %dma_start3A_1178 = arith.constant 0 : i32
      %dma_start3A_1179 = tpu.memref_slice %dma_start3A_1176[%dma_start3A_1177, %dma_start3A_1178] : memref<64x128xf32, #tpu.memory_space<vmem>> -> memref<8x128xf32, #tpu.memory_space<vmem>>
      %dma_start3A_1180 = arith.constant 0 : i32
      %dma_start3A_1181 = arith.constant 0 : i32
      %dma_start3A_1182 = tpu.memref_slice %arg4[%add3A_887, %dma_start3A_1172, %add3A, %dma_start3A_1180, %dma_start3A_1181] : memref<200x8x32x8x128xf32, #tpu.memory_space<hbm>> -> memref<1x1x1x8x128xf32, #tpu.memory_space<hbm>>
      %dma_start3A_1183 = tpu.memref_squeeze %dma_start3A_1182 : memref<1x1x1x8x128xf32, #tpu.memory_space<hbm>> -> memref<8x128xf32, #tpu.memory_space<hbm>>
      %dma_start3A_1184 = arith.constant 0 : i32
      %dma_start3A_1185 = arith.constant 0 : i32
      %dma_start3A_1186 = tpu.memref_slice %arg4[%add3A_887, %dma_start3A_1172, %add3A, %dma_start3A_1184, %dma_start3A_1185] : memref<200x8x32x8x128xf32, #tpu.memory_space<hbm>> -> memref<1x1x1x8x128xf32, #tpu.memory_space<hbm>>
      %dma_start3A_1187 = tpu.memref_squeeze %dma_start3A_1186 : memref<1x1x1x8x128xf32, #tpu.memory_space<hbm>> -> memref<8x128xf32, #tpu.memory_space<hbm>>
      %dma_start3A_1188 = arith.constant 0 : i32
      %dma_start3A_1189 = arith.constant 0 : i32
      %dma_start3A_1190 = tpu.memref_slice %arg7[%dma_start3A_1171, %dma_start3A_1188, %dma_start3A_1189] : memref<2x64x128xf32, #tpu.memory_space<vmem>> -> memref<1x64x128xf32, #tpu.memory_space<vmem>>
      %dma_start3A_1191 = tpu.memref_squeeze %dma_start3A_1190 : memref<1x64x128xf32, #tpu.memory_space<vmem>> -> memref<64x128xf32, #tpu.memory_space<vmem>>
      %dma_start3A_1192 = arith.constant 24 : i32
      %dma_start3A_1193 = arith.constant 0 : i32
      %dma_start3A_1194 = tpu.memref_slice %dma_start3A_1191[%dma_start3A_1192, %dma_start3A_1193] : memref<64x128xf32, #tpu.memory_space<vmem>> -> memref<8x128xf32, #tpu.memory_space<vmem>>
      tpu.enqueue_dma source(%dma_start3A_1194 : memref<8x128xf32, #tpu.memory_space<vmem>>) target(%dma_start3A_1187 : memref<8x128xf32, #tpu.memory_space<hbm>>) target_semaphore(%arg12 : memref<!tpu.dma_semaphore, #tpu.memory_space<semaphore_mem>>)
      %dma_start3A_1195 = arith.constant 0 : i32
      %dma_start3A_1196 = arith.constant 4 : i32
      %dma_start3A_1197 = arith.constant 0 : i32
      %dma_start3A_1198 = arith.constant 0 : i32
      %dma_start3A_1199 = tpu.memref_slice %arg7[%dma_start3A_1195, %dma_start3A_1197, %dma_start3A_1198] : memref<2x64x128xf32, #tpu.memory_space<vmem>> -> memref<1x64x128xf32, #tpu.memory_space<vmem>>
      %dma_start3A_1200 = tpu.memref_squeeze %dma_start3A_1199 : memref<1x64x128xf32, #tpu.memory_space<vmem>> -> memref<64x128xf32, #tpu.memory_space<vmem>>
      %dma_start3A_1201 = arith.constant 32 : i32
      %dma_start3A_1202 = arith.constant 0 : i32
      %dma_start3A_1203 = tpu.memref_slice %dma_start3A_1200[%dma_start3A_1201, %dma_start3A_1202] : memref<64x128xf32, #tpu.memory_space<vmem>> -> memref<8x128xf32, #tpu.memory_space<vmem>>
      %dma_start3A_1204 = arith.constant 0 : i32
      %dma_start3A_1205 = arith.constant 0 : i32
      %dma_start3A_1206 = tpu.memref_slice %arg4[%add3A_887, %dma_start3A_1196, %add3A, %dma_start3A_1204, %dma_start3A_1205] : memref<200x8x32x8x128xf32, #tpu.memory_space<hbm>> -> memref<1x1x1x8x128xf32, #tpu.memory_space<hbm>>
      %dma_start3A_1207 = tpu.memref_squeeze %dma_start3A_1206 : memref<1x1x1x8x128xf32, #tpu.memory_space<hbm>> -> memref<8x128xf32, #tpu.memory_space<hbm>>
      %dma_start3A_1208 = arith.constant 0 : i32
      %dma_start3A_1209 = arith.constant 0 : i32
      %dma_start3A_1210 = tpu.memref_slice %arg4[%add3A_887, %dma_start3A_1196, %add3A, %dma_start3A_1208, %dma_start3A_1209] : memref<200x8x32x8x128xf32, #tpu.memory_space<hbm>> -> memref<1x1x1x8x128xf32, #tpu.memory_space<hbm>>
      %dma_start3A_1211 = tpu.memref_squeeze %dma_start3A_1210 : memref<1x1x1x8x128xf32, #tpu.memory_space<hbm>> -> memref<8x128xf32, #tpu.memory_space<hbm>>
      %dma_start3A_1212 = arith.constant 0 : i32
      %dma_start3A_1213 = arith.constant 0 : i32
      %dma_start3A_1214 = tpu.memref_slice %arg7[%dma_start3A_1195, %dma_start3A_1212, %dma_start3A_1213] : memref<2x64x128xf32, #tpu.memory_space<vmem>> -> memref<1x64x128xf32, #tpu.memory_space<vmem>>
      %dma_start3A_1215 = tpu.memref_squeeze %dma_start3A_1214 : memref<1x64x128xf32, #tpu.memory_space<vmem>> -> memref<64x128xf32, #tpu.memory_space<vmem>>
      %dma_start3A_1216 = arith.constant 32 : i32
      %dma_start3A_1217 = arith.constant 0 : i32
      %dma_start3A_1218 = tpu.memref_slice %dma_start3A_1215[%dma_start3A_1216, %dma_start3A_1217] : memref<64x128xf32, #tpu.memory_space<vmem>> -> memref<8x128xf32, #tpu.memory_space<vmem>>
      tpu.enqueue_dma source(%dma_start3A_1218 : memref<8x128xf32, #tpu.memory_space<vmem>>) target(%dma_start3A_1211 : memref<8x128xf32, #tpu.memory_space<hbm>>) target_semaphore(%arg12 : memref<!tpu.dma_semaphore, #tpu.memory_space<semaphore_mem>>)
      %dma_start3A_1219 = arith.constant 0 : i32
      %dma_start3A_1220 = arith.constant 5 : i32
      %dma_start3A_1221 = arith.constant 0 : i32
      %dma_start3A_1222 = arith.constant 0 : i32
      %dma_start3A_1223 = tpu.memref_slice %arg7[%dma_start3A_1219, %dma_start3A_1221, %dma_start3A_1222] : memref<2x64x128xf32, #tpu.memory_space<vmem>> -> memref<1x64x128xf32, #tpu.memory_space<vmem>>
      %dma_start3A_1224 = tpu.memref_squeeze %dma_start3A_1223 : memref<1x64x128xf32, #tpu.memory_space<vmem>> -> memref<64x128xf32, #tpu.memory_space<vmem>>
      %dma_start3A_1225 = arith.constant 40 : i32
      %dma_start3A_1226 = arith.constant 0 : i32
      %dma_start3A_1227 = tpu.memref_slice %dma_start3A_1224[%dma_start3A_1225, %dma_start3A_1226] : memref<64x128xf32, #tpu.memory_space<vmem>> -> memref<8x128xf32, #tpu.memory_space<vmem>>
      %dma_start3A_1228 = arith.constant 0 : i32
      %dma_start3A_1229 = arith.constant 0 : i32
      %dma_start3A_1230 = tpu.memref_slice %arg4[%add3A_887, %dma_start3A_1220, %add3A, %dma_start3A_1228, %dma_start3A_1229] : memref<200x8x32x8x128xf32, #tpu.memory_space<hbm>> -> memref<1x1x1x8x128xf32, #tpu.memory_space<hbm>>
      %dma_start3A_1231 = tpu.memref_squeeze %dma_start3A_1230 : memref<1x1x1x8x128xf32, #tpu.memory_space<hbm>> -> memref<8x128xf32, #tpu.memory_space<hbm>>
      %dma_start3A_1232 = arith.constant 0 : i32
      %dma_start3A_1233 = arith.constant 0 : i32
      %dma_start3A_1234 = tpu.memref_slice %arg4[%add3A_887, %dma_start3A_1220, %add3A, %dma_start3A_1232, %dma_start3A_1233] : memref<200x8x32x8x128xf32, #tpu.memory_space<hbm>> -> memref<1x1x1x8x128xf32, #tpu.memory_space<hbm>>
      %dma_start3A_1235 = tpu.memref_squeeze %dma_start3A_1234 : memref<1x1x1x8x128xf32, #tpu.memory_space<hbm>> -> memref<8x128xf32, #tpu.memory_space<hbm>>
      %dma_start3A_1236 = arith.constant 0 : i32
      %dma_start3A_1237 = arith.constant 0 : i32
      %dma_start3A_1238 = tpu.memref_slice %arg7[%dma_start3A_1219, %dma_start3A_1236, %dma_start3A_1237] : memref<2x64x128xf32, #tpu.memory_space<vmem>> -> memref<1x64x128xf32, #tpu.memory_space<vmem>>
      %dma_start3A_1239 = tpu.memref_squeeze %dma_start3A_1238 : memref<1x64x128xf32, #tpu.memory_space<vmem>> -> memref<64x128xf32, #tpu.memory_space<vmem>>
      %dma_start3A_1240 = arith.constant 40 : i32
      %dma_start3A_1241 = arith.constant 0 : i32
      %dma_start3A_1242 = tpu.memref_slice %dma_start3A_1239[%dma_start3A_1240, %dma_start3A_1241] : memref<64x128xf32, #tpu.memory_space<vmem>> -> memref<8x128xf32, #tpu.memory_space<vmem>>
      tpu.enqueue_dma source(%dma_start3A_1242 : memref<8x128xf32, #tpu.memory_space<vmem>>) target(%dma_start3A_1235 : memref<8x128xf32, #tpu.memory_space<hbm>>) target_semaphore(%arg12 : memref<!tpu.dma_semaphore, #tpu.memory_space<semaphore_mem>>)
      %dma_start3A_1243 = arith.constant 0 : i32
      %dma_start3A_1244 = arith.constant 6 : i32
      %dma_start3A_1245 = arith.constant 0 : i32
      %dma_start3A_1246 = arith.constant 0 : i32
      %dma_start3A_1247 = tpu.memref_slice %arg7[%dma_start3A_1243, %dma_start3A_1245, %dma_start3A_1246] : memref<2x64x128xf32, #tpu.memory_space<vmem>> -> memref<1x64x128xf32, #tpu.memory_space<vmem>>
      %dma_start3A_1248 = tpu.memref_squeeze %dma_start3A_1247 : memref<1x64x128xf32, #tpu.memory_space<vmem>> -> memref<64x128xf32, #tpu.memory_space<vmem>>
      %dma_start3A_1249 = arith.constant 48 : i32
      %dma_start3A_1250 = arith.constant 0 : i32
      %dma_start3A_1251 = tpu.memref_slice %dma_start3A_1248[%dma_start3A_1249, %dma_start3A_1250] : memref<64x128xf32, #tpu.memory_space<vmem>> -> memref<8x128xf32, #tpu.memory_space<vmem>>
      %dma_start3A_1252 = arith.constant 0 : i32
      %dma_start3A_1253 = arith.constant 0 : i32
      %dma_start3A_1254 = tpu.memref_slice %arg4[%add3A_887, %dma_start3A_1244, %add3A, %dma_start3A_1252, %dma_start3A_1253] : memref<200x8x32x8x128xf32, #tpu.memory_space<hbm>> -> memref<1x1x1x8x128xf32, #tpu.memory_space<hbm>>
      %dma_start3A_1255 = tpu.memref_squeeze %dma_start3A_1254 : memref<1x1x1x8x128xf32, #tpu.memory_space<hbm>> -> memref<8x128xf32, #tpu.memory_space<hbm>>
      %dma_start3A_1256 = arith.constant 0 : i32
      %dma_start3A_1257 = arith.constant 0 : i32
      %dma_start3A_1258 = tpu.memref_slice %arg4[%add3A_887, %dma_start3A_1244, %add3A, %dma_start3A_1256, %dma_start3A_1257] : memref<200x8x32x8x128xf32, #tpu.memory_space<hbm>> -> memref<1x1x1x8x128xf32, #tpu.memory_space<hbm>>
      %dma_start3A_1259 = tpu.memref_squeeze %dma_start3A_1258 : memref<1x1x1x8x128xf32, #tpu.memory_space<hbm>> -> memref<8x128xf32, #tpu.memory_space<hbm>>
      %dma_start3A_1260 = arith.constant 0 : i32
      %dma_start3A_1261 = arith.constant 0 : i32
      %dma_start3A_1262 = tpu.memref_slice %arg7[%dma_start3A_1243, %dma_start3A_1260, %dma_start3A_1261] : memref<2x64x128xf32, #tpu.memory_space<vmem>> -> memref<1x64x128xf32, #tpu.memory_space<vmem>>
      %dma_start3A_1263 = tpu.memref_squeeze %dma_start3A_1262 : memref<1x64x128xf32, #tpu.memory_space<vmem>> -> memref<64x128xf32, #tpu.memory_space<vmem>>
      %dma_start3A_1264 = arith.constant 48 : i32
      %dma_start3A_1265 = arith.constant 0 : i32
      %dma_start3A_1266 = tpu.memref_slice %dma_start3A_1263[%dma_start3A_1264, %dma_start3A_1265] : memref<64x128xf32, #tpu.memory_space<vmem>> -> memref<8x128xf32, #tpu.memory_space<vmem>>
      tpu.enqueue_dma source(%dma_start3A_1266 : memref<8x128xf32, #tpu.memory_space<vmem>>) target(%dma_start3A_1259 : memref<8x128xf32, #tpu.memory_space<hbm>>) target_semaphore(%arg12 : memref<!tpu.dma_semaphore, #tpu.memory_space<semaphore_mem>>)
      %dma_start3A_1267 = arith.constant 0 : i32
      %dma_start3A_1268 = arith.constant 7 : i32
      %dma_start3A_1269 = arith.constant 0 : i32
      %dma_start3A_1270 = arith.constant 0 : i32
      %dma_start3A_1271 = tpu.memref_slice %arg7[%dma_start3A_1267, %dma_start3A_1269, %dma_start3A_1270] : memref<2x64x128xf32, #tpu.memory_space<vmem>> -> memref<1x64x128xf32, #tpu.memory_space<vmem>>
      %dma_start3A_1272 = tpu.memref_squeeze %dma_start3A_1271 : memref<1x64x128xf32, #tpu.memory_space<vmem>> -> memref<64x128xf32, #tpu.memory_space<vmem>>
      %dma_start3A_1273 = arith.constant 56 : i32
      %dma_start3A_1274 = arith.constant 0 : i32
      %dma_start3A_1275 = tpu.memref_slice %dma_start3A_1272[%dma_start3A_1273, %dma_start3A_1274] : memref<64x128xf32, #tpu.memory_space<vmem>> -> memref<8x128xf32, #tpu.memory_space<vmem>>
      %dma_start3A_1276 = arith.constant 0 : i32
      %dma_start3A_1277 = arith.constant 0 : i32
      %dma_start3A_1278 = tpu.memref_slice %arg4[%add3A_887, %dma_start3A_1268, %add3A, %dma_start3A_1276, %dma_start3A_1277] : memref<200x8x32x8x128xf32, #tpu.memory_space<hbm>> -> memref<1x1x1x8x128xf32, #tpu.memory_space<hbm>>
      %dma_start3A_1279 = tpu.memref_squeeze %dma_start3A_1278 : memref<1x1x1x8x128xf32, #tpu.memory_space<hbm>> -> memref<8x128xf32, #tpu.memory_space<hbm>>
      %dma_start3A_1280 = arith.constant 0 : i32
      %dma_start3A_1281 = arith.constant 0 : i32
      %dma_start3A_1282 = tpu.memref_slice %arg4[%add3A_887, %dma_start3A_1268, %add3A, %dma_start3A_1280, %dma_start3A_1281] : memref<200x8x32x8x128xf32, #tpu.memory_space<hbm>> -> memref<1x1x1x8x128xf32, #tpu.memory_space<hbm>>
      %dma_start3A_1283 = tpu.memref_squeeze %dma_start3A_1282 : memref<1x1x1x8x128xf32, #tpu.memory_space<hbm>> -> memref<8x128xf32, #tpu.memory_space<hbm>>
      %dma_start3A_1284 = arith.constant 0 : i32
      %dma_start3A_1285 = arith.constant 0 : i32
      %dma_start3A_1286 = tpu.memref_slice %arg7[%dma_start3A_1267, %dma_start3A_1284, %dma_start3A_1285] : memref<2x64x128xf32, #tpu.memory_space<vmem>> -> memref<1x64x128xf32, #tpu.memory_space<vmem>>
      %dma_start3A_1287 = tpu.memref_squeeze %dma_start3A_1286 : memref<1x64x128xf32, #tpu.memory_space<vmem>> -> memref<64x128xf32, #tpu.memory_space<vmem>>
      %dma_start3A_1288 = arith.constant 56 : i32
      %dma_start3A_1289 = arith.constant 0 : i32
      %dma_start3A_1290 = tpu.memref_slice %dma_start3A_1287[%dma_start3A_1288, %dma_start3A_1289] : memref<64x128xf32, #tpu.memory_space<vmem>> -> memref<8x128xf32, #tpu.memory_space<vmem>>
      tpu.enqueue_dma source(%dma_start3A_1290 : memref<8x128xf32, #tpu.memory_space<vmem>>) target(%dma_start3A_1283 : memref<8x128xf32, #tpu.memory_space<hbm>>) target_semaphore(%arg12 : memref<!tpu.dma_semaphore, #tpu.memory_space<semaphore_mem>>)
      %mul3A_1291 = arith.constant 4 : i32
      %mul3A_1292 = arith.muli %add3A_431, %mul3A_1291 : i32
      %add3A_1293 = arith.constant 3 : i32
      %add3A_1294 = arith.addi %mul3A_1292, %add3A_1293 : i32
      %lt3A_1295 = arith.constant 49 : i32
      %lt3A_1296 = arith.cmpi slt, %add3A_431, %lt3A_1295 : i32
      %convert_element_type3A_1297 = arith.extui %lt3A_1296 : i1 to i32
      %cond3A_1298 = arith.constant 0 : i32
      %cond3A_1299 = arith.cmpi ne, %convert_element_type3A_1297, %cond3A_1298 : i32
      scf.if %cond3A_1299 {
        %add3A_1700 = arith.constant 2 : i32
        %add3A_1701 = arith.addi %add3A_1294, %add3A_1700 : i32
        %dma_start3A_1702 = arith.constant 1 : i32
        %dma_start3A_1703 = arith.constant 0 : i32
        %dma_start3A_1704 = arith.constant 0 : i32
        %dma_start3A_1705 = tpu.memref_slice %arg6[%dma_start3A_1702, %dma_start3A_1703, %dma_start3A_1704] : memref<4x128x128xf32, #tpu.memory_space<vmem>> -> memref<1x128x128xf32, #tpu.memory_space<vmem>>
        %dma_start3A_1706 = tpu.memref_squeeze %dma_start3A_1705 : memref<1x128x128xf32, #tpu.memory_space<vmem>> -> memref<128x128xf32, #tpu.memory_space<vmem>>
        %dma_start3A_1707 = arith.constant 0 : i32
        %dma_start3A_1708 = tpu.memref_slice %arg5[%add3A_1701, %dma_start3A_1707] : memref<200x128xi32, #tpu.memory_space<vmem>> -> memref<1x128xi32, #tpu.memory_space<vmem>>
        %dma_start3A_1709 = tpu.memref_squeeze %dma_start3A_1708 : memref<1x128xi32, #tpu.memory_space<vmem>> -> memref<128xi32, #tpu.memory_space<vmem>>
        %dma_start3A_1710 = arith.constant 0 : i32
        %dma_start3A_1711 = arith.constant 0 : i32
        %dma_start3A_1712 = tpu.memref_slice %arg3[%dma_start3A_1710, %dma_start3A_1711] : memref<1000000x128xf32, #tpu.memory_space<hbm>> -> memref<1000000x128xf32, #tpu.memory_space<hbm>>
        tpu.enqueue_indirect_dma source(%dma_start3A_1712 : memref<1000000x128xf32, #tpu.memory_space<hbm>>) target(%dma_start3A_1706 : memref<128x128xf32, #tpu.memory_space<vmem>>) offsets(%dma_start3A_1709 : memref<128xi32, #tpu.memory_space<vmem>>) semaphore(%arg9 : memref<!tpu.dma_semaphore, #tpu.memory_space<semaphore_mem>>)
      } else {
      }
      %dma_wait3A_1300 = arith.constant 3 : i32
      %dma_wait3A_1301 = arith.constant 0 : i32
      %dma_wait3A_1302 = arith.constant 0 : i32
      %dma_wait3A_1303 = tpu.memref_slice %arg6[%dma_wait3A_1300, %dma_wait3A_1301, %dma_wait3A_1302] : memref<4x128x128xf32, #tpu.memory_space<vmem>> -> memref<1x128x128xf32, #tpu.memory_space<vmem>>
      %dma_wait3A_1304 = tpu.memref_squeeze %dma_wait3A_1303 : memref<1x128x128xf32, #tpu.memory_space<vmem>> -> memref<128x128xf32, #tpu.memory_space<vmem>>
      %dma_wait3A_1305 = arith.constant 0 : i32
      %dma_wait3A_1306 = tpu.memref_slice %arg5[%add3A_1294, %dma_wait3A_1305] : memref<200x128xi32, #tpu.memory_space<vmem>> -> memref<1x128xi32, #tpu.memory_space<vmem>>
      %dma_wait3A_1307 = tpu.memref_squeeze %dma_wait3A_1306 : memref<1x128xi32, #tpu.memory_space<vmem>> -> memref<128xi32, #tpu.memory_space<vmem>>
      %dma_wait3A_1308 = arith.constant 0 : i32
      %dma_wait3A_1309 = arith.constant 0 : i32
      %dma_wait3A_1310 = tpu.memref_slice %arg3[%dma_wait3A_1308, %dma_wait3A_1309] : memref<1000000x128xf32, #tpu.memory_space<hbm>> -> memref<1000000x128xf32, #tpu.memory_space<hbm>>
      tpu.wait_indirect_dma semaphore(%arg11 : memref<!tpu.dma_semaphore, #tpu.memory_space<semaphore_mem>>) src(%dma_wait3A_1310 : memref<1000000x128xf32, #tpu.memory_space<hbm>>) dst(%dma_wait3A_1304 : memref<128x128xf32, #tpu.memory_space<vmem>>)
      %sub3A_1311 = arith.constant 2 : i32
      %sub3A_1312 = arith.subi %add3A_1294, %sub3A_1311 : i32
      %dma_wait3A_1313 = arith.constant 1 : i32
      %dma_wait3A_1314 = arith.constant 0 : i32
      %dma_wait3A_1315 = arith.constant 0 : i32
      %dma_wait3A_1316 = arith.constant 0 : i32
      %dma_wait3A_1317 = tpu.memref_slice %arg7[%dma_wait3A_1313, %dma_wait3A_1315, %dma_wait3A_1316] : memref<2x64x128xf32, #tpu.memory_space<vmem>> -> memref<1x64x128xf32, #tpu.memory_space<vmem>>
      %dma_wait3A_1318 = tpu.memref_squeeze %dma_wait3A_1317 : memref<1x64x128xf32, #tpu.memory_space<vmem>> -> memref<64x128xf32, #tpu.memory_space<vmem>>
      %dma_wait3A_1319 = arith.constant 0 : i32
      %dma_wait3A_1320 = arith.constant 0 : i32
      %dma_wait3A_1321 = tpu.memref_slice %dma_wait3A_1318[%dma_wait3A_1319, %dma_wait3A_1320] : memref<64x128xf32, #tpu.memory_space<vmem>> -> memref<8x128xf32, #tpu.memory_space<vmem>>
      %dma_wait3A_1322 = arith.constant 0 : i32
      %dma_wait3A_1323 = arith.constant 0 : i32
      %dma_wait3A_1324 = tpu.memref_slice %arg4[%sub3A_1312, %dma_wait3A_1314, %add3A, %dma_wait3A_1322, %dma_wait3A_1323] : memref<200x8x32x8x128xf32, #tpu.memory_space<hbm>> -> memref<1x1x1x8x128xf32, #tpu.memory_space<hbm>>
      %dma_wait3A_1325 = tpu.memref_squeeze %dma_wait3A_1324 : memref<1x1x1x8x128xf32, #tpu.memory_space<hbm>> -> memref<8x128xf32, #tpu.memory_space<hbm>>
      %dma_wait3A_1326 = arith.constant 0 : i32
      %dma_wait3A_1327 = arith.constant 0 : i32
      %dma_wait3A_1328 = tpu.memref_slice %arg4[%sub3A_1312, %dma_wait3A_1314, %add3A, %dma_wait3A_1326, %dma_wait3A_1327] : memref<200x8x32x8x128xf32, #tpu.memory_space<hbm>> -> memref<1x1x1x8x128xf32, #tpu.memory_space<hbm>>
      %dma_wait3A_1329 = tpu.memref_squeeze %dma_wait3A_1328 : memref<1x1x1x8x128xf32, #tpu.memory_space<hbm>> -> memref<8x128xf32, #tpu.memory_space<hbm>>
      %dma_wait3A_1330 = arith.constant 0 : i32
      %dma_wait3A_1331 = arith.constant 0 : i32
      %dma_wait3A_1332 = tpu.memref_slice %arg7[%dma_wait3A_1313, %dma_wait3A_1330, %dma_wait3A_1331] : memref<2x64x128xf32, #tpu.memory_space<vmem>> -> memref<1x64x128xf32, #tpu.memory_space<vmem>>
      %dma_wait3A_1333 = tpu.memref_squeeze %dma_wait3A_1332 : memref<1x64x128xf32, #tpu.memory_space<vmem>> -> memref<64x128xf32, #tpu.memory_space<vmem>>
      %dma_wait3A_1334 = arith.constant 0 : i32
      %dma_wait3A_1335 = arith.constant 0 : i32
      %dma_wait3A_1336 = tpu.memref_slice %dma_wait3A_1333[%dma_wait3A_1334, %dma_wait3A_1335] : memref<64x128xf32, #tpu.memory_space<vmem>> -> memref<8x128xf32, #tpu.memory_space<vmem>>
      tpu.wait_dma2 semaphore(%arg13 : memref<!tpu.dma_semaphore, #tpu.memory_space<semaphore_mem>>) src(%dma_wait3A_1336 : memref<8x128xf32, #tpu.memory_space<vmem>>) dst(%dma_wait3A_1329 : memref<8x128xf32, #tpu.memory_space<hbm>>)
      %dma_wait3A_1337 = arith.constant 1 : i32
      %dma_wait3A_1338 = arith.constant 1 : i32
      %dma_wait3A_1339 = arith.constant 0 : i32
      %dma_wait3A_1340 = arith.constant 0 : i32
      %dma_wait3A_1341 = tpu.memref_slice %arg7[%dma_wait3A_1337, %dma_wait3A_1339, %dma_wait3A_1340] : memref<2x64x128xf32, #tpu.memory_space<vmem>> -> memref<1x64x128xf32, #tpu.memory_space<vmem>>
      %dma_wait3A_1342 = tpu.memref_squeeze %dma_wait3A_1341 : memref<1x64x128xf32, #tpu.memory_space<vmem>> -> memref<64x128xf32, #tpu.memory_space<vmem>>
      %dma_wait3A_1343 = arith.constant 8 : i32
      %dma_wait3A_1344 = arith.constant 0 : i32
      %dma_wait3A_1345 = tpu.memref_slice %dma_wait3A_1342[%dma_wait3A_1343, %dma_wait3A_1344] : memref<64x128xf32, #tpu.memory_space<vmem>> -> memref<8x128xf32, #tpu.memory_space<vmem>>
      %dma_wait3A_1346 = arith.constant 0 : i32
      %dma_wait3A_1347 = arith.constant 0 : i32
      %dma_wait3A_1348 = tpu.memref_slice %arg4[%sub3A_1312, %dma_wait3A_1338, %add3A, %dma_wait3A_1346, %dma_wait3A_1347] : memref<200x8x32x8x128xf32, #tpu.memory_space<hbm>> -> memref<1x1x1x8x128xf32, #tpu.memory_space<hbm>>
      %dma_wait3A_1349 = tpu.memref_squeeze %dma_wait3A_1348 : memref<1x1x1x8x128xf32, #tpu.memory_space<hbm>> -> memref<8x128xf32, #tpu.memory_space<hbm>>
      %dma_wait3A_1350 = arith.constant 0 : i32
      %dma_wait3A_1351 = arith.constant 0 : i32
      %dma_wait3A_1352 = tpu.memref_slice %arg4[%sub3A_1312, %dma_wait3A_1338, %add3A, %dma_wait3A_1350, %dma_wait3A_1351] : memref<200x8x32x8x128xf32, #tpu.memory_space<hbm>> -> memref<1x1x1x8x128xf32, #tpu.memory_space<hbm>>
      %dma_wait3A_1353 = tpu.memref_squeeze %dma_wait3A_1352 : memref<1x1x1x8x128xf32, #tpu.memory_space<hbm>> -> memref<8x128xf32, #tpu.memory_space<hbm>>
      %dma_wait3A_1354 = arith.constant 0 : i32
      %dma_wait3A_1355 = arith.constant 0 : i32
      %dma_wait3A_1356 = tpu.memref_slice %arg7[%dma_wait3A_1337, %dma_wait3A_1354, %dma_wait3A_1355] : memref<2x64x128xf32, #tpu.memory_space<vmem>> -> memref<1x64x128xf32, #tpu.memory_space<vmem>>
      %dma_wait3A_1357 = tpu.memref_squeeze %dma_wait3A_1356 : memref<1x64x128xf32, #tpu.memory_space<vmem>> -> memref<64x128xf32, #tpu.memory_space<vmem>>
      %dma_wait3A_1358 = arith.constant 8 : i32
      %dma_wait3A_1359 = arith.constant 0 : i32
      %dma_wait3A_1360 = tpu.memref_slice %dma_wait3A_1357[%dma_wait3A_1358, %dma_wait3A_1359] : memref<64x128xf32, #tpu.memory_space<vmem>> -> memref<8x128xf32, #tpu.memory_space<vmem>>
      tpu.wait_dma2 semaphore(%arg13 : memref<!tpu.dma_semaphore, #tpu.memory_space<semaphore_mem>>) src(%dma_wait3A_1360 : memref<8x128xf32, #tpu.memory_space<vmem>>) dst(%dma_wait3A_1353 : memref<8x128xf32, #tpu.memory_space<hbm>>)
      %dma_wait3A_1361 = arith.constant 1 : i32
      %dma_wait3A_1362 = arith.constant 2 : i32
      %dma_wait3A_1363 = arith.constant 0 : i32
      %dma_wait3A_1364 = arith.constant 0 : i32
      %dma_wait3A_1365 = tpu.memref_slice %arg7[%dma_wait3A_1361, %dma_wait3A_1363, %dma_wait3A_1364] : memref<2x64x128xf32, #tpu.memory_space<vmem>> -> memref<1x64x128xf32, #tpu.memory_space<vmem>>
      %dma_wait3A_1366 = tpu.memref_squeeze %dma_wait3A_1365 : memref<1x64x128xf32, #tpu.memory_space<vmem>> -> memref<64x128xf32, #tpu.memory_space<vmem>>
      %dma_wait3A_1367 = arith.constant 16 : i32
      %dma_wait3A_1368 = arith.constant 0 : i32
      %dma_wait3A_1369 = tpu.memref_slice %dma_wait3A_1366[%dma_wait3A_1367, %dma_wait3A_1368] : memref<64x128xf32, #tpu.memory_space<vmem>> -> memref<8x128xf32, #tpu.memory_space<vmem>>
      %dma_wait3A_1370 = arith.constant 0 : i32
      %dma_wait3A_1371 = arith.constant 0 : i32
      %dma_wait3A_1372 = tpu.memref_slice %arg4[%sub3A_1312, %dma_wait3A_1362, %add3A, %dma_wait3A_1370, %dma_wait3A_1371] : memref<200x8x32x8x128xf32, #tpu.memory_space<hbm>> -> memref<1x1x1x8x128xf32, #tpu.memory_space<hbm>>
      %dma_wait3A_1373 = tpu.memref_squeeze %dma_wait3A_1372 : memref<1x1x1x8x128xf32, #tpu.memory_space<hbm>> -> memref<8x128xf32, #tpu.memory_space<hbm>>
      %dma_wait3A_1374 = arith.constant 0 : i32
      %dma_wait3A_1375 = arith.constant 0 : i32
      %dma_wait3A_1376 = tpu.memref_slice %arg4[%sub3A_1312, %dma_wait3A_1362, %add3A, %dma_wait3A_1374, %dma_wait3A_1375] : memref<200x8x32x8x128xf32, #tpu.memory_space<hbm>> -> memref<1x1x1x8x128xf32, #tpu.memory_space<hbm>>
      %dma_wait3A_1377 = tpu.memref_squeeze %dma_wait3A_1376 : memref<1x1x1x8x128xf32, #tpu.memory_space<hbm>> -> memref<8x128xf32, #tpu.memory_space<hbm>>
      %dma_wait3A_1378 = arith.constant 0 : i32
      %dma_wait3A_1379 = arith.constant 0 : i32
      %dma_wait3A_1380 = tpu.memref_slice %arg7[%dma_wait3A_1361, %dma_wait3A_1378, %dma_wait3A_1379] : memref<2x64x128xf32, #tpu.memory_space<vmem>> -> memref<1x64x128xf32, #tpu.memory_space<vmem>>
      %dma_wait3A_1381 = tpu.memref_squeeze %dma_wait3A_1380 : memref<1x64x128xf32, #tpu.memory_space<vmem>> -> memref<64x128xf32, #tpu.memory_space<vmem>>
      %dma_wait3A_1382 = arith.constant 16 : i32
      %dma_wait3A_1383 = arith.constant 0 : i32
      %dma_wait3A_1384 = tpu.memref_slice %dma_wait3A_1381[%dma_wait3A_1382, %dma_wait3A_1383] : memref<64x128xf32, #tpu.memory_space<vmem>> -> memref<8x128xf32, #tpu.memory_space<vmem>>
      tpu.wait_dma2 semaphore(%arg13 : memref<!tpu.dma_semaphore, #tpu.memory_space<semaphore_mem>>) src(%dma_wait3A_1384 : memref<8x128xf32, #tpu.memory_space<vmem>>) dst(%dma_wait3A_1377 : memref<8x128xf32, #tpu.memory_space<hbm>>)
      %dma_wait3A_1385 = arith.constant 1 : i32
      %dma_wait3A_1386 = arith.constant 3 : i32
      %dma_wait3A_1387 = arith.constant 0 : i32
      %dma_wait3A_1388 = arith.constant 0 : i32
      %dma_wait3A_1389 = tpu.memref_slice %arg7[%dma_wait3A_1385, %dma_wait3A_1387, %dma_wait3A_1388] : memref<2x64x128xf32, #tpu.memory_space<vmem>> -> memref<1x64x128xf32, #tpu.memory_space<vmem>>
      %dma_wait3A_1390 = tpu.memref_squeeze %dma_wait3A_1389 : memref<1x64x128xf32, #tpu.memory_space<vmem>> -> memref<64x128xf32, #tpu.memory_space<vmem>>
      %dma_wait3A_1391 = arith.constant 24 : i32
      %dma_wait3A_1392 = arith.constant 0 : i32
      %dma_wait3A_1393 = tpu.memref_slice %dma_wait3A_1390[%dma_wait3A_1391, %dma_wait3A_1392] : memref<64x128xf32, #tpu.memory_space<vmem>> -> memref<8x128xf32, #tpu.memory_space<vmem>>
      %dma_wait3A_1394 = arith.constant 0 : i32
      %dma_wait3A_1395 = arith.constant 0 : i32
      %dma_wait3A_1396 = tpu.memref_slice %arg4[%sub3A_1312, %dma_wait3A_1386, %add3A, %dma_wait3A_1394, %dma_wait3A_1395] : memref<200x8x32x8x128xf32, #tpu.memory_space<hbm>> -> memref<1x1x1x8x128xf32, #tpu.memory_space<hbm>>
      %dma_wait3A_1397 = tpu.memref_squeeze %dma_wait3A_1396 : memref<1x1x1x8x128xf32, #tpu.memory_space<hbm>> -> memref<8x128xf32, #tpu.memory_space<hbm>>
      %dma_wait3A_1398 = arith.constant 0 : i32
      %dma_wait3A_1399 = arith.constant 0 : i32
      %dma_wait3A_1400 = tpu.memref_slice %arg4[%sub3A_1312, %dma_wait3A_1386, %add3A, %dma_wait3A_1398, %dma_wait3A_1399] : memref<200x8x32x8x128xf32, #tpu.memory_space<hbm>> -> memref<1x1x1x8x128xf32, #tpu.memory_space<hbm>>
      %dma_wait3A_1401 = tpu.memref_squeeze %dma_wait3A_1400 : memref<1x1x1x8x128xf32, #tpu.memory_space<hbm>> -> memref<8x128xf32, #tpu.memory_space<hbm>>
      %dma_wait3A_1402 = arith.constant 0 : i32
      %dma_wait3A_1403 = arith.constant 0 : i32
      %dma_wait3A_1404 = tpu.memref_slice %arg7[%dma_wait3A_1385, %dma_wait3A_1402, %dma_wait3A_1403] : memref<2x64x128xf32, #tpu.memory_space<vmem>> -> memref<1x64x128xf32, #tpu.memory_space<vmem>>
      %dma_wait3A_1405 = tpu.memref_squeeze %dma_wait3A_1404 : memref<1x64x128xf32, #tpu.memory_space<vmem>> -> memref<64x128xf32, #tpu.memory_space<vmem>>
      %dma_wait3A_1406 = arith.constant 24 : i32
      %dma_wait3A_1407 = arith.constant 0 : i32
      %dma_wait3A_1408 = tpu.memref_slice %dma_wait3A_1405[%dma_wait3A_1406, %dma_wait3A_1407] : memref<64x128xf32, #tpu.memory_space<vmem>> -> memref<8x128xf32, #tpu.memory_space<vmem>>
      tpu.wait_dma2 semaphore(%arg13 : memref<!tpu.dma_semaphore, #tpu.memory_space<semaphore_mem>>) src(%dma_wait3A_1408 : memref<8x128xf32, #tpu.memory_space<vmem>>) dst(%dma_wait3A_1401 : memref<8x128xf32, #tpu.memory_space<hbm>>)
      %dma_wait3A_1409 = arith.constant 1 : i32
      %dma_wait3A_1410 = arith.constant 4 : i32
      %dma_wait3A_1411 = arith.constant 0 : i32
      %dma_wait3A_1412 = arith.constant 0 : i32
      %dma_wait3A_1413 = tpu.memref_slice %arg7[%dma_wait3A_1409, %dma_wait3A_1411, %dma_wait3A_1412] : memref<2x64x128xf32, #tpu.memory_space<vmem>> -> memref<1x64x128xf32, #tpu.memory_space<vmem>>
      %dma_wait3A_1414 = tpu.memref_squeeze %dma_wait3A_1413 : memref<1x64x128xf32, #tpu.memory_space<vmem>> -> memref<64x128xf32, #tpu.memory_space<vmem>>
      %dma_wait3A_1415 = arith.constant 32 : i32
      %dma_wait3A_1416 = arith.constant 0 : i32
      %dma_wait3A_1417 = tpu.memref_slice %dma_wait3A_1414[%dma_wait3A_1415, %dma_wait3A_1416] : memref<64x128xf32, #tpu.memory_space<vmem>> -> memref<8x128xf32, #tpu.memory_space<vmem>>
      %dma_wait3A_1418 = arith.constant 0 : i32
      %dma_wait3A_1419 = arith.constant 0 : i32
      %dma_wait3A_1420 = tpu.memref_slice %arg4[%sub3A_1312, %dma_wait3A_1410, %add3A, %dma_wait3A_1418, %dma_wait3A_1419] : memref<200x8x32x8x128xf32, #tpu.memory_space<hbm>> -> memref<1x1x1x8x128xf32, #tpu.memory_space<hbm>>
      %dma_wait3A_1421 = tpu.memref_squeeze %dma_wait3A_1420 : memref<1x1x1x8x128xf32, #tpu.memory_space<hbm>> -> memref<8x128xf32, #tpu.memory_space<hbm>>
      %dma_wait3A_1422 = arith.constant 0 : i32
      %dma_wait3A_1423 = arith.constant 0 : i32
      %dma_wait3A_1424 = tpu.memref_slice %arg4[%sub3A_1312, %dma_wait3A_1410, %add3A, %dma_wait3A_1422, %dma_wait3A_1423] : memref<200x8x32x8x128xf32, #tpu.memory_space<hbm>> -> memref<1x1x1x8x128xf32, #tpu.memory_space<hbm>>
      %dma_wait3A_1425 = tpu.memref_squeeze %dma_wait3A_1424 : memref<1x1x1x8x128xf32, #tpu.memory_space<hbm>> -> memref<8x128xf32, #tpu.memory_space<hbm>>
      %dma_wait3A_1426 = arith.constant 0 : i32
      %dma_wait3A_1427 = arith.constant 0 : i32
      %dma_wait3A_1428 = tpu.memref_slice %arg7[%dma_wait3A_1409, %dma_wait3A_1426, %dma_wait3A_1427] : memref<2x64x128xf32, #tpu.memory_space<vmem>> -> memref<1x64x128xf32, #tpu.memory_space<vmem>>
      %dma_wait3A_1429 = tpu.memref_squeeze %dma_wait3A_1428 : memref<1x64x128xf32, #tpu.memory_space<vmem>> -> memref<64x128xf32, #tpu.memory_space<vmem>>
      %dma_wait3A_1430 = arith.constant 32 : i32
      %dma_wait3A_1431 = arith.constant 0 : i32
      %dma_wait3A_1432 = tpu.memref_slice %dma_wait3A_1429[%dma_wait3A_1430, %dma_wait3A_1431] : memref<64x128xf32, #tpu.memory_space<vmem>> -> memref<8x128xf32, #tpu.memory_space<vmem>>
      tpu.wait_dma2 semaphore(%arg13 : memref<!tpu.dma_semaphore, #tpu.memory_space<semaphore_mem>>) src(%dma_wait3A_1432 : memref<8x128xf32, #tpu.memory_space<vmem>>) dst(%dma_wait3A_1425 : memref<8x128xf32, #tpu.memory_space<hbm>>)
      %dma_wait3A_1433 = arith.constant 1 : i32
      %dma_wait3A_1434 = arith.constant 5 : i32
      %dma_wait3A_1435 = arith.constant 0 : i32
      %dma_wait3A_1436 = arith.constant 0 : i32
      %dma_wait3A_1437 = tpu.memref_slice %arg7[%dma_wait3A_1433, %dma_wait3A_1435, %dma_wait3A_1436] : memref<2x64x128xf32, #tpu.memory_space<vmem>> -> memref<1x64x128xf32, #tpu.memory_space<vmem>>
      %dma_wait3A_1438 = tpu.memref_squeeze %dma_wait3A_1437 : memref<1x64x128xf32, #tpu.memory_space<vmem>> -> memref<64x128xf32, #tpu.memory_space<vmem>>
      %dma_wait3A_1439 = arith.constant 40 : i32
      %dma_wait3A_1440 = arith.constant 0 : i32
      %dma_wait3A_1441 = tpu.memref_slice %dma_wait3A_1438[%dma_wait3A_1439, %dma_wait3A_1440] : memref<64x128xf32, #tpu.memory_space<vmem>> -> memref<8x128xf32, #tpu.memory_space<vmem>>
      %dma_wait3A_1442 = arith.constant 0 : i32
      %dma_wait3A_1443 = arith.constant 0 : i32
      %dma_wait3A_1444 = tpu.memref_slice %arg4[%sub3A_1312, %dma_wait3A_1434, %add3A, %dma_wait3A_1442, %dma_wait3A_1443] : memref<200x8x32x8x128xf32, #tpu.memory_space<hbm>> -> memref<1x1x1x8x128xf32, #tpu.memory_space<hbm>>
      %dma_wait3A_1445 = tpu.memref_squeeze %dma_wait3A_1444 : memref<1x1x1x8x128xf32, #tpu.memory_space<hbm>> -> memref<8x128xf32, #tpu.memory_space<hbm>>
      %dma_wait3A_1446 = arith.constant 0 : i32
      %dma_wait3A_1447 = arith.constant 0 : i32
      %dma_wait3A_1448 = tpu.memref_slice %arg4[%sub3A_1312, %dma_wait3A_1434, %add3A, %dma_wait3A_1446, %dma_wait3A_1447] : memref<200x8x32x8x128xf32, #tpu.memory_space<hbm>> -> memref<1x1x1x8x128xf32, #tpu.memory_space<hbm>>
      %dma_wait3A_1449 = tpu.memref_squeeze %dma_wait3A_1448 : memref<1x1x1x8x128xf32, #tpu.memory_space<hbm>> -> memref<8x128xf32, #tpu.memory_space<hbm>>
      %dma_wait3A_1450 = arith.constant 0 : i32
      %dma_wait3A_1451 = arith.constant 0 : i32
      %dma_wait3A_1452 = tpu.memref_slice %arg7[%dma_wait3A_1433, %dma_wait3A_1450, %dma_wait3A_1451] : memref<2x64x128xf32, #tpu.memory_space<vmem>> -> memref<1x64x128xf32, #tpu.memory_space<vmem>>
      %dma_wait3A_1453 = tpu.memref_squeeze %dma_wait3A_1452 : memref<1x64x128xf32, #tpu.memory_space<vmem>> -> memref<64x128xf32, #tpu.memory_space<vmem>>
      %dma_wait3A_1454 = arith.constant 40 : i32
      %dma_wait3A_1455 = arith.constant 0 : i32
      %dma_wait3A_1456 = tpu.memref_slice %dma_wait3A_1453[%dma_wait3A_1454, %dma_wait3A_1455] : memref<64x128xf32, #tpu.memory_space<vmem>> -> memref<8x128xf32, #tpu.memory_space<vmem>>
      tpu.wait_dma2 semaphore(%arg13 : memref<!tpu.dma_semaphore, #tpu.memory_space<semaphore_mem>>) src(%dma_wait3A_1456 : memref<8x128xf32, #tpu.memory_space<vmem>>) dst(%dma_wait3A_1449 : memref<8x128xf32, #tpu.memory_space<hbm>>)
      %dma_wait3A_1457 = arith.constant 1 : i32
      %dma_wait3A_1458 = arith.constant 6 : i32
      %dma_wait3A_1459 = arith.constant 0 : i32
      %dma_wait3A_1460 = arith.constant 0 : i32
      %dma_wait3A_1461 = tpu.memref_slice %arg7[%dma_wait3A_1457, %dma_wait3A_1459, %dma_wait3A_1460] : memref<2x64x128xf32, #tpu.memory_space<vmem>> -> memref<1x64x128xf32, #tpu.memory_space<vmem>>
      %dma_wait3A_1462 = tpu.memref_squeeze %dma_wait3A_1461 : memref<1x64x128xf32, #tpu.memory_space<vmem>> -> memref<64x128xf32, #tpu.memory_space<vmem>>
      %dma_wait3A_1463 = arith.constant 48 : i32
      %dma_wait3A_1464 = arith.constant 0 : i32
      %dma_wait3A_1465 = tpu.memref_slice %dma_wait3A_1462[%dma_wait3A_1463, %dma_wait3A_1464] : memref<64x128xf32, #tpu.memory_space<vmem>> -> memref<8x128xf32, #tpu.memory_space<vmem>>
      %dma_wait3A_1466 = arith.constant 0 : i32
      %dma_wait3A_1467 = arith.constant 0 : i32
      %dma_wait3A_1468 = tpu.memref_slice %arg4[%sub3A_1312, %dma_wait3A_1458, %add3A, %dma_wait3A_1466, %dma_wait3A_1467] : memref<200x8x32x8x128xf32, #tpu.memory_space<hbm>> -> memref<1x1x1x8x128xf32, #tpu.memory_space<hbm>>
      %dma_wait3A_1469 = tpu.memref_squeeze %dma_wait3A_1468 : memref<1x1x1x8x128xf32, #tpu.memory_space<hbm>> -> memref<8x128xf32, #tpu.memory_space<hbm>>
      %dma_wait3A_1470 = arith.constant 0 : i32
      %dma_wait3A_1471 = arith.constant 0 : i32
      %dma_wait3A_1472 = tpu.memref_slice %arg4[%sub3A_1312, %dma_wait3A_1458, %add3A, %dma_wait3A_1470, %dma_wait3A_1471] : memref<200x8x32x8x128xf32, #tpu.memory_space<hbm>> -> memref<1x1x1x8x128xf32, #tpu.memory_space<hbm>>
      %dma_wait3A_1473 = tpu.memref_squeeze %dma_wait3A_1472 : memref<1x1x1x8x128xf32, #tpu.memory_space<hbm>> -> memref<8x128xf32, #tpu.memory_space<hbm>>
      %dma_wait3A_1474 = arith.constant 0 : i32
      %dma_wait3A_1475 = arith.constant 0 : i32
      %dma_wait3A_1476 = tpu.memref_slice %arg7[%dma_wait3A_1457, %dma_wait3A_1474, %dma_wait3A_1475] : memref<2x64x128xf32, #tpu.memory_space<vmem>> -> memref<1x64x128xf32, #tpu.memory_space<vmem>>
      %dma_wait3A_1477 = tpu.memref_squeeze %dma_wait3A_1476 : memref<1x64x128xf32, #tpu.memory_space<vmem>> -> memref<64x128xf32, #tpu.memory_space<vmem>>
      %dma_wait3A_1478 = arith.constant 48 : i32
      %dma_wait3A_1479 = arith.constant 0 : i32
      %dma_wait3A_1480 = tpu.memref_slice %dma_wait3A_1477[%dma_wait3A_1478, %dma_wait3A_1479] : memref<64x128xf32, #tpu.memory_space<vmem>> -> memref<8x128xf32, #tpu.memory_space<vmem>>
      tpu.wait_dma2 semaphore(%arg13 : memref<!tpu.dma_semaphore, #tpu.memory_space<semaphore_mem>>) src(%dma_wait3A_1480 : memref<8x128xf32, #tpu.memory_space<vmem>>) dst(%dma_wait3A_1473 : memref<8x128xf32, #tpu.memory_space<hbm>>)
      %dma_wait3A_1481 = arith.constant 1 : i32
      %dma_wait3A_1482 = arith.constant 7 : i32
      %dma_wait3A_1483 = arith.constant 0 : i32
      %dma_wait3A_1484 = arith.constant 0 : i32
      %dma_wait3A_1485 = tpu.memref_slice %arg7[%dma_wait3A_1481, %dma_wait3A_1483, %dma_wait3A_1484] : memref<2x64x128xf32, #tpu.memory_space<vmem>> -> memref<1x64x128xf32, #tpu.memory_space<vmem>>
      %dma_wait3A_1486 = tpu.memref_squeeze %dma_wait3A_1485 : memref<1x64x128xf32, #tpu.memory_space<vmem>> -> memref<64x128xf32, #tpu.memory_space<vmem>>
      %dma_wait3A_1487 = arith.constant 56 : i32
      %dma_wait3A_1488 = arith.constant 0 : i32
      %dma_wait3A_1489 = tpu.memref_slice %dma_wait3A_1486[%dma_wait3A_1487, %dma_wait3A_1488] : memref<64x128xf32, #tpu.memory_space<vmem>> -> memref<8x128xf32, #tpu.memory_space<vmem>>
      %dma_wait3A_1490 = arith.constant 0 : i32
      %dma_wait3A_1491 = arith.constant 0 : i32
      %dma_wait3A_1492 = tpu.memref_slice %arg4[%sub3A_1312, %dma_wait3A_1482, %add3A, %dma_wait3A_1490, %dma_wait3A_1491] : memref<200x8x32x8x128xf32, #tpu.memory_space<hbm>> -> memref<1x1x1x8x128xf32, #tpu.memory_space<hbm>>
      %dma_wait3A_1493 = tpu.memref_squeeze %dma_wait3A_1492 : memref<1x1x1x8x128xf32, #tpu.memory_space<hbm>> -> memref<8x128xf32, #tpu.memory_space<hbm>>
      %dma_wait3A_1494 = arith.constant 0 : i32
      %dma_wait3A_1495 = arith.constant 0 : i32
      %dma_wait3A_1496 = tpu.memref_slice %arg4[%sub3A_1312, %dma_wait3A_1482, %add3A, %dma_wait3A_1494, %dma_wait3A_1495] : memref<200x8x32x8x128xf32, #tpu.memory_space<hbm>> -> memref<1x1x1x8x128xf32, #tpu.memory_space<hbm>>
      %dma_wait3A_1497 = tpu.memref_squeeze %dma_wait3A_1496 : memref<1x1x1x8x128xf32, #tpu.memory_space<hbm>> -> memref<8x128xf32, #tpu.memory_space<hbm>>
      %dma_wait3A_1498 = arith.constant 0 : i32
      %dma_wait3A_1499 = arith.constant 0 : i32
      %dma_wait3A_1500 = tpu.memref_slice %arg7[%dma_wait3A_1481, %dma_wait3A_1498, %dma_wait3A_1499] : memref<2x64x128xf32, #tpu.memory_space<vmem>> -> memref<1x64x128xf32, #tpu.memory_space<vmem>>
      %dma_wait3A_1501 = tpu.memref_squeeze %dma_wait3A_1500 : memref<1x64x128xf32, #tpu.memory_space<vmem>> -> memref<64x128xf32, #tpu.memory_space<vmem>>
      %dma_wait3A_1502 = arith.constant 56 : i32
      %dma_wait3A_1503 = arith.constant 0 : i32
      %dma_wait3A_1504 = tpu.memref_slice %dma_wait3A_1501[%dma_wait3A_1502, %dma_wait3A_1503] : memref<64x128xf32, #tpu.memory_space<vmem>> -> memref<8x128xf32, #tpu.memory_space<vmem>>
      tpu.wait_dma2 semaphore(%arg13 : memref<!tpu.dma_semaphore, #tpu.memory_space<semaphore_mem>>) src(%dma_wait3A_1504 : memref<8x128xf32, #tpu.memory_space<vmem>>) dst(%dma_wait3A_1497 : memref<8x128xf32, #tpu.memory_space<hbm>>)
      %parallel_loop3A_1505 = arith.constant 0 : i32
      %parallel_loop3A_1506 = arith.constant 512 : i32
      %parallel_loop3A_1507 = arith.constant 1 : i32
      scf.for %parallel_loop3A_1700 = %parallel_loop3A_1505 to %parallel_loop3A_1506 step %parallel_loop3A_1507  : i32 {
        %parallel_loop3A_1701 = arith.constant 15 : i32
        %parallel_loop3A_1702 = arith.andi %parallel_loop3A_1700, %parallel_loop3A_1701 : i32
        %parallel_loop3A_1703 = arith.constant 4 : i32
        %parallel_loop3A_1704 = arith.shrsi %parallel_loop3A_1700, %parallel_loop3A_1703 : i32
        %parallel_loop3A_1705 = arith.constant 3 : i32
        %parallel_loop3A_1706 = arith.shrsi %parallel_loop3A_1704, %parallel_loop3A_1705 : i32
        %parallel_loop3A_1707 = arith.constant 16 : i32
        %parallel_loop3A_1708 = arith.muli %parallel_loop3A_1706, %parallel_loop3A_1707 : i32
        %parallel_loop3A_1709 = arith.constant 7 : i32
        %parallel_loop3A_1710 = arith.andi %parallel_loop3A_1704, %parallel_loop3A_1709 : i32
        %parallel_loop3A_1711 = arith.constant 16 : i32
        %parallel_loop3A_1712 = arith.muli %parallel_loop3A_1710, %parallel_loop3A_1711 : i32
        %parallel_loop3A_1713 = vector.broadcast %parallel_loop3A_1702 : i32 to vector<16xi32>
        %parallel_loop3A_1714 = arith.addi %iota3A, %parallel_loop3A_1713 : vector<16xi32>
        %parallel_loop3A_1715 = arith.constant 15 : i32
        %parallel_loop3A_1716 = vector.broadcast %parallel_loop3A_1715 : i32 to vector<16xi32>
        %parallel_loop3A_1717 = arith.andi %parallel_loop3A_1714, %parallel_loop3A_1716 : vector<16xi32>
        %parallel_loop3A_1718 = vector.broadcast %parallel_loop3A_1712 : i32 to vector<16xi32>
        %parallel_loop3A_1719 = arith.addi %iota3A, %parallel_loop3A_1718 : vector<16xi32>
        %parallel_loop3A_1720 = vector.broadcast %parallel_loop3A_1708 : i32 to vector<16xi32>
        %parallel_loop3A_1721 = arith.addi %parallel_loop3A_1717, %parallel_loop3A_1720 : vector<16xi32>
        %parallel_loop3A_1722 = arith.constant 3 : i32
        %parallel_loop3A_1723 = arith.constant 0 : i32
        %parallel_loop3A_1724 = arith.constant 0 : i32
        %parallel_loop3A_1725 = tpu.memref_slice %arg6[%parallel_loop3A_1722, %parallel_loop3A_1723, %parallel_loop3A_1724] : memref<4x128x128xf32, #tpu.memory_space<vmem>> -> memref<1x128x128xf32, #tpu.memory_space<vmem>>
        %parallel_loop3A_1726 = tpu.memref_squeeze %parallel_loop3A_1725 : memref<1x128x128xf32, #tpu.memory_space<vmem>> -> memref<128x128xf32, #tpu.memory_space<vmem>>
        %parallel_loop3A_1727 = tpu.vector_load_idx %parallel_loop3A_1726[%parallel_loop3A_1719, %parallel_loop3A_1721] : memref<128x128xf32, #tpu.memory_space<vmem>>[vector<16xi32>, vector<16xi32>], vector<16xf32>,
        %parallel_loop3A_1728 = arith.constant 1 : i32
        %parallel_loop3A_1729 = arith.constant 0 : i32
        %parallel_loop3A_1730 = arith.constant 0 : i32
        %parallel_loop3A_1731 = tpu.memref_slice %arg7[%parallel_loop3A_1728, %parallel_loop3A_1729, %parallel_loop3A_1730] : memref<2x64x128xf32, #tpu.memory_space<vmem>> -> memref<1x64x128xf32, #tpu.memory_space<vmem>>
        %parallel_loop3A_1732 = tpu.memref_squeeze %parallel_loop3A_1731 : memref<1x64x128xf32, #tpu.memory_space<vmem>> -> memref<64x128xf32, #tpu.memory_space<vmem>>
        tpu.vector_store_idx %parallel_loop3A_1732[%parallel_loop3A_1721, %parallel_loop3A_1719], %parallel_loop3A_1727 : memref<64x128xf32, #tpu.memory_space<vmem>>[vector<16xi32>, vector<16xi32>], vector<16xf32>,
      } {sc.loop_unroll_factor = 8 : i64, sc.parallel_access}
      %dma_start3A_1508 = arith.constant 1 : i32
      %dma_start3A_1509 = arith.constant 0 : i32
      %dma_start3A_1510 = arith.constant 0 : i32
      %dma_start3A_1511 = arith.constant 0 : i32
      %dma_start3A_1512 = tpu.memref_slice %arg7[%dma_start3A_1508, %dma_start3A_1510, %dma_start3A_1511] : memref<2x64x128xf32, #tpu.memory_space<vmem>> -> memref<1x64x128xf32, #tpu.memory_space<vmem>>
      %dma_start3A_1513 = tpu.memref_squeeze %dma_start3A_1512 : memref<1x64x128xf32, #tpu.memory_space<vmem>> -> memref<64x128xf32, #tpu.memory_space<vmem>>
      %dma_start3A_1514 = arith.constant 0 : i32
      %dma_start3A_1515 = arith.constant 0 : i32
      %dma_start3A_1516 = tpu.memref_slice %dma_start3A_1513[%dma_start3A_1514, %dma_start3A_1515] : memref<64x128xf32, #tpu.memory_space<vmem>> -> memref<8x128xf32, #tpu.memory_space<vmem>>
      %dma_start3A_1517 = arith.constant 0 : i32
      %dma_start3A_1518 = arith.constant 0 : i32
      %dma_start3A_1519 = tpu.memref_slice %arg4[%add3A_1294, %dma_start3A_1509, %add3A, %dma_start3A_1517, %dma_start3A_1518] : memref<200x8x32x8x128xf32, #tpu.memory_space<hbm>> -> memref<1x1x1x8x128xf32, #tpu.memory_space<hbm>>
      %dma_start3A_1520 = tpu.memref_squeeze %dma_start3A_1519 : memref<1x1x1x8x128xf32, #tpu.memory_space<hbm>> -> memref<8x128xf32, #tpu.memory_space<hbm>>
      %dma_start3A_1521 = arith.constant 0 : i32
      %dma_start3A_1522 = arith.constant 0 : i32
      %dma_start3A_1523 = tpu.memref_slice %arg4[%add3A_1294, %dma_start3A_1509, %add3A, %dma_start3A_1521, %dma_start3A_1522] : memref<200x8x32x8x128xf32, #tpu.memory_space<hbm>> -> memref<1x1x1x8x128xf32, #tpu.memory_space<hbm>>
      %dma_start3A_1524 = tpu.memref_squeeze %dma_start3A_1523 : memref<1x1x1x8x128xf32, #tpu.memory_space<hbm>> -> memref<8x128xf32, #tpu.memory_space<hbm>>
      %dma_start3A_1525 = arith.constant 0 : i32
      %dma_start3A_1526 = arith.constant 0 : i32
      %dma_start3A_1527 = tpu.memref_slice %arg7[%dma_start3A_1508, %dma_start3A_1525, %dma_start3A_1526] : memref<2x64x128xf32, #tpu.memory_space<vmem>> -> memref<1x64x128xf32, #tpu.memory_space<vmem>>
      %dma_start3A_1528 = tpu.memref_squeeze %dma_start3A_1527 : memref<1x64x128xf32, #tpu.memory_space<vmem>> -> memref<64x128xf32, #tpu.memory_space<vmem>>
      %dma_start3A_1529 = arith.constant 0 : i32
      %dma_start3A_1530 = arith.constant 0 : i32
      %dma_start3A_1531 = tpu.memref_slice %dma_start3A_1528[%dma_start3A_1529, %dma_start3A_1530] : memref<64x128xf32, #tpu.memory_space<vmem>> -> memref<8x128xf32, #tpu.memory_space<vmem>>
      tpu.enqueue_dma source(%dma_start3A_1531 : memref<8x128xf32, #tpu.memory_space<vmem>>) target(%dma_start3A_1524 : memref<8x128xf32, #tpu.memory_space<hbm>>) target_semaphore(%arg13 : memref<!tpu.dma_semaphore, #tpu.memory_space<semaphore_mem>>)
      %dma_start3A_1532 = arith.constant 1 : i32
      %dma_start3A_1533 = arith.constant 1 : i32
      %dma_start3A_1534 = arith.constant 0 : i32
      %dma_start3A_1535 = arith.constant 0 : i32
      %dma_start3A_1536 = tpu.memref_slice %arg7[%dma_start3A_1532, %dma_start3A_1534, %dma_start3A_1535] : memref<2x64x128xf32, #tpu.memory_space<vmem>> -> memref<1x64x128xf32, #tpu.memory_space<vmem>>
      %dma_start3A_1537 = tpu.memref_squeeze %dma_start3A_1536 : memref<1x64x128xf32, #tpu.memory_space<vmem>> -> memref<64x128xf32, #tpu.memory_space<vmem>>
      %dma_start3A_1538 = arith.constant 8 : i32
      %dma_start3A_1539 = arith.constant 0 : i32
      %dma_start3A_1540 = tpu.memref_slice %dma_start3A_1537[%dma_start3A_1538, %dma_start3A_1539] : memref<64x128xf32, #tpu.memory_space<vmem>> -> memref<8x128xf32, #tpu.memory_space<vmem>>
      %dma_start3A_1541 = arith.constant 0 : i32
      %dma_start3A_1542 = arith.constant 0 : i32
      %dma_start3A_1543 = tpu.memref_slice %arg4[%add3A_1294, %dma_start3A_1533, %add3A, %dma_start3A_1541, %dma_start3A_1542] : memref<200x8x32x8x128xf32, #tpu.memory_space<hbm>> -> memref<1x1x1x8x128xf32, #tpu.memory_space<hbm>>
      %dma_start3A_1544 = tpu.memref_squeeze %dma_start3A_1543 : memref<1x1x1x8x128xf32, #tpu.memory_space<hbm>> -> memref<8x128xf32, #tpu.memory_space<hbm>>
      %dma_start3A_1545 = arith.constant 0 : i32
      %dma_start3A_1546 = arith.constant 0 : i32
      %dma_start3A_1547 = tpu.memref_slice %arg4[%add3A_1294, %dma_start3A_1533, %add3A, %dma_start3A_1545, %dma_start3A_1546] : memref<200x8x32x8x128xf32, #tpu.memory_space<hbm>> -> memref<1x1x1x8x128xf32, #tpu.memory_space<hbm>>
      %dma_start3A_1548 = tpu.memref_squeeze %dma_start3A_1547 : memref<1x1x1x8x128xf32, #tpu.memory_space<hbm>> -> memref<8x128xf32, #tpu.memory_space<hbm>>
      %dma_start3A_1549 = arith.constant 0 : i32
      %dma_start3A_1550 = arith.constant 0 : i32
      %dma_start3A_1551 = tpu.memref_slice %arg7[%dma_start3A_1532, %dma_start3A_1549, %dma_start3A_1550] : memref<2x64x128xf32, #tpu.memory_space<vmem>> -> memref<1x64x128xf32, #tpu.memory_space<vmem>>
      %dma_start3A_1552 = tpu.memref_squeeze %dma_start3A_1551 : memref<1x64x128xf32, #tpu.memory_space<vmem>> -> memref<64x128xf32, #tpu.memory_space<vmem>>
      %dma_start3A_1553 = arith.constant 8 : i32
      %dma_start3A_1554 = arith.constant 0 : i32
      %dma_start3A_1555 = tpu.memref_slice %dma_start3A_1552[%dma_start3A_1553, %dma_start3A_1554] : memref<64x128xf32, #tpu.memory_space<vmem>> -> memref<8x128xf32, #tpu.memory_space<vmem>>
      tpu.enqueue_dma source(%dma_start3A_1555 : memref<8x128xf32, #tpu.memory_space<vmem>>) target(%dma_start3A_1548 : memref<8x128xf32, #tpu.memory_space<hbm>>) target_semaphore(%arg13 : memref<!tpu.dma_semaphore, #tpu.memory_space<semaphore_mem>>)
      %dma_start3A_1556 = arith.constant 1 : i32
      %dma_start3A_1557 = arith.constant 2 : i32
      %dma_start3A_1558 = arith.constant 0 : i32
      %dma_start3A_1559 = arith.constant 0 : i32
      %dma_start3A_1560 = tpu.memref_slice %arg7[%dma_start3A_1556, %dma_start3A_1558, %dma_start3A_1559] : memref<2x64x128xf32, #tpu.memory_space<vmem>> -> memref<1x64x128xf32, #tpu.memory_space<vmem>>
      %dma_start3A_1561 = tpu.memref_squeeze %dma_start3A_1560 : memref<1x64x128xf32, #tpu.memory_space<vmem>> -> memref<64x128xf32, #tpu.memory_space<vmem>>
      %dma_start3A_1562 = arith.constant 16 : i32
      %dma_start3A_1563 = arith.constant 0 : i32
      %dma_start3A_1564 = tpu.memref_slice %dma_start3A_1561[%dma_start3A_1562, %dma_start3A_1563] : memref<64x128xf32, #tpu.memory_space<vmem>> -> memref<8x128xf32, #tpu.memory_space<vmem>>
      %dma_start3A_1565 = arith.constant 0 : i32
      %dma_start3A_1566 = arith.constant 0 : i32
      %dma_start3A_1567 = tpu.memref_slice %arg4[%add3A_1294, %dma_start3A_1557, %add3A, %dma_start3A_1565, %dma_start3A_1566] : memref<200x8x32x8x128xf32, #tpu.memory_space<hbm>> -> memref<1x1x1x8x128xf32, #tpu.memory_space<hbm>>
      %dma_start3A_1568 = tpu.memref_squeeze %dma_start3A_1567 : memref<1x1x1x8x128xf32, #tpu.memory_space<hbm>> -> memref<8x128xf32, #tpu.memory_space<hbm>>
      %dma_start3A_1569 = arith.constant 0 : i32
      %dma_start3A_1570 = arith.constant 0 : i32
      %dma_start3A_1571 = tpu.memref_slice %arg4[%add3A_1294, %dma_start3A_1557, %add3A, %dma_start3A_1569, %dma_start3A_1570] : memref<200x8x32x8x128xf32, #tpu.memory_space<hbm>> -> memref<1x1x1x8x128xf32, #tpu.memory_space<hbm>>
      %dma_start3A_1572 = tpu.memref_squeeze %dma_start3A_1571 : memref<1x1x1x8x128xf32, #tpu.memory_space<hbm>> -> memref<8x128xf32, #tpu.memory_space<hbm>>
      %dma_start3A_1573 = arith.constant 0 : i32
      %dma_start3A_1574 = arith.constant 0 : i32
      %dma_start3A_1575 = tpu.memref_slice %arg7[%dma_start3A_1556, %dma_start3A_1573, %dma_start3A_1574] : memref<2x64x128xf32, #tpu.memory_space<vmem>> -> memref<1x64x128xf32, #tpu.memory_space<vmem>>
      %dma_start3A_1576 = tpu.memref_squeeze %dma_start3A_1575 : memref<1x64x128xf32, #tpu.memory_space<vmem>> -> memref<64x128xf32, #tpu.memory_space<vmem>>
      %dma_start3A_1577 = arith.constant 16 : i32
      %dma_start3A_1578 = arith.constant 0 : i32
      %dma_start3A_1579 = tpu.memref_slice %dma_start3A_1576[%dma_start3A_1577, %dma_start3A_1578] : memref<64x128xf32, #tpu.memory_space<vmem>> -> memref<8x128xf32, #tpu.memory_space<vmem>>
      tpu.enqueue_dma source(%dma_start3A_1579 : memref<8x128xf32, #tpu.memory_space<vmem>>) target(%dma_start3A_1572 : memref<8x128xf32, #tpu.memory_space<hbm>>) target_semaphore(%arg13 : memref<!tpu.dma_semaphore, #tpu.memory_space<semaphore_mem>>)
      %dma_start3A_1580 = arith.constant 1 : i32
      %dma_start3A_1581 = arith.constant 3 : i32
      %dma_start3A_1582 = arith.constant 0 : i32
      %dma_start3A_1583 = arith.constant 0 : i32
      %dma_start3A_1584 = tpu.memref_slice %arg7[%dma_start3A_1580, %dma_start3A_1582, %dma_start3A_1583] : memref<2x64x128xf32, #tpu.memory_space<vmem>> -> memref<1x64x128xf32, #tpu.memory_space<vmem>>
      %dma_start3A_1585 = tpu.memref_squeeze %dma_start3A_1584 : memref<1x64x128xf32, #tpu.memory_space<vmem>> -> memref<64x128xf32, #tpu.memory_space<vmem>>
      %dma_start3A_1586 = arith.constant 24 : i32
      %dma_start3A_1587 = arith.constant 0 : i32
      %dma_start3A_1588 = tpu.memref_slice %dma_start3A_1585[%dma_start3A_1586, %dma_start3A_1587] : memref<64x128xf32, #tpu.memory_space<vmem>> -> memref<8x128xf32, #tpu.memory_space<vmem>>
      %dma_start3A_1589 = arith.constant 0 : i32
      %dma_start3A_1590 = arith.constant 0 : i32
      %dma_start3A_1591 = tpu.memref_slice %arg4[%add3A_1294, %dma_start3A_1581, %add3A, %dma_start3A_1589, %dma_start3A_1590] : memref<200x8x32x8x128xf32, #tpu.memory_space<hbm>> -> memref<1x1x1x8x128xf32, #tpu.memory_space<hbm>>
      %dma_start3A_1592 = tpu.memref_squeeze %dma_start3A_1591 : memref<1x1x1x8x128xf32, #tpu.memory_space<hbm>> -> memref<8x128xf32, #tpu.memory_space<hbm>>
      %dma_start3A_1593 = arith.constant 0 : i32
      %dma_start3A_1594 = arith.constant 0 : i32
      %dma_start3A_1595 = tpu.memref_slice %arg4[%add3A_1294, %dma_start3A_1581, %add3A, %dma_start3A_1593, %dma_start3A_1594] : memref<200x8x32x8x128xf32, #tpu.memory_space<hbm>> -> memref<1x1x1x8x128xf32, #tpu.memory_space<hbm>>
      %dma_start3A_1596 = tpu.memref_squeeze %dma_start3A_1595 : memref<1x1x1x8x128xf32, #tpu.memory_space<hbm>> -> memref<8x128xf32, #tpu.memory_space<hbm>>
      %dma_start3A_1597 = arith.constant 0 : i32
      %dma_start3A_1598 = arith.constant 0 : i32
      %dma_start3A_1599 = tpu.memref_slice %arg7[%dma_start3A_1580, %dma_start3A_1597, %dma_start3A_1598] : memref<2x64x128xf32, #tpu.memory_space<vmem>> -> memref<1x64x128xf32, #tpu.memory_space<vmem>>
      %dma_start3A_1600 = tpu.memref_squeeze %dma_start3A_1599 : memref<1x64x128xf32, #tpu.memory_space<vmem>> -> memref<64x128xf32, #tpu.memory_space<vmem>>
      %dma_start3A_1601 = arith.constant 24 : i32
      %dma_start3A_1602 = arith.constant 0 : i32
      %dma_start3A_1603 = tpu.memref_slice %dma_start3A_1600[%dma_start3A_1601, %dma_start3A_1602] : memref<64x128xf32, #tpu.memory_space<vmem>> -> memref<8x128xf32, #tpu.memory_space<vmem>>
      tpu.enqueue_dma source(%dma_start3A_1603 : memref<8x128xf32, #tpu.memory_space<vmem>>) target(%dma_start3A_1596 : memref<8x128xf32, #tpu.memory_space<hbm>>) target_semaphore(%arg13 : memref<!tpu.dma_semaphore, #tpu.memory_space<semaphore_mem>>)
      %dma_start3A_1604 = arith.constant 1 : i32
      %dma_start3A_1605 = arith.constant 4 : i32
      %dma_start3A_1606 = arith.constant 0 : i32
      %dma_start3A_1607 = arith.constant 0 : i32
      %dma_start3A_1608 = tpu.memref_slice %arg7[%dma_start3A_1604, %dma_start3A_1606, %dma_start3A_1607] : memref<2x64x128xf32, #tpu.memory_space<vmem>> -> memref<1x64x128xf32, #tpu.memory_space<vmem>>
      %dma_start3A_1609 = tpu.memref_squeeze %dma_start3A_1608 : memref<1x64x128xf32, #tpu.memory_space<vmem>> -> memref<64x128xf32, #tpu.memory_space<vmem>>
      %dma_start3A_1610 = arith.constant 32 : i32
      %dma_start3A_1611 = arith.constant 0 : i32
      %dma_start3A_1612 = tpu.memref_slice %dma_start3A_1609[%dma_start3A_1610, %dma_start3A_1611] : memref<64x128xf32, #tpu.memory_space<vmem>> -> memref<8x128xf32, #tpu.memory_space<vmem>>
      %dma_start3A_1613 = arith.constant 0 : i32
      %dma_start3A_1614 = arith.constant 0 : i32
      %dma_start3A_1615 = tpu.memref_slice %arg4[%add3A_1294, %dma_start3A_1605, %add3A, %dma_start3A_1613, %dma_start3A_1614] : memref<200x8x32x8x128xf32, #tpu.memory_space<hbm>> -> memref<1x1x1x8x128xf32, #tpu.memory_space<hbm>>
      %dma_start3A_1616 = tpu.memref_squeeze %dma_start3A_1615 : memref<1x1x1x8x128xf32, #tpu.memory_space<hbm>> -> memref<8x128xf32, #tpu.memory_space<hbm>>
      %dma_start3A_1617 = arith.constant 0 : i32
      %dma_start3A_1618 = arith.constant 0 : i32
      %dma_start3A_1619 = tpu.memref_slice %arg4[%add3A_1294, %dma_start3A_1605, %add3A, %dma_start3A_1617, %dma_start3A_1618] : memref<200x8x32x8x128xf32, #tpu.memory_space<hbm>> -> memref<1x1x1x8x128xf32, #tpu.memory_space<hbm>>
      %dma_start3A_1620 = tpu.memref_squeeze %dma_start3A_1619 : memref<1x1x1x8x128xf32, #tpu.memory_space<hbm>> -> memref<8x128xf32, #tpu.memory_space<hbm>>
      %dma_start3A_1621 = arith.constant 0 : i32
      %dma_start3A_1622 = arith.constant 0 : i32
      %dma_start3A_1623 = tpu.memref_slice %arg7[%dma_start3A_1604, %dma_start3A_1621, %dma_start3A_1622] : memref<2x64x128xf32, #tpu.memory_space<vmem>> -> memref<1x64x128xf32, #tpu.memory_space<vmem>>
      %dma_start3A_1624 = tpu.memref_squeeze %dma_start3A_1623 : memref<1x64x128xf32, #tpu.memory_space<vmem>> -> memref<64x128xf32, #tpu.memory_space<vmem>>
      %dma_start3A_1625 = arith.constant 32 : i32
      %dma_start3A_1626 = arith.constant 0 : i32
      %dma_start3A_1627 = tpu.memref_slice %dma_start3A_1624[%dma_start3A_1625, %dma_start3A_1626] : memref<64x128xf32, #tpu.memory_space<vmem>> -> memref<8x128xf32, #tpu.memory_space<vmem>>
      tpu.enqueue_dma source(%dma_start3A_1627 : memref<8x128xf32, #tpu.memory_space<vmem>>) target(%dma_start3A_1620 : memref<8x128xf32, #tpu.memory_space<hbm>>) target_semaphore(%arg13 : memref<!tpu.dma_semaphore, #tpu.memory_space<semaphore_mem>>)
      %dma_start3A_1628 = arith.constant 1 : i32
      %dma_start3A_1629 = arith.constant 5 : i32
      %dma_start3A_1630 = arith.constant 0 : i32
      %dma_start3A_1631 = arith.constant 0 : i32
      %dma_start3A_1632 = tpu.memref_slice %arg7[%dma_start3A_1628, %dma_start3A_1630, %dma_start3A_1631] : memref<2x64x128xf32, #tpu.memory_space<vmem>> -> memref<1x64x128xf32, #tpu.memory_space<vmem>>
      %dma_start3A_1633 = tpu.memref_squeeze %dma_start3A_1632 : memref<1x64x128xf32, #tpu.memory_space<vmem>> -> memref<64x128xf32, #tpu.memory_space<vmem>>
      %dma_start3A_1634 = arith.constant 40 : i32
      %dma_start3A_1635 = arith.constant 0 : i32
      %dma_start3A_1636 = tpu.memref_slice %dma_start3A_1633[%dma_start3A_1634, %dma_start3A_1635] : memref<64x128xf32, #tpu.memory_space<vmem>> -> memref<8x128xf32, #tpu.memory_space<vmem>>
      %dma_start3A_1637 = arith.constant 0 : i32
      %dma_start3A_1638 = arith.constant 0 : i32
      %dma_start3A_1639 = tpu.memref_slice %arg4[%add3A_1294, %dma_start3A_1629, %add3A, %dma_start3A_1637, %dma_start3A_1638] : memref<200x8x32x8x128xf32, #tpu.memory_space<hbm>> -> memref<1x1x1x8x128xf32, #tpu.memory_space<hbm>>
      %dma_start3A_1640 = tpu.memref_squeeze %dma_start3A_1639 : memref<1x1x1x8x128xf32, #tpu.memory_space<hbm>> -> memref<8x128xf32, #tpu.memory_space<hbm>>
      %dma_start3A_1641 = arith.constant 0 : i32
      %dma_start3A_1642 = arith.constant 0 : i32
      %dma_start3A_1643 = tpu.memref_slice %arg4[%add3A_1294, %dma_start3A_1629, %add3A, %dma_start3A_1641, %dma_start3A_1642] : memref<200x8x32x8x128xf32, #tpu.memory_space<hbm>> -> memref<1x1x1x8x128xf32, #tpu.memory_space<hbm>>
      %dma_start3A_1644 = tpu.memref_squeeze %dma_start3A_1643 : memref<1x1x1x8x128xf32, #tpu.memory_space<hbm>> -> memref<8x128xf32, #tpu.memory_space<hbm>>
      %dma_start3A_1645 = arith.constant 0 : i32
      %dma_start3A_1646 = arith.constant 0 : i32
      %dma_start3A_1647 = tpu.memref_slice %arg7[%dma_start3A_1628, %dma_start3A_1645, %dma_start3A_1646] : memref<2x64x128xf32, #tpu.memory_space<vmem>> -> memref<1x64x128xf32, #tpu.memory_space<vmem>>
      %dma_start3A_1648 = tpu.memref_squeeze %dma_start3A_1647 : memref<1x64x128xf32, #tpu.memory_space<vmem>> -> memref<64x128xf32, #tpu.memory_space<vmem>>
      %dma_start3A_1649 = arith.constant 40 : i32
      %dma_start3A_1650 = arith.constant 0 : i32
      %dma_start3A_1651 = tpu.memref_slice %dma_start3A_1648[%dma_start3A_1649, %dma_start3A_1650] : memref<64x128xf32, #tpu.memory_space<vmem>> -> memref<8x128xf32, #tpu.memory_space<vmem>>
      tpu.enqueue_dma source(%dma_start3A_1651 : memref<8x128xf32, #tpu.memory_space<vmem>>) target(%dma_start3A_1644 : memref<8x128xf32, #tpu.memory_space<hbm>>) target_semaphore(%arg13 : memref<!tpu.dma_semaphore, #tpu.memory_space<semaphore_mem>>)
      %dma_start3A_1652 = arith.constant 1 : i32
      %dma_start3A_1653 = arith.constant 6 : i32
      %dma_start3A_1654 = arith.constant 0 : i32
      %dma_start3A_1655 = arith.constant 0 : i32
      %dma_start3A_1656 = tpu.memref_slice %arg7[%dma_start3A_1652, %dma_start3A_1654, %dma_start3A_1655] : memref<2x64x128xf32, #tpu.memory_space<vmem>> -> memref<1x64x128xf32, #tpu.memory_space<vmem>>
      %dma_start3A_1657 = tpu.memref_squeeze %dma_start3A_1656 : memref<1x64x128xf32, #tpu.memory_space<vmem>> -> memref<64x128xf32, #tpu.memory_space<vmem>>
      %dma_start3A_1658 = arith.constant 48 : i32
      %dma_start3A_1659 = arith.constant 0 : i32
      %dma_start3A_1660 = tpu.memref_slice %dma_start3A_1657[%dma_start3A_1658, %dma_start3A_1659] : memref<64x128xf32, #tpu.memory_space<vmem>> -> memref<8x128xf32, #tpu.memory_space<vmem>>
      %dma_start3A_1661 = arith.constant 0 : i32
      %dma_start3A_1662 = arith.constant 0 : i32
      %dma_start3A_1663 = tpu.memref_slice %arg4[%add3A_1294, %dma_start3A_1653, %add3A, %dma_start3A_1661, %dma_start3A_1662] : memref<200x8x32x8x128xf32, #tpu.memory_space<hbm>> -> memref<1x1x1x8x128xf32, #tpu.memory_space<hbm>>
      %dma_start3A_1664 = tpu.memref_squeeze %dma_start3A_1663 : memref<1x1x1x8x128xf32, #tpu.memory_space<hbm>> -> memref<8x128xf32, #tpu.memory_space<hbm>>
      %dma_start3A_1665 = arith.constant 0 : i32
      %dma_start3A_1666 = arith.constant 0 : i32
      %dma_start3A_1667 = tpu.memref_slice %arg4[%add3A_1294, %dma_start3A_1653, %add3A, %dma_start3A_1665, %dma_start3A_1666] : memref<200x8x32x8x128xf32, #tpu.memory_space<hbm>> -> memref<1x1x1x8x128xf32, #tpu.memory_space<hbm>>
      %dma_start3A_1668 = tpu.memref_squeeze %dma_start3A_1667 : memref<1x1x1x8x128xf32, #tpu.memory_space<hbm>> -> memref<8x128xf32, #tpu.memory_space<hbm>>
      %dma_start3A_1669 = arith.constant 0 : i32
      %dma_start3A_1670 = arith.constant 0 : i32
      %dma_start3A_1671 = tpu.memref_slice %arg7[%dma_start3A_1652, %dma_start3A_1669, %dma_start3A_1670] : memref<2x64x128xf32, #tpu.memory_space<vmem>> -> memref<1x64x128xf32, #tpu.memory_space<vmem>>
      %dma_start3A_1672 = tpu.memref_squeeze %dma_start3A_1671 : memref<1x64x128xf32, #tpu.memory_space<vmem>> -> memref<64x128xf32, #tpu.memory_space<vmem>>
      %dma_start3A_1673 = arith.constant 48 : i32
      %dma_start3A_1674 = arith.constant 0 : i32
      %dma_start3A_1675 = tpu.memref_slice %dma_start3A_1672[%dma_start3A_1673, %dma_start3A_1674] : memref<64x128xf32, #tpu.memory_space<vmem>> -> memref<8x128xf32, #tpu.memory_space<vmem>>
      tpu.enqueue_dma source(%dma_start3A_1675 : memref<8x128xf32, #tpu.memory_space<vmem>>) target(%dma_start3A_1668 : memref<8x128xf32, #tpu.memory_space<hbm>>) target_semaphore(%arg13 : memref<!tpu.dma_semaphore, #tpu.memory_space<semaphore_mem>>)
      %dma_start3A_1676 = arith.constant 1 : i32
      %dma_start3A_1677 = arith.constant 7 : i32
      %dma_start3A_1678 = arith.constant 0 : i32
      %dma_start3A_1679 = arith.constant 0 : i32
      %dma_start3A_1680 = tpu.memref_slice %arg7[%dma_start3A_1676, %dma_start3A_1678, %dma_start3A_1679] : memref<2x64x128xf32, #tpu.memory_space<vmem>> -> memref<1x64x128xf32, #tpu.memory_space<vmem>>
      %dma_start3A_1681 = tpu.memref_squeeze %dma_start3A_1680 : memref<1x64x128xf32, #tpu.memory_space<vmem>> -> memref<64x128xf32, #tpu.memory_space<vmem>>
      %dma_start3A_1682 = arith.constant 56 : i32
      %dma_start3A_1683 = arith.constant 0 : i32
      %dma_start3A_1684 = tpu.memref_slice %dma_start3A_1681[%dma_start3A_1682, %dma_start3A_1683] : memref<64x128xf32, #tpu.memory_space<vmem>> -> memref<8x128xf32, #tpu.memory_space<vmem>>
      %dma_start3A_1685 = arith.constant 0 : i32
      %dma_start3A_1686 = arith.constant 0 : i32
      %dma_start3A_1687 = tpu.memref_slice %arg4[%add3A_1294, %dma_start3A_1677, %add3A, %dma_start3A_1685, %dma_start3A_1686] : memref<200x8x32x8x128xf32, #tpu.memory_space<hbm>> -> memref<1x1x1x8x128xf32, #tpu.memory_space<hbm>>
      %dma_start3A_1688 = tpu.memref_squeeze %dma_start3A_1687 : memref<1x1x1x8x128xf32, #tpu.memory_space<hbm>> -> memref<8x128xf32, #tpu.memory_space<hbm>>
      %dma_start3A_1689 = arith.constant 0 : i32
      %dma_start3A_1690 = arith.constant 0 : i32
      %dma_start3A_1691 = tpu.memref_slice %arg4[%add3A_1294, %dma_start3A_1677, %add3A, %dma_start3A_1689, %dma_start3A_1690] : memref<200x8x32x8x128xf32, #tpu.memory_space<hbm>> -> memref<1x1x1x8x128xf32, #tpu.memory_space<hbm>>
      %dma_start3A_1692 = tpu.memref_squeeze %dma_start3A_1691 : memref<1x1x1x8x128xf32, #tpu.memory_space<hbm>> -> memref<8x128xf32, #tpu.memory_space<hbm>>
      %dma_start3A_1693 = arith.constant 0 : i32
      %dma_start3A_1694 = arith.constant 0 : i32
      %dma_start3A_1695 = tpu.memref_slice %arg7[%dma_start3A_1676, %dma_start3A_1693, %dma_start3A_1694] : memref<2x64x128xf32, #tpu.memory_space<vmem>> -> memref<1x64x128xf32, #tpu.memory_space<vmem>>
      %dma_start3A_1696 = tpu.memref_squeeze %dma_start3A_1695 : memref<1x64x128xf32, #tpu.memory_space<vmem>> -> memref<64x128xf32, #tpu.memory_space<vmem>>
      %dma_start3A_1697 = arith.constant 56 : i32
      %dma_start3A_1698 = arith.constant 0 : i32
      %dma_start3A_1699 = tpu.memref_slice %dma_start3A_1696[%dma_start3A_1697, %dma_start3A_1698] : memref<64x128xf32, #tpu.memory_space<vmem>> -> memref<8x128xf32, #tpu.memory_space<vmem>>
      tpu.enqueue_dma source(%dma_start3A_1699 : memref<8x128xf32, #tpu.memory_space<vmem>>) target(%dma_start3A_1692 : memref<8x128xf32, #tpu.memory_space<hbm>>) target_semaphore(%arg13 : memref<!tpu.dma_semaphore, #tpu.memory_space<semaphore_mem>>)
    }
    %scan3A_27 = arith.constant 50 : i32
    %dma_wait3A = arith.constant 0 : i32
    %dma_wait3A_28 = arith.constant 198 : i32
    %dma_wait3A_29 = arith.constant 0 : i32
    %dma_wait3A_30 = arith.constant 0 : i32
    %dma_wait3A_31 = arith.constant 0 : i32
    %dma_wait3A_32 = tpu.memref_slice %arg7[%dma_wait3A, %dma_wait3A_30, %dma_wait3A_31] : memref<2x64x128xf32, #tpu.memory_space<vmem>> -> memref<1x64x128xf32, #tpu.memory_space<vmem>>
    %dma_wait3A_33 = tpu.memref_squeeze %dma_wait3A_32 : memref<1x64x128xf32, #tpu.memory_space<vmem>> -> memref<64x128xf32, #tpu.memory_space<vmem>>
    %dma_wait3A_34 = arith.constant 0 : i32
    %dma_wait3A_35 = arith.constant 0 : i32
    %dma_wait3A_36 = tpu.memref_slice %dma_wait3A_33[%dma_wait3A_34, %dma_wait3A_35] : memref<64x128xf32, #tpu.memory_space<vmem>> -> memref<8x128xf32, #tpu.memory_space<vmem>>
    %dma_wait3A_37 = arith.constant 0 : i32
    %dma_wait3A_38 = arith.constant 0 : i32
    %dma_wait3A_39 = tpu.memref_slice %arg4[%dma_wait3A_28, %dma_wait3A_29, %add3A, %dma_wait3A_37, %dma_wait3A_38] : memref<200x8x32x8x128xf32, #tpu.memory_space<hbm>> -> memref<1x1x1x8x128xf32, #tpu.memory_space<hbm>>
    %dma_wait3A_40 = tpu.memref_squeeze %dma_wait3A_39 : memref<1x1x1x8x128xf32, #tpu.memory_space<hbm>> -> memref<8x128xf32, #tpu.memory_space<hbm>>
    %dma_wait3A_41 = arith.constant 0 : i32
    %dma_wait3A_42 = arith.constant 0 : i32
    %dma_wait3A_43 = tpu.memref_slice %arg4[%dma_wait3A_28, %dma_wait3A_29, %add3A, %dma_wait3A_41, %dma_wait3A_42] : memref<200x8x32x8x128xf32, #tpu.memory_space<hbm>> -> memref<1x1x1x8x128xf32, #tpu.memory_space<hbm>>
    %dma_wait3A_44 = tpu.memref_squeeze %dma_wait3A_43 : memref<1x1x1x8x128xf32, #tpu.memory_space<hbm>> -> memref<8x128xf32, #tpu.memory_space<hbm>>
    %dma_wait3A_45 = arith.constant 0 : i32
    %dma_wait3A_46 = arith.constant 0 : i32
    %dma_wait3A_47 = tpu.memref_slice %arg7[%dma_wait3A, %dma_wait3A_45, %dma_wait3A_46] : memref<2x64x128xf32, #tpu.memory_space<vmem>> -> memref<1x64x128xf32, #tpu.memory_space<vmem>>
    %dma_wait3A_48 = tpu.memref_squeeze %dma_wait3A_47 : memref<1x64x128xf32, #tpu.memory_space<vmem>> -> memref<64x128xf32, #tpu.memory_space<vmem>>
    %dma_wait3A_49 = arith.constant 0 : i32
    %dma_wait3A_50 = arith.constant 0 : i32
    %dma_wait3A_51 = tpu.memref_slice %dma_wait3A_48[%dma_wait3A_49, %dma_wait3A_50] : memref<64x128xf32, #tpu.memory_space<vmem>> -> memref<8x128xf32, #tpu.memory_space<vmem>>
    tpu.wait_dma2 semaphore(%arg12 : memref<!tpu.dma_semaphore, #tpu.memory_space<semaphore_mem>>) src(%dma_wait3A_51 : memref<8x128xf32, #tpu.memory_space<vmem>>) dst(%dma_wait3A_44 : memref<8x128xf32, #tpu.memory_space<hbm>>)
    %dma_wait3A_52 = arith.constant 0 : i32
    %dma_wait3A_53 = arith.constant 198 : i32
    %dma_wait3A_54 = arith.constant 1 : i32
    %dma_wait3A_55 = arith.constant 0 : i32
    %dma_wait3A_56 = arith.constant 0 : i32
    %dma_wait3A_57 = tpu.memref_slice %arg7[%dma_wait3A_52, %dma_wait3A_55, %dma_wait3A_56] : memref<2x64x128xf32, #tpu.memory_space<vmem>> -> memref<1x64x128xf32, #tpu.memory_space<vmem>>
    %dma_wait3A_58 = tpu.memref_squeeze %dma_wait3A_57 : memref<1x64x128xf32, #tpu.memory_space<vmem>> -> memref<64x128xf32, #tpu.memory_space<vmem>>
    %dma_wait3A_59 = arith.constant 8 : i32
    %dma_wait3A_60 = arith.constant 0 : i32
    %dma_wait3A_61 = tpu.memref_slice %dma_wait3A_58[%dma_wait3A_59, %dma_wait3A_60] : memref<64x128xf32, #tpu.memory_space<vmem>> -> memref<8x128xf32, #tpu.memory_space<vmem>>
    %dma_wait3A_62 = arith.constant 0 : i32
    %dma_wait3A_63 = arith.constant 0 : i32
    %dma_wait3A_64 = tpu.memref_slice %arg4[%dma_wait3A_53, %dma_wait3A_54, %add3A, %dma_wait3A_62, %dma_wait3A_63] : memref<200x8x32x8x128xf32, #tpu.memory_space<hbm>> -> memref<1x1x1x8x128xf32, #tpu.memory_space<hbm>>
    %dma_wait3A_65 = tpu.memref_squeeze %dma_wait3A_64 : memref<1x1x1x8x128xf32, #tpu.memory_space<hbm>> -> memref<8x128xf32, #tpu.memory_space<hbm>>
    %dma_wait3A_66 = arith.constant 0 : i32
    %dma_wait3A_67 = arith.constant 0 : i32
    %dma_wait3A_68 = tpu.memref_slice %arg4[%dma_wait3A_53, %dma_wait3A_54, %add3A, %dma_wait3A_66, %dma_wait3A_67] : memref<200x8x32x8x128xf32, #tpu.memory_space<hbm>> -> memref<1x1x1x8x128xf32, #tpu.memory_space<hbm>>
    %dma_wait3A_69 = tpu.memref_squeeze %dma_wait3A_68 : memref<1x1x1x8x128xf32, #tpu.memory_space<hbm>> -> memref<8x128xf32, #tpu.memory_space<hbm>>
    %dma_wait3A_70 = arith.constant 0 : i32
    %dma_wait3A_71 = arith.constant 0 : i32
    %dma_wait3A_72 = tpu.memref_slice %arg7[%dma_wait3A_52, %dma_wait3A_70, %dma_wait3A_71] : memref<2x64x128xf32, #tpu.memory_space<vmem>> -> memref<1x64x128xf32, #tpu.memory_space<vmem>>
    %dma_wait3A_73 = tpu.memref_squeeze %dma_wait3A_72 : memref<1x64x128xf32, #tpu.memory_space<vmem>> -> memref<64x128xf32, #tpu.memory_space<vmem>>
    %dma_wait3A_74 = arith.constant 8 : i32
    %dma_wait3A_75 = arith.constant 0 : i32
    %dma_wait3A_76 = tpu.memref_slice %dma_wait3A_73[%dma_wait3A_74, %dma_wait3A_75] : memref<64x128xf32, #tpu.memory_space<vmem>> -> memref<8x128xf32, #tpu.memory_space<vmem>>
    tpu.wait_dma2 semaphore(%arg12 : memref<!tpu.dma_semaphore, #tpu.memory_space<semaphore_mem>>) src(%dma_wait3A_76 : memref<8x128xf32, #tpu.memory_space<vmem>>) dst(%dma_wait3A_69 : memref<8x128xf32, #tpu.memory_space<hbm>>)
    %dma_wait3A_77 = arith.constant 0 : i32
    %dma_wait3A_78 = arith.constant 198 : i32
    %dma_wait3A_79 = arith.constant 2 : i32
    %dma_wait3A_80 = arith.constant 0 : i32
    %dma_wait3A_81 = arith.constant 0 : i32
    %dma_wait3A_82 = tpu.memref_slice %arg7[%dma_wait3A_77, %dma_wait3A_80, %dma_wait3A_81] : memref<2x64x128xf32, #tpu.memory_space<vmem>> -> memref<1x64x128xf32, #tpu.memory_space<vmem>>
    %dma_wait3A_83 = tpu.memref_squeeze %dma_wait3A_82 : memref<1x64x128xf32, #tpu.memory_space<vmem>> -> memref<64x128xf32, #tpu.memory_space<vmem>>
    %dma_wait3A_84 = arith.constant 16 : i32
    %dma_wait3A_85 = arith.constant 0 : i32
    %dma_wait3A_86 = tpu.memref_slice %dma_wait3A_83[%dma_wait3A_84, %dma_wait3A_85] : memref<64x128xf32, #tpu.memory_space<vmem>> -> memref<8x128xf32, #tpu.memory_space<vmem>>
    %dma_wait3A_87 = arith.constant 0 : i32
    %dma_wait3A_88 = arith.constant 0 : i32
    %dma_wait3A_89 = tpu.memref_slice %arg4[%dma_wait3A_78, %dma_wait3A_79, %add3A, %dma_wait3A_87, %dma_wait3A_88] : memref<200x8x32x8x128xf32, #tpu.memory_space<hbm>> -> memref<1x1x1x8x128xf32, #tpu.memory_space<hbm>>
    %dma_wait3A_90 = tpu.memref_squeeze %dma_wait3A_89 : memref<1x1x1x8x128xf32, #tpu.memory_space<hbm>> -> memref<8x128xf32, #tpu.memory_space<hbm>>
    %dma_wait3A_91 = arith.constant 0 : i32
    %dma_wait3A_92 = arith.constant 0 : i32
    %dma_wait3A_93 = tpu.memref_slice %arg4[%dma_wait3A_78, %dma_wait3A_79, %add3A, %dma_wait3A_91, %dma_wait3A_92] : memref<200x8x32x8x128xf32, #tpu.memory_space<hbm>> -> memref<1x1x1x8x128xf32, #tpu.memory_space<hbm>>
    %dma_wait3A_94 = tpu.memref_squeeze %dma_wait3A_93 : memref<1x1x1x8x128xf32, #tpu.memory_space<hbm>> -> memref<8x128xf32, #tpu.memory_space<hbm>>
    %dma_wait3A_95 = arith.constant 0 : i32
    %dma_wait3A_96 = arith.constant 0 : i32
    %dma_wait3A_97 = tpu.memref_slice %arg7[%dma_wait3A_77, %dma_wait3A_95, %dma_wait3A_96] : memref<2x64x128xf32, #tpu.memory_space<vmem>> -> memref<1x64x128xf32, #tpu.memory_space<vmem>>
    %dma_wait3A_98 = tpu.memref_squeeze %dma_wait3A_97 : memref<1x64x128xf32, #tpu.memory_space<vmem>> -> memref<64x128xf32, #tpu.memory_space<vmem>>
    %dma_wait3A_99 = arith.constant 16 : i32
    %dma_wait3A_100 = arith.constant 0 : i32
    %dma_wait3A_101 = tpu.memref_slice %dma_wait3A_98[%dma_wait3A_99, %dma_wait3A_100] : memref<64x128xf32, #tpu.memory_space<vmem>> -> memref<8x128xf32, #tpu.memory_space<vmem>>
    tpu.wait_dma2 semaphore(%arg12 : memref<!tpu.dma_semaphore, #tpu.memory_space<semaphore_mem>>) src(%dma_wait3A_101 : memref<8x128xf32, #tpu.memory_space<vmem>>) dst(%dma_wait3A_94 : memref<8x128xf32, #tpu.memory_space<hbm>>)
    %dma_wait3A_102 = arith.constant 0 : i32
    %dma_wait3A_103 = arith.constant 198 : i32
    %dma_wait3A_104 = arith.constant 3 : i32
    %dma_wait3A_105 = arith.constant 0 : i32
    %dma_wait3A_106 = arith.constant 0 : i32
    %dma_wait3A_107 = tpu.memref_slice %arg7[%dma_wait3A_102, %dma_wait3A_105, %dma_wait3A_106] : memref<2x64x128xf32, #tpu.memory_space<vmem>> -> memref<1x64x128xf32, #tpu.memory_space<vmem>>
    %dma_wait3A_108 = tpu.memref_squeeze %dma_wait3A_107 : memref<1x64x128xf32, #tpu.memory_space<vmem>> -> memref<64x128xf32, #tpu.memory_space<vmem>>
    %dma_wait3A_109 = arith.constant 24 : i32
    %dma_wait3A_110 = arith.constant 0 : i32
    %dma_wait3A_111 = tpu.memref_slice %dma_wait3A_108[%dma_wait3A_109, %dma_wait3A_110] : memref<64x128xf32, #tpu.memory_space<vmem>> -> memref<8x128xf32, #tpu.memory_space<vmem>>
    %dma_wait3A_112 = arith.constant 0 : i32
    %dma_wait3A_113 = arith.constant 0 : i32
    %dma_wait3A_114 = tpu.memref_slice %arg4[%dma_wait3A_103, %dma_wait3A_104, %add3A, %dma_wait3A_112, %dma_wait3A_113] : memref<200x8x32x8x128xf32, #tpu.memory_space<hbm>> -> memref<1x1x1x8x128xf32, #tpu.memory_space<hbm>>
    %dma_wait3A_115 = tpu.memref_squeeze %dma_wait3A_114 : memref<1x1x1x8x128xf32, #tpu.memory_space<hbm>> -> memref<8x128xf32, #tpu.memory_space<hbm>>
    %dma_wait3A_116 = arith.constant 0 : i32
    %dma_wait3A_117 = arith.constant 0 : i32
    %dma_wait3A_118 = tpu.memref_slice %arg4[%dma_wait3A_103, %dma_wait3A_104, %add3A, %dma_wait3A_116, %dma_wait3A_117] : memref<200x8x32x8x128xf32, #tpu.memory_space<hbm>> -> memref<1x1x1x8x128xf32, #tpu.memory_space<hbm>>
    %dma_wait3A_119 = tpu.memref_squeeze %dma_wait3A_118 : memref<1x1x1x8x128xf32, #tpu.memory_space<hbm>> -> memref<8x128xf32, #tpu.memory_space<hbm>>
    %dma_wait3A_120 = arith.constant 0 : i32
    %dma_wait3A_121 = arith.constant 0 : i32
    %dma_wait3A_122 = tpu.memref_slice %arg7[%dma_wait3A_102, %dma_wait3A_120, %dma_wait3A_121] : memref<2x64x128xf32, #tpu.memory_space<vmem>> -> memref<1x64x128xf32, #tpu.memory_space<vmem>>
    %dma_wait3A_123 = tpu.memref_squeeze %dma_wait3A_122 : memref<1x64x128xf32, #tpu.memory_space<vmem>> -> memref<64x128xf32, #tpu.memory_space<vmem>>
    %dma_wait3A_124 = arith.constant 24 : i32
    %dma_wait3A_125 = arith.constant 0 : i32
    %dma_wait3A_126 = tpu.memref_slice %dma_wait3A_123[%dma_wait3A_124, %dma_wait3A_125] : memref<64x128xf32, #tpu.memory_space<vmem>> -> memref<8x128xf32, #tpu.memory_space<vmem>>
    tpu.wait_dma2 semaphore(%arg12 : memref<!tpu.dma_semaphore, #tpu.memory_space<semaphore_mem>>) src(%dma_wait3A_126 : memref<8x128xf32, #tpu.memory_space<vmem>>) dst(%dma_wait3A_119 : memref<8x128xf32, #tpu.memory_space<hbm>>)
    %dma_wait3A_127 = arith.constant 0 : i32
    %dma_wait3A_128 = arith.constant 198 : i32
    %dma_wait3A_129 = arith.constant 4 : i32
    %dma_wait3A_130 = arith.constant 0 : i32
    %dma_wait3A_131 = arith.constant 0 : i32
    %dma_wait3A_132 = tpu.memref_slice %arg7[%dma_wait3A_127, %dma_wait3A_130, %dma_wait3A_131] : memref<2x64x128xf32, #tpu.memory_space<vmem>> -> memref<1x64x128xf32, #tpu.memory_space<vmem>>
    %dma_wait3A_133 = tpu.memref_squeeze %dma_wait3A_132 : memref<1x64x128xf32, #tpu.memory_space<vmem>> -> memref<64x128xf32, #tpu.memory_space<vmem>>
    %dma_wait3A_134 = arith.constant 32 : i32
    %dma_wait3A_135 = arith.constant 0 : i32
    %dma_wait3A_136 = tpu.memref_slice %dma_wait3A_133[%dma_wait3A_134, %dma_wait3A_135] : memref<64x128xf32, #tpu.memory_space<vmem>> -> memref<8x128xf32, #tpu.memory_space<vmem>>
    %dma_wait3A_137 = arith.constant 0 : i32
    %dma_wait3A_138 = arith.constant 0 : i32
    %dma_wait3A_139 = tpu.memref_slice %arg4[%dma_wait3A_128, %dma_wait3A_129, %add3A, %dma_wait3A_137, %dma_wait3A_138] : memref<200x8x32x8x128xf32, #tpu.memory_space<hbm>> -> memref<1x1x1x8x128xf32, #tpu.memory_space<hbm>>
    %dma_wait3A_140 = tpu.memref_squeeze %dma_wait3A_139 : memref<1x1x1x8x128xf32, #tpu.memory_space<hbm>> -> memref<8x128xf32, #tpu.memory_space<hbm>>
    %dma_wait3A_141 = arith.constant 0 : i32
    %dma_wait3A_142 = arith.constant 0 : i32
    %dma_wait3A_143 = tpu.memref_slice %arg4[%dma_wait3A_128, %dma_wait3A_129, %add3A, %dma_wait3A_141, %dma_wait3A_142] : memref<200x8x32x8x128xf32, #tpu.memory_space<hbm>> -> memref<1x1x1x8x128xf32, #tpu.memory_space<hbm>>
    %dma_wait3A_144 = tpu.memref_squeeze %dma_wait3A_143 : memref<1x1x1x8x128xf32, #tpu.memory_space<hbm>> -> memref<8x128xf32, #tpu.memory_space<hbm>>
    %dma_wait3A_145 = arith.constant 0 : i32
    %dma_wait3A_146 = arith.constant 0 : i32
    %dma_wait3A_147 = tpu.memref_slice %arg7[%dma_wait3A_127, %dma_wait3A_145, %dma_wait3A_146] : memref<2x64x128xf32, #tpu.memory_space<vmem>> -> memref<1x64x128xf32, #tpu.memory_space<vmem>>
    %dma_wait3A_148 = tpu.memref_squeeze %dma_wait3A_147 : memref<1x64x128xf32, #tpu.memory_space<vmem>> -> memref<64x128xf32, #tpu.memory_space<vmem>>
    %dma_wait3A_149 = arith.constant 32 : i32
    %dma_wait3A_150 = arith.constant 0 : i32
    %dma_wait3A_151 = tpu.memref_slice %dma_wait3A_148[%dma_wait3A_149, %dma_wait3A_150] : memref<64x128xf32, #tpu.memory_space<vmem>> -> memref<8x128xf32, #tpu.memory_space<vmem>>
    tpu.wait_dma2 semaphore(%arg12 : memref<!tpu.dma_semaphore, #tpu.memory_space<semaphore_mem>>) src(%dma_wait3A_151 : memref<8x128xf32, #tpu.memory_space<vmem>>) dst(%dma_wait3A_144 : memref<8x128xf32, #tpu.memory_space<hbm>>)
    %dma_wait3A_152 = arith.constant 0 : i32
    %dma_wait3A_153 = arith.constant 198 : i32
    %dma_wait3A_154 = arith.constant 5 : i32
    %dma_wait3A_155 = arith.constant 0 : i32
    %dma_wait3A_156 = arith.constant 0 : i32
    %dma_wait3A_157 = tpu.memref_slice %arg7[%dma_wait3A_152, %dma_wait3A_155, %dma_wait3A_156] : memref<2x64x128xf32, #tpu.memory_space<vmem>> -> memref<1x64x128xf32, #tpu.memory_space<vmem>>
    %dma_wait3A_158 = tpu.memref_squeeze %dma_wait3A_157 : memref<1x64x128xf32, #tpu.memory_space<vmem>> -> memref<64x128xf32, #tpu.memory_space<vmem>>
    %dma_wait3A_159 = arith.constant 40 : i32
    %dma_wait3A_160 = arith.constant 0 : i32
    %dma_wait3A_161 = tpu.memref_slice %dma_wait3A_158[%dma_wait3A_159, %dma_wait3A_160] : memref<64x128xf32, #tpu.memory_space<vmem>> -> memref<8x128xf32, #tpu.memory_space<vmem>>
    %dma_wait3A_162 = arith.constant 0 : i32
    %dma_wait3A_163 = arith.constant 0 : i32
    %dma_wait3A_164 = tpu.memref_slice %arg4[%dma_wait3A_153, %dma_wait3A_154, %add3A, %dma_wait3A_162, %dma_wait3A_163] : memref<200x8x32x8x128xf32, #tpu.memory_space<hbm>> -> memref<1x1x1x8x128xf32, #tpu.memory_space<hbm>>
    %dma_wait3A_165 = tpu.memref_squeeze %dma_wait3A_164 : memref<1x1x1x8x128xf32, #tpu.memory_space<hbm>> -> memref<8x128xf32, #tpu.memory_space<hbm>>
    %dma_wait3A_166 = arith.constant 0 : i32
    %dma_wait3A_167 = arith.constant 0 : i32
    %dma_wait3A_168 = tpu.memref_slice %arg4[%dma_wait3A_153, %dma_wait3A_154, %add3A, %dma_wait3A_166, %dma_wait3A_167] : memref<200x8x32x8x128xf32, #tpu.memory_space<hbm>> -> memref<1x1x1x8x128xf32, #tpu.memory_space<hbm>>
    %dma_wait3A_169 = tpu.memref_squeeze %dma_wait3A_168 : memref<1x1x1x8x128xf32, #tpu.memory_space<hbm>> -> memref<8x128xf32, #tpu.memory_space<hbm>>
    %dma_wait3A_170 = arith.constant 0 : i32
    %dma_wait3A_171 = arith.constant 0 : i32
    %dma_wait3A_172 = tpu.memref_slice %arg7[%dma_wait3A_152, %dma_wait3A_170, %dma_wait3A_171] : memref<2x64x128xf32, #tpu.memory_space<vmem>> -> memref<1x64x128xf32, #tpu.memory_space<vmem>>
    %dma_wait3A_173 = tpu.memref_squeeze %dma_wait3A_172 : memref<1x64x128xf32, #tpu.memory_space<vmem>> -> memref<64x128xf32, #tpu.memory_space<vmem>>
    %dma_wait3A_174 = arith.constant 40 : i32
    %dma_wait3A_175 = arith.constant 0 : i32
    %dma_wait3A_176 = tpu.memref_slice %dma_wait3A_173[%dma_wait3A_174, %dma_wait3A_175] : memref<64x128xf32, #tpu.memory_space<vmem>> -> memref<8x128xf32, #tpu.memory_space<vmem>>
    tpu.wait_dma2 semaphore(%arg12 : memref<!tpu.dma_semaphore, #tpu.memory_space<semaphore_mem>>) src(%dma_wait3A_176 : memref<8x128xf32, #tpu.memory_space<vmem>>) dst(%dma_wait3A_169 : memref<8x128xf32, #tpu.memory_space<hbm>>)
    %dma_wait3A_177 = arith.constant 0 : i32
    %dma_wait3A_178 = arith.constant 198 : i32
    %dma_wait3A_179 = arith.constant 6 : i32
    %dma_wait3A_180 = arith.constant 0 : i32
    %dma_wait3A_181 = arith.constant 0 : i32
    %dma_wait3A_182 = tpu.memref_slice %arg7[%dma_wait3A_177, %dma_wait3A_180, %dma_wait3A_181] : memref<2x64x128xf32, #tpu.memory_space<vmem>> -> memref<1x64x128xf32, #tpu.memory_space<vmem>>
    %dma_wait3A_183 = tpu.memref_squeeze %dma_wait3A_182 : memref<1x64x128xf32, #tpu.memory_space<vmem>> -> memref<64x128xf32, #tpu.memory_space<vmem>>
    %dma_wait3A_184 = arith.constant 48 : i32
    %dma_wait3A_185 = arith.constant 0 : i32
    %dma_wait3A_186 = tpu.memref_slice %dma_wait3A_183[%dma_wait3A_184, %dma_wait3A_185] : memref<64x128xf32, #tpu.memory_space<vmem>> -> memref<8x128xf32, #tpu.memory_space<vmem>>
    %dma_wait3A_187 = arith.constant 0 : i32
    %dma_wait3A_188 = arith.constant 0 : i32
    %dma_wait3A_189 = tpu.memref_slice %arg4[%dma_wait3A_178, %dma_wait3A_179, %add3A, %dma_wait3A_187, %dma_wait3A_188] : memref<200x8x32x8x128xf32, #tpu.memory_space<hbm>> -> memref<1x1x1x8x128xf32, #tpu.memory_space<hbm>>
    %dma_wait3A_190 = tpu.memref_squeeze %dma_wait3A_189 : memref<1x1x1x8x128xf32, #tpu.memory_space<hbm>> -> memref<8x128xf32, #tpu.memory_space<hbm>>
    %dma_wait3A_191 = arith.constant 0 : i32
    %dma_wait3A_192 = arith.constant 0 : i32
    %dma_wait3A_193 = tpu.memref_slice %arg4[%dma_wait3A_178, %dma_wait3A_179, %add3A, %dma_wait3A_191, %dma_wait3A_192] : memref<200x8x32x8x128xf32, #tpu.memory_space<hbm>> -> memref<1x1x1x8x128xf32, #tpu.memory_space<hbm>>
    %dma_wait3A_194 = tpu.memref_squeeze %dma_wait3A_193 : memref<1x1x1x8x128xf32, #tpu.memory_space<hbm>> -> memref<8x128xf32, #tpu.memory_space<hbm>>
    %dma_wait3A_195 = arith.constant 0 : i32
    %dma_wait3A_196 = arith.constant 0 : i32
    %dma_wait3A_197 = tpu.memref_slice %arg7[%dma_wait3A_177, %dma_wait3A_195, %dma_wait3A_196] : memref<2x64x128xf32, #tpu.memory_space<vmem>> -> memref<1x64x128xf32, #tpu.memory_space<vmem>>
    %dma_wait3A_198 = tpu.memref_squeeze %dma_wait3A_197 : memref<1x64x128xf32, #tpu.memory_space<vmem>> -> memref<64x128xf32, #tpu.memory_space<vmem>>
    %dma_wait3A_199 = arith.constant 48 : i32
    %dma_wait3A_200 = arith.constant 0 : i32
    %dma_wait3A_201 = tpu.memref_slice %dma_wait3A_198[%dma_wait3A_199, %dma_wait3A_200] : memref<64x128xf32, #tpu.memory_space<vmem>> -> memref<8x128xf32, #tpu.memory_space<vmem>>
    tpu.wait_dma2 semaphore(%arg12 : memref<!tpu.dma_semaphore, #tpu.memory_space<semaphore_mem>>) src(%dma_wait3A_201 : memref<8x128xf32, #tpu.memory_space<vmem>>) dst(%dma_wait3A_194 : memref<8x128xf32, #tpu.memory_space<hbm>>)
    %dma_wait3A_202 = arith.constant 0 : i32
    %dma_wait3A_203 = arith.constant 198 : i32
    %dma_wait3A_204 = arith.constant 7 : i32
    %dma_wait3A_205 = arith.constant 0 : i32
    %dma_wait3A_206 = arith.constant 0 : i32
    %dma_wait3A_207 = tpu.memref_slice %arg7[%dma_wait3A_202, %dma_wait3A_205, %dma_wait3A_206] : memref<2x64x128xf32, #tpu.memory_space<vmem>> -> memref<1x64x128xf32, #tpu.memory_space<vmem>>
    %dma_wait3A_208 = tpu.memref_squeeze %dma_wait3A_207 : memref<1x64x128xf32, #tpu.memory_space<vmem>> -> memref<64x128xf32, #tpu.memory_space<vmem>>
    %dma_wait3A_209 = arith.constant 56 : i32
    %dma_wait3A_210 = arith.constant 0 : i32
    %dma_wait3A_211 = tpu.memref_slice %dma_wait3A_208[%dma_wait3A_209, %dma_wait3A_210] : memref<64x128xf32, #tpu.memory_space<vmem>> -> memref<8x128xf32, #tpu.memory_space<vmem>>
    %dma_wait3A_212 = arith.constant 0 : i32
    %dma_wait3A_213 = arith.constant 0 : i32
    %dma_wait3A_214 = tpu.memref_slice %arg4[%dma_wait3A_203, %dma_wait3A_204, %add3A, %dma_wait3A_212, %dma_wait3A_213] : memref<200x8x32x8x128xf32, #tpu.memory_space<hbm>> -> memref<1x1x1x8x128xf32, #tpu.memory_space<hbm>>
    %dma_wait3A_215 = tpu.memref_squeeze %dma_wait3A_214 : memref<1x1x1x8x128xf32, #tpu.memory_space<hbm>> -> memref<8x128xf32, #tpu.memory_space<hbm>>
    %dma_wait3A_216 = arith.constant 0 : i32
    %dma_wait3A_217 = arith.constant 0 : i32
    %dma_wait3A_218 = tpu.memref_slice %arg4[%dma_wait3A_203, %dma_wait3A_204, %add3A, %dma_wait3A_216, %dma_wait3A_217] : memref<200x8x32x8x128xf32, #tpu.memory_space<hbm>> -> memref<1x1x1x8x128xf32, #tpu.memory_space<hbm>>
    %dma_wait3A_219 = tpu.memref_squeeze %dma_wait3A_218 : memref<1x1x1x8x128xf32, #tpu.memory_space<hbm>> -> memref<8x128xf32, #tpu.memory_space<hbm>>
    %dma_wait3A_220 = arith.constant 0 : i32
    %dma_wait3A_221 = arith.constant 0 : i32
    %dma_wait3A_222 = tpu.memref_slice %arg7[%dma_wait3A_202, %dma_wait3A_220, %dma_wait3A_221] : memref<2x64x128xf32, #tpu.memory_space<vmem>> -> memref<1x64x128xf32, #tpu.memory_space<vmem>>
    %dma_wait3A_223 = tpu.memref_squeeze %dma_wait3A_222 : memref<1x64x128xf32, #tpu.memory_space<vmem>> -> memref<64x128xf32, #tpu.memory_space<vmem>>
    %dma_wait3A_224 = arith.constant 56 : i32
    %dma_wait3A_225 = arith.constant 0 : i32
    %dma_wait3A_226 = tpu.memref_slice %dma_wait3A_223[%dma_wait3A_224, %dma_wait3A_225] : memref<64x128xf32, #tpu.memory_space<vmem>> -> memref<8x128xf32, #tpu.memory_space<vmem>>
    tpu.wait_dma2 semaphore(%arg12 : memref<!tpu.dma_semaphore, #tpu.memory_space<semaphore_mem>>) src(%dma_wait3A_226 : memref<8x128xf32, #tpu.memory_space<vmem>>) dst(%dma_wait3A_219 : memref<8x128xf32, #tpu.memory_space<hbm>>)
    %dma_wait3A_227 = arith.constant 1 : i32
    %dma_wait3A_228 = arith.constant 199 : i32
    %dma_wait3A_229 = arith.constant 0 : i32
    %dma_wait3A_230 = arith.constant 0 : i32
    %dma_wait3A_231 = arith.constant 0 : i32
    %dma_wait3A_232 = tpu.memref_slice %arg7[%dma_wait3A_227, %dma_wait3A_230, %dma_wait3A_231] : memref<2x64x128xf32, #tpu.memory_space<vmem>> -> memref<1x64x128xf32, #tpu.memory_space<vmem>>
    %dma_wait3A_233 = tpu.memref_squeeze %dma_wait3A_232 : memref<1x64x128xf32, #tpu.memory_space<vmem>> -> memref<64x128xf32, #tpu.memory_space<vmem>>
    %dma_wait3A_234 = arith.constant 0 : i32
    %dma_wait3A_235 = arith.constant 0 : i32
    %dma_wait3A_236 = tpu.memref_slice %dma_wait3A_233[%dma_wait3A_234, %dma_wait3A_235] : memref<64x128xf32, #tpu.memory_space<vmem>> -> memref<8x128xf32, #tpu.memory_space<vmem>>
    %dma_wait3A_237 = arith.constant 0 : i32
    %dma_wait3A_238 = arith.constant 0 : i32
    %dma_wait3A_239 = tpu.memref_slice %arg4[%dma_wait3A_228, %dma_wait3A_229, %add3A, %dma_wait3A_237, %dma_wait3A_238] : memref<200x8x32x8x128xf32, #tpu.memory_space<hbm>> -> memref<1x1x1x8x128xf32, #tpu.memory_space<hbm>>
    %dma_wait3A_240 = tpu.memref_squeeze %dma_wait3A_239 : memref<1x1x1x8x128xf32, #tpu.memory_space<hbm>> -> memref<8x128xf32, #tpu.memory_space<hbm>>
    %dma_wait3A_241 = arith.constant 0 : i32
    %dma_wait3A_242 = arith.constant 0 : i32
    %dma_wait3A_243 = tpu.memref_slice %arg4[%dma_wait3A_228, %dma_wait3A_229, %add3A, %dma_wait3A_241, %dma_wait3A_242] : memref<200x8x32x8x128xf32, #tpu.memory_space<hbm>> -> memref<1x1x1x8x128xf32, #tpu.memory_space<hbm>>
    %dma_wait3A_244 = tpu.memref_squeeze %dma_wait3A_243 : memref<1x1x1x8x128xf32, #tpu.memory_space<hbm>> -> memref<8x128xf32, #tpu.memory_space<hbm>>
    %dma_wait3A_245 = arith.constant 0 : i32
    %dma_wait3A_246 = arith.constant 0 : i32
    %dma_wait3A_247 = tpu.memref_slice %arg7[%dma_wait3A_227, %dma_wait3A_245, %dma_wait3A_246] : memref<2x64x128xf32, #tpu.memory_space<vmem>> -> memref<1x64x128xf32, #tpu.memory_space<vmem>>
    %dma_wait3A_248 = tpu.memref_squeeze %dma_wait3A_247 : memref<1x64x128xf32, #tpu.memory_space<vmem>> -> memref<64x128xf32, #tpu.memory_space<vmem>>
    %dma_wait3A_249 = arith.constant 0 : i32
    %dma_wait3A_250 = arith.constant 0 : i32
    %dma_wait3A_251 = tpu.memref_slice %dma_wait3A_248[%dma_wait3A_249, %dma_wait3A_250] : memref<64x128xf32, #tpu.memory_space<vmem>> -> memref<8x128xf32, #tpu.memory_space<vmem>>
    tpu.wait_dma2 semaphore(%arg13 : memref<!tpu.dma_semaphore, #tpu.memory_space<semaphore_mem>>) src(%dma_wait3A_251 : memref<8x128xf32, #tpu.memory_space<vmem>>) dst(%dma_wait3A_244 : memref<8x128xf32, #tpu.memory_space<hbm>>)
    %dma_wait3A_252 = arith.constant 1 : i32
    %dma_wait3A_253 = arith.constant 199 : i32
    %dma_wait3A_254 = arith.constant 1 : i32
    %dma_wait3A_255 = arith.constant 0 : i32
    %dma_wait3A_256 = arith.constant 0 : i32
    %dma_wait3A_257 = tpu.memref_slice %arg7[%dma_wait3A_252, %dma_wait3A_255, %dma_wait3A_256] : memref<2x64x128xf32, #tpu.memory_space<vmem>> -> memref<1x64x128xf32, #tpu.memory_space<vmem>>
    %dma_wait3A_258 = tpu.memref_squeeze %dma_wait3A_257 : memref<1x64x128xf32, #tpu.memory_space<vmem>> -> memref<64x128xf32, #tpu.memory_space<vmem>>
    %dma_wait3A_259 = arith.constant 8 : i32
    %dma_wait3A_260 = arith.constant 0 : i32
    %dma_wait3A_261 = tpu.memref_slice %dma_wait3A_258[%dma_wait3A_259, %dma_wait3A_260] : memref<64x128xf32, #tpu.memory_space<vmem>> -> memref<8x128xf32, #tpu.memory_space<vmem>>
    %dma_wait3A_262 = arith.constant 0 : i32
    %dma_wait3A_263 = arith.constant 0 : i32
    %dma_wait3A_264 = tpu.memref_slice %arg4[%dma_wait3A_253, %dma_wait3A_254, %add3A, %dma_wait3A_262, %dma_wait3A_263] : memref<200x8x32x8x128xf32, #tpu.memory_space<hbm>> -> memref<1x1x1x8x128xf32, #tpu.memory_space<hbm>>
    %dma_wait3A_265 = tpu.memref_squeeze %dma_wait3A_264 : memref<1x1x1x8x128xf32, #tpu.memory_space<hbm>> -> memref<8x128xf32, #tpu.memory_space<hbm>>
    %dma_wait3A_266 = arith.constant 0 : i32
    %dma_wait3A_267 = arith.constant 0 : i32
    %dma_wait3A_268 = tpu.memref_slice %arg4[%dma_wait3A_253, %dma_wait3A_254, %add3A, %dma_wait3A_266, %dma_wait3A_267] : memref<200x8x32x8x128xf32, #tpu.memory_space<hbm>> -> memref<1x1x1x8x128xf32, #tpu.memory_space<hbm>>
    %dma_wait3A_269 = tpu.memref_squeeze %dma_wait3A_268 : memref<1x1x1x8x128xf32, #tpu.memory_space<hbm>> -> memref<8x128xf32, #tpu.memory_space<hbm>>
    %dma_wait3A_270 = arith.constant 0 : i32
    %dma_wait3A_271 = arith.constant 0 : i32
    %dma_wait3A_272 = tpu.memref_slice %arg7[%dma_wait3A_252, %dma_wait3A_270, %dma_wait3A_271] : memref<2x64x128xf32, #tpu.memory_space<vmem>> -> memref<1x64x128xf32, #tpu.memory_space<vmem>>
    %dma_wait3A_273 = tpu.memref_squeeze %dma_wait3A_272 : memref<1x64x128xf32, #tpu.memory_space<vmem>> -> memref<64x128xf32, #tpu.memory_space<vmem>>
    %dma_wait3A_274 = arith.constant 8 : i32
    %dma_wait3A_275 = arith.constant 0 : i32
    %dma_wait3A_276 = tpu.memref_slice %dma_wait3A_273[%dma_wait3A_274, %dma_wait3A_275] : memref<64x128xf32, #tpu.memory_space<vmem>> -> memref<8x128xf32, #tpu.memory_space<vmem>>
    tpu.wait_dma2 semaphore(%arg13 : memref<!tpu.dma_semaphore, #tpu.memory_space<semaphore_mem>>) src(%dma_wait3A_276 : memref<8x128xf32, #tpu.memory_space<vmem>>) dst(%dma_wait3A_269 : memref<8x128xf32, #tpu.memory_space<hbm>>)
    %dma_wait3A_277 = arith.constant 1 : i32
    %dma_wait3A_278 = arith.constant 199 : i32
    %dma_wait3A_279 = arith.constant 2 : i32
    %dma_wait3A_280 = arith.constant 0 : i32
    %dma_wait3A_281 = arith.constant 0 : i32
    %dma_wait3A_282 = tpu.memref_slice %arg7[%dma_wait3A_277, %dma_wait3A_280, %dma_wait3A_281] : memref<2x64x128xf32, #tpu.memory_space<vmem>> -> memref<1x64x128xf32, #tpu.memory_space<vmem>>
    %dma_wait3A_283 = tpu.memref_squeeze %dma_wait3A_282 : memref<1x64x128xf32, #tpu.memory_space<vmem>> -> memref<64x128xf32, #tpu.memory_space<vmem>>
    %dma_wait3A_284 = arith.constant 16 : i32
    %dma_wait3A_285 = arith.constant 0 : i32
    %dma_wait3A_286 = tpu.memref_slice %dma_wait3A_283[%dma_wait3A_284, %dma_wait3A_285] : memref<64x128xf32, #tpu.memory_space<vmem>> -> memref<8x128xf32, #tpu.memory_space<vmem>>
    %dma_wait3A_287 = arith.constant 0 : i32
    %dma_wait3A_288 = arith.constant 0 : i32
    %dma_wait3A_289 = tpu.memref_slice %arg4[%dma_wait3A_278, %dma_wait3A_279, %add3A, %dma_wait3A_287, %dma_wait3A_288] : memref<200x8x32x8x128xf32, #tpu.memory_space<hbm>> -> memref<1x1x1x8x128xf32, #tpu.memory_space<hbm>>
    %dma_wait3A_290 = tpu.memref_squeeze %dma_wait3A_289 : memref<1x1x1x8x128xf32, #tpu.memory_space<hbm>> -> memref<8x128xf32, #tpu.memory_space<hbm>>
    %dma_wait3A_291 = arith.constant 0 : i32
    %dma_wait3A_292 = arith.constant 0 : i32
    %dma_wait3A_293 = tpu.memref_slice %arg4[%dma_wait3A_278, %dma_wait3A_279, %add3A, %dma_wait3A_291, %dma_wait3A_292] : memref<200x8x32x8x128xf32, #tpu.memory_space<hbm>> -> memref<1x1x1x8x128xf32, #tpu.memory_space<hbm>>
    %dma_wait3A_294 = tpu.memref_squeeze %dma_wait3A_293 : memref<1x1x1x8x128xf32, #tpu.memory_space<hbm>> -> memref<8x128xf32, #tpu.memory_space<hbm>>
    %dma_wait3A_295 = arith.constant 0 : i32
    %dma_wait3A_296 = arith.constant 0 : i32
    %dma_wait3A_297 = tpu.memref_slice %arg7[%dma_wait3A_277, %dma_wait3A_295, %dma_wait3A_296] : memref<2x64x128xf32, #tpu.memory_space<vmem>> -> memref<1x64x128xf32, #tpu.memory_space<vmem>>
    %dma_wait3A_298 = tpu.memref_squeeze %dma_wait3A_297 : memref<1x64x128xf32, #tpu.memory_space<vmem>> -> memref<64x128xf32, #tpu.memory_space<vmem>>
    %dma_wait3A_299 = arith.constant 16 : i32
    %dma_wait3A_300 = arith.constant 0 : i32
    %dma_wait3A_301 = tpu.memref_slice %dma_wait3A_298[%dma_wait3A_299, %dma_wait3A_300] : memref<64x128xf32, #tpu.memory_space<vmem>> -> memref<8x128xf32, #tpu.memory_space<vmem>>
    tpu.wait_dma2 semaphore(%arg13 : memref<!tpu.dma_semaphore, #tpu.memory_space<semaphore_mem>>) src(%dma_wait3A_301 : memref<8x128xf32, #tpu.memory_space<vmem>>) dst(%dma_wait3A_294 : memref<8x128xf32, #tpu.memory_space<hbm>>)
    %dma_wait3A_302 = arith.constant 1 : i32
    %dma_wait3A_303 = arith.constant 199 : i32
    %dma_wait3A_304 = arith.constant 3 : i32
    %dma_wait3A_305 = arith.constant 0 : i32
    %dma_wait3A_306 = arith.constant 0 : i32
    %dma_wait3A_307 = tpu.memref_slice %arg7[%dma_wait3A_302, %dma_wait3A_305, %dma_wait3A_306] : memref<2x64x128xf32, #tpu.memory_space<vmem>> -> memref<1x64x128xf32, #tpu.memory_space<vmem>>
    %dma_wait3A_308 = tpu.memref_squeeze %dma_wait3A_307 : memref<1x64x128xf32, #tpu.memory_space<vmem>> -> memref<64x128xf32, #tpu.memory_space<vmem>>
    %dma_wait3A_309 = arith.constant 24 : i32
    %dma_wait3A_310 = arith.constant 0 : i32
    %dma_wait3A_311 = tpu.memref_slice %dma_wait3A_308[%dma_wait3A_309, %dma_wait3A_310] : memref<64x128xf32, #tpu.memory_space<vmem>> -> memref<8x128xf32, #tpu.memory_space<vmem>>
    %dma_wait3A_312 = arith.constant 0 : i32
    %dma_wait3A_313 = arith.constant 0 : i32
    %dma_wait3A_314 = tpu.memref_slice %arg4[%dma_wait3A_303, %dma_wait3A_304, %add3A, %dma_wait3A_312, %dma_wait3A_313] : memref<200x8x32x8x128xf32, #tpu.memory_space<hbm>> -> memref<1x1x1x8x128xf32, #tpu.memory_space<hbm>>
    %dma_wait3A_315 = tpu.memref_squeeze %dma_wait3A_314 : memref<1x1x1x8x128xf32, #tpu.memory_space<hbm>> -> memref<8x128xf32, #tpu.memory_space<hbm>>
    %dma_wait3A_316 = arith.constant 0 : i32
    %dma_wait3A_317 = arith.constant 0 : i32
    %dma_wait3A_318 = tpu.memref_slice %arg4[%dma_wait3A_303, %dma_wait3A_304, %add3A, %dma_wait3A_316, %dma_wait3A_317] : memref<200x8x32x8x128xf32, #tpu.memory_space<hbm>> -> memref<1x1x1x8x128xf32, #tpu.memory_space<hbm>>
    %dma_wait3A_319 = tpu.memref_squeeze %dma_wait3A_318 : memref<1x1x1x8x128xf32, #tpu.memory_space<hbm>> -> memref<8x128xf32, #tpu.memory_space<hbm>>
    %dma_wait3A_320 = arith.constant 0 : i32
    %dma_wait3A_321 = arith.constant 0 : i32
    %dma_wait3A_322 = tpu.memref_slice %arg7[%dma_wait3A_302, %dma_wait3A_320, %dma_wait3A_321] : memref<2x64x128xf32, #tpu.memory_space<vmem>> -> memref<1x64x128xf32, #tpu.memory_space<vmem>>
    %dma_wait3A_323 = tpu.memref_squeeze %dma_wait3A_322 : memref<1x64x128xf32, #tpu.memory_space<vmem>> -> memref<64x128xf32, #tpu.memory_space<vmem>>
    %dma_wait3A_324 = arith.constant 24 : i32
    %dma_wait3A_325 = arith.constant 0 : i32
    %dma_wait3A_326 = tpu.memref_slice %dma_wait3A_323[%dma_wait3A_324, %dma_wait3A_325] : memref<64x128xf32, #tpu.memory_space<vmem>> -> memref<8x128xf32, #tpu.memory_space<vmem>>
    tpu.wait_dma2 semaphore(%arg13 : memref<!tpu.dma_semaphore, #tpu.memory_space<semaphore_mem>>) src(%dma_wait3A_326 : memref<8x128xf32, #tpu.memory_space<vmem>>) dst(%dma_wait3A_319 : memref<8x128xf32, #tpu.memory_space<hbm>>)
    %dma_wait3A_327 = arith.constant 1 : i32
    %dma_wait3A_328 = arith.constant 199 : i32
    %dma_wait3A_329 = arith.constant 4 : i32
    %dma_wait3A_330 = arith.constant 0 : i32
    %dma_wait3A_331 = arith.constant 0 : i32
    %dma_wait3A_332 = tpu.memref_slice %arg7[%dma_wait3A_327, %dma_wait3A_330, %dma_wait3A_331] : memref<2x64x128xf32, #tpu.memory_space<vmem>> -> memref<1x64x128xf32, #tpu.memory_space<vmem>>
    %dma_wait3A_333 = tpu.memref_squeeze %dma_wait3A_332 : memref<1x64x128xf32, #tpu.memory_space<vmem>> -> memref<64x128xf32, #tpu.memory_space<vmem>>
    %dma_wait3A_334 = arith.constant 32 : i32
    %dma_wait3A_335 = arith.constant 0 : i32
    %dma_wait3A_336 = tpu.memref_slice %dma_wait3A_333[%dma_wait3A_334, %dma_wait3A_335] : memref<64x128xf32, #tpu.memory_space<vmem>> -> memref<8x128xf32, #tpu.memory_space<vmem>>
    %dma_wait3A_337 = arith.constant 0 : i32
    %dma_wait3A_338 = arith.constant 0 : i32
    %dma_wait3A_339 = tpu.memref_slice %arg4[%dma_wait3A_328, %dma_wait3A_329, %add3A, %dma_wait3A_337, %dma_wait3A_338] : memref<200x8x32x8x128xf32, #tpu.memory_space<hbm>> -> memref<1x1x1x8x128xf32, #tpu.memory_space<hbm>>
    %dma_wait3A_340 = tpu.memref_squeeze %dma_wait3A_339 : memref<1x1x1x8x128xf32, #tpu.memory_space<hbm>> -> memref<8x128xf32, #tpu.memory_space<hbm>>
    %dma_wait3A_341 = arith.constant 0 : i32
    %dma_wait3A_342 = arith.constant 0 : i32
    %dma_wait3A_343 = tpu.memref_slice %arg4[%dma_wait3A_328, %dma_wait3A_329, %add3A, %dma_wait3A_341, %dma_wait3A_342] : memref<200x8x32x8x128xf32, #tpu.memory_space<hbm>> -> memref<1x1x1x8x128xf32, #tpu.memory_space<hbm>>
    %dma_wait3A_344 = tpu.memref_squeeze %dma_wait3A_343 : memref<1x1x1x8x128xf32, #tpu.memory_space<hbm>> -> memref<8x128xf32, #tpu.memory_space<hbm>>
    %dma_wait3A_345 = arith.constant 0 : i32
    %dma_wait3A_346 = arith.constant 0 : i32
    %dma_wait3A_347 = tpu.memref_slice %arg7[%dma_wait3A_327, %dma_wait3A_345, %dma_wait3A_346] : memref<2x64x128xf32, #tpu.memory_space<vmem>> -> memref<1x64x128xf32, #tpu.memory_space<vmem>>
    %dma_wait3A_348 = tpu.memref_squeeze %dma_wait3A_347 : memref<1x64x128xf32, #tpu.memory_space<vmem>> -> memref<64x128xf32, #tpu.memory_space<vmem>>
    %dma_wait3A_349 = arith.constant 32 : i32
    %dma_wait3A_350 = arith.constant 0 : i32
    %dma_wait3A_351 = tpu.memref_slice %dma_wait3A_348[%dma_wait3A_349, %dma_wait3A_350] : memref<64x128xf32, #tpu.memory_space<vmem>> -> memref<8x128xf32, #tpu.memory_space<vmem>>
    tpu.wait_dma2 semaphore(%arg13 : memref<!tpu.dma_semaphore, #tpu.memory_space<semaphore_mem>>) src(%dma_wait3A_351 : memref<8x128xf32, #tpu.memory_space<vmem>>) dst(%dma_wait3A_344 : memref<8x128xf32, #tpu.memory_space<hbm>>)
    %dma_wait3A_352 = arith.constant 1 : i32
    %dma_wait3A_353 = arith.constant 199 : i32
    %dma_wait3A_354 = arith.constant 5 : i32
    %dma_wait3A_355 = arith.constant 0 : i32
    %dma_wait3A_356 = arith.constant 0 : i32
    %dma_wait3A_357 = tpu.memref_slice %arg7[%dma_wait3A_352, %dma_wait3A_355, %dma_wait3A_356] : memref<2x64x128xf32, #tpu.memory_space<vmem>> -> memref<1x64x128xf32, #tpu.memory_space<vmem>>
    %dma_wait3A_358 = tpu.memref_squeeze %dma_wait3A_357 : memref<1x64x128xf32, #tpu.memory_space<vmem>> -> memref<64x128xf32, #tpu.memory_space<vmem>>
    %dma_wait3A_359 = arith.constant 40 : i32
    %dma_wait3A_360 = arith.constant 0 : i32
    %dma_wait3A_361 = tpu.memref_slice %dma_wait3A_358[%dma_wait3A_359, %dma_wait3A_360] : memref<64x128xf32, #tpu.memory_space<vmem>> -> memref<8x128xf32, #tpu.memory_space<vmem>>
    %dma_wait3A_362 = arith.constant 0 : i32
    %dma_wait3A_363 = arith.constant 0 : i32
    %dma_wait3A_364 = tpu.memref_slice %arg4[%dma_wait3A_353, %dma_wait3A_354, %add3A, %dma_wait3A_362, %dma_wait3A_363] : memref<200x8x32x8x128xf32, #tpu.memory_space<hbm>> -> memref<1x1x1x8x128xf32, #tpu.memory_space<hbm>>
    %dma_wait3A_365 = tpu.memref_squeeze %dma_wait3A_364 : memref<1x1x1x8x128xf32, #tpu.memory_space<hbm>> -> memref<8x128xf32, #tpu.memory_space<hbm>>
    %dma_wait3A_366 = arith.constant 0 : i32
    %dma_wait3A_367 = arith.constant 0 : i32
    %dma_wait3A_368 = tpu.memref_slice %arg4[%dma_wait3A_353, %dma_wait3A_354, %add3A, %dma_wait3A_366, %dma_wait3A_367] : memref<200x8x32x8x128xf32, #tpu.memory_space<hbm>> -> memref<1x1x1x8x128xf32, #tpu.memory_space<hbm>>
    %dma_wait3A_369 = tpu.memref_squeeze %dma_wait3A_368 : memref<1x1x1x8x128xf32, #tpu.memory_space<hbm>> -> memref<8x128xf32, #tpu.memory_space<hbm>>
    %dma_wait3A_370 = arith.constant 0 : i32
    %dma_wait3A_371 = arith.constant 0 : i32
    %dma_wait3A_372 = tpu.memref_slice %arg7[%dma_wait3A_352, %dma_wait3A_370, %dma_wait3A_371] : memref<2x64x128xf32, #tpu.memory_space<vmem>> -> memref<1x64x128xf32, #tpu.memory_space<vmem>>
    %dma_wait3A_373 = tpu.memref_squeeze %dma_wait3A_372 : memref<1x64x128xf32, #tpu.memory_space<vmem>> -> memref<64x128xf32, #tpu.memory_space<vmem>>
    %dma_wait3A_374 = arith.constant 40 : i32
    %dma_wait3A_375 = arith.constant 0 : i32
    %dma_wait3A_376 = tpu.memref_slice %dma_wait3A_373[%dma_wait3A_374, %dma_wait3A_375] : memref<64x128xf32, #tpu.memory_space<vmem>> -> memref<8x128xf32, #tpu.memory_space<vmem>>
    tpu.wait_dma2 semaphore(%arg13 : memref<!tpu.dma_semaphore, #tpu.memory_space<semaphore_mem>>) src(%dma_wait3A_376 : memref<8x128xf32, #tpu.memory_space<vmem>>) dst(%dma_wait3A_369 : memref<8x128xf32, #tpu.memory_space<hbm>>)
    %dma_wait3A_377 = arith.constant 1 : i32
    %dma_wait3A_378 = arith.constant 199 : i32
    %dma_wait3A_379 = arith.constant 6 : i32
    %dma_wait3A_380 = arith.constant 0 : i32
    %dma_wait3A_381 = arith.constant 0 : i32
    %dma_wait3A_382 = tpu.memref_slice %arg7[%dma_wait3A_377, %dma_wait3A_380, %dma_wait3A_381] : memref<2x64x128xf32, #tpu.memory_space<vmem>> -> memref<1x64x128xf32, #tpu.memory_space<vmem>>
    %dma_wait3A_383 = tpu.memref_squeeze %dma_wait3A_382 : memref<1x64x128xf32, #tpu.memory_space<vmem>> -> memref<64x128xf32, #tpu.memory_space<vmem>>
    %dma_wait3A_384 = arith.constant 48 : i32
    %dma_wait3A_385 = arith.constant 0 : i32
    %dma_wait3A_386 = tpu.memref_slice %dma_wait3A_383[%dma_wait3A_384, %dma_wait3A_385] : memref<64x128xf32, #tpu.memory_space<vmem>> -> memref<8x128xf32, #tpu.memory_space<vmem>>
    %dma_wait3A_387 = arith.constant 0 : i32
    %dma_wait3A_388 = arith.constant 0 : i32
    %dma_wait3A_389 = tpu.memref_slice %arg4[%dma_wait3A_378, %dma_wait3A_379, %add3A, %dma_wait3A_387, %dma_wait3A_388] : memref<200x8x32x8x128xf32, #tpu.memory_space<hbm>> -> memref<1x1x1x8x128xf32, #tpu.memory_space<hbm>>
    %dma_wait3A_390 = tpu.memref_squeeze %dma_wait3A_389 : memref<1x1x1x8x128xf32, #tpu.memory_space<hbm>> -> memref<8x128xf32, #tpu.memory_space<hbm>>
    %dma_wait3A_391 = arith.constant 0 : i32
    %dma_wait3A_392 = arith.constant 0 : i32
    %dma_wait3A_393 = tpu.memref_slice %arg4[%dma_wait3A_378, %dma_wait3A_379, %add3A, %dma_wait3A_391, %dma_wait3A_392] : memref<200x8x32x8x128xf32, #tpu.memory_space<hbm>> -> memref<1x1x1x8x128xf32, #tpu.memory_space<hbm>>
    %dma_wait3A_394 = tpu.memref_squeeze %dma_wait3A_393 : memref<1x1x1x8x128xf32, #tpu.memory_space<hbm>> -> memref<8x128xf32, #tpu.memory_space<hbm>>
    %dma_wait3A_395 = arith.constant 0 : i32
    %dma_wait3A_396 = arith.constant 0 : i32
    %dma_wait3A_397 = tpu.memref_slice %arg7[%dma_wait3A_377, %dma_wait3A_395, %dma_wait3A_396] : memref<2x64x128xf32, #tpu.memory_space<vmem>> -> memref<1x64x128xf32, #tpu.memory_space<vmem>>
    %dma_wait3A_398 = tpu.memref_squeeze %dma_wait3A_397 : memref<1x64x128xf32, #tpu.memory_space<vmem>> -> memref<64x128xf32, #tpu.memory_space<vmem>>
    %dma_wait3A_399 = arith.constant 48 : i32
    %dma_wait3A_400 = arith.constant 0 : i32
    %dma_wait3A_401 = tpu.memref_slice %dma_wait3A_398[%dma_wait3A_399, %dma_wait3A_400] : memref<64x128xf32, #tpu.memory_space<vmem>> -> memref<8x128xf32, #tpu.memory_space<vmem>>
    tpu.wait_dma2 semaphore(%arg13 : memref<!tpu.dma_semaphore, #tpu.memory_space<semaphore_mem>>) src(%dma_wait3A_401 : memref<8x128xf32, #tpu.memory_space<vmem>>) dst(%dma_wait3A_394 : memref<8x128xf32, #tpu.memory_space<hbm>>)
    %dma_wait3A_402 = arith.constant 1 : i32
    %dma_wait3A_403 = arith.constant 199 : i32
    %dma_wait3A_404 = arith.constant 7 : i32
    %dma_wait3A_405 = arith.constant 0 : i32
    %dma_wait3A_406 = arith.constant 0 : i32
    %dma_wait3A_407 = tpu.memref_slice %arg7[%dma_wait3A_402, %dma_wait3A_405, %dma_wait3A_406] : memref<2x64x128xf32, #tpu.memory_space<vmem>> -> memref<1x64x128xf32, #tpu.memory_space<vmem>>
    %dma_wait3A_408 = tpu.memref_squeeze %dma_wait3A_407 : memref<1x64x128xf32, #tpu.memory_space<vmem>> -> memref<64x128xf32, #tpu.memory_space<vmem>>
    %dma_wait3A_409 = arith.constant 56 : i32
    %dma_wait3A_410 = arith.constant 0 : i32
    %dma_wait3A_411 = tpu.memref_slice %dma_wait3A_408[%dma_wait3A_409, %dma_wait3A_410] : memref<64x128xf32, #tpu.memory_space<vmem>> -> memref<8x128xf32, #tpu.memory_space<vmem>>
    %dma_wait3A_412 = arith.constant 0 : i32
    %dma_wait3A_413 = arith.constant 0 : i32
    %dma_wait3A_414 = tpu.memref_slice %arg4[%dma_wait3A_403, %dma_wait3A_404, %add3A, %dma_wait3A_412, %dma_wait3A_413] : memref<200x8x32x8x128xf32, #tpu.memory_space<hbm>> -> memref<1x1x1x8x128xf32, #tpu.memory_space<hbm>>
    %dma_wait3A_415 = tpu.memref_squeeze %dma_wait3A_414 : memref<1x1x1x8x128xf32, #tpu.memory_space<hbm>> -> memref<8x128xf32, #tpu.memory_space<hbm>>
    %dma_wait3A_416 = arith.constant 0 : i32
    %dma_wait3A_417 = arith.constant 0 : i32
    %dma_wait3A_418 = tpu.memref_slice %arg4[%dma_wait3A_403, %dma_wait3A_404, %add3A, %dma_wait3A_416, %dma_wait3A_417] : memref<200x8x32x8x128xf32, #tpu.memory_space<hbm>> -> memref<1x1x1x8x128xf32, #tpu.memory_space<hbm>>
    %dma_wait3A_419 = tpu.memref_squeeze %dma_wait3A_418 : memref<1x1x1x8x128xf32, #tpu.memory_space<hbm>> -> memref<8x128xf32, #tpu.memory_space<hbm>>
    %dma_wait3A_420 = arith.constant 0 : i32
    %dma_wait3A_421 = arith.constant 0 : i32
    %dma_wait3A_422 = tpu.memref_slice %arg7[%dma_wait3A_402, %dma_wait3A_420, %dma_wait3A_421] : memref<2x64x128xf32, #tpu.memory_space<vmem>> -> memref<1x64x128xf32, #tpu.memory_space<vmem>>
    %dma_wait3A_423 = tpu.memref_squeeze %dma_wait3A_422 : memref<1x64x128xf32, #tpu.memory_space<vmem>> -> memref<64x128xf32, #tpu.memory_space<vmem>>
    %dma_wait3A_424 = arith.constant 56 : i32
    %dma_wait3A_425 = arith.constant 0 : i32
    %dma_wait3A_426 = tpu.memref_slice %dma_wait3A_423[%dma_wait3A_424, %dma_wait3A_425] : memref<64x128xf32, #tpu.memory_space<vmem>> -> memref<8x128xf32, #tpu.memory_space<vmem>>
    tpu.wait_dma2 semaphore(%arg13 : memref<!tpu.dma_semaphore, #tpu.memory_space<semaphore_mem>>) src(%dma_wait3A_426 : memref<8x128xf32, #tpu.memory_space<vmem>>) dst(%dma_wait3A_419 : memref<8x128xf32, #tpu.memory_space<hbm>>)
    return
  }
}

</mosaic_0001>

<sc_bundles>
// kernel: kernel.4.cloned.1.call-start
scs
__scs_entry_jumppad:
0x0: {  	(pc) =	sbr.rel $0x88, $3  }
0x1: {  	(tag) =	ssettag $0x0;
	lr =	simm.s32 $0x1  }
0x2: {  	[smem:$0x3F9F] =	sst lr;
	_ =	strace $0xD0000000  }
0x3: {  	_ = 	snop  }
0x4: {  	_ = 	snop  }
0x5: {  	_ = 	snop  }
0x6: {  	_ = 	snop  }
0x7: {  	_ = 	snop  }
__scs_overlays_trampoline_lowered:
0x8: {  	[smem:$0x3FAE] =	sst s0  }
0x9: {  	[smem:$0x3FAF] =	sst s1  }
0xa: {  	[smem:$0x3FB0] =	sst s2  }
0xb: {  	[smem:$0x3FB1] =	sst s3  }
0xc: {  	[smem:$0x3FB2] =	sst s4  }
0xd: {  	[smem:$0x3FB3] =	sst s5  }
0xe: {  	[smem:$0x3FB4] =	sst s6  }
0xf: {  	[smem:$0x3FB5] =	sst s7  }
0x10: {  	[smem:$0x3FB6] =	sst s8  }
0x11: {  	[smem:$0x3FB7] =	sst s9;
	s0 =	simm.s32 @!p0 $0x0  }
0x12: {  	s1 =	sld [smem:$0x3F9D];
	s0 =	simm.s32 @p0 $0x1  }
0x13: {  	[smem:$0x3FB8] =	sst s0;
	s0 =	simm.s32 @!p1 $0x0  }
0x14: {  	s2 =	sld [smem:$0x3F9C];
	s0 =	simm.s32 @p1 $0x1  }
0x15: {  	[smem:$0x3FB9] =	sst s0;
	s0 =	simm.s32 @!p2 $0x0  }
0x16: {  	s3 =	sld [smem:$0x3FDB];
	s0 =	simm.s32 @p2 $0x1  }
0x17: {  	s4 =	simm.s32 $0x1BF5;
	[smem:$0x3FBB] =	sst s0  }
0x18: {  	s0 =	sld [smem:$0x3F9E];
	_ =	swait.ge [sflag:s4], $0x0  }
0x19: {  	s7 =	sld [smem:$0x3F9F]  }
0x1a: {  	s8 =	sadd.s32 $0xFFFFE003, lr  }
0x1b: {  	s9 =	sadd.s32 $0xFFFFFEF7, lr;
	s5 =	simm.s32 $0xFFFFFFFF;
	p2 =	slt.u32 s8, $0xFFFFF086  }
0x1c: {  	p1 =	slt.u32 s9, $0xF7A;
	s5 =	simm.s32 @!p2 $0x0  }
0x1d: {  	s5 =	simm.s32 @p1 $0x1;
	p0 =	seq.s32 s7, s2  }
0x1e: {  	s7 =	smul.u32 @!p0 $0xF7A, s2;
	p2 =	seq.s32 @!p0 s5, $0x0  }
0x1f: {  	s9 =	smul.u32 $0xF7A, s1;
	s8 =	simm.s32 @!p0 $0x1BF5;
	p2 =	por !p2, p0  }
0x20: {  	[sflag:s8] =	ssyncset.s32 @!p0 $0xFFFFF086;
	s6 =	sadd.s32 @!p0 s3, s7;
	s7 =	simm.s32 @!p0 $0x108  }
0x21: {  	s3 =	sadd.s32 s3, s9;
	s6 =	sadd.s32 @!p0 $0x88, s6;
	s7 =	simm.s32 @p2 $0x1082  }
0x22: {  	[simem:s7], [sflag:s8] =	dma.local @!p0 [hbm:s6], $0xF7A  }
0x23: {  	s9 =	sor.u32 $0xD0000000, s2;
	s6 =	simm.s32 $0x108;
	_ =	swait.ge @!p0 [sflag:s8], $0x0  }
0x24: {  	s3 =	sadd.s32 $0x88, s3;
	s6 =	simm.s32 @!p1 $0x1082;
	[sflag:s4] =	ssyncset.s32 $0xFFFFF086  }
0x25: {  	[simem:s6], [sflag:s4] =	dma.local [hbm:s3], $0xF7A  }
0x26: {  	[smem:$0x3F9F] =	sst s1;
	(tag) =	ssettag s2;
	_ =	strace s9  }
0x27: {  	s1 =	sld [smem:$0x3FAF]  }
0x28: {  	s2 =	sld [smem:$0x3FB0]  }
0x29: {  	s4 =	sld [smem:$0x3FB2]  }
0x2a: {  	p0 =	seq.s32 s5, $0x0;
	s5 =	sld [smem:$0x3FB3]  }
0x2b: {  	s6 =	sld [smem:$0x3FB4]  }
0x2c: {  	s7 =	sld [smem:$0x3FB5]  }
0x2d: {  	s3 =	simm.s32 $0x108;
	s8 =	sld [smem:$0x3FB6]  }
0x2e: {  	s3 =	simm.s32 @!p0 $0x1082;
	s9 =	sld [smem:$0x3FB7]  }
0x2f: {  	lr =	sadd.s32 s0, s3;
	s0 =	sld [smem:$0x3FAE]  }
0x30: {  	s3 =	sld [smem:$0x3FB1]  }
0x31: {  	[smem:$0x3FBA] =	sst s10  }
0x32: {  	s10 =	sld [smem:$0x3FB8];
	_ =	sdelay $0x3  }
0x33: {  	p0 =	seq.s32 s10, $0x1;
	s10 =	sld [smem:$0x3FBA];
	_ =	sdelay $0x3  }
0x34: {  	[smem:$0x3FBA] =	sst s10  }
0x35: {  	s10 =	sld [smem:$0x3FB9];
	_ =	sdelay $0x3  }
0x36: {  	p1 =	seq.s32 s10, $0x1;
	s10 =	sld [smem:$0x3FBA];
	_ =	sdelay $0x3  }
0x37: {  	[smem:$0x3FBA] =	sst s10  }
0x38: {  	s10 =	sld [smem:$0x3FBB]  }
0x39: {  	_ = 	snop;
	(pc) =	sbr.ind lr, $3  }
0x3a: {  	_ = 	snop  }
0x3b: {  	_ = 	snop  }
0x3c: {  	p2 =	seq.s32 s10, $0x1;
	s10 =	sld [smem:$0x3FBA]  }
0x3d: {  	_ =	shalt  }
0x3e: {  	_ =	shalt  }
0x3f: {  	_ =	shalt  }
0x40: {  	_ =	shalt  }
0x41: {  	_ =	shalt  }
0x42: {  	_ =	shalt  }
0x43: {  	_ =	shalt  }
0x44: {  	_ =	shalt  }
0x45: {  	_ =	shalt  }
0x46: {  	_ =	shalt  }
0x47: {  	_ =	shalt  }
0x48: {  	_ =	shalt  }
0x49: {  	_ =	shalt  }
0x4a: {  	_ =	shalt  }
0x4b: {  	_ =	shalt  }
0x4c: {  	_ =	shalt  }
0x4d: {  	_ =	shalt  }
0x4e: {  	_ =	shalt  }
0x4f: {  	_ =	shalt  }
0x50: {  	_ =	shalt  }
0x51: {  	_ =	shalt  }
0x52: {  	_ =	shalt  }
0x53: {  	_ =	shalt  }
0x54: {  	_ =	shalt  }
0x55: {  	_ =	shalt  }
0x56: {  	_ =	shalt  }
0x57: {  	_ =	shalt  }
0x58: {  	_ =	shalt  }
0x59: {  	_ =	shalt  }
0x5a: {  	_ =	shalt  }
0x5b: {  	_ =	shalt  }
0x5c: {  	_ =	shalt  }
0x5d: {  	_ =	shalt  }
0x5e: {  	_ =	shalt  }
0x5f: {  	_ =	shalt  }
0x60: {  	_ =	shalt  }
0x61: {  	_ =	shalt  }
0x62: {  	_ =	shalt  }
0x63: {  	_ =	shalt  }
0x64: {  	_ =	shalt  }
0x65: {  	_ =	shalt  }
0x66: {  	_ =	shalt  }
0x67: {  	_ =	shalt  }
0x68: {  	_ =	shalt  }
0x69: {  	_ =	shalt  }
0x6a: {  	_ =	shalt  }
0x6b: {  	_ =	shalt  }
0x6c: {  	_ =	shalt  }
0x6d: {  	_ =	shalt  }
0x6e: {  	_ =	shalt  }
0x6f: {  	_ =	shalt  }
0x70: {  	_ =	shalt  }
0x71: {  	_ =	shalt  }
0x72: {  	_ =	shalt  }
0x73: {  	_ =	shalt  }
0x74: {  	_ =	shalt  }
0x75: {  	_ =	shalt  }
0x76: {  	_ =	shalt  }
0x77: {  	_ =	shalt  }
0x78: {  	_ =	shalt  }
0x79: {  	_ =	shalt  }
0x7a: {  	_ =	shalt  }
0x7b: {  	_ =	shalt  }
0x7c: {  	_ =	shalt  }
0x7d: {  	_ =	shalt  }
0x7e: {  	_ =	shalt  }
0x7f: {  	_ =	shalt  }
0x80: {  	_ =	shalt  }
0x81: {  	_ =	shalt  }
0x82: {  	_ =	shalt  }
0x83: {  	_ =	shalt  }
0x84: {  	_ =	shalt  }
0x85: {  	_ =	shalt  }
0x86: {  	_ =	shalt  }
0x87: {  	_ =	shalt  }
.Lfunc_end0:
.L_simem_size_0:
called_computation_lowered:
.L_overlay_start_0:
0x88: {  	s2 =	sld [smem:$0x3FD9]  }
0x89: {  	s3 =	sld [smem:$0x3FFE];
	_ =	sdelay $0x1  }
0x8a: {  	s1 =	srdreg.scid  }
0x8b: {  	s0 =	sand.u32 $0x1, s1  }
0x8c: {  	s17 =	sshll.u32 s0, $0xA;
	s2 =	sadd.s32 s3, s2  }
0x8d: {  	s2 =	sadd.s32 s2, s17  }
0x8e: {  	[smem:$0x3FC6] =	sst s2  }
0x8f: {  	_ = 	snop  }
0x90: {  	s2 =	sld [smem:$0x3FC8]  }
0x91: {  	s18 =	sld [smem:$0x3FD0];
	(tm) =	ssettm $0x1  }
0x92: {  	s4 =	sld [smem:$0x3FFB];
	_ =	sdelay $0x3  }
0x93: {  	_ =	strace s4  }
0x94: {  	s4 =	sld [smem:$0x3FFC];
	_ =	sdelay $0x3  }
0x95: {  	_ =	strace s4  }
0x96: {  	s4 =	sld [smem:$0x3FFD];
	_ =	sdelay $0x3  }
0x97: {  	_ =	strace s4  }
0x98: {  	_ =	strace $0x8FFFFFFF  }
0x99: {  	s19 =	sld [smem:$0x3FDB];
	_ =	sdelay $0x1  }
0x9a: {  	s5 =	simm.s32 $_scs_section_size  }
0x9b: {  	s6 =	simm.s32 $_size__tile_overlayer_lowered;
	s7 =	simm.s32 $_tile_overlayer_lowered  }
0x9c: {  	s22 =	simm.s32 $0x1BFF;
	s21 =	sshll.u32 s7, $0x1;
	s4 =	sadd.s32 s5, s19  }
0x9d: {  	s8 =	simm.s32 $0x0;
	s20 =	sshll.u32 s6, $0x1;
	s6 =	sadd.s32 s21, s4  }
0x9e: {  	[timem:s8], [sflag:s22] =	dma.local [hbm:s6], s20  }
0x9f: {  	_ =	swait.ge [sflag:s22], s20  }
0xa0: {  	s5 =	ssub.s32 $0x0, s20;
	[sflag:s22] =	ssyncset.done $0x0  }
0xa1: {  	[sflag:s22] =	ssyncadd.s32 s5;
	_ =	sdelay $0x1  }
0xa2: {  	s23 =	simm.s32 $0x1B8B  }
0xa3: {  	_ =	swait.ge [sflag:s23], $0x1  }
0xa4: {  	[sflag:s23] =	ssyncset.done $0x0  }
0xa5: {  	s25 =	simm.s32 $0x1B8E;
	s24 =	sld [smem:$0x3FFE];
	[sflag:s23] =	ssyncadd.s32 $0xFFFFFFFF  }
0xa6: {  	s26 =	simm.s32 $execute0_lowered;
	[smem:$0x3FD2] =	sst s25  }
0xa7: {  	s6 =	sshll.u32 s26, $0x1;
	_ =	strace $0x80000046;
	[dreg:$0x1] =	wrdreg $0xFFFFFFFF  }
0xa8: {  	s28 =	simm.s32 $_size_execute0_lowered;
	s4 =	sadd.s32 s4, s6;
	[dreg:$0x0] =	wrdreg $0x0  }
0xa9: {  	s6 =	sshll.u32 s28, $0x1;
	[dreg:$0x2] =	wrdreg s4  }
0xaa: {  	[dreg:$0x3] =	wrdreg s6  }
0xab: {  	[dreg:$0x4] =	wrdreg $0xC0  }
0xac: {  	_ =	task [dreg:s8], $0x5FFFF  }
0xad: {  	[dreg:$0x1] =	wrdreg $0xFFFFFFFF  }
0xae: {  	[dreg:$0x0] =	wrdreg $0x60  }
0xaf: {  	[dreg:$0x2] =	wrdreg s2  }
0xb0: {  	[dreg:$0x3] =	wrdreg s18  }
0xb1: {  	[dreg:$0x4] =	wrdreg s24  }
0xb2: {  	[dreg:$0x5] =	wrdreg $0x9  }
0xb3: {  	_ =	task.clear_ibuf [dreg:s8], $0x6FFFF;
	_ =	strace $0x90000046  }
0xb4: {  	s29 =	simm.s32 $0x9;
	_ =	strace $0x80000048  }
0xb5: {  	_ =	swait.ge [sflag:s29], $0x1  }
0xb6: {  	[sflag:s29] =	ssyncadd.s32 $0xFFFFFFFF  }
0xb7: {  	_ =	strace $0x90000048  }
0xb8: {  	_ =	sfence  }
0xb9: {  	s30 =	sld [smem:$0x0];
	_ =	sdelay $0x2  }
0xba: {  	s31 =	sshll.u32 s1, $0xD;
	s1 =	sshrl.u32 s1, $0x2  }
0xbb: {  	s3 =	sand.u32 $0x4000, s31;
	s1 =	sadd.s32 s1, s30  }
0xbc: {  	s0 =	sor.u32 s3, s0;
	s1 =	sshll.u32 s1, $0x11  }
0xbd: {  	s0 =	sor.u32 s1, s0  }
0xbe: {  	s0 =	sadd.s32 $0x8F2B, s0  }
0xbf: {  	[sflag:s0] =	ssyncadd.remote.s32 $0x1  }
0xc0: {  	_ =	sfence.sel $0xFFFF  }
0xc1: {  	[dreg:$0x0] =	wrdreg $0xFFFFFFFF;
	(pc) =	sbr.abs _section_cstart, $3  }
0xc2: {  	[dreg:$0x1] =	wrdreg $0xFFFFFFFF  }
0xc3: {  	_ =	task.clear_ibuf [dreg:s8], $0x2FFFF;
	_ =	strace $0x9FFFFFFF  }
0xc4: {  	(tm) =	ssettm $0x7FFFFFFF  }
0xc5: {  	_ =	shalt  }
tec
execute0_lowered:
.L_overlay_start_1:
0x0: {  	(tag) =	ssettag $0x1  }
0x1: {  	s1 =	rddreg [dreg:$0x0];
	s0 =	srdreg.scid  }
0x2: {  	s3 =	stileid.u32;
	s2 =	rddreg [dreg:$0x2]  }
0x3: {  	s4 =	simm.s32 $0x0;
	s16 =	simm.s32 $0x400;
	s17 =	simm.s32 $0x7A1400  }
0x4: {  	s18 =	simm.s32 $0x2000;
	s19 =	simm.s32 $0x1;
	s20 =	simm.s32 $0x4000  }
0x5: {  	s21 =	simm.s32 $0x2;
	s22 =	simm.s32 $0x8000;
	s24 =	simm.s32 $0x4  }
0x6: {  	s26 =	simm.s32 $0x0;
	s0 =	sand.u32 $0x1, s0;
	s5 =	sshll.u32 s3, $0x1  }
0x7: {  	[smem:$0x7FF] =	sst s4;
	s14 =	sadd.s32 $0xF42A00, s2;
	s25 =	sor.u32 s0, s5  }
0x8: {  	_ =	strace $0x80000047;
	s0 =	ssub.s32 $0x2, s0;
	s7 =	smul.u32 $0x1E84, s25  }
0x9: {  	s5 =	sadd.s32 $0xA00, s2;
	s8 =	sshrl.u32 s0, $0x1;
	p1 =	sne.s32 s25, $0x1F  }
0xa: {  	s0 =	ssub.s32 s0, s8;
	s6 =	sshrl.u32 s7, $0x5;
	s7 =	sadd.s32 $0x1E84, s7  }
0xb: {  	s15 =	smax.u32 s0, $0x1;
	s9 =	sshll.u32 s6, $0x7;
	s29 =	sshrl.u32 s7, $0x5  }
.Ltmp0:
0xc: {  	s10 =	sadd.s32 $0x1, s6;
	s11 =	sadd.s32 $0x3, s6;
	(pc) =	sbr.rel .LBB2_1-.Ltmp0, $4  }
0xd: {  	s7 =	sadd.s32 s1, s9;
	s23 =	ssub.s32 s29, s6;
	s12 =	sadd.s32 $0x7A00, s9  }
0xe: {  	s9 =	sadd.s32 $0x2, s6;
	s13 =	sshll.u32 s12, $0x4;
	s30 =	sadd.s32 s1, s12  }
0xf: {  	s8 =	sadd.s32 $0x80, s7;
	[dreg:$0x4] =	wrdreg s30;
	s31 =	sadd.s32 s5, s13  }
0x10: {  	v0 =	vlaneseq.u32;
	p0 =	slt.s32 s23, $0xF5;
	s23 =	simm.s32 $0x3;
	[dreg:$0x5] =	wrdreg s31  }
.LBB2_16:
0x11: {  	s26 =	sadd.s32 $0x1, s26  }
0x12: {  	p2 =	sne.s32 s26, s15  }
.Ltmp1:
0x13: {  	_ = 	snop;
	(pc) =	sbr.rel @!p2 .LBB2_17-.Ltmp1, $1  }
0x14: {  	_ =	sdelay $0x3  }
.LBB2_1:
0x15: {  	[tilespmem:s4], [sflag:$0x1] =	stream.strided.gather [hbm4b:s7+s16], $0x2000, s17, s16, $0x38;
	[tilespmem:$0xE000] =	vst v63  }
0x16: {  	s28 =	simm.s32 $0x0  }
0x17: {  	[tilespmem:s18], [sflag:$0x2] =	stream.strided.gather [hbm4b:s8+s16], $0x2000, s17, s16, $0x38;
	[tilespmem:$0xE000] =	vst v63  }
.LBB2_2:
0x18: {  	s0 =	simm.s32 $0x0  }
0x19: {  	s3 =	simm.s32 $0x0;
	s2 =	sand.u32 $0x8, s0  }
0x1a: {  	s3 =	sand.u32 $0x70, s3;
	v1 =	vadd.s32 s2, v0;
	s29 =	sor.u32 $0x1, s2;
	s30 =	sor.u32 $0x2, s2  }
0x1b: {  	s31 =	sor.u32 $0x7, s2;
	v9 =	vor.u32 s3, v0;
	v2 =	vadd.s32 s29, v0;
	v3 =	vadd.s32 s30, v0  }
0x1c: {  	s29 =	sor.u32 $0x3, s2;
	s30 =	sor.u32 $0x4, s2;
	v4 =	vadd.s32 s31, v0;
	v1 =	vand.u32 $0xF, v1;
	v18 =	vshll.u32 v9, $0x7  }
0x1d: {  	s31 =	sor.u32 $0x5, s2;
	s2 =	sor.u32 $0x6, s2;
	v5 =	vadd.s32 s29, v0;
	v6 =	vadd.s32 s30, v0;
	v4 =	vand.u32 $0xF, v4  }
0x1e: {  	s0 =	sand.u32 $0x30, s0;
	v7 =	vadd.s32 s31, v0;
	v8 =	vadd.s32 s2, v0;
	v2 =	vand.u32 $0xF, v2  }
0x1f: {  	v3 =	vand.u32 $0xF, v3;
	v1 =	vor.u32 s0, v1;
	v4 =	vor.u32 s0, v4  }
0x20: {  	v5 =	vand.u32 $0xF, v5;
	v6 =	vand.u32 $0xF, v6;
	v7 =	vand.u32 $0xF, v7  }
0x21: {  	v8 =	vand.u32 $0xF, v8;
	v2 =	vor.u32 s0, v2;
	v3 =	vor.u32 s0, v3  }
0x22: {  	v15 =	vshll.u32 v1, $0x7;
	v1 =	vor.u32 v1, v18;
	v10 =	vshll.u32 v4, $0x7  }
0x23: {  	v5 =	vor.u32 s0, v5;
	v11 =	vor.u32 s0, v6;
	v7 =	vor.u32 s0, v7  }
0x24: {  	v6 =	vshll.u32 v2, $0x7;
	v8 =	vor.u32 s0, v8;
	v12 =	vshll.u32 v3, $0x7  }
0x25: {  	v22 =	vor.u32 v18, v4;
	v15 =	vor.u32 v9, v15;
	v30 =	vor.u32 v18, v2  }
0x26: {  	v10 =	vor.u32 v9, v10;
	v13 =	vshll.u32 v5, $0x7;
	v14 =	vshll.u32 v11, $0x7  }
0x27: {  	v16 =	vshll.u32 v7, $0x7;
	v17 =	vshll.u32 v8, $0x7;
	v19 =	vor.u32 v9, v6  }
0x28: {  	s30 =	simm.s32 $0x8;
	v12 =	vor.u32 v9, v12;
	v6 =	vor.u32 v18, v3;
	v4 =	vor.u32 v18, v5  }
0x29: {  	_ =	swait.ge [sflag:s19], $0x2000;
	s0 =	sand.u32 $0x8, s30;
	v5 =	vor.u32 v18, v11;
	v3 =	vor.u32 v18, v7;
	v2 =	vor.u32 v18, v8  }
0x2a: {  	[sflag:s19] =	ssyncset.done $0x0;
	s25 =	sor.u32 $0x1, s0;
	v7 =	vadd.s32 s0, v0;
	v20 =	vor.u32 v9, v13;
	v14 =	vor.u32 v9, v14  }
0x2b: {  	s29 =	sor.u32 $0x2, s0;
	s31 =	sor.u32 $0x7, s0;
	s12 =	sor.u32 $0x3, s0;
	v21 =	vor.u32 v9, v16;
	v24 =	vor.u32 v9, v17;
	v8 =	vadd.s32 s25, v0  }
0x2c: {  	p2 =	seq.s32 s28, $0x0;
	[sflag:s19] =	ssyncadd.s32 $0xFFFFE000;
	v9 =	vadd.s32 s29, v0;
	s29 =	sor.u32 $0x4, s0;
	v11 =	vadd.s32 s31, v0;
	v13 =	vadd.s32 s12, v0  }
0x2d: {  	s2 =	simm.s32 @!p2 $0x3;
	s25 =	sor.u32 $0x5, s0;
	s0 =	sor.u32 $0x6, s0;
	v7 =	vand.u32 $0xF, v7;
	v16 =	vadd.s32 s29, v0;
	v11 =	vand.u32 $0xF, v11  }
0x2e: {  	s13 =	sand.u32 $0x30, s30;
	_ =	swait.ge @!p2 [sflag:s2], $0x4000;
	s31 =	simm.s32 $0x2;
	v17 =	vadd.s32 s25, v0;
	v18 =	vadd.s32 s0, v0;
	v8 =	vand.u32 $0xF, v8  }
0x2f: {  	[sflag:s2] =	ssyncset.done @!p2 $0x0;
	s29 =	sand.u32 $0x70, s31;
	v9 =	vand.u32 $0xF, v9;
	v13 =	vand.u32 $0xF, v13;
	v27 =	vor.u32 s13, v11  }
0x30: {  	[sflag:s2] =	ssyncadd.s32 @!p2 $0xFFFFC000;
	v28 =	vor.u32 s29, v0;
	v31 =	vor.u32 s13, v9;
	v11 =	vshll.u32 v27, $0x7  }
0x31: {  	v32 =	vor.u32 s13, v13;
	v23 =	vor.u32 v28, v11;
	v11 =	vand.u32 $0xF, v16;
	v29 =	vld.idx.msk [tilespmem:v10+s4+$0x0], $0xffff  }
0x32: {  	v10 =	vand.u32 $0xF, v17;
	v16 =	vand.u32 $0xF, v18;
	v19 =	vld.idx.msk [tilespmem:v19+s4+$0x0], $0xffff;
	v18 =	vor.u32 s13, v8  }
0x33: {  	v12 =	vld.idx.msk [tilespmem:v12+s4+$0x0], $0xffff;
	v17 =	vshll.u32 v31, $0x7;
	v13 =	vor.u32 s13, v11;
	v9 =	vor.u32 s13, v10  }
0x34: {  	v11 =	vor.u32 s13, v7;
	v7 =	vld.idx.msk [tilespmem:v20+s4+$0x0], $0xffff;
	v8 =	vshll.u32 v18, $0x7;
	v10 =	vor.u32 s13, v16  }
0x35: {  	v20 =	vld.idx.msk [tilespmem:v14+s4+$0x0], $0xffff;
	v14 =	vshll.u32 v32, $0x7;
	v16 =	vshll.u32 v28, $0x7;
	v26 =	vor.u32 v28, v17  }
0x36: {  	v38 =	vld.idx.msk [tilespmem:v21+s4+$0x0], $0xffff;
	v33 =	vshll.u32 v13, $0x7;
	v34 =	vshll.u32 v11, $0x7;
	v36 =	vshll.u32 v9, $0x7  }
0x37: {  	v37 =	vshll.u32 v10, $0x7;
	v39 =	vor.u32 v28, v8;
	v25 =	vor.u32 v28, v14;
	v35 =	vld.idx.msk [tilespmem:v23+s4+$0x0], $0xffff  }
0x38: {  	v8 =	vld.idx.msk [tilespmem:v24+s4+$0x0], $0xffff;
	v14 =	vor.u32 v28, v34;
	v21 =	vor.u32 v28, v36;
	v17 =	vor.u32 v28, v37  }
0x39: {  	v23 =	vor.u32 v28, v33;
	v28 =	vor.u32 v16, v27;
	v27 =	vmul.f32 $8.000000000e+00, v12;
	v12 =	vld.idx.msk [tilespmem:v15+s4+$0x0], $0xffff  }
0x3a: {  	v29 =	vmul.f32 $8.000000000e+00, v29  }
0x3b: {  	v18 =	vor.u32 v16, v18;
	v63 =	vmul.f32 $8.000000000e+00, v19  }
0x3c: {  	s29 =	sshll.u32 s28, $0x1;
	v19 =	vor.u32 v16, v31;
	v24 =	vmul.f32 $8.000000000e+00, v7;
	[tilespmem:v22+s20+$0x0] =	vst.idx.msk $0xffff, v29;
	v29 =	vmul.f32 $8.000000000e+00, v35  }
0x3d: {  	s2 =	sadd.s32 s6, s29;
	v15 =	vor.u32 v16, v32;
	v7 =	vld.idx.msk [tilespmem:v39+s4+$0x0], $0xffff;
	[tilespmem:v30+s20+$0x0] =	vst.idx.msk $0xffff, v63;
	v22 =	vmul.f32 $8.000000000e+00, v20;
	v20 =	vmul.f32 $8.000000000e+00, v38  }
.LBB2_3:
0x3e: {  	s30 =	sadd.s32 $0x8, s30;
	v30 =	vld.idx.msk [tilespmem:v26+s4+$0x0], $0xffff;
	v13 =	vor.u32 v16, v13;
	[tilespmem:v28+s20+$0x0] =	vst.idx.msk $0xffff, v29;
	v26 =	vmul.f32 $8.000000000e+00, v12;
	v28 =	vmul.f32 $8.000000000e+00, v8  }
0x3f: {  	v11 =	vor.u32 v11, v16;
	v9 =	vor.u32 v16, v9;
	v10 =	vor.u32 v16, v10;
	s0 =	sand.u32 $0x8, s30;
	p3 =	slt.u32 s30, $0x1F8;
	v31 =	vld.idx.msk [tilespmem:v25+s4+$0x0], $0xffff  }
0x40: {  	v33 =	vmov v18;
	v16 =	vadd.s32 s0, v0;
	s3 =	sor.u32 $0x1, s0;
	s25 =	sor.u32 $0x2, s0;
	s12 =	sor.u32 $0x7, s0;
	v32 =	vld.idx.msk [tilespmem:v23+s4+$0x0], $0xffff;
	[tilespmem:v6+s20+$0x0] =	vst.idx.msk $0xffff, v27;
	v6 =	vmov v19  }
0x41: {  	s13 =	sor.u32 $0x5, s0;
	v18 =	vadd.s32 s3, v0;
	v19 =	vadd.s32 s25, v0;
	s3 =	sor.u32 $0x3, s0;
	s25 =	sor.u32 $0x4, s0;
	v8 =	vadd.s32 s12, v0;
	v34 =	vld.idx.msk [tilespmem:v21+s4+$0x0], $0xffff  }
0x42: {  	s31 =	sadd.s32 $0x2, s31;
	s12 =	sand.u32 $0x30, s30;
	s0 =	sor.u32 $0x6, s0;
	v21 =	vadd.s32 s3, v0;
	v23 =	vadd.s32 s25, v0;
	v12 =	vand.u32 $0xF, v8;
	v8 =	vld.idx.msk [tilespmem:v17+s4+$0x0], $0xffff;
	[tilespmem:v4+s20+$0x0] =	vst.idx.msk $0xffff, v24;
	v4 =	vmovc v15  }
0x43: {  	s3 =	sand.u32 $0x70, s31;
	v15 =	vadd.s32 s13, v0;
	v17 =	vadd.s32 s0, v0;
	v24 =	vor.u32 s12, v12;
	v12 =	vld.idx.msk [tilespmem:v14+s4+$0x0], $0xffff  }
0x44: {  	v27 =	vor.u32 s3, v0;
	v14 =	vand.u32 $0xF, v18;
	v18 =	vshll.u32 v24, $0x7;
	[tilespmem:v5+s20+$0x0] =	vst.idx.msk $0xffff, v22;
	v5 =	vmovc v13  }
0x45: {  	v13 =	vand.u32 $0xF, v19;
	v19 =	vand.u32 $0xF, v21;
	v18 =	vor.u32 v27, v18;
	[tilespmem:v3+s20+$0x0] =	vst.idx.msk $0xffff, v20;
	v3 =	vmovc v9  }
0x46: {  	v15 =	vand.u32 $0xF, v15;
	v17 =	vand.u32 $0xF, v17;
	v9 =	vand.u32 $0xF, v23;
	[tilespmem:v2+s20+$0x0] =	vst.idx.msk $0xffff, v28;
	v2 =	vmovc v10  }
0x47: {  	v20 =	vor.u32 s12, v14;
	v22 =	vor.u32 s12, v13;
	v10 =	vand.u32 $0xF, v16;
	[tilespmem:v1+s20+$0x0] =	vst.idx.msk $0xffff, v26;
	v1 =	vmovc v11  }
0x48: {  	v35 =	vor.u32 s12, v19;
	v13 =	vor.u32 s12, v9;
	v9 =	vor.u32 s12, v15  }
0x49: {  	v14 =	vshll.u32 v20, $0x7;
	v11 =	vor.u32 s12, v10;
	v10 =	vor.u32 s12, v17  }
0x4a: {  	v15 =	vshll.u32 v22, $0x7;
	v17 =	vshll.u32 v35, $0x7;
	v19 =	vshll.u32 v13, $0x7;
	v29 =	vld.idx.msk [tilespmem:v18+s4+$0x0], $0xffff  }
0x4b: {  	v21 =	vshll.u32 v9, $0x7;
	v36 =	vshll.u32 v10, $0x7;
	v18 =	vshll.u32 v11, $0x7  }
0x4c: {  	v16 =	vshll.u32 v27, $0x7;
	v37 =	vor.u32 v27, v14;
	v26 =	vor.u32 v27, v15  }
.Ltmp2:
0x4d: {  	v28 =	vor.u32 v16, v24;
	v25 =	vor.u32 v27, v17;
	v23 =	vor.u32 v27, v19;
	(pc) =	sbr.rel @p3 .LBB2_3-.Ltmp2, $4  }
0x4e: {  	v21 =	vor.u32 v27, v21;
	v17 =	vor.u32 v27, v36;
	v14 =	vor.u32 v27, v18  }
0x4f: {  	v18 =	vor.u32 v16, v20;
	v20 =	vmul.f32 $8.000000000e+00, v7;
	v27 =	vmul.f32 $8.000000000e+00, v30  }
0x50: {  	v24 =	vmul.f32 $8.000000000e+00, v31;
	v19 =	vor.u32 v16, v22;
	v29 =	vmul.f32 $8.000000000e+00, v29  }
0x51: {  	v15 =	vor.u32 v16, v35;
	v22 =	vmul.f32 $8.000000000e+00, v32;
	v7 =	vld.idx.msk [tilespmem:v37+s4+$0x0], $0xffff;
	[tilespmem:v33+s20+$0x0] =	vst.idx.msk $0xffff, v20;
	v20 =	vmul.f32 $8.000000000e+00, v34  }
0x52: {  	_ =	sdelay $0x3  }
0x53: {  	v26 =	vld.idx.msk [tilespmem:v26+s4+$0x0], $0xffff  }
0x54: {  	v25 =	vld.idx.msk [tilespmem:v25+s4+$0x0], $0xffff  }
0x55: {  	v23 =	vld.idx.msk [tilespmem:v23+s4+$0x0], $0xffff;
	[tilespmem:v6+s20+$0x0] =	vst.idx.msk $0xffff, v27;
	s0 =	simm.s32 $0x0  }
0x56: {  	v21 =	vld.idx.msk [tilespmem:v21+s4+$0x0], $0xffff;
	[tilespmem:v4+s20+$0x0] =	vst.idx.msk $0xffff, v24;
	s3 =	sand.u32 $0x8, s0  }
0x57: {  	v4 =	vld.idx.msk [tilespmem:v14+s4+$0x0], $0xffff;
	v13 =	vor.u32 v16, v13;
	v8 =	vmul.f32 $8.000000000e+00, v8;
	[tilespmem:v5+s20+$0x0] =	vst.idx.msk $0xffff, v22;
	s25 =	sor.u32 $0x7, s3  }
0x58: {  	v6 =	vld.idx.msk [tilespmem:v17+s4+$0x0], $0xffff;
	v11 =	vor.u32 v11, v16;
	v5 =	vmul.f32 $8.000000000e+00, v12;
	[tilespmem:v3+s20+$0x0] =	vst.idx.msk $0xffff, v20;
	v12 =	vadd.s32 s25, v0  }
0x59: {  	[tilespmem:v2+s20+$0x0] =	vst.idx.msk $0xffff, v8;
	s13 =	sor.u32 $0x2, s3;
	v3 =	vmul.f32 $8.000000000e+00, v7;
	v7 =	vor.u32 v16, v9;
	v9 =	vor.u32 v16, v10  }
0x5a: {  	[tilespmem:v1+s20+$0x0] =	vst.idx.msk $0xffff, v5;
	v10 =	vadd.s32 s13, v0;
	v2 =	vmul.f32 $8.000000000e+00, v26;
	v8 =	vmul.f32 $8.000000000e+00, v25  }
0x5b: {  	s0 =	sand.u32 $0x30, s0;
	s13 =	sor.u32 $0x4, s3;
	v12 =	vand.u32 $0xF, v12;
	v1 =	vmul.f32 $8.000000000e+00, v23;
	v5 =	vmul.f32 $8.000000000e+00, v21;
	[tilespmem:v18+s20+$0x0] =	vst.idx.msk $0xffff, v3  }
0x5c: {  	s12 =	sor.u32 $0x1, s3;
	v14 =	vadd.s32 s13, v0;
	v12 =	vor.u32 s0, v12;
	v3 =	vmul.f32 $8.000000000e+00, v4;
	[tilespmem:v19+s20+$0x0] =	vst.idx.msk $0xffff, v2  }
0x5d: {  	s25 =	sor.u32 $0x5, s3;
	v4 =	vmul.f32 $8.000000000e+00, v6;
	v6 =	vadd.s32 s3, v0;
	v2 =	vadd.s32 s12, v0;
	s12 =	sor.u32 $0x3, s3;
	[tilespmem:v15+s20+$0x0] =	vst.idx.msk $0xffff, v8  }
0x5e: {  	s30 =	simm.s32 $0x0;
	s3 =	sor.u32 $0x6, s3;
	[tilespmem:v13+s20+$0x0] =	vst.idx.msk $0xffff, v1;
	v1 =	vadd.s32 s25, v0;
	v6 =	vand.u32 $0xF, v6;
	v8 =	vadd.s32 s12, v0  }
0x5f: {  	s13 =	sand.u32 $0x70, s30;
	v13 =	vadd.s32 s3, v0;
	v2 =	vand.u32 $0xF, v2;
	[tilespmem:v11+s20+$0x0] =	vst.idx.msk $0xffff, v3;
	v3 =	vand.u32 $0xF, v14  }
0x60: {  	v1 =	vand.u32 $0xF, v1;
	[tilespmem:v7+s20+$0x0] =	vst.idx.msk $0xffff, v5;
	v5 =	vor.u32 s13, v0;
	v7 =	vshll.u32 v12, $0x7  }
0x61: {  	[tilespmem:v9+s20+$0x0] =	vst.idx.msk $0xffff, v4;
	v4 =	vand.u32 $0xF, v10;
	v8 =	vand.u32 $0xF, v8;
	v9 =	vand.u32 $0xF, v13  }
0x62: {  	v2 =	vor.u32 s0, v2;
	v10 =	vor.u32 s0, v3;
	v11 =	vor.u32 s0, v1  }
0x63: {  	s2 =	sshll.u32 s2, $0xB;
	v1 =	vor.u32 s0, v6;
	v7 =	vor.u32 v5, v7;
	v4 =	vor.u32 s0, v4  }
0x64: {  	[tilespmem:v28+s20+$0x0] =	vst.idx.msk $0xffff, v29;
	p3 =	seq.s32 s28, $0x79;
	s2 =	sadd.s32 s5, s2;
	v8 =	vor.u32 s0, v8;
	v3 =	vshll.u32 v2, $0x7;
	v9 =	vor.u32 s0, v9  }
0x65: {  	[hbm4b:s2+s4] =	stream.linear.scatter [tilespmem:s20], [sflag:$0x3], $0x4000, $0x38;
	v14 =	vshll.u32 v10, $0x7;
	v15 =	vshll.u32 v1, $0x7;
	v16 =	vshll.u32 v11, $0x7;
	[tilespmem:$0xE000] =	vst v63  }
0x66: {  	s2 =	sadd.s32 @!p3 s29, s9;
	v18 =	vshll.u32 v5, $0x7;
	v6 =	vshll.u32 v4, $0x7;
	v13 =	vshll.u32 v8, $0x7  }
0x67: {  	s30 =	simm.s32 $0x8;
	s3 =	simm.s32 @!p3 $0x7A1400;
	s0 =	sshll.u32 @!p3 s2, $0x7;
	v17 =	vshll.u32 v9, $0x7;
	v19 =	vor.u32 v5, v3;
	v14 =	vor.u32 v5, v14  }
0x68: {  	s12 =	simm.s32 @!p3 $0x0;
	s2 =	simm.s32 @!p3 $0x400;
	v22 =	vor.u32 v18, v12;
	v23 =	vor.u32 v5, v15;
	v12 =	vor.u32 v5, v16;
	s0 =	sadd.s32 @!p3 s1, s0  }
0x69: {  	v30 =	vor.u32 v18, v2;
	v3 =	vor.u32 v18, v8;
	v1 =	vor.u32 v1, v18;
	[tilespmem:s12], [sflag:$0x1] =	stream.strided.gather @!p3 [hbm4b:s0+s2], $0x2000, s3, s2, $0x38;
	[tilespmem:$0xE000] =	vst v63  }
0x6a: {  	s31 =	simm.s32 $0x2;
	v2 =	vor.u32 v18, v9;
	v20 =	vor.u32 v5, v6;
	v21 =	vor.u32 v5, v13;
	s0 =	sand.u32 $0x8, s30;
	s2 =	simm.s32 @!p2 $0x4  }
0x6b: {  	v25 =	vor.u32 v5, v17;
	v6 =	vor.u32 v18, v4;
	v5 =	vor.u32 v18, v10;
	_ =	swait.ge [sflag:s21], $0x2000;
	s12 =	sor.u32 $0x1, s0;
	s25 =	sor.u32 $0x2, s0  }
0x6c: {  	v4 =	vor.u32 v18, v11;
	v8 =	vadd.s32 s0, v0;
	s13 =	sor.u32 $0x7, s0;
	s3 =	sor.u32 $0x3, s0;
	[sflag:s21] =	ssyncset.done $0x0;
	v9 =	vadd.s32 s12, v0  }
0x6d: {  	v10 =	vadd.s32 s25, v0;
	s12 =	sor.u32 $0x4, s0;
	s25 =	sor.u32 $0x5, s0;
	v11 =	vadd.s32 s13, v0;
	v13 =	vadd.s32 s3, v0;
	[sflag:s21] =	ssyncadd.s32 $0xFFFFE000  }
0x6e: {  	s0 =	sor.u32 $0x6, s0;
	s13 =	sand.u32 $0x70, s31;
	v8 =	vand.u32 $0xF, v8;
	v15 =	vadd.s32 s12, v0;
	v11 =	vand.u32 $0xF, v11;
	_ =	swait.ge @!p2 [sflag:s2], $0x4000  }
0x6f: {  	s3 =	sand.u32 $0x30, s30;
	v16 =	vadd.s32 s25, v0;
	v17 =	vadd.s32 s0, v0;
	v27 =	vor.u32 s13, v0;
	[sflag:s2] =	ssyncset.done @!p2 $0x0  }
0x70: {  	v9 =	vand.u32 $0xF, v9;
	v10 =	vand.u32 $0xF, v10;
	v18 =	vor.u32 s3, v11;
	[sflag:s2] =	ssyncadd.s32 @!p2 $0xFFFFC000  }
0x71: {  	v13 =	vand.u32 $0xF, v13;
	v8 =	vor.u32 s3, v8;
	v11 =	vshll.u32 v18, $0x7;
	v7 =	vld.idx.msk [tilespmem:v7+s18+$0x0], $0xffff  }
0x72: {  	v31 =	vor.u32 s3, v10;
	v32 =	vor.u32 s3, v13;
	v24 =	vor.u32 v27, v11;
	v29 =	vld.idx.msk [tilespmem:v19+s18+$0x0], $0xffff  }
0x73: {  	v28 =	vshll.u32 v8, $0x7;
	v11 =	vand.u32 $0xF, v15;
	v15 =	vand.u32 $0xF, v16;
	v20 =	vld.idx.msk [tilespmem:v20+s18+$0x0], $0xffff  }
0x74: {  	v16 =	vand.u32 $0xF, v17;
	v19 =	vor.u32 s3, v9;
	v13 =	vor.u32 s3, v11;
	v33 =	vld.idx.msk [tilespmem:v21+s18+$0x0], $0xffff  }
0x75: {  	v9 =	vor.u32 s3, v15;
	v11 =	vor.u32 s3, v16;
	v16 =	vshll.u32 v31, $0x7;
	v34 =	vld.idx.msk [tilespmem:v14+s18+$0x0], $0xffff  }
0x76: {  	v14 =	vshll.u32 v32, $0x7;
	v15 =	vshll.u32 v27, $0x7;
	v38 =	vld.idx.msk [tilespmem:v12+s18+$0x0], $0xffff;
	v12 =	vor.u32 v27, v28  }
0x77: {  	v10 =	vshll.u32 v19, $0x7;
	v17 =	vshll.u32 v13, $0x7;
	v36 =	vshll.u32 v9, $0x7;
	v35 =	vld.idx.msk [tilespmem:v24+s18+$0x0], $0xffff  }
0x78: {  	v37 =	vshll.u32 v11, $0x7;
	v26 =	vor.u32 v27, v16;
	v39 =	vor.u32 v27, v10;
	v10 =	vld.idx.msk [tilespmem:v25+s18+$0x0], $0xffff  }
0x79: {  	v28 =	vor.u32 v15, v18;
	v19 =	vor.u32 v15, v19;
	v24 =	vor.u32 v27, v14;
	v14 =	vld.idx.msk [tilespmem:v23+s18+$0x0], $0xffff  }
0x7a: {  	v21 =	vor.u32 v27, v17;
	v17 =	vor.u32 v27, v36;
	v7 =	vmul.f32 $8.000000000e+00, v7  }
0x7b: {  	v16 =	vor.u32 v27, v37;
	v63 =	vmul.f32 $8.000000000e+00, v29;
	v27 =	vmul.f32 $8.000000000e+00, v20  }
0x7c: {  	v18 =	vor.u32 v15, v32;
	v25 =	vmul.f32 $8.000000000e+00, v33;
	[tilespmem:v22+s22+$0x0] =	vst.idx.msk $0xffff, v7;
	v29 =	vmul.f32 $8.000000000e+00, v35  }
0x7d: {  	s2 =	sadd.s32 s29, s10;
	v23 =	vmul.f32 $8.000000000e+00, v34;
	v20 =	vmul.f32 $8.000000000e+00, v38;
	v22 =	vor.u32 v15, v31;
	v7 =	vld.idx.msk [tilespmem:v39+s18+$0x0], $0xffff;
	[tilespmem:v30+s22+$0x0] =	vst.idx.msk $0xffff, v63  }
.LBB2_5:
0x7e: {  	s30 =	sadd.s32 $0x8, s30;
	v30 =	vld.idx.msk [tilespmem:v26+s18+$0x0], $0xffff;
	v13 =	vor.u32 v15, v13;
	[tilespmem:v28+s22+$0x0] =	vst.idx.msk $0xffff, v29;
	v26 =	vmul.f32 $8.000000000e+00, v14;
	v28 =	vmul.f32 $8.000000000e+00, v10  }
0x7f: {  	v8 =	vor.u32 v8, v15;
	v9 =	vor.u32 v15, v9;
	v11 =	vor.u32 v15, v11;
	s0 =	sand.u32 $0x8, s30;
	p2 =	slt.u32 s30, $0x1F8;
	v31 =	vld.idx.msk [tilespmem:v24+s18+$0x0], $0xffff  }
0x80: {  	v33 =	vmov v19;
	v15 =	vadd.s32 s0, v0;
	s3 =	sor.u32 $0x1, s0;
	s12 =	sor.u32 $0x2, s0;
	s13 =	sor.u32 $0x7, s0;
	v32 =	vld.idx.msk [tilespmem:v21+s18+$0x0], $0xffff;
	[tilespmem:v6+s22+$0x0] =	vst.idx.msk $0xffff, v27;
	v6 =	vmov v22  }
0x81: {  	s25 =	sor.u32 $0x5, s0;
	v19 =	vadd.s32 s3, v0;
	v21 =	vadd.s32 s12, v0;
	s3 =	sor.u32 $0x3, s0;
	s12 =	sor.u32 $0x4, s0;
	v10 =	vadd.s32 s13, v0;
	v34 =	vld.idx.msk [tilespmem:v17+s18+$0x0], $0xffff  }
0x82: {  	s31 =	sadd.s32 $0x2, s31;
	s13 =	sand.u32 $0x30, s30;
	s0 =	sor.u32 $0x6, s0;
	v17 =	vadd.s32 s3, v0;
	v22 =	vadd.s32 s12, v0;
	v14 =	vand.u32 $0xF, v10;
	v10 =	vld.idx.msk [tilespmem:v16+s18+$0x0], $0xffff;
	[tilespmem:v3+s22+$0x0] =	vst.idx.msk $0xffff, v25;
	v3 =	vmovc v18  }
0x83: {  	s3 =	sand.u32 $0x70, s31;
	v16 =	vadd.s32 s25, v0;
	v18 =	vadd.s32 s0, v0;
	v25 =	vor.u32 s13, v14;
	v14 =	vld.idx.msk [tilespmem:v12+s18+$0x0], $0xffff  }
0x84: {  	v27 =	vor.u32 s3, v0;
	v12 =	vand.u32 $0xF, v19;
	v19 =	vshll.u32 v25, $0x7;
	[tilespmem:v5+s22+$0x0] =	vst.idx.msk $0xffff, v23;
	v5 =	vmovc v13  }
0x85: {  	v17 =	vand.u32 $0xF, v17;
	v13 =	vand.u32 $0xF, v21;
	v19 =	vor.u32 v27, v19;
	[tilespmem:v4+s22+$0x0] =	vst.idx.msk $0xffff, v20;
	v4 =	vmovc v9  }
0x86: {  	v16 =	vand.u32 $0xF, v16;
	v18 =	vand.u32 $0xF, v18;
	v9 =	vand.u32 $0xF, v22;
	[tilespmem:v2+s22+$0x0] =	vst.idx.msk $0xffff, v28;
	v2 =	vmovc v11  }
0x87: {  	v20 =	vor.u32 s13, v12;
	v22 =	vor.u32 s13, v13;
	v11 =	vand.u32 $0xF, v15;
	[tilespmem:v1+s22+$0x0] =	vst.idx.msk $0xffff, v26;
	v1 =	vmovc v8  }
0x88: {  	v23 =	vor.u32 s13, v17;
	v13 =	vor.u32 s13, v9;
	v9 =	vor.u32 s13, v16  }
0x89: {  	v12 =	vshll.u32 v20, $0x7;
	v8 =	vor.u32 s13, v11;
	v11 =	vor.u32 s13, v18  }
0x8a: {  	v17 =	vshll.u32 v23, $0x7;
	v16 =	vshll.u32 v22, $0x7;
	v18 =	vshll.u32 v13, $0x7;
	v29 =	vld.idx.msk [tilespmem:v19+s18+$0x0], $0xffff  }
0x8b: {  	v35 =	vshll.u32 v9, $0x7;
	v36 =	vshll.u32 v11, $0x7;
	v19 =	vshll.u32 v8, $0x7  }
0x8c: {  	v15 =	vshll.u32 v27, $0x7;
	v37 =	vor.u32 v27, v12;
	v26 =	vor.u32 v27, v16  }
.Ltmp3:
0x8d: {  	v24 =	vor.u32 v27, v17;
	v28 =	vor.u32 v15, v25;
	v21 =	vor.u32 v27, v18;
	(pc) =	sbr.rel @p2 .LBB2_5-.Ltmp3, $4  }
0x8e: {  	v17 =	vor.u32 v27, v35;
	v16 =	vor.u32 v27, v36;
	v12 =	vor.u32 v27, v19  }
0x8f: {  	v19 =	vor.u32 v15, v20;
	v20 =	vmul.f32 $8.000000000e+00, v7;
	v27 =	vmul.f32 $8.000000000e+00, v30  }
0x90: {  	v22 =	vor.u32 v15, v22;
	v25 =	vmul.f32 $8.000000000e+00, v31;
	v29 =	vmul.f32 $8.000000000e+00, v29  }
0x91: {  	v18 =	vor.u32 v15, v23;
	v23 =	vmul.f32 $8.000000000e+00, v32;
	v7 =	vld.idx.msk [tilespmem:v37+s18+$0x0], $0xffff;
	[tilespmem:v33+s22+$0x0] =	vst.idx.msk $0xffff, v20;
	v20 =	vmul.f32 $8.000000000e+00, v34  }
0x92: {  	_ =	sdelay $0x3  }
0x93: {  	[tilespmem:v28+s22+$0x0] =	vst.idx.msk $0xffff, v29  }
0x94: {  	v26 =	vld.idx.msk [tilespmem:v26+s18+$0x0], $0xffff;
	[tilespmem:v6+s22+$0x0] =	vst.idx.msk $0xffff, v27  }
0x95: {  	v53 =	vld.idx.msk [tilespmem:v24+s18+$0x0], $0xffff;
	[tilespmem:v3+s22+$0x0] =	vst.idx.msk $0xffff, v25  }
0x96: {  	v3 =	vmul.f32 $8.000000000e+00, v10;
	v54 =	vld.idx.msk [tilespmem:v21+s18+$0x0], $0xffff;
	[tilespmem:v5+s22+$0x0] =	vst.idx.msk $0xffff, v23  }
0x97: {  	v55 =	vmul.f32 $8.000000000e+00, v14;
	v58 =	vld.idx.msk [tilespmem:v16+s18+$0x0], $0xffff;
	[tilespmem:v4+s22+$0x0] =	vst.idx.msk $0xffff, v20  }
0x98: {  	v56 =	vld.idx.msk [tilespmem:v17+s18+$0x0], $0xffff;
	v57 =	vor.u32 v15, v13;
	[tilespmem:v2+s22+$0x0] =	vst.idx.msk $0xffff, v3;
	v2 =	vmul.f32 $8.000000000e+00, v7  }
0x99: {  	v59 =	vld.idx.msk [tilespmem:v12+s18+$0x0], $0xffff;
	v60 =	vor.u32 v15, v11;
	[tilespmem:v1+s22+$0x0] =	vst.idx.msk $0xffff, v55;
	v1 =	vmul.f32 $8.000000000e+00, v26  }
0x9a: {  	v3 =	vor.u32 v15, v9;
	v6 =	vmul.f32 $8.000000000e+00, v53;
	[tilespmem:v19+s22+$0x0] =	vst.idx.msk $0xffff, v2  }
0x9b: {  	v61 =	vmul.f32 $8.000000000e+00, v54;
	v2 =	vor.u32 v8, v15;
	[tilespmem:v22+s22+$0x0] =	vst.idx.msk $0xffff, v1  }
0x9c: {  	v62 =	vmul.f32 $8.000000000e+00, v58;
	[tilespmem:v18+s22+$0x0] =	vst.idx.msk $0xffff, v6  }
.Ltmp4:
0x9d: {  	v1 =	vmul.f32 $8.000000000e+00, v56;
	[tilespmem:v57+s22+$0x0] =	vst.idx.msk $0xffff, v61;
	(pc) =	sbr.rel @p3 .LBB2_8-.Ltmp4, $4  }
0x9e: {  	v63 =	vmul.f32 $8.000000000e+00, v59;
	[tilespmem:v60+s22+$0x0] =	vst.idx.msk $0xffff, v62  }
0x9f: {  	s0 =	sshll.u32 s2, $0xB;
	[tilespmem:v3+s22+$0x0] =	vst.idx.msk $0xffff, v1  }
0xa0: {  	s0 =	sadd.s32 s5, s0;
	[tilespmem:v2+s22+$0x0] =	vst.idx.msk $0xffff, v63  }
0xa1: {  	[hbm4b:s0+s4] =	stream.linear.scatter [tilespmem:s22], [sflag:$0x4], $0x4000, $0x38;
	[tilespmem:$0xE000] =	vst v63  }
.Ltmp5:
0xa2: {  	(pc) =	sbr.rel .LBB2_2-.Ltmp5, $4  }
0xa3: {  	s0 =	sadd.s32 s29, s11  }
0xa4: {  	s0 =	sshll.u32 s0, $0x7  }
0xa5: {  	s28 =	sadd.s32 $0x1, s28;
	s0 =	sadd.s32 s1, s0  }
0xa6: {  	[tilespmem:s18], [sflag:$0x2] =	stream.strided.gather [hbm4b:s0+s16], $0x2000, s17, s16, $0x38;
	[tilespmem:$0xE000] =	vst v63  }
.LBB2_8:
0xa7: {  	_ =	swait.ge [sflag:s23], $0x4000  }
.Ltmp6:
0xa8: {  	[sflag:s23] =	ssyncset.done $0x0;
	(pc) =	sbr.rel @p0 .LBB2_12-.Ltmp6, $4  }
0xa9: {  	[sflag:s23] =	ssyncadd.s32 $0xFFFFC000  }
0xaa: {  	_ =	swait.ge [sflag:s24], $0x4000  }
0xab: {  	[sflag:s24] =	ssyncset.done $0x0  }
0xac: {  	[sflag:s24] =	ssyncadd.s32 $0xFFFFC000  }
0xad: {  	s0 =	simm.s32 $0x0  }
0xae: {  	s2 =	sand.u32 $0x8, s0  }
0xaf: {  	s3 =	sor.u32 $0x1, s2  }
0xb0: {  	v1 =	vadd.s32 s2, v0;
	s12 =	sor.u32 $0x2, s2;
	s13 =	sor.u32 $0x7, s2;
	s31 =	sor.u32 $0x4, s2;
	v2 =	vadd.s32 s3, v0  }
0xb1: {  	s25 =	simm.s32 $0x0;
	s30 =	sor.u32 $0x5, s2;
	v3 =	vadd.s32 s12, v0;
	s12 =	sor.u32 $0x3, s2;
	v4 =	vadd.s32 s13, v0;
	v6 =	vadd.s32 s31, v0  }
0xb2: {  	s2 =	sor.u32 $0x6, s2;
	s31 =	sand.u32 $0x70, s25;
	v7 =	vadd.s32 s30, v0;
	v1 =	vand.u32 $0xF, v1;
	v5 =	vadd.s32 s12, v0  }
0xb3: {  	v4 =	vand.u32 $0xF, v4;
	v8 =	vadd.s32 s2, v0;
	v9 =	vor.u32 s31, v0  }
0xb4: {  	s0 =	sand.u32 $0x30, s0;
	v2 =	vand.u32 $0xF, v2;
	v3 =	vand.u32 $0xF, v3;
	v6 =	vand.u32 $0xF, v6  }
0xb5: {  	v7 =	vand.u32 $0xF, v7;
	v1 =	vor.u32 s0, v1;
	v4 =	vor.u32 s0, v4  }
0xb6: {  	v5 =	vand.u32 $0xF, v5;
	v8 =	vand.u32 $0xF, v8;
	v2 =	vor.u32 s0, v2  }
0xb7: {  	v3 =	vor.u32 s0, v3;
	v11 =	vor.u32 s0, v6;
	v7 =	vor.u32 s0, v7  }
0xb8: {  	v15 =	vshll.u32 v1, $0x7;
	v18 =	vshll.u32 v9, $0x7;
	v10 =	vshll.u32 v4, $0x7  }
0xb9: {  	v5 =	vor.u32 s0, v5;
	v6 =	vshll.u32 v2, $0x7;
	v8 =	vor.u32 s0, v8  }
0xba: {  	v12 =	vshll.u32 v3, $0x7;
	v14 =	vshll.u32 v11, $0x7;
	v16 =	vshll.u32 v7, $0x7  }
0xbb: {  	v22 =	vor.u32 v18, v4;
	v23 =	vor.u32 v9, v15;
	v30 =	vor.u32 v18, v2  }
0xbc: {  	v4 =	vor.u32 v18, v11;
	v1 =	vor.u32 v1, v18;
	v10 =	vor.u32 v9, v10  }
0xbd: {  	s28 =	simm.s32 $0x8;
	s12 =	rddreg [dreg:$0x4];
	v13 =	vshll.u32 v5, $0x7;
	v17 =	vshll.u32 v8, $0x7;
	v19 =	vor.u32 v9, v6  }
0xbe: {  	[tilespmem:s25], [sflag:$0x1] =	stream.strided.gather [hbm4b:s12+s16], $0x2000, s17, s16, $0x38;
	v12 =	vor.u32 v9, v12;
	v14 =	vor.u32 v9, v14;
	v16 =	vor.u32 v9, v16;
	[tilespmem:$0xE000] =	vst v63  }
0xbf: {  	s0 =	sand.u32 $0x8, s28;
	v6 =	vor.u32 v18, v3;
	v5 =	vor.u32 v18, v5;
	v3 =	vor.u32 v18, v7  }
0xc0: {  	s13 =	sor.u32 $0x1, s0;
	v2 =	vor.u32 v18, v8;
	v7 =	vadd.s32 s0, v0;
	s25 =	sor.u32 $0x2, s0;
	v20 =	vor.u32 v9, v13  }
0xc1: {  	s30 =	sor.u32 $0x7, s0;
	s31 =	sor.u32 $0x3, s0;
	v17 =	vor.u32 v9, v17;
	v8 =	vadd.s32 s13, v0;
	v9 =	vadd.s32 s25, v0  }
0xc2: {  	s29 =	simm.s32 $0x2;
	s13 =	sor.u32 $0x4, s0;
	s25 =	sor.u32 $0x5, s0;
	v11 =	vadd.s32 s30, v0;
	v13 =	vadd.s32 s31, v0;
	v7 =	vand.u32 $0xF, v7  }
0xc3: {  	_ =	swait.ge [sflag:s19], $0x2000;
	s0 =	sor.u32 $0x6, s0;
	s31 =	sand.u32 $0x70, s29;
	v15 =	vadd.s32 s13, v0;
	v11 =	vand.u32 $0xF, v11;
	v18 =	vadd.s32 s25, v0  }
0xc4: {  	[sflag:s19] =	ssyncset.done $0x0;
	s30 =	sand.u32 $0x30, s28;
	v21 =	vadd.s32 s0, v0;
	v27 =	vor.u32 s31, v0;
	v8 =	vand.u32 $0xF, v8  }
0xc5: {  	[sflag:s19] =	ssyncadd.s32 $0xFFFFE000;
	v9 =	vand.u32 $0xF, v9;
	v13 =	vand.u32 $0xF, v13;
	v25 =	vor.u32 s30, v11  }
0xc6: {  	v29 =	vor.u32 s30, v8;
	v31 =	vor.u32 s30, v9;
	v11 =	vshll.u32 v25, $0x7;
	v10 =	vld.idx.msk [tilespmem:v10+s4+$0x0], $0xffff  }
0xc7: {  	v32 =	vor.u32 s30, v13;
	v8 =	vor.u32 s30, v7;
	v24 =	vor.u32 v27, v11;
	v19 =	vld.idx.msk [tilespmem:v19+s4+$0x0], $0xffff  }
0xc8: {  	v28 =	vshll.u32 v8, $0x7;
	v11 =	vand.u32 $0xF, v15;
	v15 =	vand.u32 $0xF, v18;
	v33 =	vld.idx.msk [tilespmem:v12+s4+$0x0], $0xffff  }
0xc9: {  	v18 =	vand.u32 $0xF, v21;
	v12 =	vshll.u32 v29, $0x7;
	v34 =	vld.idx.msk [tilespmem:v14+s4+$0x0], $0xffff;
	v14 =	vshll.u32 v32, $0x7  }
0xca: {  	v38 =	vld.idx.msk [tilespmem:v16+s4+$0x0], $0xffff;
	v13 =	vor.u32 s30, v11;
	v9 =	vor.u32 s30, v15;
	v11 =	vor.u32 s30, v18  }
0xcb: {  	v7 =	vld.idx.msk [tilespmem:v20+s4+$0x0], $0xffff;
	v18 =	vshll.u32 v31, $0x7;
	v15 =	vshll.u32 v27, $0x7;
	v39 =	vor.u32 v27, v12  }
0xcc: {  	v12 =	vor.u32 v27, v28;
	v35 =	vld.idx.msk [tilespmem:v24+s4+$0x0], $0xffff;
	v24 =	vor.u32 v27, v14;
	v14 =	vmul.f32 $8.000000000e+00, v10  }
0xcd: {  	v20 =	vshll.u32 v13, $0x7;
	v36 =	vshll.u32 v9, $0x7;
	v37 =	vshll.u32 v11, $0x7;
	v10 =	vld.idx.msk [tilespmem:v17+s4+$0x0], $0xffff  }
0xce: {  	v26 =	vor.u32 v27, v18;
	v28 =	vor.u32 v15, v25;
	[tilespmem:v22+s20+$0x0] =	vst.idx.msk $0xffff, v14;
	v14 =	vld.idx.msk [tilespmem:v23+s4+$0x0], $0xffff  }
0xcf: {  	v21 =	vor.u32 v27, v20;
	v18 =	vor.u32 v27, v36;
	v16 =	vor.u32 v27, v37  }
0xd0: {  	v20 =	vor.u32 v15, v29;
	v19 =	vmul.f32 $8.000000000e+00, v19;
	v27 =	vmul.f32 $8.000000000e+00, v33  }
0xd1: {  	v17 =	vor.u32 v15, v32;
	v25 =	vmul.f32 $8.000000000e+00, v7;
	v29 =	vmul.f32 $8.000000000e+00, v35  }
0xd2: {  	v7 =	vld.idx.msk [tilespmem:v39+s4+$0x0], $0xffff;
	v22 =	vor.u32 v15, v31;
	[tilespmem:v30+s20+$0x0] =	vst.idx.msk $0xffff, v19;
	v23 =	vmul.f32 $8.000000000e+00, v34;
	v19 =	vmul.f32 $8.000000000e+00, v38  }
.LBB2_10:
0xd3: {  	s28 =	sadd.s32 $0x8, s28;
	v30 =	vld.idx.msk [tilespmem:v26+s4+$0x0], $0xffff;
	v13 =	vor.u32 v15, v13;
	[tilespmem:v28+s20+$0x0] =	vst.idx.msk $0xffff, v29;
	v26 =	vmul.f32 $8.000000000e+00, v14;
	v28 =	vmul.f32 $8.000000000e+00, v10  }
0xd4: {  	v8 =	vor.u32 v8, v15;
	v9 =	vor.u32 v15, v9;
	v11 =	vor.u32 v15, v11;
	s0 =	sand.u32 $0x8, s28;
	p2 =	slt.u32 s28, $0x1F8;
	v31 =	vld.idx.msk [tilespmem:v24+s4+$0x0], $0xffff  }
0xd5: {  	v33 =	vmov v20;
	v15 =	vadd.s32 s0, v0;
	s2 =	sor.u32 $0x1, s0;
	s3 =	sor.u32 $0x2, s0;
	s12 =	sor.u32 $0x7, s0;
	v32 =	vld.idx.msk [tilespmem:v21+s4+$0x0], $0xffff;
	[tilespmem:v6+s20+$0x0] =	vst.idx.msk $0xffff, v27;
	v6 =	vmov v22  }
0xd6: {  	s13 =	sor.u32 $0x5, s0;
	v20 =	vadd.s32 s2, v0;
	v21 =	vadd.s32 s3, v0;
	s2 =	sor.u32 $0x3, s0;
	s3 =	sor.u32 $0x4, s0;
	v10 =	vadd.s32 s12, v0;
	v34 =	vld.idx.msk [tilespmem:v18+s4+$0x0], $0xffff  }
0xd7: {  	s29 =	sadd.s32 $0x2, s29;
	s12 =	sand.u32 $0x30, s28;
	s0 =	sor.u32 $0x6, s0;
	v18 =	vadd.s32 s2, v0;
	v22 =	vadd.s32 s3, v0;
	v14 =	vand.u32 $0xF, v10;
	v10 =	vld.idx.msk [tilespmem:v16+s4+$0x0], $0xffff;
	[tilespmem:v5+s20+$0x0] =	vst.idx.msk $0xffff, v25;
	v5 =	vmovc v17  }
0xd8: {  	s2 =	sand.u32 $0x70, s29;
	v16 =	vadd.s32 s13, v0;
	v17 =	vadd.s32 s0, v0;
	v25 =	vor.u32 s12, v14;
	v14 =	vld.idx.msk [tilespmem:v12+s4+$0x0], $0xffff  }
0xd9: {  	v27 =	vor.u32 s2, v0;
	v12 =	vand.u32 $0xF, v20;
	v20 =	vshll.u32 v25, $0x7;
	[tilespmem:v4+s20+$0x0] =	vst.idx.msk $0xffff, v23;
	v4 =	vmovc v13  }
0xda: {  	v18 =	vand.u32 $0xF, v18;
	v13 =	vand.u32 $0xF, v21;
	v20 =	vor.u32 v27, v20;
	[tilespmem:v3+s20+$0x0] =	vst.idx.msk $0xffff, v19;
	v3 =	vmovc v9  }
0xdb: {  	v16 =	vand.u32 $0xF, v16;
	v17 =	vand.u32 $0xF, v17;
	v9 =	vand.u32 $0xF, v22;
	[tilespmem:v2+s20+$0x0] =	vst.idx.msk $0xffff, v28;
	v2 =	vmovc v11  }
0xdc: {  	v19 =	vor.u32 s12, v12;
	v22 =	vor.u32 s12, v13;
	v11 =	vand.u32 $0xF, v15;
	[tilespmem:v1+s20+$0x0] =	vst.idx.msk $0xffff, v26;
	v1 =	vmovc v8  }
0xdd: {  	v23 =	vor.u32 s12, v18;
	v13 =	vor.u32 s12, v9;
	v9 =	vor.u32 s12, v16  }
0xde: {  	v12 =	vshll.u32 v19, $0x7;
	v8 =	vor.u32 s12, v11;
	v11 =	vor.u32 s12, v17  }
0xdf: {  	v16 =	vshll.u32 v22, $0x7;
	v17 =	vshll.u32 v23, $0x7;
	v18 =	vshll.u32 v13, $0x7;
	v29 =	vld.idx.msk [tilespmem:v20+s4+$0x0], $0xffff  }
0xe0: {  	v35 =	vshll.u32 v9, $0x7;
	v36 =	vshll.u32 v11, $0x7;
	v20 =	vshll.u32 v8, $0x7  }
0xe1: {  	v15 =	vshll.u32 v27, $0x7;
	v37 =	vor.u32 v27, v12;
	v26 =	vor.u32 v27, v16  }
.Ltmp7:
0xe2: {  	v28 =	vor.u32 v15, v25;
	v24 =	vor.u32 v27, v17;
	v21 =	vor.u32 v27, v18;
	(pc) =	sbr.rel @p2 .LBB2_10-.Ltmp7, $4  }
0xe3: {  	v18 =	vor.u32 v27, v35;
	v16 =	vor.u32 v27, v36;
	v12 =	vor.u32 v27, v20  }
0xe4: {  	v20 =	vor.u32 v15, v19;
	v19 =	vmul.f32 $8.000000000e+00, v7;
	v27 =	vmul.f32 $8.000000000e+00, v30  }
0xe5: {  	v22 =	vor.u32 v15, v22;
	v25 =	vmul.f32 $8.000000000e+00, v31;
	v29 =	vmul.f32 $8.000000000e+00, v29  }
0xe6: {  	v17 =	vor.u32 v15, v23;
	v23 =	vmul.f32 $8.000000000e+00, v32;
	v7 =	vld.idx.msk [tilespmem:v37+s4+$0x0], $0xffff;
	[tilespmem:v33+s20+$0x0] =	vst.idx.msk $0xffff, v19;
	v19 =	vmul.f32 $8.000000000e+00, v34  }
0xe7: {  	_ =	sdelay $0x3  }
0xe8: {  	[tilespmem:v28+s20+$0x0] =	vst.idx.msk $0xffff, v29  }
0xe9: {  	v26 =	vld.idx.msk [tilespmem:v26+s4+$0x0], $0xffff;
	[tilespmem:v6+s20+$0x0] =	vst.idx.msk $0xffff, v27  }
0xea: {  	v53 =	vld.idx.msk [tilespmem:v24+s4+$0x0], $0xffff;
	[tilespmem:v5+s20+$0x0] =	vst.idx.msk $0xffff, v25  }
0xeb: {  	v54 =	vmul.f32 $8.000000000e+00, v10;
	v55 =	vld.idx.msk [tilespmem:v21+s4+$0x0], $0xffff;
	[tilespmem:v4+s20+$0x0] =	vst.idx.msk $0xffff, v23  }
0xec: {  	v56 =	vmul.f32 $8.000000000e+00, v14;
	v58 =	vld.idx.msk [tilespmem:v16+s4+$0x0], $0xffff;
	[tilespmem:v3+s20+$0x0] =	vst.idx.msk $0xffff, v19  }
0xed: {  	v57 =	vld.idx.msk [tilespmem:v18+s4+$0x0], $0xffff;
	v3 =	vor.u32 v15, v13;
	[tilespmem:v2+s20+$0x0] =	vst.idx.msk $0xffff, v54;
	v2 =	vmul.f32 $8.000000000e+00, v7  }
0xee: {  	v60 =	vld.idx.msk [tilespmem:v12+s4+$0x0], $0xffff;
	v61 =	vor.u32 v15, v11;
	[tilespmem:v1+s20+$0x0] =	vst.idx.msk $0xffff, v56;
	v1 =	vmul.f32 $8.000000000e+00, v26  }
0xef: {  	v59 =	vor.u32 v15, v9;
	v6 =	vmul.f32 $8.000000000e+00, v53;
	[tilespmem:v20+s20+$0x0] =	vst.idx.msk $0xffff, v2  }
0xf0: {  	v62 =	vmul.f32 $8.000000000e+00, v55;
	v2 =	vor.u32 v8, v15;
	[tilespmem:v22+s20+$0x0] =	vst.idx.msk $0xffff, v1  }
0xf1: {  	v63 =	vmul.f32 $8.000000000e+00, v58;
	[tilespmem:v17+s20+$0x0] =	vst.idx.msk $0xffff, v6  }
0xf2: {  	v1 =	vmul.f32 $8.000000000e+00, v57;
	[tilespmem:v3+s20+$0x0] =	vst.idx.msk $0xffff, v62  }
0xf3: {  	v3 =	vmul.f32 $8.000000000e+00, v60;
	[tilespmem:v61+s20+$0x0] =	vst.idx.msk $0xffff, v63  }
0xf4: {  	[tilespmem:v59+s20+$0x0] =	vst.idx.msk $0xffff, v1  }
0xf5: {  	[tilespmem:v2+s20+$0x0] =	vst.idx.msk $0xffff, v3  }
0xf6: {  	s0 =	rddreg [dreg:$0x5]  }
0xf7: {  	[hbm4b:s0+s4] =	stream.linear.scatter [tilespmem:s20], [sflag:$0x3], $0x4000, $0x38;
	[tilespmem:$0xE000] =	vst v63  }
0xf8: {  	_ =	swait.ge [sflag:s23], $0x4000  }
0xf9: {  	[sflag:s23] =	ssyncset.done $0x0  }
0xfa: {  	[sflag:s23] =	ssyncadd.s32 $0xFFFFC000  }
.LBB2_12:
.Ltmp8:
0xfb: {  	(pc) =	sbr.rel @p1 .LBB2_16-.Ltmp8, $1  }
0xfc: {  	_ =	sdelay $0x3  }
0xfd: {  	s0 =	rddreg [dreg:$0x1];
	s2 =	simm.s32 $0xC000  }
0xfe: {  	[tilespmem:s2], [sflag:$0x1] =	stream.linear.gather [hbm4b:s0+s4], $0x2000, $0x38;
	[tilespmem:$0xE000] =	vst v63  }
0xff: {  	_ =	swait.ge [sflag:s19], $0x2000  }
0x100: {  	[sflag:s19] =	ssyncset.done $0x0  }
0x101: {  	s25 =	simm.s32 $0xC100;
	[sflag:s19] =	ssyncadd.s32 $0xFFFFE000  }
0x102: {  	v1 =	vld [tilespmem:s25+$0x80];
	_ =	sdelay $0x3  }
0x103: {  	v2 =	vld [tilespmem:s25+$0xFFFFFF00]  }
0x104: {  	v3 =	vld [tilespmem:s25+$0xFFFFFF80];
	v1 =	vmul.f32 $8.000000000e+00, v1  }
0x105: {  	s2 =	simm.s32 $0x4100;
	v4 =	vld [tilespmem:s25+$0x0]  }
0x106: {  	[tilespmem:s2+$0x80] =	vst v1  }
0x107: {  	v1 =	vld [tilespmem:s25+$0x90]  }
0x108: {  	v2 =	vmul.f32 $8.000000000e+00, v2  }
0x109: {  	v3 =	vmul.f32 $8.000000000e+00, v3  }
0x10a: {  	v4 =	vmul.f32 $8.000000000e+00, v4;
	[tilespmem:s2+$0xFFFFFF00] =	vst v2  }
0x10b: {  	[tilespmem:s2+$0xFFFFFF80] =	vst v3;
	v2 =	vld [tilespmem:s25+$0xFFFFFF10]  }
0x10c: {  	[tilespmem:s2+$0x0] =	vst v4;
	v3 =	vld [tilespmem:s25+$0xFFFFFF90];
	v1 =	vmul.f32 $8.000000000e+00, v1  }
0x10d: {  	s28 =	simm.s32 $0xC300;
	v4 =	vld [tilespmem:s25+$0x10]  }
0x10e: {  	[tilespmem:s2+$0x90] =	vst v1;
	v1 =	vld [tilespmem:s28+$0x80]  }
0x10f: {  	v5 =	vld [tilespmem:s25+$0xA0]  }
0x110: {  	v6 =	vld [tilespmem:s28+$0xFFFFFF80];
	v2 =	vmul.f32 $8.000000000e+00, v2  }
0x111: {  	v7 =	vld [tilespmem:s28+$0x0];
	v3 =	vmul.f32 $8.000000000e+00, v3  }
0x112: {  	v4 =	vmul.f32 $8.000000000e+00, v4;
	[tilespmem:s2+$0xFFFFFF10] =	vst v2;
	v2 =	vld [tilespmem:s28+$0xFFFFFF00]  }
0x113: {  	[tilespmem:s2+$0xFFFFFF90] =	vst v3;
	v3 =	vld [tilespmem:s25+$0xFFFFFF20];
	v1 =	vmul.f32 $8.000000000e+00, v1  }
0x114: {  	s29 =	simm.s32 $0x4300;
	[tilespmem:s2+$0x10] =	vst v4;
	v8 =	vld [tilespmem:s25+$0xFFFFFFA0];
	v4 =	vmul.f32 $8.000000000e+00, v5  }
0x115: {  	v5 =	vmul.f32 $8.000000000e+00, v6;
	[tilespmem:s29+$0x80] =	vst v1;
	v1 =	vld [tilespmem:s25+$0x20]  }
0x116: {  	v6 =	vmul.f32 $8.000000000e+00, v7;
	v7 =	vld [tilespmem:s28+$0x90];
	[tilespmem:s2+$0xA0] =	vst v4  }
0x117: {  	v2 =	vmul.f32 $8.000000000e+00, v2;
	[tilespmem:s29+$0xFFFFFF80] =	vst v5;
	v9 =	vld [tilespmem:s25+$0xB0]  }
0x118: {  	v3 =	vmul.f32 $8.000000000e+00, v3;
	[tilespmem:s29+$0x0] =	vst v6;
	v10 =	vld [tilespmem:s28+$0xFFFFFF90]  }
0x119: {  	[tilespmem:s29+$0xFFFFFF00] =	vst v2;
	v6 =	vmul.f32 $8.000000000e+00, v8;
	v4 =	vld [tilespmem:s28+$0x10]  }
0x11a: {  	v5 =	vld [tilespmem:s28+$0xFFFFFF10];
	[tilespmem:s2+$0xFFFFFF20] =	vst v3;
	v3 =	vmul.f32 $8.000000000e+00, v1  }
0x11b: {  	v2 =	vld [tilespmem:s25+$0xFFFFFF30];
	[tilespmem:s2+$0xFFFFFFA0] =	vst v6;
	v8 =	vmul.f32 $8.000000000e+00, v7  }
0x11c: {  	v1 =	vld [tilespmem:s25+$0xFFFFFFB0];
	[tilespmem:s2+$0x20] =	vst v3;
	v6 =	vmul.f32 $8.000000000e+00, v9  }
0x11d: {  	s30 =	simm.s32 $0x4;
	s31 =	simm.s32 $0xC500;
	v7 =	vmul.f32 $8.000000000e+00, v10;
	[tilespmem:s29+$0x90] =	vst v8;
	v3 =	vld [tilespmem:s25+$0x30]  }
.LBB2_14:
0x11e: {  	v8 =	vld [tilespmem:s31+$0x80];
	v4 =	vmul.f32 $8.000000000e+00, v4;
	[tilespmem:s2+$0xB0] =	vst v6  }
0x11f: {  	s30 =	sadd.s32 $0x4, s30;
	v5 =	vmul.f32 $8.000000000e+00, v5;
	[tilespmem:s29+$0xFFFFFF90] =	vst v7;
	v6 =	vld [tilespmem:s28+$0xA0]  }
0x120: {  	p2 =	slt.u32 s30, $0x3C;
	v7 =	vld [tilespmem:s31+$0xFFFFFF80];
	[tilespmem:s29+$0x10] =	vst v4;
	v2 =	vmul.f32 $8.000000000e+00, v2  }
0x121: {  	v4 =	vld [tilespmem:s31+$0x0];
	[tilespmem:s29+$0xFFFFFF10] =	vst v5;
	v1 =	vmul.f32 $8.000000000e+00, v1  }
0x122: {  	v5 =	vld [tilespmem:s31+$0xFFFFFF00];
	[tilespmem:s2+$0xFFFFFF30] =	vst v2;
	v2 =	vmul.f32 $8.000000000e+00, v3  }
0x123: {  	v3 =	vmul.f32 $8.000000000e+00, v8;
	v8 =	vld [tilespmem:s28+$0xFFFFFF20];
	[tilespmem:s2+$0xFFFFFFB0] =	vst v1  }
0x124: {  	v1 =	vld [tilespmem:s28+$0xFFFFFFA0];
	v6 =	vmul.f32 $8.000000000e+00, v6;
	[tilespmem:s2+$0x30] =	vst v2;
	s2 =	smov.u32 s29;
	s29 =	sadd.s32 $0x200, s29  }
0x125: {  	v2 =	vmul.f32 $8.000000000e+00, v7;
	[tilespmem:s29+$0x80] =	vst v3;
	v3 =	vld [tilespmem:s28+$0x20]  }
0x126: {  	v4 =	vmul.f32 $8.000000000e+00, v4;
	v7 =	vld [tilespmem:s31+$0x90];
	[tilespmem:s2+$0xA0] =	vst v6  }
0x127: {  	v5 =	vmul.f32 $8.000000000e+00, v5;
	[tilespmem:s29+$0xFFFFFF80] =	vst v2;
	v6 =	vld [tilespmem:s28+$0xB0]  }
0x128: {  	v9 =	vld [tilespmem:s31+$0xFFFFFF90];
	[tilespmem:s29+$0x0] =	vst v4;
	v2 =	vmul.f32 $8.000000000e+00, v8  }
.Ltmp9:
0x129: {  	[tilespmem:s29+$0xFFFFFF00] =	vst v5;
	v4 =	vld [tilespmem:s31+$0x10];
	v1 =	vmul.f32 $8.000000000e+00, v1;
	(pc) =	sbr.rel @p2 .LBB2_14-.Ltmp9, $4  }
0x12a: {  	v5 =	vld [tilespmem:s31+$0xFFFFFF10];
	[tilespmem:s2+$0xFFFFFF20] =	vst v2;
	v3 =	vmul.f32 $8.000000000e+00, v3  }
0x12b: {  	v8 =	vmul.f32 $8.000000000e+00, v7;
	v2 =	vld [tilespmem:s28+$0xFFFFFF30];
	[tilespmem:s2+$0xFFFFFFA0] =	vst v1  }
0x12c: {  	v1 =	vld [tilespmem:s28+$0xFFFFFFB0];
	[tilespmem:s2+$0x20] =	vst v3;
	v6 =	vmul.f32 $8.000000000e+00, v6  }
0x12d: {  	v7 =	vmul.f32 $8.000000000e+00, v9;
	[tilespmem:s29+$0x90] =	vst v8;
	v3 =	vld [tilespmem:s28+$0x30];
	s28 =	smov.u32 s31;
	s31 =	sadd.s32 $0x200, s31  }
0x12e: {  	_ = 	snop  }
0x12f: {  	v5 =	vmul.f32 $8.000000000e+00, v5;
	_ =	sdelay $0x1  }
0x130: {  	v4 =	vmul.f32 $8.000000000e+00, v4;
	v8 =	vld [tilespmem:s28+$0xA0];
	[tilespmem:s29+$0xFFFFFF10] =	vst v5  }
0x131: {  	[tilespmem:s29+$0xFFFFFF90] =	vst v7;
	v5 =	vld [tilespmem:s28+$0xFFFFFF20]  }
0x132: {  	[tilespmem:s29+$0x10] =	vst v4;
	v58 =	vld [tilespmem:s28+$0xFFFFFFA0]  }
0x133: {  	v59 =	vld [tilespmem:s28+$0x20];
	_ =	sdelay $0x1  }
0x134: {  	v8 =	vmul.f32 $8.000000000e+00, v8  }
0x135: {  	v5 =	vmul.f32 $8.000000000e+00, v5  }
0x136: {  	[tilespmem:s29+$0xA0] =	vst v8;
	v4 =	vmul.f32 $8.000000000e+00, v58  }
0x137: {  	v60 =	vld [tilespmem:s28+$0xB0];
	v7 =	vmul.f32 $8.000000000e+00, v59;
	[tilespmem:s29+$0xFFFFFF20] =	vst v5  }
0x138: {  	[tilespmem:s29+$0xFFFFFFA0] =	vst v4;
	v61 =	vld [tilespmem:s28+$0xFFFFFF30]  }
0x139: {  	v2 =	vmul.f32 $8.000000000e+00, v2;
	[tilespmem:s29+$0x20] =	vst v7;
	v62 =	vld [tilespmem:s28+$0xFFFFFFB0]  }
0x13a: {  	[tilespmem:s2+$0xB0] =	vst v6;
	v1 =	vmul.f32 $8.000000000e+00, v1;
	v63 =	vld [tilespmem:s28+$0x30]  }
0x13b: {  	[tilespmem:s2+$0xFFFFFF30] =	vst v2;
	v2 =	vmul.f32 $8.000000000e+00, v3  }
0x13c: {  	[tilespmem:s2+$0xFFFFFFB0] =	vst v1;
	v1 =	vmul.f32 $8.000000000e+00, v60  }
0x13d: {  	[tilespmem:s2+$0x30] =	vst v2;
	v2 =	vmul.f32 $8.000000000e+00, v61  }
0x13e: {  	[tilespmem:s29+$0xB0] =	vst v1;
	v1 =	vmul.f32 $8.000000000e+00, v62  }
0x13f: {  	[tilespmem:s29+$0xFFFFFF30] =	vst v2;
	v2 =	vmul.f32 $8.000000000e+00, v63  }
0x140: {  	[tilespmem:s29+$0xFFFFFFB0] =	vst v1  }
.Ltmp10:
0x141: {  	[tilespmem:s29+$0x30] =	vst v2;
	(pc) =	sbr.rel .LBB2_16-.Ltmp10, $4  }
0x142: {  	[hbm4b:s14+s4] =	stream.linear.scatter [tilespmem:s20], [sflag:$0x3], $0x2000, $0x38;
	[tilespmem:$0xE000] =	vst v63  }
0x143: {  	_ =	swait.ge [sflag:s23], $0x2000  }
0x144: {  	[sflag:s23] =	ssyncset.done $0x0  }
0x145: {  	[sflag:s23] =	ssyncadd.s32 $0xFFFFE000  }
.LBB2_17:
0x146: {  	_ =	sfence.sel $0x180000  }
0x147: {  	[bflag:$0x0] =	sbarrier.arrive $0xFFFF  }
0x148: {  	_ =	strace $0x90000047  }
0x149: {  	s0 =	stileid.u32;
	[bflag:$0x2] =	sbarrier.arrive $0xFFFF  }
0x14a: {  	p0 =	sne.s32 s0, $0x0;
	s0 =	rddreg [dreg:$0x3]  }
0x14b: {  	s0 =	sadd.s32 @!p0 $0x100000, s0  }
0x14c: {  	[sflag:s0] =	ssyncadd.tile.s32 @!p0 $0x1;
	_ =	shalt  }
.Lfunc_end2:
_tile_overlayer_lowered:
.L_overlay_start_2:
0x14d: {  	(tag) =	ssettag $0x2  }
0x14e: {  	s0 =	rddreg [dreg:$0x0];
	s2 =	stileid.u32  }
0x14f: {  	s1 =	rddreg [dreg:$0x1];
	p0 =	sne.s32 s2, $0x0  }
0x150: {  	s3 =	rddreg [dreg:$0x2];
	[bflag:$0x3] =	sbarrier.arrive $0xFFFF;
	s2 =	simm.s32 @!p0 $0x1C05  }
0x151: {  	[timem:s3], [sflag:s2] =	dma.local @!p0 [hbm:s0], s1  }
0x152: {  	s0 =	simm.s32 @!p0 $0x5  }
0x153: {  	_ =	swait.ge @!p0 [sflag:s0], s1  }
0x154: {  	s1 =	ssub.s32 @!p0 $0x0, s1;
	[sflag:s0] =	ssyncset.done @!p0 $0x0  }
0x155: {  	[sflag:s0] =	ssyncadd.s32 @!p0 s1  }
0x156: {  	[bflag:$0x3] =	sbarrier.arrive $0xFFFF  }
0x157: {  	_ =	shalt  }

// kernel: kernel.7.cloned.1.call-start
scs
__scs_entry_jumppad:
0x0: {  	(pc) =	sbr.rel $0x88, $3  }
0x1: {  	(tag) =	ssettag $0x0;
	lr =	simm.s32 $0x1  }
0x2: {  	[smem:$0x3F9F] =	sst lr;
	_ =	strace $0xD0000000  }
0x3: {  	_ = 	snop  }
0x4: {  	_ = 	snop  }
0x5: {  	_ = 	snop  }
0x6: {  	_ = 	snop  }
0x7: {  	_ = 	snop  }
__scs_overlays_trampoline_lowered:
0x8: {  	[smem:$0x3FAE] =	sst s0  }
0x9: {  	[smem:$0x3FAF] =	sst s1  }
0xa: {  	[smem:$0x3FB0] =	sst s2  }
0xb: {  	[smem:$0x3FB1] =	sst s3  }
0xc: {  	[smem:$0x3FB2] =	sst s4  }
0xd: {  	[smem:$0x3FB3] =	sst s5  }
0xe: {  	[smem:$0x3FB4] =	sst s6  }
0xf: {  	[smem:$0x3FB5] =	sst s7  }
0x10: {  	[smem:$0x3FB6] =	sst s8  }
0x11: {  	[smem:$0x3FB7] =	sst s9;
	s0 =	simm.s32 @!p0 $0x0  }
0x12: {  	s1 =	sld [smem:$0x3F9D];
	s0 =	simm.s32 @p0 $0x1  }
0x13: {  	[smem:$0x3FB8] =	sst s0;
	s0 =	simm.s32 @!p1 $0x0  }
0x14: {  	s2 =	sld [smem:$0x3F9C];
	s0 =	simm.s32 @p1 $0x1  }
0x15: {  	[smem:$0x3FB9] =	sst s0;
	s0 =	simm.s32 @!p2 $0x0  }
0x16: {  	s3 =	sld [smem:$0x3FDB];
	s0 =	simm.s32 @p2 $0x1  }
0x17: {  	s4 =	simm.s32 $0x1BF5;
	[smem:$0x3FBB] =	sst s0  }
0x18: {  	s0 =	sld [smem:$0x3F9E];
	_ =	swait.ge [sflag:s4], $0x0  }
0x19: {  	s7 =	sld [smem:$0x3F9F]  }
0x1a: {  	s8 =	sadd.s32 $0xFFFFE003, lr  }
0x1b: {  	s9 =	sadd.s32 $0xFFFFFEF7, lr;
	s5 =	simm.s32 $0xFFFFFFFF;
	p2 =	slt.u32 s8, $0xFFFFF086  }
0x1c: {  	p1 =	slt.u32 s9, $0xF7A;
	s5 =	simm.s32 @!p2 $0x0  }
0x1d: {  	s5 =	simm.s32 @p1 $0x1;
	p0 =	seq.s32 s7, s2  }
0x1e: {  	s7 =	smul.u32 @!p0 $0xF7A, s2;
	p2 =	seq.s32 @!p0 s5, $0x0  }
0x1f: {  	s9 =	smul.u32 $0xF7A, s1;
	s8 =	simm.s32 @!p0 $0x1BF5;
	p2 =	por !p2, p0  }
0x20: {  	[sflag:s8] =	ssyncset.s32 @!p0 $0xFFFFF086;
	s6 =	sadd.s32 @!p0 s3, s7;
	s7 =	simm.s32 @!p0 $0x108  }
0x21: {  	s3 =	sadd.s32 s3, s9;
	s6 =	sadd.s32 @!p0 $0x88, s6;
	s7 =	simm.s32 @p2 $0x1082  }
0x22: {  	[simem:s7], [sflag:s8] =	dma.local @!p0 [hbm:s6], $0xF7A  }
0x23: {  	s9 =	sor.u32 $0xD0000000, s2;
	s6 =	simm.s32 $0x108;
	_ =	swait.ge @!p0 [sflag:s8], $0x0  }
0x24: {  	s3 =	sadd.s32 $0x88, s3;
	s6 =	simm.s32 @!p1 $0x1082;
	[sflag:s4] =	ssyncset.s32 $0xFFFFF086  }
0x25: {  	[simem:s6], [sflag:s4] =	dma.local [hbm:s3], $0xF7A  }
0x26: {  	[smem:$0x3F9F] =	sst s1;
	(tag) =	ssettag s2;
	_ =	strace s9  }
0x27: {  	s1 =	sld [smem:$0x3FAF]  }
0x28: {  	s2 =	sld [smem:$0x3FB0]  }
0x29: {  	s4 =	sld [smem:$0x3FB2]  }
0x2a: {  	p0 =	seq.s32 s5, $0x0;
	s5 =	sld [smem:$0x3FB3]  }
0x2b: {  	s6 =	sld [smem:$0x3FB4]  }
0x2c: {  	s7 =	sld [smem:$0x3FB5]  }
0x2d: {  	s3 =	simm.s32 $0x108;
	s8 =	sld [smem:$0x3FB6]  }
0x2e: {  	s3 =	simm.s32 @!p0 $0x1082;
	s9 =	sld [smem:$0x3FB7]  }
0x2f: {  	lr =	sadd.s32 s0, s3;
	s0 =	sld [smem:$0x3FAE]  }
0x30: {  	s3 =	sld [smem:$0x3FB1]  }
0x31: {  	[smem:$0x3FBA] =	sst s10  }
0x32: {  	s10 =	sld [smem:$0x3FB8];
	_ =	sdelay $0x3  }
0x33: {  	p0 =	seq.s32 s10, $0x1;
	s10 =	sld [smem:$0x3FBA];
	_ =	sdelay $0x3  }
0x34: {  	[smem:$0x3FBA] =	sst s10  }
0x35: {  	s10 =	sld [smem:$0x3FB9];
	_ =	sdelay $0x3  }
0x36: {  	p1 =	seq.s32 s10, $0x1;
	s10 =	sld [smem:$0x3FBA];
	_ =	sdelay $0x3  }
0x37: {  	[smem:$0x3FBA] =	sst s10  }
0x38: {  	s10 =	sld [smem:$0x3FBB]  }
0x39: {  	_ = 	snop;
	(pc) =	sbr.ind lr, $3  }
0x3a: {  	_ = 	snop  }
0x3b: {  	_ = 	snop  }
0x3c: {  	p2 =	seq.s32 s10, $0x1;
	s10 =	sld [smem:$0x3FBA]  }
0x3d: {  	_ =	shalt  }
0x3e: {  	_ =	shalt  }
0x3f: {  	_ =	shalt  }
0x40: {  	_ =	shalt  }
0x41: {  	_ =	shalt  }
0x42: {  	_ =	shalt  }
0x43: {  	_ =	shalt  }
0x44: {  	_ =	shalt  }
0x45: {  	_ =	shalt  }
0x46: {  	_ =	shalt  }
0x47: {  	_ =	shalt  }
0x48: {  	_ =	shalt  }
0x49: {  	_ =	shalt  }
0x4a: {  	_ =	shalt  }
0x4b: {  	_ =	shalt  }
0x4c: {  	_ =	shalt  }
0x4d: {  	_ =	shalt  }
0x4e: {  	_ =	shalt  }
0x4f: {  	_ =	shalt  }
0x50: {  	_ =	shalt  }
0x51: {  	_ =	shalt  }
0x52: {  	_ =	shalt  }
0x53: {  	_ =	shalt  }
0x54: {  	_ =	shalt  }
0x55: {  	_ =	shalt  }
0x56: {  	_ =	shalt  }
0x57: {  	_ =	shalt  }
0x58: {  	_ =	shalt  }
0x59: {  	_ =	shalt  }
0x5a: {  	_ =	shalt  }
0x5b: {  	_ =	shalt  }
0x5c: {  	_ =	shalt  }
0x5d: {  	_ =	shalt  }
0x5e: {  	_ =	shalt  }
0x5f: {  	_ =	shalt  }
0x60: {  	_ =	shalt  }
0x61: {  	_ =	shalt  }
0x62: {  	_ =	shalt  }
0x63: {  	_ =	shalt  }
0x64: {  	_ =	shalt  }
0x65: {  	_ =	shalt  }
0x66: {  	_ =	shalt  }
0x67: {  	_ =	shalt  }
0x68: {  	_ =	shalt  }
0x69: {  	_ =	shalt  }
0x6a: {  	_ =	shalt  }
0x6b: {  	_ =	shalt  }
0x6c: {  	_ =	shalt  }
0x6d: {  	_ =	shalt  }
0x6e: {  	_ =	shalt  }
0x6f: {  	_ =	shalt  }
0x70: {  	_ =	shalt  }
0x71: {  	_ =	shalt  }
0x72: {  	_ =	shalt  }
0x73: {  	_ =	shalt  }
0x74: {  	_ =	shalt  }
0x75: {  	_ =	shalt  }
0x76: {  	_ =	shalt  }
0x77: {  	_ =	shalt  }
0x78: {  	_ =	shalt  }
0x79: {  	_ =	shalt  }
0x7a: {  	_ =	shalt  }
0x7b: {  	_ =	shalt  }
0x7c: {  	_ =	shalt  }
0x7d: {  	_ =	shalt  }
0x7e: {  	_ =	shalt  }
0x7f: {  	_ =	shalt  }
0x80: {  	_ =	shalt  }
0x81: {  	_ =	shalt  }
0x82: {  	_ =	shalt  }
0x83: {  	_ =	shalt  }
0x84: {  	_ =	shalt  }
0x85: {  	_ =	shalt  }
0x86: {  	_ =	shalt  }
0x87: {  	_ =	shalt  }
.Lfunc_end0:
.L_simem_size_0:
called_computation.1_lowered:
.L_overlay_start_0:
0x88: {  	s2 =	sld [smem:$0x3FD9]  }
0x89: {  	s3 =	sld [smem:$0x3FFE];
	_ =	sdelay $0x1  }
0x8a: {  	s1 =	srdreg.scid  }
0x8b: {  	s0 =	sand.u32 $0x1, s1  }
0x8c: {  	s17 =	sshll.u32 s0, $0xA;
	s2 =	sadd.s32 s3, s2  }
0x8d: {  	s2 =	sadd.s32 s2, s17  }
0x8e: {  	[smem:$0x3FC6] =	sst s2  }
0x8f: {  	_ = 	snop  }
0x90: {  	s2 =	sld [smem:$0x3FD0];
	(tm) =	ssettm $0x1  }
0x91: {  	s18 =	sld [smem:$0x3FFB];
	_ =	sdelay $0x3  }
0x92: {  	_ =	strace s18  }
0x93: {  	s3 =	sld [smem:$0x3FFC];
	_ =	sdelay $0x3  }
0x94: {  	_ =	strace s3  }
0x95: {  	s3 =	sld [smem:$0x3FFD];
	_ =	sdelay $0x3  }
0x96: {  	_ =	strace s3  }
0x97: {  	_ =	strace $0x8FFFFFFF  }
0x98: {  	s19 =	sld [smem:$0x3FDB];
	_ =	sdelay $0x1  }
0x99: {  	s4 =	simm.s32 $_scs_section_size  }
0x9a: {  	s5 =	simm.s32 $_size__tile_overlayer_lowered;
	s6 =	simm.s32 $_tile_overlayer_lowered  }
0x9b: {  	s22 =	simm.s32 $0x1BFF;
	s21 =	sshll.u32 s6, $0x1;
	s3 =	sadd.s32 s4, s19  }
0x9c: {  	s7 =	simm.s32 $0x0;
	s20 =	sshll.u32 s5, $0x1;
	s5 =	sadd.s32 s21, s3  }
0x9d: {  	[timem:s7], [sflag:s22] =	dma.local [hbm:s5], s20  }
0x9e: {  	_ =	swait.ge [sflag:s22], s20  }
0x9f: {  	s4 =	ssub.s32 $0x0, s20;
	[sflag:s22] =	ssyncset.done $0x0  }
0xa0: {  	[sflag:s22] =	ssyncadd.s32 s4;
	_ =	sdelay $0x1  }
0xa1: {  	s23 =	simm.s32 $0x1B8B  }
0xa2: {  	_ =	swait.ge [sflag:s23], $0x1  }
0xa3: {  	[sflag:s23] =	ssyncset.done $0x0  }
0xa4: {  	s25 =	simm.s32 $0x1B8E;
	s24 =	sld [smem:$0x3FFE];
	[sflag:s23] =	ssyncadd.s32 $0xFFFFFFFF  }
0xa5: {  	s26 =	simm.s32 $execute0_lowered;
	[smem:$0x3FD2] =	sst s25  }
0xa6: {  	s5 =	sshll.u32 s26, $0x1;
	_ =	strace $0x80000049;
	[dreg:$0x1] =	wrdreg $0xFFFFFFFF  }
0xa7: {  	s28 =	simm.s32 $_size_execute0_lowered;
	s3 =	sadd.s32 s3, s5;
	[dreg:$0x0] =	wrdreg $0x0  }
0xa8: {  	s5 =	sshll.u32 s28, $0x1;
	[dreg:$0x2] =	wrdreg s3  }
0xa9: {  	[dreg:$0x3] =	wrdreg s5  }
0xaa: {  	[dreg:$0x4] =	wrdreg $0xC0  }
0xab: {  	_ =	task [dreg:s7], $0x5FFFF  }
0xac: {  	[dreg:$0x1] =	wrdreg $0xFFFFFFFF  }
0xad: {  	[dreg:$0x0] =	wrdreg $0x60  }
0xae: {  	[dreg:$0x2] =	wrdreg s24  }
0xaf: {  	[dreg:$0x3] =	wrdreg s2  }
0xb0: {  	[dreg:$0x4] =	wrdreg $0x9  }
0xb1: {  	_ =	task.clear_ibuf [dreg:s7], $0x5FFFF;
	_ =	strace $0x90000049  }
0xb2: {  	s29 =	simm.s32 $0x9;
	_ =	strace $0x8000004B  }
0xb3: {  	_ =	swait.ge [sflag:s29], $0x1  }
0xb4: {  	[sflag:s29] =	ssyncadd.s32 $0xFFFFFFFF  }
0xb5: {  	_ =	strace $0x9000004B  }
0xb6: {  	_ =	sfence  }
0xb7: {  	s30 =	sld [smem:$0x0];
	_ =	sdelay $0x2  }
0xb8: {  	s31 =	sshll.u32 s1, $0xD;
	s1 =	sshrl.u32 s1, $0x2  }
0xb9: {  	s3 =	sand.u32 $0x4000, s31;
	s1 =	sadd.s32 s1, s30  }
0xba: {  	s0 =	sor.u32 s3, s0;
	s1 =	sshll.u32 s1, $0x11  }
0xbb: {  	s0 =	sor.u32 s1, s0  }
0xbc: {  	s0 =	sadd.s32 $0x8F2B, s0  }
0xbd: {  	[sflag:s0] =	ssyncadd.remote.s32 $0x1  }
0xbe: {  	_ =	sfence.sel $0xFFFF  }
0xbf: {  	[dreg:$0x0] =	wrdreg $0xFFFFFFFF;
	(pc) =	sbr.abs _section_cstart, $3  }
0xc0: {  	[dreg:$0x1] =	wrdreg $0xFFFFFFFF  }
0xc1: {  	_ =	task.clear_ibuf [dreg:s7], $0x2FFFF;
	_ =	strace $0x9FFFFFFF  }
0xc2: {  	(tm) =	ssettm $0x7FFFFFFF  }
0xc3: {  	_ =	shalt  }
tec
execute0_lowered:
.L_overlay_start_1:
0x0: {  	(tag) =	ssettag $0x1  }
0x1: {  	s0 =	rddreg [dreg:$0x0];
	s1 =	srdreg.scid  }
0x2: {  	s2 =	stileid.u32;
	s14 =	rddreg [dreg:$0x1];
	s3 =	simm.s32 $0x0  }
0x3: {  	s16 =	simm.s32 $0x80;
	s28 =	simm.s32 $0xE400;
	s30 =	simm.s32 $0x16400  }
0x4: {  	s15 =	simm.s32 $0x12400;
	s17 =	simm.s32 $0x18400;
	s1 =	sand.u32 $0x1, s1  }
0x5: {  	s4 =	sshll.u32 s2, $0x1;
	[smem:$0x7FF] =	sst s3;
	s7 =	sadd.s32 $0x1000, s14  }
0x6: {  	s8 =	sadd.s32 $0x2000, s14;
	s9 =	sadd.s32 $0x3000, s14;
	s21 =	sadd.s32 $0x8000, s14  }
0x7: {  	s22 =	sadd.s32 $0x9000, s14;
	_ =	strace $0x8000004A;
	[dreg:$0x4] =	wrdreg s21  }
0x8: {  	s10 =	sadd.s32 $0x4000, s14;
	s23 =	sadd.s32 $0xA000, s14;
	[dreg:$0x5] =	wrdreg s22  }
0x9: {  	s11 =	sadd.s32 $0x5000, s14;
	s24 =	sadd.s32 $0xB000, s14;
	[dreg:$0x6] =	wrdreg s23  }
0xa: {  	s12 =	sadd.s32 $0x6000, s14;
	s25 =	sadd.s32 $0xC000, s14;
	[dreg:$0x7] =	wrdreg s24  }
0xb: {  	s13 =	sadd.s32 $0x7000, s14;
	s26 =	sadd.s32 $0xD000, s14;
	[dreg:$0x8] =	wrdreg s25  }
0xc: {  	s29 =	sadd.s32 $0xE000, s14;
	s31 =	sadd.s32 $0xF000, s14;
	[dreg:$0x9] =	wrdreg s26  }
0xd: {  	s14 =	simm.s32 $0x6;
	s5 =	sor.u32 s1, s4;
	[dreg:$0xa] =	wrdreg s29  }
0xe: {  	s1 =	ssub.s32 $0x2, s1;
	[dreg:$0xb] =	wrdreg s31;
	s4 =	smul.u32 $0xC80, s5  }
0xf: {  	s25 =	simm.s32 $0x6400;
	s26 =	simm.s32 $0xA400;
	s22 =	simm.s32 $0x5  }
0x10: {  	s23 =	simm.s32 $0x4;
	s19 =	sshrl.u32 s1, $0x1;
	s6 =	sadd.s32 s4, s0  }
0x11: {  	s4 =	sadd.s32 $0xA00, s0;
	s0 =	ssub.s32 s1, s19;
	s20 =	sadd.s32 $0xF42E00, s6  }
0x12: {  	s1 =	simm.s32 $0x0;
	s0 =	smax.u32 s0, $0x1;
	[dreg:$0x3] =	wrdreg s20  }
0x13: {  	v0 =	vlaneseq.u32;
	s6 =	sshll.u32 s5, $0xA;
	s5 =	simm.s32 $0x3;
	[dreg:$0xc] =	wrdreg s0  }
.LBB2_1:
0x14: {  	[dreg:$0xd] =	wrdreg s1  }
0x15: {  	s0 =	rddreg [dreg:$0x3];
	s31 =	simm.s32 $0x7  }
0x16: {  	[tilespmem:s3], [sflag:$0x7] =	stream.linear.gather [hbm4b:s0+s3], $0x6400, $0x38;
	[tilespmem:$0x1A400] =	vst v63  }
0x17: {  	_ =	swait.ge [sflag:s31], $0x6400  }
0x18: {  	[sflag:s31] =	ssyncset.done $0x0  }
0x19: {  	[sflag:s31] =	ssyncadd.s32 $0xFFFF9C00  }
0x1a: {  	[tilespmem:s25], [sflag:$0x1] =	stream.indirect.gather [hbm4b:s4+s16], $0x80, s3, s16, $0xb8;
	[tilespmem:$0x1A400] =	vst v63  }
0x1b: {  	s18 =	simm.s32 $0x0  }
0x1c: {  	[tilespmem:s26], [sflag:$0x2] =	stream.indirect.gather [hbm4b:s4+s16], $0x80, s16, s16, $0xb8;
	[tilespmem:$0x1A400] =	vst v63  }
.LBB2_2:
0x1d: {  	s20 =	sshll.u32 s18, $0x2  }
0x1e: {  	s19 =	sor.u32 $0x2, s20  }
0x1f: {  	s0 =	sshll.u32 s19, $0x7  }
0x20: {  	s29 =	simm.s32 $0x1;
	s0 =	sand.u32 $0x3FFFFF00, s0  }
0x21: {  	[tilespmem:s28], [sflag:$0x3] =	stream.indirect.gather [hbm4b:s4+s16], $0x80, s0, s16, $0xb8;
	[tilespmem:$0x1A400] =	vst v63  }
0x22: {  	_ =	swait.ge [sflag:s29], $0x4000  }
0x23: {  	p0 =	seq.s32 s18, $0x0;
	[sflag:s29] =	ssyncset.done $0x0  }
0x24: {  	s1 =	simm.s32 @!p0 $0x5;
	[sflag:s29] =	ssyncadd.s32 $0xFFFFC000  }
0x25: {  	_ =	swait.ge @!p0 [sflag:s1], $0x400  }
0x26: {  	[sflag:s1] =	ssyncset.done @!p0 $0x0  }
0x27: {  	[sflag:s1] =	ssyncadd.s32 @!p0 $0xFFFFFC00  }
0x28: {  	_ =	swait.ge @!p0 [sflag:s1], $0x400  }
0x29: {  	[sflag:s1] =	ssyncset.done @!p0 $0x0  }
0x2a: {  	[sflag:s1] =	ssyncadd.s32 @!p0 $0xFFFFFC00  }
0x2b: {  	_ =	swait.ge @!p0 [sflag:s1], $0x400  }
0x2c: {  	[sflag:s1] =	ssyncset.done @!p0 $0x0  }
0x2d: {  	[sflag:s1] =	ssyncadd.s32 @!p0 $0xFFFFFC00  }
0x2e: {  	_ =	swait.ge @!p0 [sflag:s1], $0x400  }
0x2f: {  	s21 =	simm.s32 $0x0;
	[sflag:s1] =	ssyncset.done @!p0 $0x0  }
0x30: {  	s0 =	sand.u32 $0x8, s21;
	[sflag:s1] =	ssyncadd.s32 @!p0 $0xFFFFFC00  }
0x31: {  	s24 =	sor.u32 $0x1, s0;
	s2 =	sor.u32 $0x2, s0;
	_ =	swait.ge @!p0 [sflag:s1], $0x400  }
0x32: {  	v2 =	vadd.s32 s0, v0;
	v3 =	vadd.s32 s24, v0;
	s24 =	sand.u32 $0x70, s21;
	v4 =	vadd.s32 s2, v0;
	s2 =	sor.u32 $0x3, s0;
	[sflag:s1] =	ssyncset.done @!p0 $0x0  }
0x33: {  	v2 =	vand.u32 $0xF, v2;
	s29 =	sor.u32 $0x7, s0;
	v1 =	vor.u32 s24, v0;
	v6 =	vadd.s32 s2, v0;
	[sflag:s1] =	ssyncadd.s32 @!p0 $0xFFFFFC00  }
0x34: {  	s2 =	sor.u32 $0x4, s0;
	s24 =	sor.u32 $0x5, s0;
	v3 =	vand.u32 $0xF, v3;
	v4 =	vand.u32 $0xF, v4;
	v5 =	vadd.s32 s29, v0;
	_ =	swait.ge @!p0 [sflag:s1], $0x400  }
0x35: {  	s31 =	simm.s32 $0x0;
	s0 =	sor.u32 $0x6, s0;
	v10 =	vshll.u32 v1, $0x7;
	v7 =	vadd.s32 s2, v0;
	v8 =	vadd.s32 s24, v0;
	[sflag:s1] =	ssyncset.done @!p0 $0x0  }
0x36: {  	s29 =	sand.u32 $0x30, s31;
	v9 =	vadd.s32 s0, v0;
	v6 =	vand.u32 $0xF, v6;
	v5 =	vand.u32 $0xF, v5;
	[sflag:s1] =	ssyncadd.s32 @!p0 $0xFFFFFC00  }
0x37: {  	v7 =	vand.u32 $0xF, v7;
	v8 =	vand.u32 $0xF, v8;
	v5 =	vor.u32 s29, v5;
	_ =	swait.ge @!p0 [sflag:s1], $0x400  }
0x38: {  	v9 =	vand.u32 $0xF, v9;
	v12 =	vor.u32 s29, v3;
	v11 =	vor.u32 v10, v5;
	[sflag:s1] =	ssyncset.done @!p0 $0x0  }
0x39: {  	v13 =	vor.u32 s29, v4;
	v14 =	vor.u32 s29, v6;
	v19 =	vor.u32 s29, v2;
	[sflag:s1] =	ssyncadd.s32 @!p0 $0xFFFFFC00  }
0x3a: {  	v16 =	vor.u32 s29, v7;
	v18 =	vor.u32 s29, v8;
	v20 =	vor.u32 s29, v9;
	_ =	swait.ge @!p0 [sflag:s1], $0x400  }
0x3b: {  	v9 =	vor.u32 v10, v12;
	v7 =	vor.u32 v10, v13;
	v6 =	vor.u32 v10, v14;
	[sflag:s1] =	ssyncset.done @!p0 $0x0  }
0x3c: {  	v2 =	vshll.u32 v5, $0x7;
	v5 =	vor.u32 v10, v16;
	v3 =	vor.u32 v10, v18;
	[sflag:s1] =	ssyncadd.s32 @!p0 $0xFFFFFC00  }
0x3d: {  	v4 =	vor.u32 v10, v20;
	v8 =	vor.u32 v1, v2;
	v2 =	vor.u32 v10, v19;
	v10 =	vld.idx.msk [tilespmem:v11+s25+$0x0], $0xffff;
	_ =	sdelay $0x1  }
0x3e: {  	v15 =	vshll.u32 v12, $0x7  }
0x3f: {  	v17 =	vshll.u32 v13, $0x7;
	v14 =	vshll.u32 v14, $0x7;
	v13 =	vshll.u32 v16, $0x7  }
0x40: {  	v16 =	vshll.u32 v18, $0x7;
	v12 =	vshll.u32 v20, $0x7;
	v11 =	vshll.u32 v19, $0x7  }
.LBB2_3:
0x41: {  	s21 =	sadd.s32 $0x8, s21;
	v9 =	vld.idx.msk [tilespmem:v9+s25+$0x0], $0xffff;
	v15 =	vor.u32 v1, v15;
	v17 =	vor.u32 v1, v17;
	[tilespmem:v8+s30+$0x0] =	vst.idx.msk $0xffff, v10  }
0x42: {  	v8 =	vor.u32 v1, v14;
	v10 =	vor.u32 v1, v13;
	v13 =	vor.u32 v1, v16;
	s0 =	sand.u32 $0x8, s21;
	p1 =	slt.u32 s21, $0x1F8;
	v7 =	vld.idx.msk [tilespmem:v7+s25+$0x0], $0xffff  }
0x43: {  	v11 =	vor.u32 v1, v11;
	v12 =	vor.u32 v1, v12;
	v14 =	vadd.s32 s0, v0;
	s1 =	sor.u32 $0x1, s0;
	s2 =	sor.u32 $0x2, s0;
	s24 =	sor.u32 $0x7, s0;
	v6 =	vld.idx.msk [tilespmem:v6+s25+$0x0], $0xffff  }
0x44: {  	s31 =	sadd.s32 $0x1, s31;
	s29 =	sand.u32 $0x70, s21;
	v16 =	vadd.s32 s1, v0;
	v18 =	vadd.s32 s2, v0;
	s1 =	sor.u32 $0x3, s0;
	v19 =	vadd.s32 s24, v0;
	v5 =	vld.idx.msk [tilespmem:v5+s25+$0x0], $0xffff  }
0x45: {  	v1 =	vor.u32 s29, v0;
	s2 =	sand.u32 $0x30, s31;
	s24 =	sor.u32 $0x5, s0;
	v20 =	vadd.s32 s1, v0;
	s1 =	sor.u32 $0x4, s0;
	v19 =	vand.u32 $0xF, v19;
	v3 =	vld.idx.msk [tilespmem:v3+s25+$0x0], $0xffff  }
0x46: {  	v21 =	vshll.u32 v1, $0x7;
	s0 =	sor.u32 $0x6, s0;
	v22 =	vadd.s32 s1, v0;
	v19 =	vor.u32 s2, v19;
	v4 =	vld.idx.msk [tilespmem:v4+s25+$0x0], $0xffff  }
0x47: {  	v23 =	vadd.s32 s24, v0;
	v24 =	vadd.s32 s0, v0;
	v25 =	vor.u32 v21, v19;
	v26 =	vld.idx.msk [tilespmem:v2+s25+$0x0], $0xffff;
	[tilespmem:v15+s30+$0x0] =	vst.idx.msk $0xffff, v9  }
0x48: {  	v2 =	vand.u32 $0xF, v16;
	v9 =	vand.u32 $0xF, v18;
	v15 =	vand.u32 $0xF, v20;
	[tilespmem:v17+s30+$0x0] =	vst.idx.msk $0xffff, v7  }
0x49: {  	v16 =	vand.u32 $0xF, v23;
	v7 =	vand.u32 $0xF, v22;
	v17 =	vand.u32 $0xF, v24;
	[tilespmem:v8+s30+$0x0] =	vst.idx.msk $0xffff, v6  }
0x4a: {  	v18 =	vor.u32 s2, v9;
	v6 =	vand.u32 $0xF, v14;
	v14 =	vor.u32 s2, v2;
	[tilespmem:v10+s30+$0x0] =	vst.idx.msk $0xffff, v5  }
0x4b: {  	v20 =	vor.u32 s2, v15;
	v16 =	vor.u32 s2, v16;
	v22 =	vor.u32 s2, v7;
	[tilespmem:v13+s30+$0x0] =	vst.idx.msk $0xffff, v3  }
0x4c: {  	v24 =	vor.u32 s2, v17;
	v2 =	vshll.u32 v19, $0x7;
	v23 =	vor.u32 s2, v6;
	v10 =	vld.idx.msk [tilespmem:v25+s25+$0x0], $0xffff;
	[tilespmem:v12+s30+$0x0] =	vst.idx.msk $0xffff, v4  }
.Ltmp0:
0x4d: {  	v7 =	vor.u32 v21, v18;
	v9 =	vor.u32 v21, v14;
	v8 =	vor.u32 v1, v2;
	(pc) =	sbr.rel @p1 .LBB2_3-.Ltmp0, $4  }
0x4e: {  	v6 =	vor.u32 v21, v20;
	v5 =	vor.u32 v21, v22;
	v3 =	vor.u32 v21, v16  }
0x4f: {  	v15 =	vshll.u32 v14, $0x7;
	v2 =	vor.u32 v21, v23;
	v4 =	vor.u32 v21, v24;
	[tilespmem:v11+s30+$0x0] =	vst.idx.msk $0xffff, v26  }
0x50: {  	v17 =	vshll.u32 v18, $0x7;
	v14 =	vshll.u32 v20, $0x7;
	v13 =	vshll.u32 v22, $0x7  }
0x51: {  	v16 =	vshll.u32 v16, $0x7;
	v12 =	vshll.u32 v24, $0x7;
	v11 =	vshll.u32 v23, $0x7  }
0x52: {  	_ =	sdelay $0x3  }
0x53: {  	v9 =	vld.idx.msk [tilespmem:v9+s25+$0x0], $0xffff;
	v15 =	vor.u32 v1, v15  }
0x54: {  	v17 =	vor.u32 v1, v17;
	v7 =	vld.idx.msk [tilespmem:v7+s25+$0x0], $0xffff  }
0x55: {  	v14 =	vor.u32 v1, v14;
	v6 =	vld.idx.msk [tilespmem:v6+s25+$0x0], $0xffff  }
0x56: {  	v13 =	vor.u32 v1, v13;
	v5 =	vld.idx.msk [tilespmem:v5+s25+$0x0], $0xffff  }
0x57: {  	[tilespmem:v8+s30+$0x0] =	vst.idx.msk $0xffff, v10;
	v8 =	vor.u32 v1, v16;
	v3 =	vld.idx.msk [tilespmem:v3+s25+$0x0], $0xffff  }
0x58: {  	v10 =	vor.u32 v1, v12;
	v4 =	vld.idx.msk [tilespmem:v4+s25+$0x0], $0xffff;
	[tilespmem:v15+s30+$0x0] =	vst.idx.msk $0xffff, v9  }
0x59: {  	v1 =	vor.u32 v1, v11;
	v2 =	vld.idx.msk [tilespmem:v2+s25+$0x0], $0xffff;
	[tilespmem:v17+s30+$0x0] =	vst.idx.msk $0xffff, v7  }
0x5a: {  	[tilespmem:v14+s30+$0x0] =	vst.idx.msk $0xffff, v6  }
0x5b: {  	s0 =	sshll.u32 s18, $0x14;
	[tilespmem:v13+s30+$0x0] =	vst.idx.msk $0xffff, v5  }
0x5c: {  	s0 =	sor.u32 s6, s0;
	[tilespmem:v8+s30+$0x0] =	vst.idx.msk $0xffff, v3  }
0x5d: {  	s24 =	rddreg [dreg:$0x1];
	s21 =	sshrl.u32 s0, $0x3;
	[tilespmem:v10+s30+$0x0] =	vst.idx.msk $0xffff, v4  }
0x5e: {  	s0 =	sadd.s32 s24, s21;
	[tilespmem:v1+s30+$0x0] =	vst.idx.msk $0xffff, v2  }
0x5f: {  	[hbm4b:s0+s3] =	stream.linear.scatter [tilespmem:s30], [sflag:$0x5], $0x400, $0x38;
	[tilespmem:$0x1A400] =	vst v63  }
0x60: {  	s1 =	simm.s32 $0x16800;
	s29 =	sadd.s32 s21, s7  }
0x61: {  	[hbm4b:s29+s3] =	stream.linear.scatter [tilespmem:s1], [sflag:$0x5], $0x400, $0x38;
	[tilespmem:$0x1A400] =	vst v63  }
0x62: {  	s2 =	simm.s32 $0x16C00;
	s1 =	sadd.s32 s21, s8  }
0x63: {  	[hbm4b:s1+s3] =	stream.linear.scatter [tilespmem:s2], [sflag:$0x5], $0x400, $0x38;
	[tilespmem:$0x1A400] =	vst v63  }
0x64: {  	s24 =	sadd.s32 s21, s9;
	s29 =	simm.s32 $0x17000  }
0x65: {  	[hbm4b:s24+s3] =	stream.linear.scatter [tilespmem:s29], [sflag:$0x5], $0x400, $0x38;
	[tilespmem:$0x1A400] =	vst v63  }
0x66: {  	s1 =	sadd.s32 s21, s10;
	s2 =	simm.s32 $0x17400  }
0x67: {  	[hbm4b:s1+s3] =	stream.linear.scatter [tilespmem:s2], [sflag:$0x5], $0x400, $0x38;
	[tilespmem:$0x1A400] =	vst v63  }
0x68: {  	s24 =	sadd.s32 s21, s11;
	s29 =	simm.s32 $0x17800  }
0x69: {  	[hbm4b:s24+s3] =	stream.linear.scatter [tilespmem:s29], [sflag:$0x5], $0x400, $0x38;
	[tilespmem:$0x1A400] =	vst v63  }
0x6a: {  	s20 =	sor.u32 $0x3, s20;
	s1 =	sadd.s32 s21, s12;
	s2 =	simm.s32 $0x17C00  }
0x6b: {  	[hbm4b:s1+s3] =	stream.linear.scatter [tilespmem:s2], [sflag:$0x5], $0x400, $0x38;
	[tilespmem:$0x1A400] =	vst v63  }
0x6c: {  	s24 =	sadd.s32 s21, s13;
	s29 =	simm.s32 $0x18000;
	s1 =	sshll.u32 s20, $0x7  }
0x6d: {  	[hbm4b:s24+s3] =	stream.linear.scatter [tilespmem:s29], [sflag:$0x5], $0x400, $0x38;
	[tilespmem:$0x1A400] =	vst v63  }
0x6e: {  	s2 =	simm.s32 $0x2;
	s0 =	sand.u32 $0x3FFFFF80, s1  }
0x6f: {  	[tilespmem:s15], [sflag:$0x4] =	stream.indirect.gather [hbm4b:s4+s16], $0x80, s0, s16, $0xb8;
	[tilespmem:$0x1A400] =	vst v63  }
0x70: {  	_ =	swait.ge [sflag:s2], $0x4000  }
0x71: {  	[sflag:s2] =	ssyncset.done $0x0  }
0x72: {  	s0 =	simm.s32 @!p0 $0x6;
	[sflag:s2] =	ssyncadd.s32 $0xFFFFC000  }
0x73: {  	_ =	swait.ge @!p0 [sflag:s0], $0x400  }
0x74: {  	[sflag:s0] =	ssyncset.done @!p0 $0x0  }
0x75: {  	[sflag:s0] =	ssyncadd.s32 @!p0 $0xFFFFFC00  }
0x76: {  	_ =	swait.ge @!p0 [sflag:s0], $0x400  }
0x77: {  	[sflag:s0] =	ssyncset.done @!p0 $0x0  }
0x78: {  	[sflag:s0] =	ssyncadd.s32 @!p0 $0xFFFFFC00  }
0x79: {  	_ =	swait.ge @!p0 [sflag:s0], $0x400  }
0x7a: {  	[sflag:s0] =	ssyncset.done @!p0 $0x0  }
0x7b: {  	[sflag:s0] =	ssyncadd.s32 @!p0 $0xFFFFFC00  }
0x7c: {  	_ =	swait.ge @!p0 [sflag:s0], $0x400  }
0x7d: {  	s31 =	simm.s32 $0x0;
	[sflag:s0] =	ssyncset.done @!p0 $0x0  }
0x7e: {  	s2 =	sand.u32 $0x8, s31;
	[sflag:s0] =	ssyncadd.s32 @!p0 $0xFFFFFC00  }
0x7f: {  	s16 =	sor.u32 $0x1, s2;
	s24 =	sor.u32 $0x2, s2;
	_ =	swait.ge @!p0 [sflag:s0], $0x400  }
0x80: {  	s29 =	sor.u32 $0x7, s2;
	v6 =	vadd.s32 s2, v0;
	v2 =	vadd.s32 s16, v0;
	s16 =	sand.u32 $0x70, s31;
	v3 =	vadd.s32 s24, v0;
	[sflag:s0] =	ssyncset.done @!p0 $0x0  }
0x81: {  	s1 =	simm.s32 $0x0;
	v4 =	vadd.s32 s29, v0;
	s24 =	sor.u32 $0x3, s2;
	v6 =	vand.u32 $0xF, v6;
	v1 =	vor.u32 s16, v0;
	[sflag:s0] =	ssyncadd.s32 @!p0 $0xFFFFFC00  }
0x82: {  	s29 =	sand.u32 $0x30, s1;
	s16 =	sor.u32 $0x4, s2;
	v5 =	vadd.s32 s24, v0;
	v4 =	vand.u32 $0xF, v4;
	v2 =	vand.u32 $0xF, v2;
	_ =	swait.ge @!p0 [sflag:s0], $0x400  }
0x83: {  	v3 =	vand.u32 $0xF, v3;
	v19 =	vor.u32 s29, v6;
	v7 =	vadd.s32 s16, v0;
	[sflag:s0] =	ssyncset.done @!p0 $0x0  }
0x84: {  	s16 =	sor.u32 $0x5, s2;
	v10 =	vshll.u32 v1, $0x7;
	v4 =	vor.u32 s29, v4;
	v5 =	vand.u32 $0xF, v5;
	[sflag:s0] =	ssyncadd.s32 @!p0 $0xFFFFFC00  }
0x85: {  	s2 =	sor.u32 $0x6, s2;
	v11 =	vor.u32 s29, v2;
	v12 =	vor.u32 s29, v3;
	v8 =	vadd.s32 s16, v0;
	_ =	swait.ge @!p0 [sflag:s0], $0x400  }
0x86: {  	v9 =	vadd.s32 s2, v0;
	v7 =	vand.u32 $0xF, v7;
	v21 =	vor.u32 v10, v4;
	[sflag:s0] =	ssyncset.done @!p0 $0x0  }
0x87: {  	v13 =	vor.u32 s29, v5;
	v2 =	vshll.u32 v4, $0x7;
	v8 =	vand.u32 $0xF, v8;
	[sflag:s0] =	ssyncadd.s32 @!p0 $0xFFFFFC00  }
0x88: {  	v9 =	vand.u32 $0xF, v9;
	v16 =	vor.u32 s29, v7;
	v7 =	vor.u32 v10, v12;
	_ =	swait.ge @!p0 [sflag:s0], $0x400  }
0x89: {  	v6 =	vor.u32 v10, v13;
	v18 =	vor.u32 s29, v8;
	v20 =	vor.u32 s29, v9;
	[sflag:s0] =	ssyncset.done @!p0 $0x0  }
0x8a: {  	v9 =	vor.u32 v10, v11;
	v8 =	vor.u32 v1, v2;
	v5 =	vor.u32 v10, v16;
	[sflag:s0] =	ssyncadd.s32 @!p0 $0xFFFFFC00  }
0x8b: {  	v2 =	vor.u32 v10, v19;
	v3 =	vor.u32 v10, v18;
	v4 =	vor.u32 v10, v20;
	v10 =	vld.idx.msk [tilespmem:v21+s26+$0x0], $0xffff;
	_ =	sdelay $0x1  }
0x8c: {  	v15 =	vshll.u32 v11, $0x7  }
0x8d: {  	v17 =	vshll.u32 v12, $0x7;
	v14 =	vshll.u32 v13, $0x7;
	v13 =	vshll.u32 v16, $0x7  }
0x8e: {  	v11 =	vshll.u32 v19, $0x7;
	v16 =	vshll.u32 v18, $0x7;
	v12 =	vshll.u32 v20, $0x7  }
.LBB2_5:
0x8f: {  	s31 =	sadd.s32 $0x8, s31;
	v9 =	vld.idx.msk [tilespmem:v9+s26+$0x0], $0xffff;
	v15 =	vor.u32 v1, v15;
	v17 =	vor.u32 v1, v17;
	[tilespmem:v8+s17+$0x0] =	vst.idx.msk $0xffff, v10  }
0x90: {  	v8 =	vor.u32 v1, v14;
	v10 =	vor.u32 v1, v13;
	v13 =	vor.u32 v1, v16;
	s0 =	sand.u32 $0x8, s31;
	p0 =	slt.u32 s31, $0x1F8;
	v7 =	vld.idx.msk [tilespmem:v7+s26+$0x0], $0xffff  }
0x91: {  	v11 =	vor.u32 v1, v11;
	v12 =	vor.u32 v1, v12;
	v14 =	vadd.s32 s0, v0;
	s2 =	sor.u32 $0x1, s0;
	s24 =	sor.u32 $0x2, s0;
	s29 =	sor.u32 $0x7, s0;
	v6 =	vld.idx.msk [tilespmem:v6+s26+$0x0], $0xffff  }
0x92: {  	s1 =	sadd.s32 $0x1, s1;
	s16 =	sand.u32 $0x70, s31;
	v16 =	vadd.s32 s2, v0;
	v18 =	vadd.s32 s24, v0;
	s2 =	sor.u32 $0x3, s0;
	v19 =	vadd.s32 s29, v0;
	v5 =	vld.idx.msk [tilespmem:v5+s26+$0x0], $0xffff  }
0x93: {  	v1 =	vor.u32 s16, v0;
	s16 =	sor.u32 $0x5, s0;
	s24 =	sand.u32 $0x30, s1;
	v20 =	vadd.s32 s2, v0;
	s2 =	sor.u32 $0x4, s0;
	v19 =	vand.u32 $0xF, v19;
	v3 =	vld.idx.msk [tilespmem:v3+s26+$0x0], $0xffff  }
0x94: {  	v21 =	vshll.u32 v1, $0x7;
	s0 =	sor.u32 $0x6, s0;
	v22 =	vadd.s32 s2, v0;
	v19 =	vor.u32 s24, v19;
	v4 =	vld.idx.msk [tilespmem:v4+s26+$0x0], $0xffff  }
0x95: {  	v23 =	vadd.s32 s16, v0;
	v24 =	vadd.s32 s0, v0;
	v25 =	vor.u32 v21, v19;
	v26 =	vld.idx.msk [tilespmem:v2+s26+$0x0], $0xffff;
	[tilespmem:v15+s17+$0x0] =	vst.idx.msk $0xffff, v9  }
0x96: {  	v2 =	vand.u32 $0xF, v16;
	v9 =	vand.u32 $0xF, v18;
	v15 =	vand.u32 $0xF, v20;
	[tilespmem:v17+s17+$0x0] =	vst.idx.msk $0xffff, v7  }
0x97: {  	v16 =	vand.u32 $0xF, v23;
	v7 =	vand.u32 $0xF, v22;
	v17 =	vand.u32 $0xF, v24;
	[tilespmem:v8+s17+$0x0] =	vst.idx.msk $0xffff, v6  }
0x98: {  	v18 =	vor.u32 s24, v9;
	v6 =	vand.u32 $0xF, v14;
	v14 =	vor.u32 s24, v2;
	[tilespmem:v10+s17+$0x0] =	vst.idx.msk $0xffff, v5  }
0x99: {  	v20 =	vor.u32 s24, v15;
	v16 =	vor.u32 s24, v16;
	v22 =	vor.u32 s24, v7;
	[tilespmem:v13+s17+$0x0] =	vst.idx.msk $0xffff, v3  }
0x9a: {  	v24 =	vor.u32 s24, v17;
	v2 =	vshll.u32 v19, $0x7;
	v23 =	vor.u32 s24, v6;
	v10 =	vld.idx.msk [tilespmem:v25+s26+$0x0], $0xffff;
	[tilespmem:v12+s17+$0x0] =	vst.idx.msk $0xffff, v4  }
.Ltmp1:
0x9b: {  	v7 =	vor.u32 v21, v18;
	v9 =	vor.u32 v21, v14;
	v8 =	vor.u32 v1, v2;
	(pc) =	sbr.rel @p0 .LBB2_5-.Ltmp1, $4  }
0x9c: {  	v6 =	vor.u32 v21, v20;
	v5 =	vor.u32 v21, v22;
	v3 =	vor.u32 v21, v16  }
0x9d: {  	v15 =	vshll.u32 v14, $0x7;
	v2 =	vor.u32 v21, v23;
	v4 =	vor.u32 v21, v24;
	[tilespmem:v11+s17+$0x0] =	vst.idx.msk $0xffff, v26  }
0x9e: {  	v17 =	vshll.u32 v18, $0x7;
	v14 =	vshll.u32 v20, $0x7;
	v13 =	vshll.u32 v22, $0x7  }
0x9f: {  	v16 =	vshll.u32 v16, $0x7;
	v12 =	vshll.u32 v24, $0x7;
	v11 =	vshll.u32 v23, $0x7  }
0xa0: {  	_ =	sdelay $0x3  }
0xa1: {  	v9 =	vld.idx.msk [tilespmem:v9+s26+$0x0], $0xffff;
	v15 =	vor.u32 v1, v15  }
0xa2: {  	v17 =	vor.u32 v1, v17;
	v7 =	vld.idx.msk [tilespmem:v7+s26+$0x0], $0xffff  }
0xa3: {  	v14 =	vor.u32 v1, v14;
	v6 =	vld.idx.msk [tilespmem:v6+s26+$0x0], $0xffff  }
0xa4: {  	v13 =	vor.u32 v1, v13;
	v5 =	vld.idx.msk [tilespmem:v5+s26+$0x0], $0xffff  }
0xa5: {  	[tilespmem:v8+s17+$0x0] =	vst.idx.msk $0xffff, v10;
	v8 =	vor.u32 v1, v16;
	v3 =	vld.idx.msk [tilespmem:v3+s26+$0x0], $0xffff  }
0xa6: {  	v10 =	vor.u32 v1, v12;
	v4 =	vld.idx.msk [tilespmem:v4+s26+$0x0], $0xffff;
	[tilespmem:v15+s17+$0x0] =	vst.idx.msk $0xffff, v9  }
0xa7: {  	v1 =	vor.u32 v1, v11;
	v2 =	vld.idx.msk [tilespmem:v2+s26+$0x0], $0xffff;
	[tilespmem:v17+s17+$0x0] =	vst.idx.msk $0xffff, v7  }
0xa8: {  	[tilespmem:v14+s17+$0x0] =	vst.idx.msk $0xffff, v6  }
0xa9: {  	[tilespmem:v13+s17+$0x0] =	vst.idx.msk $0xffff, v5  }
0xaa: {  	[tilespmem:v8+s17+$0x0] =	vst.idx.msk $0xffff, v3  }
0xab: {  	[tilespmem:v10+s17+$0x0] =	vst.idx.msk $0xffff, v4  }
0xac: {  	[tilespmem:v1+s17+$0x0] =	vst.idx.msk $0xffff, v2  }
0xad: {  	s0 =	rddreg [dreg:$0x4]  }
0xae: {  	s1 =	rddreg [dreg:$0x5];
	s0 =	sadd.s32 s21, s0  }
0xaf: {  	[hbm4b:s0+s3] =	stream.linear.scatter [tilespmem:s17], [sflag:$0x6], $0x400, $0x38;
	[tilespmem:$0x1A400] =	vst v63  }
0xb0: {  	s2 =	rddreg [dreg:$0x6];
	s0 =	sadd.s32 s21, s1;
	s1 =	simm.s32 $0x18800  }
0xb1: {  	[hbm4b:s0+s3] =	stream.linear.scatter [tilespmem:s1], [sflag:$0x6], $0x400, $0x38;
	[tilespmem:$0x1A400] =	vst v63  }
0xb2: {  	s16 =	simm.s32 $0x18C00;
	s24 =	rddreg [dreg:$0x7];
	s0 =	sadd.s32 s21, s2  }
0xb3: {  	[hbm4b:s0+s3] =	stream.linear.scatter [tilespmem:s16], [sflag:$0x6], $0x400, $0x38;
	[tilespmem:$0x1A400] =	vst v63  }
0xb4: {  	s29 =	simm.s32 $0x19000;
	s2 =	rddreg [dreg:$0x8];
	s0 =	sadd.s32 s21, s24  }
0xb5: {  	[hbm4b:s0+s3] =	stream.linear.scatter [tilespmem:s29], [sflag:$0x6], $0x400, $0x38;
	[tilespmem:$0x1A400] =	vst v63  }
0xb6: {  	s16 =	simm.s32 $0x19400;
	s24 =	rddreg [dreg:$0x9];
	s0 =	sadd.s32 s21, s2  }
0xb7: {  	[hbm4b:s0+s3] =	stream.linear.scatter [tilespmem:s16], [sflag:$0x6], $0x400, $0x38;
	[tilespmem:$0x1A400] =	vst v63  }
0xb8: {  	s29 =	simm.s32 $0x19800;
	s2 =	rddreg [dreg:$0xa];
	s0 =	sadd.s32 s21, s24  }
0xb9: {  	[hbm4b:s0+s3] =	stream.linear.scatter [tilespmem:s29], [sflag:$0x6], $0x400, $0x38;
	[tilespmem:$0x1A400] =	vst v63  }
0xba: {  	s16 =	simm.s32 $0x19C00;
	s24 =	rddreg [dreg:$0xb];
	s0 =	sadd.s32 s21, s2  }
0xbb: {  	[hbm4b:s0+s3] =	stream.linear.scatter [tilespmem:s16], [sflag:$0x6], $0x400, $0x38;
	[tilespmem:$0x1A400] =	vst v63  }
0xbc: {  	p0 =	seq.s32 s18, $0x31;
	s29 =	simm.s32 $0x1A000;
	s0 =	sadd.s32 s21, s24  }
0xbd: {  	[hbm4b:s0+s3] =	stream.linear.scatter [tilespmem:s29], [sflag:$0x6], $0x400, $0x38;
	[tilespmem:$0x1A400] =	vst v63  }
0xbe: {  	s0 =	sshll.u32 @!p0 s18, $0x9  }
0xbf: {  	s21 =	sand.u32 @!p0 $0x3FFFFE00, s0  }
0xc0: {  	s1 =	simm.s32 @!p0 $0x80;
	s2 =	simm.s32 @!p0 $0x6400;
	s0 =	sadd.s32 @!p0 $0x200, s21  }
0xc1: {  	[tilespmem:s2], [sflag:$0x1] =	stream.indirect.gather @!p0 [hbm4b:s4+s1], $0x80, s0, s1, $0xb8;
	[tilespmem:$0x1A400] =	vst v63  }
0xc2: {  	_ =	swait.ge [sflag:s5], $0x4000  }
0xc3: {  	[sflag:s5] =	ssyncset.done $0x0  }
0xc4: {  	[sflag:s5] =	ssyncadd.s32 $0xFFFFC000  }
0xc5: {  	_ =	swait.ge [sflag:s22], $0x400  }
0xc6: {  	[sflag:s22] =	ssyncset.done $0x0  }
0xc7: {  	[sflag:s22] =	ssyncadd.s32 $0xFFFFFC00  }
0xc8: {  	_ =	swait.ge [sflag:s22], $0x400  }
0xc9: {  	[sflag:s22] =	ssyncset.done $0x0  }
0xca: {  	[sflag:s22] =	ssyncadd.s32 $0xFFFFFC00  }
0xcb: {  	_ =	swait.ge [sflag:s22], $0x400  }
0xcc: {  	[sflag:s22] =	ssyncset.done $0x0  }
0xcd: {  	[sflag:s22] =	ssyncadd.s32 $0xFFFFFC00  }
0xce: {  	_ =	swait.ge [sflag:s22], $0x400  }
0xcf: {  	s31 =	simm.s32 $0x0;
	[sflag:s22] =	ssyncset.done $0x0  }
0xd0: {  	s29 =	sand.u32 $0x70, s31;
	s0 =	sand.u32 $0x8, s31;
	[sflag:s22] =	ssyncadd.s32 $0xFFFFFC00  }
0xd1: {  	v1 =	vor.u32 s29, v0;
	s2 =	sor.u32 $0x1, s0;
	_ =	swait.ge [sflag:s22], $0x400  }
0xd2: {  	v10 =	vshll.u32 v1, $0x7;
	s24 =	sor.u32 $0x2, s0;
	s16 =	sor.u32 $0x7, s0;
	v6 =	vadd.s32 s0, v0;
	[sflag:s22] =	ssyncset.done $0x0  }
0xd3: {  	s29 =	sor.u32 $0x4, s0;
	v2 =	vadd.s32 s2, v0;
	v3 =	vadd.s32 s24, v0;
	v4 =	vadd.s32 s16, v0;
	s24 =	sor.u32 $0x3, s0;
	[sflag:s22] =	ssyncadd.s32 $0xFFFFFC00  }
0xd4: {  	s1 =	simm.s32 $0x0;
	v7 =	vadd.s32 s29, v0;
	v6 =	vand.u32 $0xF, v6;
	v5 =	vadd.s32 s24, v0;
	_ =	swait.ge [sflag:s22], $0x400  }
0xd5: {  	s29 =	sand.u32 $0x30, s1;
	s24 =	sor.u32 $0x5, s0;
	v4 =	vand.u32 $0xF, v4;
	v2 =	vand.u32 $0xF, v2;
	v3 =	vand.u32 $0xF, v3;
	[sflag:s22] =	ssyncset.done $0x0  }
0xd6: {  	s0 =	sor.u32 $0x6, s0;
	v7 =	vand.u32 $0xF, v7;
	v19 =	vor.u32 s29, v6;
	v8 =	vadd.s32 s24, v0;
	[sflag:s22] =	ssyncadd.s32 $0xFFFFFC00  }
0xd7: {  	v9 =	vadd.s32 s0, v0;
	v4 =	vor.u32 s29, v4;
	v5 =	vand.u32 $0xF, v5;
	_ =	swait.ge [sflag:s22], $0x400  }
0xd8: {  	v11 =	vor.u32 s29, v2;
	v12 =	vor.u32 s29, v3;
	v21 =	vor.u32 v10, v4;
	[sflag:s22] =	ssyncset.done $0x0  }
0xd9: {  	v16 =	vor.u32 s29, v7;
	v8 =	vand.u32 $0xF, v8;
	v9 =	vand.u32 $0xF, v9;
	[sflag:s22] =	ssyncadd.s32 $0xFFFFFC00  }
0xda: {  	v13 =	vor.u32 s29, v5;
	v2 =	vshll.u32 v4, $0x7;
	v7 =	vor.u32 v10, v12;
	_ =	swait.ge [sflag:s22], $0x400  }
0xdb: {  	v5 =	vor.u32 v10, v16;
	v18 =	vor.u32 s29, v8;
	v20 =	vor.u32 s29, v9;
	[sflag:s22] =	ssyncset.done $0x0  }
0xdc: {  	v9 =	vor.u32 v10, v11;
	v8 =	vor.u32 v1, v2;
	v6 =	vor.u32 v10, v13;
	[sflag:s22] =	ssyncadd.s32 $0xFFFFFC00  }
0xdd: {  	v2 =	vor.u32 v10, v19;
	v3 =	vor.u32 v10, v18;
	v4 =	vor.u32 v10, v20;
	v10 =	vld.idx.msk [tilespmem:v21+s28+$0x0], $0xffff;
	_ =	sdelay $0x1  }
0xde: {  	v15 =	vshll.u32 v11, $0x7  }
0xdf: {  	v17 =	vshll.u32 v12, $0x7;
	v14 =	vshll.u32 v13, $0x7;
	v13 =	vshll.u32 v16, $0x7  }
0xe0: {  	v11 =	vshll.u32 v19, $0x7;
	v16 =	vshll.u32 v18, $0x7;
	v12 =	vshll.u32 v20, $0x7  }
.LBB2_7:
0xe1: {  	s31 =	sadd.s32 $0x8, s31;
	v9 =	vld.idx.msk [tilespmem:v9+s28+$0x0], $0xffff;
	v15 =	vor.u32 v1, v15;
	v17 =	vor.u32 v1, v17;
	[tilespmem:v8+s30+$0x0] =	vst.idx.msk $0xffff, v10  }
0xe2: {  	v8 =	vor.u32 v1, v14;
	v10 =	vor.u32 v1, v13;
	v13 =	vor.u32 v1, v16;
	s0 =	sand.u32 $0x8, s31;
	p1 =	slt.u32 s31, $0x1F8;
	v7 =	vld.idx.msk [tilespmem:v7+s28+$0x0], $0xffff  }
0xe3: {  	v11 =	vor.u32 v1, v11;
	v12 =	vor.u32 v1, v12;
	v14 =	vadd.s32 s0, v0;
	s2 =	sor.u32 $0x1, s0;
	s16 =	sor.u32 $0x2, s0;
	s24 =	sor.u32 $0x7, s0;
	v6 =	vld.idx.msk [tilespmem:v6+s28+$0x0], $0xffff  }
0xe4: {  	s1 =	sadd.s32 $0x1, s1;
	s29 =	sand.u32 $0x70, s31;
	v16 =	vadd.s32 s2, v0;
	v18 =	vadd.s32 s16, v0;
	s2 =	sor.u32 $0x3, s0;
	v19 =	vadd.s32 s24, v0;
	v5 =	vld.idx.msk [tilespmem:v5+s28+$0x0], $0xffff  }
0xe5: {  	v1 =	vor.u32 s29, v0;
	s16 =	sand.u32 $0x30, s1;
	s24 =	sor.u32 $0x5, s0;
	v20 =	vadd.s32 s2, v0;
	s2 =	sor.u32 $0x4, s0;
	v19 =	vand.u32 $0xF, v19;
	v3 =	vld.idx.msk [tilespmem:v3+s28+$0x0], $0xffff  }
0xe6: {  	v21 =	vshll.u32 v1, $0x7;
	s0 =	sor.u32 $0x6, s0;
	v22 =	vadd.s32 s2, v0;
	v19 =	vor.u32 s16, v19;
	v4 =	vld.idx.msk [tilespmem:v4+s28+$0x0], $0xffff  }
0xe7: {  	v23 =	vadd.s32 s24, v0;
	v24 =	vadd.s32 s0, v0;
	v25 =	vor.u32 v21, v19;
	v26 =	vld.idx.msk [tilespmem:v2+s28+$0x0], $0xffff;
	[tilespmem:v15+s30+$0x0] =	vst.idx.msk $0xffff, v9  }
0xe8: {  	v2 =	vand.u32 $0xF, v16;
	v9 =	vand.u32 $0xF, v18;
	v15 =	vand.u32 $0xF, v20;
	[tilespmem:v17+s30+$0x0] =	vst.idx.msk $0xffff, v7  }
0xe9: {  	v16 =	vand.u32 $0xF, v23;
	v7 =	vand.u32 $0xF, v22;
	v17 =	vand.u32 $0xF, v24;
	[tilespmem:v8+s30+$0x0] =	vst.idx.msk $0xffff, v6  }
0xea: {  	v18 =	vor.u32 s16, v9;
	v6 =	vand.u32 $0xF, v14;
	v14 =	vor.u32 s16, v2;
	[tilespmem:v10+s30+$0x0] =	vst.idx.msk $0xffff, v5  }
0xeb: {  	v20 =	vor.u32 s16, v15;
	v16 =	vor.u32 s16, v16;
	v22 =	vor.u32 s16, v7;
	[tilespmem:v13+s30+$0x0] =	vst.idx.msk $0xffff, v3  }
0xec: {  	v24 =	vor.u32 s16, v17;
	v2 =	vshll.u32 v19, $0x7;
	v23 =	vor.u32 s16, v6;
	v10 =	vld.idx.msk [tilespmem:v25+s28+$0x0], $0xffff;
	[tilespmem:v12+s30+$0x0] =	vst.idx.msk $0xffff, v4  }
.Ltmp2:
0xed: {  	v7 =	vor.u32 v21, v18;
	v9 =	vor.u32 v21, v14;
	v8 =	vor.u32 v1, v2;
	(pc) =	sbr.rel @p1 .LBB2_7-.Ltmp2, $4  }
0xee: {  	v6 =	vor.u32 v21, v20;
	v5 =	vor.u32 v21, v22;
	v3 =	vor.u32 v21, v16  }
0xef: {  	v15 =	vshll.u32 v14, $0x7;
	v2 =	vor.u32 v21, v23;
	v4 =	vor.u32 v21, v24;
	[tilespmem:v11+s30+$0x0] =	vst.idx.msk $0xffff, v26  }
0xf0: {  	v17 =	vshll.u32 v18, $0x7;
	v14 =	vshll.u32 v20, $0x7;
	v13 =	vshll.u32 v22, $0x7  }
0xf1: {  	v16 =	vshll.u32 v16, $0x7;
	v12 =	vshll.u32 v24, $0x7;
	v11 =	vshll.u32 v23, $0x7  }
0xf2: {  	_ =	sdelay $0x3  }
0xf3: {  	v9 =	vld.idx.msk [tilespmem:v9+s28+$0x0], $0xffff;
	v15 =	vor.u32 v1, v15  }
0xf4: {  	v17 =	vor.u32 v1, v17;
	v7 =	vld.idx.msk [tilespmem:v7+s28+$0x0], $0xffff  }
0xf5: {  	v14 =	vor.u32 v1, v14;
	v6 =	vld.idx.msk [tilespmem:v6+s28+$0x0], $0xffff  }
0xf6: {  	v13 =	vor.u32 v1, v13;
	v5 =	vld.idx.msk [tilespmem:v5+s28+$0x0], $0xffff  }
0xf7: {  	[tilespmem:v8+s30+$0x0] =	vst.idx.msk $0xffff, v10;
	v8 =	vor.u32 v1, v16;
	v3 =	vld.idx.msk [tilespmem:v3+s28+$0x0], $0xffff  }
0xf8: {  	v10 =	vor.u32 v1, v12;
	v4 =	vld.idx.msk [tilespmem:v4+s28+$0x0], $0xffff;
	[tilespmem:v15+s30+$0x0] =	vst.idx.msk $0xffff, v9  }
0xf9: {  	v1 =	vor.u32 v1, v11;
	v2 =	vld.idx.msk [tilespmem:v2+s28+$0x0], $0xffff;
	[tilespmem:v17+s30+$0x0] =	vst.idx.msk $0xffff, v7  }
0xfa: {  	[tilespmem:v14+s30+$0x0] =	vst.idx.msk $0xffff, v6  }
0xfb: {  	s0 =	sshll.u32 s19, $0x12;
	[tilespmem:v13+s30+$0x0] =	vst.idx.msk $0xffff, v5  }
0xfc: {  	s0 =	sor.u32 s6, s0;
	[tilespmem:v8+s30+$0x0] =	vst.idx.msk $0xffff, v3  }
0xfd: {  	s1 =	rddreg [dreg:$0x1];
	s0 =	sshrl.u32 s0, $0x3;
	[tilespmem:v10+s30+$0x0] =	vst.idx.msk $0xffff, v4  }
0xfe: {  	s1 =	sadd.s32 s1, s0;
	[tilespmem:v1+s30+$0x0] =	vst.idx.msk $0xffff, v2  }
0xff: {  	[hbm4b:s1+s3] =	stream.linear.scatter [tilespmem:s30], [sflag:$0x5], $0x400, $0x38;
	[tilespmem:$0x1A400] =	vst v63  }
0x100: {  	s2 =	simm.s32 $0x16800;
	s24 =	sadd.s32 s0, s7  }
0x101: {  	[hbm4b:s24+s3] =	stream.linear.scatter [tilespmem:s2], [sflag:$0x5], $0x400, $0x38;
	[tilespmem:$0x1A400] =	vst v63  }
0x102: {  	s31 =	simm.s32 $0x16C00;
	s29 =	sadd.s32 s0, s8  }
0x103: {  	[hbm4b:s29+s3] =	stream.linear.scatter [tilespmem:s31], [sflag:$0x5], $0x400, $0x38;
	[tilespmem:$0x1A400] =	vst v63  }
0x104: {  	s16 =	simm.s32 $0x17000;
	s2 =	sadd.s32 s0, s9  }
0x105: {  	[hbm4b:s2+s3] =	stream.linear.scatter [tilespmem:s16], [sflag:$0x5], $0x400, $0x38;
	[tilespmem:$0x1A400] =	vst v63  }
0x106: {  	s19 =	sadd.s32 s0, s10;
	s24 =	simm.s32 $0x17400  }
0x107: {  	[hbm4b:s19+s3] =	stream.linear.scatter [tilespmem:s24], [sflag:$0x5], $0x400, $0x38;
	[tilespmem:$0x1A400] =	vst v63  }
0x108: {  	s29 =	sadd.s32 s0, s11;
	s31 =	simm.s32 $0x17800  }
0x109: {  	[hbm4b:s29+s3] =	stream.linear.scatter [tilespmem:s31], [sflag:$0x5], $0x400, $0x38;
	[tilespmem:$0x1A400] =	vst v63  }
0x10a: {  	s2 =	sadd.s32 s0, s12;
	s16 =	simm.s32 $0x17C00  }
0x10b: {  	[hbm4b:s2+s3] =	stream.linear.scatter [tilespmem:s16], [sflag:$0x5], $0x400, $0x38;
	[tilespmem:$0x1A400] =	vst v63  }
0x10c: {  	s0 =	sadd.s32 s0, s13;
	s19 =	simm.s32 $0x18000  }
0x10d: {  	[hbm4b:s0+s3] =	stream.linear.scatter [tilespmem:s19], [sflag:$0x5], $0x400, $0x38;
	[tilespmem:$0x1A400] =	vst v63  }
0x10e: {  	s1 =	simm.s32 @!p0 $0x80;
	s2 =	simm.s32 @!p0 $0xA400;
	s0 =	sadd.s32 @!p0 $0x280, s21  }
0x10f: {  	[tilespmem:s2], [sflag:$0x2] =	stream.indirect.gather @!p0 [hbm4b:s4+s1], $0x80, s0, s1, $0xb8;
	[tilespmem:$0x1A400] =	vst v63  }
0x110: {  	_ =	swait.ge [sflag:s23], $0x4000  }
0x111: {  	[sflag:s23] =	ssyncset.done $0x0  }
0x112: {  	[sflag:s23] =	ssyncadd.s32 $0xFFFFC000  }
0x113: {  	_ =	swait.ge [sflag:s14], $0x400  }
0x114: {  	[sflag:s14] =	ssyncset.done $0x0  }
0x115: {  	[sflag:s14] =	ssyncadd.s32 $0xFFFFFC00  }
0x116: {  	_ =	swait.ge [sflag:s14], $0x400  }
0x117: {  	[sflag:s14] =	ssyncset.done $0x0  }
0x118: {  	[sflag:s14] =	ssyncadd.s32 $0xFFFFFC00  }
0x119: {  	_ =	swait.ge [sflag:s14], $0x400  }
0x11a: {  	[sflag:s14] =	ssyncset.done $0x0  }
0x11b: {  	[sflag:s14] =	ssyncadd.s32 $0xFFFFFC00  }
0x11c: {  	_ =	swait.ge [sflag:s14], $0x400  }
0x11d: {  	s19 =	simm.s32 $0x0;
	[sflag:s14] =	ssyncset.done $0x0  }
0x11e: {  	s31 =	sand.u32 $0x70, s19;
	s0 =	sand.u32 $0x8, s19;
	[sflag:s14] =	ssyncadd.s32 $0xFFFFFC00  }
0x11f: {  	v1 =	vor.u32 s31, v0;
	s24 =	sor.u32 $0x1, s0;
	_ =	swait.ge [sflag:s14], $0x400  }
0x120: {  	s29 =	sor.u32 $0x2, s0;
	s16 =	sor.u32 $0x7, s0;
	v6 =	vadd.s32 s0, v0;
	v10 =	vshll.u32 v1, $0x7;
	[sflag:s14] =	ssyncset.done $0x0  }
0x121: {  	s21 =	sor.u32 $0x3, s0;
	v2 =	vadd.s32 s24, v0;
	v3 =	vadd.s32 s29, v0;
	v4 =	vadd.s32 s16, v0;
	s24 =	sor.u32 $0x4, s0;
	[sflag:s14] =	ssyncadd.s32 $0xFFFFFC00  }
0x122: {  	v5 =	vadd.s32 s21, v0;
	s29 =	sor.u32 $0x5, s0;
	s0 =	sor.u32 $0x6, s0;
	v6 =	vand.u32 $0xF, v6;
	v7 =	vadd.s32 s24, v0;
	_ =	swait.ge [sflag:s14], $0x400  }
0x123: {  	s1 =	simm.s32 $0x0;
	v8 =	vadd.s32 s29, v0;
	v9 =	vadd.s32 s0, v0;
	v4 =	vand.u32 $0xF, v4;
	[sflag:s14] =	ssyncset.done $0x0  }
0x124: {  	s31 =	sand.u32 $0x30, s1;
	v2 =	vand.u32 $0xF, v2;
	v3 =	vand.u32 $0xF, v3;
	v5 =	vand.u32 $0xF, v5;
	[sflag:s14] =	ssyncadd.s32 $0xFFFFFC00  }
0x125: {  	v19 =	vor.u32 s31, v6;
	v4 =	vor.u32 s31, v4;
	v7 =	vand.u32 $0xF, v7;
	_ =	swait.ge [sflag:s14], $0x400  }
0x126: {  	v8 =	vand.u32 $0xF, v8;
	v9 =	vand.u32 $0xF, v9;
	v21 =	vor.u32 v10, v4;
	[sflag:s14] =	ssyncset.done $0x0  }
0x127: {  	v11 =	vor.u32 s31, v2;
	v12 =	vor.u32 s31, v3;
	v13 =	vor.u32 s31, v5;
	[sflag:s14] =	ssyncadd.s32 $0xFFFFFC00  }
0x128: {  	v16 =	vor.u32 s31, v7;
	v18 =	vor.u32 s31, v8;
	v20 =	vor.u32 s31, v9;
	_ =	swait.ge [sflag:s14], $0x400  }
0x129: {  	v2 =	vshll.u32 v4, $0x7;
	v9 =	vor.u32 v10, v11;
	v7 =	vor.u32 v10, v12;
	[sflag:s14] =	ssyncset.done $0x0  }
0x12a: {  	v6 =	vor.u32 v10, v13;
	v8 =	vor.u32 v1, v2;
	v5 =	vor.u32 v10, v16;
	[sflag:s14] =	ssyncadd.s32 $0xFFFFFC00  }
0x12b: {  	v3 =	vor.u32 v10, v18;
	v2 =	vor.u32 v10, v19;
	v4 =	vor.u32 v10, v20;
	v10 =	vld.idx.msk [tilespmem:v21+s15+$0x0], $0xffff;
	_ =	sdelay $0x1  }
0x12c: {  	v15 =	vshll.u32 v11, $0x7  }
0x12d: {  	v17 =	vshll.u32 v12, $0x7;
	v14 =	vshll.u32 v13, $0x7;
	v11 =	vshll.u32 v19, $0x7  }
0x12e: {  	v13 =	vshll.u32 v16, $0x7;
	v16 =	vshll.u32 v18, $0x7;
	v12 =	vshll.u32 v20, $0x7  }
.LBB2_9:
0x12f: {  	s19 =	sadd.s32 $0x8, s19;
	v9 =	vld.idx.msk [tilespmem:v9+s15+$0x0], $0xffff;
	v15 =	vor.u32 v1, v15;
	v17 =	vor.u32 v1, v17;
	[tilespmem:v8+s17+$0x0] =	vst.idx.msk $0xffff, v10  }
0x130: {  	v8 =	vor.u32 v1, v14;
	v10 =	vor.u32 v1, v13;
	v13 =	vor.u32 v1, v16;
	s0 =	sand.u32 $0x8, s19;
	p0 =	slt.u32 s19, $0x1F8;
	v7 =	vld.idx.msk [tilespmem:v7+s15+$0x0], $0xffff  }
0x131: {  	v11 =	vor.u32 v1, v11;
	v12 =	vor.u32 v1, v12;
	v14 =	vadd.s32 s0, v0;
	s2 =	sor.u32 $0x1, s0;
	s16 =	sor.u32 $0x2, s0;
	s21 =	sor.u32 $0x7, s0;
	v6 =	vld.idx.msk [tilespmem:v6+s15+$0x0], $0xffff  }
0x132: {  	s1 =	sadd.s32 $0x1, s1;
	s24 =	sand.u32 $0x70, s19;
	v16 =	vadd.s32 s2, v0;
	v18 =	vadd.s32 s16, v0;
	s2 =	sor.u32 $0x3, s0;
	v19 =	vadd.s32 s21, v0;
	v5 =	vld.idx.msk [tilespmem:v5+s15+$0x0], $0xffff  }
0x133: {  	v1 =	vor.u32 s24, v0;
	s16 =	sand.u32 $0x30, s1;
	s21 =	sor.u32 $0x5, s0;
	v20 =	vadd.s32 s2, v0;
	s2 =	sor.u32 $0x4, s0;
	v19 =	vand.u32 $0xF, v19;
	v3 =	vld.idx.msk [tilespmem:v3+s15+$0x0], $0xffff  }
0x134: {  	v21 =	vshll.u32 v1, $0x7;
	s0 =	sor.u32 $0x6, s0;
	v22 =	vadd.s32 s2, v0;
	v19 =	vor.u32 s16, v19;
	v4 =	vld.idx.msk [tilespmem:v4+s15+$0x0], $0xffff  }
0x135: {  	v23 =	vadd.s32 s21, v0;
	v24 =	vadd.s32 s0, v0;
	v25 =	vor.u32 v21, v19;
	v26 =	vld.idx.msk [tilespmem:v2+s15+$0x0], $0xffff;
	[tilespmem:v15+s17+$0x0] =	vst.idx.msk $0xffff, v9  }
0x136: {  	v2 =	vand.u32 $0xF, v16;
	v9 =	vand.u32 $0xF, v18;
	v15 =	vand.u32 $0xF, v20;
	[tilespmem:v17+s17+$0x0] =	vst.idx.msk $0xffff, v7  }
0x137: {  	v16 =	vand.u32 $0xF, v23;
	v7 =	vand.u32 $0xF, v22;
	v17 =	vand.u32 $0xF, v24;
	[tilespmem:v8+s17+$0x0] =	vst.idx.msk $0xffff, v6  }
0x138: {  	v18 =	vor.u32 s16, v9;
	v6 =	vand.u32 $0xF, v14;
	v14 =	vor.u32 s16, v2;
	[tilespmem:v10+s17+$0x0] =	vst.idx.msk $0xffff, v5  }
0x139: {  	v20 =	vor.u32 s16, v15;
	v16 =	vor.u32 s16, v16;
	v22 =	vor.u32 s16, v7;
	[tilespmem:v13+s17+$0x0] =	vst.idx.msk $0xffff, v3  }
0x13a: {  	v24 =	vor.u32 s16, v17;
	v2 =	vshll.u32 v19, $0x7;
	v23 =	vor.u32 s16, v6;
	v10 =	vld.idx.msk [tilespmem:v25+s15+$0x0], $0xffff;
	[tilespmem:v12+s17+$0x0] =	vst.idx.msk $0xffff, v4  }
.Ltmp3:
0x13b: {  	v7 =	vor.u32 v21, v18;
	v9 =	vor.u32 v21, v14;
	v8 =	vor.u32 v1, v2;
	(pc) =	sbr.rel @p0 .LBB2_9-.Ltmp3, $4  }
0x13c: {  	v6 =	vor.u32 v21, v20;
	v5 =	vor.u32 v21, v22;
	v3 =	vor.u32 v21, v16  }
0x13d: {  	v15 =	vshll.u32 v14, $0x7;
	v2 =	vor.u32 v21, v23;
	v4 =	vor.u32 v21, v24;
	[tilespmem:v11+s17+$0x0] =	vst.idx.msk $0xffff, v26  }
0x13e: {  	v17 =	vshll.u32 v18, $0x7;
	v14 =	vshll.u32 v20, $0x7;
	v13 =	vshll.u32 v22, $0x7  }
0x13f: {  	v16 =	vshll.u32 v16, $0x7;
	v12 =	vshll.u32 v24, $0x7;
	v11 =	vshll.u32 v23, $0x7  }
0x140: {  	_ =	sdelay $0x3  }
0x141: {  	v9 =	vld.idx.msk [tilespmem:v9+s15+$0x0], $0xffff;
	v15 =	vor.u32 v1, v15  }
0x142: {  	v17 =	vor.u32 v1, v17;
	v7 =	vld.idx.msk [tilespmem:v7+s15+$0x0], $0xffff  }
0x143: {  	v14 =	vor.u32 v1, v14;
	v6 =	vld.idx.msk [tilespmem:v6+s15+$0x0], $0xffff  }
0x144: {  	v13 =	vor.u32 v1, v13;
	v5 =	vld.idx.msk [tilespmem:v5+s15+$0x0], $0xffff  }
0x145: {  	[tilespmem:v8+s17+$0x0] =	vst.idx.msk $0xffff, v10;
	v62 =	vor.u32 v1, v16;
	v3 =	vld.idx.msk [tilespmem:v3+s15+$0x0], $0xffff  }
0x146: {  	v63 =	vor.u32 v1, v12;
	v4 =	vld.idx.msk [tilespmem:v4+s15+$0x0], $0xffff;
	[tilespmem:v15+s17+$0x0] =	vst.idx.msk $0xffff, v9  }
0x147: {  	v1 =	vor.u32 v1, v11;
	v2 =	vld.idx.msk [tilespmem:v2+s15+$0x0], $0xffff;
	[tilespmem:v17+s17+$0x0] =	vst.idx.msk $0xffff, v7  }
0x148: {  	[tilespmem:v14+s17+$0x0] =	vst.idx.msk $0xffff, v6  }
0x149: {  	s0 =	sshll.u32 s20, $0x12;
	[tilespmem:v13+s17+$0x0] =	vst.idx.msk $0xffff, v5  }
0x14a: {  	s0 =	sor.u32 s6, s0;
	[tilespmem:v62+s17+$0x0] =	vst.idx.msk $0xffff, v3  }
0x14b: {  	s1 =	rddreg [dreg:$0x1];
	s0 =	sshrl.u32 s0, $0x3;
	[tilespmem:v63+s17+$0x0] =	vst.idx.msk $0xffff, v4  }
0x14c: {  	s1 =	sadd.s32 s1, s0;
	[tilespmem:v1+s17+$0x0] =	vst.idx.msk $0xffff, v2  }
0x14d: {  	[hbm4b:s1+s3] =	stream.linear.scatter [tilespmem:s17], [sflag:$0x6], $0x400, $0x38;
	[tilespmem:$0x1A400] =	vst v63  }
0x14e: {  	s2 =	simm.s32 $0x18800;
	s20 =	sadd.s32 s0, s7  }
0x14f: {  	[hbm4b:s20+s3] =	stream.linear.scatter [tilespmem:s2], [sflag:$0x6], $0x400, $0x38;
	[tilespmem:$0x1A400] =	vst v63  }
0x150: {  	s24 =	simm.s32 $0x18C00;
	s21 =	sadd.s32 s0, s8  }
0x151: {  	[hbm4b:s21+s3] =	stream.linear.scatter [tilespmem:s24], [sflag:$0x6], $0x400, $0x38;
	[tilespmem:$0x1A400] =	vst v63  }
0x152: {  	s31 =	simm.s32 $0x19000;
	s29 =	sadd.s32 s0, s9  }
0x153: {  	[hbm4b:s29+s3] =	stream.linear.scatter [tilespmem:s31], [sflag:$0x6], $0x400, $0x38;
	[tilespmem:$0x1A400] =	vst v63  }
0x154: {  	s19 =	simm.s32 $0x19400;
	s18 =	sadd.s32 $0x1, s18;
	s16 =	sadd.s32 s0, s10  }
0x155: {  	[hbm4b:s16+s3] =	stream.linear.scatter [tilespmem:s19], [sflag:$0x6], $0x400, $0x38;
	[tilespmem:$0x1A400] =	vst v63  }
0x156: {  	p0 =	sne.s32 s18, $0x32;
	s20 =	sadd.s32 s0, s11;
	s21 =	simm.s32 $0x19800  }
0x157: {  	[hbm4b:s20+s3] =	stream.linear.scatter [tilespmem:s21], [sflag:$0x6], $0x400, $0x38;
	[tilespmem:$0x1A400] =	vst v63  }
.Ltmp4:
0x158: {  	_ = 	snop;
	(pc) =	sbr.rel @p0 .LBB2_2-.Ltmp4, $4  }
0x159: {  	s24 =	sadd.s32 s0, s12;
	s29 =	simm.s32 $0x19C00  }
0x15a: {  	[hbm4b:s24+s3] =	stream.linear.scatter [tilespmem:s29], [sflag:$0x6], $0x400, $0x38;
	[tilespmem:$0x1A400] =	vst v63  }
0x15b: {  	s0 =	sadd.s32 s0, s13;
	s31 =	simm.s32 $0x1A000;
	s16 =	simm.s32 $0x80  }
0x15c: {  	[hbm4b:s0+s3] =	stream.linear.scatter [tilespmem:s31], [sflag:$0x6], $0x400, $0x38;
	[tilespmem:$0x1A400] =	vst v63  }
0x15d: {  	_ =	swait.ge [sflag:s22], $0x400  }
0x15e: {  	[sflag:s22] =	ssyncset.done $0x0  }
0x15f: {  	[sflag:s22] =	ssyncadd.s32 $0xFFFFFC00  }
0x160: {  	_ =	swait.ge [sflag:s22], $0x400  }
0x161: {  	[sflag:s22] =	ssyncset.done $0x0  }
0x162: {  	[sflag:s22] =	ssyncadd.s32 $0xFFFFFC00  }
0x163: {  	_ =	swait.ge [sflag:s22], $0x400  }
0x164: {  	[sflag:s22] =	ssyncset.done $0x0  }
0x165: {  	[sflag:s22] =	ssyncadd.s32 $0xFFFFFC00  }
0x166: {  	_ =	swait.ge [sflag:s22], $0x400  }
0x167: {  	[sflag:s22] =	ssyncset.done $0x0  }
0x168: {  	[sflag:s22] =	ssyncadd.s32 $0xFFFFFC00  }
0x169: {  	_ =	swait.ge [sflag:s22], $0x400  }
0x16a: {  	[sflag:s22] =	ssyncset.done $0x0  }
0x16b: {  	[sflag:s22] =	ssyncadd.s32 $0xFFFFFC00  }
0x16c: {  	_ =	swait.ge [sflag:s22], $0x400  }
0x16d: {  	[sflag:s22] =	ssyncset.done $0x0  }
0x16e: {  	[sflag:s22] =	ssyncadd.s32 $0xFFFFFC00  }
0x16f: {  	_ =	swait.ge [sflag:s22], $0x400  }
0x170: {  	[sflag:s22] =	ssyncset.done $0x0  }
0x171: {  	[sflag:s22] =	ssyncadd.s32 $0xFFFFFC00  }
0x172: {  	_ =	swait.ge [sflag:s22], $0x400  }
0x173: {  	[sflag:s22] =	ssyncset.done $0x0  }
0x174: {  	[sflag:s22] =	ssyncadd.s32 $0xFFFFFC00  }
0x175: {  	_ =	swait.ge [sflag:s14], $0x400  }
0x176: {  	[sflag:s14] =	ssyncset.done $0x0  }
0x177: {  	[sflag:s14] =	ssyncadd.s32 $0xFFFFFC00  }
0x178: {  	_ =	swait.ge [sflag:s14], $0x400  }
0x179: {  	[sflag:s14] =	ssyncset.done $0x0  }
0x17a: {  	[sflag:s14] =	ssyncadd.s32 $0xFFFFFC00  }
0x17b: {  	_ =	swait.ge [sflag:s14], $0x400  }
0x17c: {  	[sflag:s14] =	ssyncset.done $0x0  }
0x17d: {  	[sflag:s14] =	ssyncadd.s32 $0xFFFFFC00  }
0x17e: {  	_ =	swait.ge [sflag:s14], $0x400  }
0x17f: {  	[sflag:s14] =	ssyncset.done $0x0  }
0x180: {  	[sflag:s14] =	ssyncadd.s32 $0xFFFFFC00  }
0x181: {  	_ =	swait.ge [sflag:s14], $0x400  }
0x182: {  	[sflag:s14] =	ssyncset.done $0x0  }
0x183: {  	[sflag:s14] =	ssyncadd.s32 $0xFFFFFC00  }
0x184: {  	_ =	swait.ge [sflag:s14], $0x400  }
0x185: {  	[sflag:s14] =	ssyncset.done $0x0  }
0x186: {  	[sflag:s14] =	ssyncadd.s32 $0xFFFFFC00  }
0x187: {  	_ =	swait.ge [sflag:s14], $0x400  }
0x188: {  	[sflag:s14] =	ssyncset.done $0x0  }
0x189: {  	[sflag:s14] =	ssyncadd.s32 $0xFFFFFC00  }
0x18a: {  	_ =	swait.ge [sflag:s14], $0x400  }
0x18b: {  	s1 =	rddreg [dreg:$0xd]  }
0x18c: {  	s0 =	rddreg [dreg:$0xc];
	s1 =	sadd.s32 $0x1, s1  }
0x18d: {  	p0 =	sne.s32 s1, s0  }
.Ltmp5:
0x18e: {  	_ = 	snop;
	(pc) =	sbr.rel @p0 .LBB2_1-.Ltmp5, $3  }
0x18f: {  	_ =	sdelay $0x1  }
0x190: {  	[sflag:s14] =	ssyncset.done $0x0  }
0x191: {  	[sflag:s14] =	ssyncadd.s32 $0xFFFFFC00  }
0x192: {  	_ =	sfence.sel $0x180000  }
0x193: {  	[bflag:$0x0] =	sbarrier.arrive $0xFFFF  }
0x194: {  	_ =	strace $0x9000004A  }
0x195: {  	s0 =	stileid.u32;
	[bflag:$0x2] =	sbarrier.arrive $0xFFFF  }
0x196: {  	p0 =	sne.s32 s0, $0x0;
	s0 =	rddreg [dreg:$0x2]  }
0x197: {  	s0 =	sadd.s32 @!p0 $0x100000, s0  }
0x198: {  	[sflag:s0] =	ssyncadd.tile.s32 @!p0 $0x1;
	_ =	shalt  }
.Lfunc_end2:
_tile_overlayer_lowered:
.L_overlay_start_2:
0x199: {  	(tag) =	ssettag $0x2  }
0x19a: {  	s0 =	rddreg [dreg:$0x0];
	s2 =	stileid.u32  }
0x19b: {  	s1 =	rddreg [dreg:$0x1];
	p0 =	sne.s32 s2, $0x0  }
0x19c: {  	s3 =	rddreg [dreg:$0x2];
	[bflag:$0x3] =	sbarrier.arrive $0xFFFF;
	s2 =	simm.s32 @!p0 $0x1C07  }
0x19d: {  	[timem:s3], [sflag:s2] =	dma.local @!p0 [hbm:s0], s1  }
0x19e: {  	s0 =	simm.s32 @!p0 $0x7  }
0x19f: {  	_ =	swait.ge @!p0 [sflag:s0], s1  }
0x1a0: {  	s1 =	ssub.s32 @!p0 $0x0, s1;
	[sflag:s0] =	ssyncset.done @!p0 $0x0  }
0x1a1: {  	[sflag:s0] =	ssyncadd.s32 @!p0 s1  }
0x1a2: {  	[bflag:$0x3] =	sbarrier.arrive $0xFFFF  }
0x1a3: {  	_ =	shalt  }

</sc_bundles>
